<compile_context>
chip_gen: v7x
topology: tpu7x:2x2x1
jax: 0.10.2.dev20260603
libtpu: 0.0.44.dev20260713+nightly
codegen_flags: <defaults>
</compile_context>

<pallas_src>
import functools

import jax
import jax.numpy as jnp
from jax import lax
from jax.experimental import pallas as pl
from jax.experimental.pallas import tpu as pltpu
from jax.experimental.pallas import tpu_sc as plsc

N = 10000
E = 320000
D = 128
G = 64

NC = 2
NS = 16
NW = NC * NS

NPAD = 10240
TRASH = N
CH = 80
B = 128
EPAD = NW * CH * B

CHT = 160
CH0 = 80

BN = 2000
NBLK = N // BN



def _make_deg_kernel():
    mesh = plsc.VectorSubcoreMesh(core_axis_name="c", subcore_axis_name="s")

    @functools.partial(
        pl.kernel,
        out_type=jax.ShapeDtypeStruct((NC, NPAD), jnp.float32),
        mesh=mesh,
        scratch_types=[
            pltpu.VMEM((2 * CH, B), jnp.int32),
            pltpu.VMEM((B,), jnp.float32),
            pltpu.VMEM((640,), jnp.float32),
            pltpu.VMEM_SHARED((NPAD,), jnp.float32),
        ],
    )
    def deg_kernel(idx_hbm, degp_hbm, didx, ones_v, zb, degS):
        c = lax.axis_index("c")
        s = lax.axis_index("s")
        wid = s * NC + c

        def zb_body(i, carry):
            zb[pl.ds(i * 16, 16)] = jnp.zeros((16,), jnp.float32)
            return carry
        lax.fori_loop(0, 640 // 16, zb_body, 0)
        for k in range(B // 16):
            ones_v[pl.ds(k * 16, 16)] = jnp.ones((16,), jnp.float32)

        pltpu.sync_copy(zb, degS.at[pl.ds(s * 640, 640)])
        plsc.subcore_barrier()

        pltpu.sync_copy(idx_hbm.at[wid], didx)

        def body(j, carry):
            pltpu.sync_copy(ones_v, degS.at[didx.at[2 * j + 1]], add=True)
            return carry
        lax.fori_loop(0, CH, body, 0)

        plsc.subcore_barrier()
        pltpu.sync_copy(degS.at[pl.ds(s * 640, 640)],
                        degp_hbm.at[c, pl.ds(s * 640, 640)])

    return deg_kernel


def _make_scatter_kernel():
    mesh = plsc.VectorSubcoreMesh(core_axis_name="c", subcore_axis_name="s")

    @functools.partial(
        pl.kernel,
        out_type=jax.ShapeDtypeStruct((NC, NPAD, D), jnp.float32),
        mesh=mesh,
        scratch_types=[
            pltpu.VMEM((4, 2, B), jnp.int32),
            pltpu.VMEM((2, B, D), jnp.float32),
            pltpu.VMEM_SHARED((NPAD, D), jnp.float32),
            pltpu.SemaphoreType.DMA,
            pltpu.SemaphoreType.DMA,
            pltpu.SemaphoreType.DMA,
            pltpu.SemaphoreType.DMA,
            pltpu.SemaphoreType.DMA,
            pltpu.SemaphoreType.DMA,
        ],
    )
    def scatter_kernel(g_hbm, idx_hbm, out_hbm, ibuf, rbuf, accS,
                       is0, is1, is2, is3, gs0, gs1):
        c = lax.axis_index("c")
        s = lax.axis_index("s")
        isems = (is0, is1, is2, is3)
        gsems = (gs0, gs1)

        def zr(r, carry):
            for k in range(D // 16):
                rbuf[0, r, pl.ds(k * 16, 16)] = jnp.zeros((16,), jnp.float32)
            return carry
        lax.fori_loop(0, B, zr, 0)
        for k in range(640 // B):
            pltpu.sync_copy(rbuf.at[0], accS.at[pl.ds(s * 640 + k * B, B)])
        plsc.subcore_barrier()

        def sweep(base, nch):
            pltpu.async_copy(idx_hbm.at[s, base], ibuf.at[0], isems[0])
            pltpu.async_copy(idx_hbm.at[s, base + 1], ibuf.at[1], isems[1])
            pltpu.make_async_copy(idx_hbm.at[s, base], ibuf.at[0],
                                  isems[0]).wait()
            pltpu.async_copy(g_hbm.at[ibuf.at[0, 0]], rbuf.at[0], gsems[0])

            def body(q, carry):
                for k in range(4):
                    l = 4 * q + k
                    j = base + l
                    k1 = (k + 1) % 4
                    k2 = (k + 2) % 4

                    @pl.when(l + 2 < nch)
                    def _():
                        pltpu.async_copy(idx_hbm.at[s, j + 2], ibuf.at[k2],
                                         isems[k2])

                    @pl.when(l + 1 < nch)
                    def _():
                        pltpu.make_async_copy(idx_hbm.at[s, j + 1],
                                              ibuf.at[k1], isems[k1]).wait()
                        pltpu.async_copy(g_hbm.at[ibuf.at[k1, 0]],
                                         rbuf.at[(k + 1) % 2],
                                         gsems[(k + 1) % 2])

                    pltpu.make_async_copy(g_hbm.at[ibuf.at[k, 0]],
                                          rbuf.at[k % 2], gsems[k % 2]).wait()
                    pltpu.sync_copy(rbuf.at[k % 2], accS.at[ibuf.at[k, 1]],
                                    add=True)
                return carry
            lax.fori_loop(0, nch // 4, body, 0)

        @pl.when(c == 0)
        def _():
            sweep(0, CH0)

        @pl.when(c == 1)
        def _():
            sweep(CH0, CHT - CH0)

        plsc.subcore_barrier()
        for k in range(640 // B):
            pltpu.sync_copy(accS.at[pl.ds(s * 640 + k * B, B)],
                            out_hbm.at[c, pl.ds(s * 640 + k * B, B)])

    return scatter_kernel



def _mm_body(x_ref, w_ref, u_ref):
    u_ref[...] = jnp.dot(x_ref[...], w_ref[...],
                         preferred_element_type=jnp.float32)


def _scale_body(u_ref, degp_ref, g_ref):
    deg = degp_ref[0] + degp_ref[1] + 1.0
    g_ref[...] = u_ref[...] * lax.rsqrt(deg)


def _tc2_body(accp_ref, g1_ref, degp_ref, w_ref, b_ref, g2_ref):
    deg = degp_ref[0] + degp_ref[1] + 1.0
    dis = lax.rsqrt(deg)
    ssum = accp_ref[0] + accp_ref[1] + g1_ref[...]
    h1 = jnp.maximum(ssum * dis + b_ref[...], 0.0)
    g2_ref[...] = jnp.dot(h1, w_ref[...],
                          preferred_element_type=jnp.float32) * dis


def _tc3_body(accp_ref, g2_ref, degp_ref, b_ref, isn_ref, batch_ref, out_ref):
    i = pl.program_id(0)
    deg = degp_ref[0] + degp_ref[1] + 1.0
    dis = lax.rsqrt(deg)
    h2 = (accp_ref[0] + accp_ref[1] + g2_ref[...]) * dis + b_ref[...]
    h2 = h2 * (0.5 * isn_ref[...])
    onehot = (lax.broadcasted_iota(jnp.int32, (BN, G), 1)
              == batch_ref[...]).astype(jnp.float32)
    contrib = lax.dot_general(onehot, h2, (((0,), (0,)), ((), ())),
                              preferred_element_type=jnp.float32)

    @pl.when(i == 0)
    def _():
        out_ref[...] = contrib

    @pl.when(i != 0)
    def _():
        out_ref[...] = out_ref[...] + contrib


def kernel(x, edge_index, is_neighbor, batch, W1, b1, W2, b2):
    npad_e = EPAD - E
    pad_i = jnp.arange(npad_e, dtype=jnp.int32)
    pad_arr = jnp.stack([pad_i % N, N + pad_i % (NPAD - N)])
    ei_pad = jnp.concatenate([edge_index, pad_arr], axis=1)
    idx_both = ei_pad.reshape(2, NW * CH, B).transpose(1, 0, 2).reshape(
        NS, CHT, 2, B)
    idx_flat = idx_both.reshape(NW, 2 * CH, B)

    isn_p = is_neighbor.reshape(N, 1)
    batch_p = batch.reshape(N, 1)
    b1r = b1.reshape(1, D)
    b2r = b2.reshape(1, D)

    deg_kernel = _make_deg_kernel()
    scatter_kernel = _make_scatter_kernel()

    degp = deg_kernel(idx_flat)
    degp3 = degp.reshape(NC, NPAD, 1)

    blk = lambda i: (i, 0)
    u1 = pl.pallas_call(
        _mm_body,
        grid=(NBLK,),
        in_specs=[
            pl.BlockSpec((BN, D), blk),
            pl.BlockSpec((D, D), lambda i: (0, 0)),
        ],
        out_specs=pl.BlockSpec((BN, D), blk),
        out_shape=jax.ShapeDtypeStruct((N, D), jnp.float32),
    )(x, W1)

    g1 = pl.pallas_call(
        _scale_body,
        grid=(NBLK,),
        in_specs=[
            pl.BlockSpec((BN, D), blk),
            pl.BlockSpec((NC, BN, 1), lambda i: (0, i, 0)),
        ],
        out_specs=pl.BlockSpec((BN, D), blk),
        out_shape=jax.ShapeDtypeStruct((N, D), jnp.float32),
    )(u1, degp3)

    accp1 = scatter_kernel(g1, idx_both)

    g2 = pl.pallas_call(
        _tc2_body,
        grid=(NBLK,),
        in_specs=[
            pl.BlockSpec((NC, BN, D), lambda i: (0, i, 0)),
            pl.BlockSpec((BN, D), blk),
            pl.BlockSpec((NC, BN, 1), lambda i: (0, i, 0)),
            pl.BlockSpec((D, D), lambda i: (0, 0)),
            pl.BlockSpec((1, D), lambda i: (0, 0)),
        ],
        out_specs=pl.BlockSpec((BN, D), blk),
        out_shape=jax.ShapeDtypeStruct((N, D), jnp.float32),
    )(accp1, g1, degp3, W2, b1r)

    accp2 = scatter_kernel(g2, idx_both)

    pooled = pl.pallas_call(
        _tc3_body,
        grid=(NBLK,),
        in_specs=[
            pl.BlockSpec((NC, BN, D), lambda i: (0, i, 0)),
            pl.BlockSpec((BN, D), blk),
            pl.BlockSpec((NC, BN, 1), lambda i: (0, i, 0)),
            pl.BlockSpec((1, D), lambda i: (0, 0)),
            pl.BlockSpec((BN, 1), blk),
            pl.BlockSpec((BN, 1), blk),
        ],
        out_specs=pl.BlockSpec((G, D), lambda i: (0, 0)),
        out_shape=jax.ShapeDtypeStruct((G, D), jnp.float32),
    )(accp2, g2, degp3, b2r, isn_p, batch_p)

    return pooled

# --- scband reference (transcript-rebuilt; emitter-appended) ---
"""Pipeline reference for scband-gnn-3444563771663 (READ-ONLY COPY).

The authoritative reference and input builder live on the scoring server;
editing this copy changes nothing except your own understanding.
"""

import jax, jax.numpy as jnp
import numpy as np

N = 10000
E = 320000
D_IN = 128
D_H = 128
D_OUT = 128
G = 64


def setup_inputs(seed: int = 0) -> dict:
    key = jax.random.key(seed)
    ks = jax.random.split(key, 8)
    x = jax.random.normal(ks[0], (N, D_IN), dtype=jnp.float32)
    edge_index = jax.random.randint(ks[1], (2, E), 0, N, dtype=jnp.int32)
    is_neighbor = jnp.ones((N,), dtype=jnp.float32)
    batch = jnp.sort(jax.random.randint(ks[2], (N,), 0, G, dtype=jnp.int32))
    # GCNConv parameters (PyG default: glorot weight, zero bias)
    W1 = jax.random.normal(ks[3], (D_IN, D_H), dtype=jnp.float32) * (1.0 / np.sqrt(D_IN))
    b1 = jnp.zeros((D_H,), dtype=jnp.float32)
    W2 = jax.random.normal(ks[4], (D_H, D_OUT), dtype=jnp.float32) * (1.0 / np.sqrt(D_H))
    b2 = jnp.zeros((D_OUT,), dtype=jnp.float32)
    return {"x": x, "edge_index": edge_index, "is_neighbor": is_neighbor, "batch": batch,
            "W1": W1, "b1": b1, "W2": W2, "b2": b2}


def _gcn_conv(x, src, dst, W, b):
    # PyG GCNConv: h = X W; symmetric normalization with self-loops (already appended to src/dst);
    # aggregate messages h[src] * norm into dst via scatter-add; add bias after aggregation.
    h = x @ W
    deg = jnp.zeros((x.shape[0],), dtype=x.dtype).at[dst].add(1.0)
    dis = jnp.where(deg > 0, jax.lax.rsqrt(jnp.maximum(deg, 1e-12)), 0.0)
    norm = dis[src] * dis[dst]
    msg = h[src] * norm[:, None]
    out = jnp.zeros((x.shape[0], W.shape[1]), dtype=x.dtype).at[dst].add(msg)
    return out + b


def reference(x, edge_index, is_neighbor, batch, W1, b1, W2, b2):
    # dropout p=0.0 -> Identity
    loop = jnp.arange(N, dtype=edge_index.dtype)
    src = jnp.concatenate([edge_index[0], loop])
    dst = jnp.concatenate([edge_index[1], loop])
    h = _gcn_conv(x, src, dst, W1, b1)
    h = jax.nn.relu(h)
    h = _gcn_conv(h, src, dst, W2, b2)
    h = h * is_neighbor[:, None]
    pooled = jax.ops.segment_sum(h, batch, num_segments=G)
    return pooled / 2.0

if __name__ == "__main__":
    import jax
    _d = setup_inputs()
    print(jax.jit(kernel)(*tuple(_d.values())))

</pallas_src>

<mosaic_0001>
#map = affine_map<(d0, d1) -> (0, 0, 0)>
#map1 = affine_map<(d0, d1) -> (0, 0)>
module attributes {stable_mosaic.version = 14 : i64} {
  func.func @deg_kernel(%arg0: i32, %arg1: i32, %arg2: memref<32x160x128xi32, #tpu.memory_space<hbm>>, %arg3: memref<2x10240xf32, #tpu.memory_space<hbm>>, %arg4: memref<160x128xi32, #tpu.memory_space<vmem>>, %arg5: memref<128xf32, #tpu.memory_space<vmem>>, %arg6: memref<640xf32, #tpu.memory_space<vmem>>, %arg7: memref<10240xf32, #tpu.memory_space<vmem_shared>>) attributes {dimension_semantics = [#tpu.dimension_semantics<core_parallel>, #tpu.dimension_semantics<subcore_parallel>], iteration_bounds = array<i64: 2, 16>, scalar_prefetch = 0 : i64, scratch_operands = 4 : i64, tpu.core_type = #tpu.core_type<sc_vector_subcore>, window_params = [{transform_indices = #map}, {transform_indices = #map1}]} {
    %mul3A = arith.constant 2 : i32
    %mul3A_0 = arith.muli %arg1, %mul3A : i32
    %add3A = arith.addi %mul3A_0, %arg0 : i32
    %scan3A = arith.constant 0 : i32
    %scan3A_1 = arith.constant 0 : i32
    %scan3A_2 = arith.constant 40 : i32
    %scan3A_3 = arith.addi %scan3A_1, %scan3A_2 : i32
    %scan3A_4 = arith.constant 1 : i32
    scf.for %scan3A_65 = %scan3A_1 to %scan3A_3 step %scan3A_4  : i32 {
      %broadcast_in_dim3A_66 = arith.constant 0.000000e+00 : f32
      %broadcast_in_dim3A_67 = vector.broadcast %broadcast_in_dim3A_66 : f32 to vector<16xf32>
      %mul3A_68 = arith.constant 16 : i32
      %mul3A_69 = arith.muli %scan3A_65, %mul3A_68 : i32
      %swap3A_70 = arith.index_cast %mul3A_69 : i32 to index
      %swap3A_71 = tpu.vector_load %arg6[%swap3A_70] {strides = array<i32>} : memref<640xf32, #tpu.memory_space<vmem>>, vector<16xf32>,
      %swap3A_72 = vector.shape_cast %swap3A_71 : vector<16xf32> to vector<16xf32>
      %swap3A_73 = vector.shape_cast %broadcast_in_dim3A_67 : vector<16xf32> to vector<16xf32>
      tpu.vector_store %arg6[%swap3A_70], %swap3A_73 {strides = array<i32>} : memref<640xf32, #tpu.memory_space<vmem>>, vector<16xf32>,
    }
    %scan3A_5 = arith.constant 40 : i32
    %broadcast_in_dim3A = arith.constant 1.000000e+00 : f32
    %broadcast_in_dim3A_6 = vector.broadcast %broadcast_in_dim3A : f32 to vector<16xf32>
    %swap3A = arith.constant 0 : index
    %swap3A_7 = tpu.vector_load %arg5[%swap3A] {strides = array<i32>} : memref<128xf32, #tpu.memory_space<vmem>>, vector<16xf32>,
    %swap3A_8 = vector.shape_cast %swap3A_7 : vector<16xf32> to vector<16xf32>
    %swap3A_9 = vector.shape_cast %broadcast_in_dim3A_6 : vector<16xf32> to vector<16xf32>
    tpu.vector_store %arg5[%swap3A], %swap3A_9 {strides = array<i32>} : memref<128xf32, #tpu.memory_space<vmem>>, vector<16xf32>,
    %broadcast_in_dim3A_10 = arith.constant 1.000000e+00 : f32
    %broadcast_in_dim3A_11 = vector.broadcast %broadcast_in_dim3A_10 : f32 to vector<16xf32>
    %swap3A_12 = arith.constant 16 : index
    %swap3A_13 = tpu.vector_load %arg5[%swap3A_12] {strides = array<i32>} : memref<128xf32, #tpu.memory_space<vmem>>, vector<16xf32>,
    %swap3A_14 = vector.shape_cast %swap3A_13 : vector<16xf32> to vector<16xf32>
    %swap3A_15 = vector.shape_cast %broadcast_in_dim3A_11 : vector<16xf32> to vector<16xf32>
    tpu.vector_store %arg5[%swap3A_12], %swap3A_15 {strides = array<i32>} : memref<128xf32, #tpu.memory_space<vmem>>, vector<16xf32>,
    %broadcast_in_dim3A_16 = arith.constant 1.000000e+00 : f32
    %broadcast_in_dim3A_17 = vector.broadcast %broadcast_in_dim3A_16 : f32 to vector<16xf32>
    %swap3A_18 = arith.constant 32 : index
    %swap3A_19 = tpu.vector_load %arg5[%swap3A_18] {strides = array<i32>} : memref<128xf32, #tpu.memory_space<vmem>>, vector<16xf32>,
    %swap3A_20 = vector.shape_cast %swap3A_19 : vector<16xf32> to vector<16xf32>
    %swap3A_21 = vector.shape_cast %broadcast_in_dim3A_17 : vector<16xf32> to vector<16xf32>
    tpu.vector_store %arg5[%swap3A_18], %swap3A_21 {strides = array<i32>} : memref<128xf32, #tpu.memory_space<vmem>>, vector<16xf32>,
    %broadcast_in_dim3A_22 = arith.constant 1.000000e+00 : f32
    %broadcast_in_dim3A_23 = vector.broadcast %broadcast_in_dim3A_22 : f32 to vector<16xf32>
    %swap3A_24 = arith.constant 48 : index
    %swap3A_25 = tpu.vector_load %arg5[%swap3A_24] {strides = array<i32>} : memref<128xf32, #tpu.memory_space<vmem>>, vector<16xf32>,
    %swap3A_26 = vector.shape_cast %swap3A_25 : vector<16xf32> to vector<16xf32>
    %swap3A_27 = vector.shape_cast %broadcast_in_dim3A_23 : vector<16xf32> to vector<16xf32>
    tpu.vector_store %arg5[%swap3A_24], %swap3A_27 {strides = array<i32>} : memref<128xf32, #tpu.memory_space<vmem>>, vector<16xf32>,
    %broadcast_in_dim3A_28 = arith.constant 1.000000e+00 : f32
    %broadcast_in_dim3A_29 = vector.broadcast %broadcast_in_dim3A_28 : f32 to vector<16xf32>
    %swap3A_30 = arith.constant 64 : index
    %swap3A_31 = tpu.vector_load %arg5[%swap3A_30] {strides = array<i32>} : memref<128xf32, #tpu.memory_space<vmem>>, vector<16xf32>,
    %swap3A_32 = vector.shape_cast %swap3A_31 : vector<16xf32> to vector<16xf32>
    %swap3A_33 = vector.shape_cast %broadcast_in_dim3A_29 : vector<16xf32> to vector<16xf32>
    tpu.vector_store %arg5[%swap3A_30], %swap3A_33 {strides = array<i32>} : memref<128xf32, #tpu.memory_space<vmem>>, vector<16xf32>,
    %broadcast_in_dim3A_34 = arith.constant 1.000000e+00 : f32
    %broadcast_in_dim3A_35 = vector.broadcast %broadcast_in_dim3A_34 : f32 to vector<16xf32>
    %swap3A_36 = arith.constant 80 : index
    %swap3A_37 = tpu.vector_load %arg5[%swap3A_36] {strides = array<i32>} : memref<128xf32, #tpu.memory_space<vmem>>, vector<16xf32>,
    %swap3A_38 = vector.shape_cast %swap3A_37 : vector<16xf32> to vector<16xf32>
    %swap3A_39 = vector.shape_cast %broadcast_in_dim3A_35 : vector<16xf32> to vector<16xf32>
    tpu.vector_store %arg5[%swap3A_36], %swap3A_39 {strides = array<i32>} : memref<128xf32, #tpu.memory_space<vmem>>, vector<16xf32>,
    %broadcast_in_dim3A_40 = arith.constant 1.000000e+00 : f32
    %broadcast_in_dim3A_41 = vector.broadcast %broadcast_in_dim3A_40 : f32 to vector<16xf32>
    %swap3A_42 = arith.constant 96 : index
    %swap3A_43 = tpu.vector_load %arg5[%swap3A_42] {strides = array<i32>} : memref<128xf32, #tpu.memory_space<vmem>>, vector<16xf32>,
    %swap3A_44 = vector.shape_cast %swap3A_43 : vector<16xf32> to vector<16xf32>
    %swap3A_45 = vector.shape_cast %broadcast_in_dim3A_41 : vector<16xf32> to vector<16xf32>
    tpu.vector_store %arg5[%swap3A_42], %swap3A_45 {strides = array<i32>} : memref<128xf32, #tpu.memory_space<vmem>>, vector<16xf32>,
    %broadcast_in_dim3A_46 = arith.constant 1.000000e+00 : f32
    %broadcast_in_dim3A_47 = vector.broadcast %broadcast_in_dim3A_46 : f32 to vector<16xf32>
    %swap3A_48 = arith.constant 112 : index
    %swap3A_49 = tpu.vector_load %arg5[%swap3A_48] {strides = array<i32>} : memref<128xf32, #tpu.memory_space<vmem>>, vector<16xf32>,
    %swap3A_50 = vector.shape_cast %swap3A_49 : vector<16xf32> to vector<16xf32>
    %swap3A_51 = vector.shape_cast %broadcast_in_dim3A_47 : vector<16xf32> to vector<16xf32>
    tpu.vector_store %arg5[%swap3A_48], %swap3A_51 {strides = array<i32>} : memref<128xf32, #tpu.memory_space<vmem>>, vector<16xf32>,
    %mul3A_52 = arith.constant 640 : i32
    %mul3A_53 = arith.muli %arg1, %mul3A_52 : i32
    "tpu.region"() ({
      %run_scoped3A = tpu.sem_alloc : memref<!tpu.dma_semaphore, #tpu.memory_space<semaphore_mem>>
      %dma_start3A = tpu.memref_slice %arg7[%mul3A_53] : memref<10240xf32, #tpu.memory_space<vmem_shared>> -> memref<640xf32, #tpu.memory_space<vmem_shared>>
      %dma_start3A_65 = tpu.memref_slice %arg7[%mul3A_53] : memref<10240xf32, #tpu.memory_space<vmem_shared>> -> memref<640xf32, #tpu.memory_space<vmem_shared>>
      tpu.enqueue_dma source(%arg6 : memref<640xf32, #tpu.memory_space<vmem>>) target(%dma_start3A_65 : memref<640xf32, #tpu.memory_space<vmem_shared>>) target_semaphore(%run_scoped3A : memref<!tpu.dma_semaphore, #tpu.memory_space<semaphore_mem>>)
      %dma_wait3A = tpu.memref_slice %arg7[%mul3A_53] : memref<10240xf32, #tpu.memory_space<vmem_shared>> -> memref<640xf32, #tpu.memory_space<vmem_shared>>
      %dma_wait3A_66 = tpu.memref_slice %arg7[%mul3A_53] : memref<10240xf32, #tpu.memory_space<vmem_shared>> -> memref<640xf32, #tpu.memory_space<vmem_shared>>
      tpu.wait_dma2 semaphore(%run_scoped3A : memref<!tpu.dma_semaphore, #tpu.memory_space<semaphore_mem>>) src(%arg6 : memref<640xf32, #tpu.memory_space<vmem>>) dst(%dma_wait3A_66 : memref<640xf32, #tpu.memory_space<vmem_shared>>)
      tpu.yield
    }) : () -> ()
    %barrier3A = arith.constant 0 : index
    tpu.barrier barrier_id(%barrier3A)
    "tpu.region"() ({
      %run_scoped3A = tpu.sem_alloc : memref<!tpu.dma_semaphore, #tpu.memory_space<semaphore_mem>>
      %dma_start3A = arith.constant 0 : i32
      %dma_start3A_65 = arith.constant 0 : i32
      %dma_start3A_66 = tpu.memref_slice %arg2[%add3A, %dma_start3A, %dma_start3A_65] : memref<32x160x128xi32, #tpu.memory_space<hbm>> -> memref<1x160x128xi32, #tpu.memory_space<hbm>>
      %dma_start3A_67 = tpu.memref_squeeze %dma_start3A_66 : memref<1x160x128xi32, #tpu.memory_space<hbm>> -> memref<160x128xi32, #tpu.memory_space<hbm>>
      %dma_start3A_68 = arith.constant 0 : i32
      %dma_start3A_69 = arith.constant 0 : i32
      %dma_start3A_70 = tpu.memref_slice %arg2[%add3A, %dma_start3A_68, %dma_start3A_69] : memref<32x160x128xi32, #tpu.memory_space<hbm>> -> memref<1x160x128xi32, #tpu.memory_space<hbm>>
      %dma_start3A_71 = tpu.memref_squeeze %dma_start3A_70 : memref<1x160x128xi32, #tpu.memory_space<hbm>> -> memref<160x128xi32, #tpu.memory_space<hbm>>
      tpu.enqueue_dma source(%dma_start3A_71 : memref<160x128xi32, #tpu.memory_space<hbm>>) target(%arg4 : memref<160x128xi32, #tpu.memory_space<vmem>>) target_semaphore(%run_scoped3A : memref<!tpu.dma_semaphore, #tpu.memory_space<semaphore_mem>>)
      %dma_wait3A = arith.constant 0 : i32
      %dma_wait3A_72 = arith.constant 0 : i32
      %dma_wait3A_73 = tpu.memref_slice %arg2[%add3A, %dma_wait3A, %dma_wait3A_72] : memref<32x160x128xi32, #tpu.memory_space<hbm>> -> memref<1x160x128xi32, #tpu.memory_space<hbm>>
      %dma_wait3A_74 = tpu.memref_squeeze %dma_wait3A_73 : memref<1x160x128xi32, #tpu.memory_space<hbm>> -> memref<160x128xi32, #tpu.memory_space<hbm>>
      %dma_wait3A_75 = arith.constant 0 : i32
      %dma_wait3A_76 = arith.constant 0 : i32
      %dma_wait3A_77 = tpu.memref_slice %arg2[%add3A, %dma_wait3A_75, %dma_wait3A_76] : memref<32x160x128xi32, #tpu.memory_space<hbm>> -> memref<1x160x128xi32, #tpu.memory_space<hbm>>
      %dma_wait3A_78 = tpu.memref_squeeze %dma_wait3A_77 : memref<1x160x128xi32, #tpu.memory_space<hbm>> -> memref<160x128xi32, #tpu.memory_space<hbm>>
      tpu.wait_dma2 semaphore(%run_scoped3A : memref<!tpu.dma_semaphore, #tpu.memory_space<semaphore_mem>>) src(%dma_wait3A_78 : memref<160x128xi32, #tpu.memory_space<hbm>>) dst(%arg4 : memref<160x128xi32, #tpu.memory_space<vmem>>)
      tpu.yield
    }) : () -> ()
    %scan3A_54 = arith.constant 0 : i32
    %scan3A_55 = arith.constant 0 : i32
    %scan3A_56 = arith.constant 80 : i32
    %scan3A_57 = arith.addi %scan3A_55, %scan3A_56 : i32
    %scan3A_58 = arith.constant 1 : i32
    scf.for %scan3A_65 = %scan3A_55 to %scan3A_57 step %scan3A_58  : i32 {
      %mul3A_66 = arith.constant 2 : i32
      %mul3A_67 = arith.muli %mul3A_66, %scan3A_65 : i32
      %add3A_68 = arith.constant 1 : i32
      %add3A_69 = arith.addi %mul3A_67, %add3A_68 : i32
      "tpu.region"() ({
        %run_scoped3A = tpu.sem_alloc : memref<!tpu.dma_semaphore, #tpu.memory_space<semaphore_mem>>
        %dma_start3A = arith.constant 0 : i32
        %dma_start3A_70 = tpu.memref_slice %arg4[%add3A_69, %dma_start3A] : memref<160x128xi32, #tpu.memory_space<vmem>> -> memref<1x128xi32, #tpu.memory_space<vmem>>
        %dma_start3A_71 = tpu.memref_squeeze %dma_start3A_70 : memref<1x128xi32, #tpu.memory_space<vmem>> -> memref<128xi32, #tpu.memory_space<vmem>>
        %dma_start3A_72 = arith.constant 0 : i32
        %dma_start3A_73 = tpu.memref_slice %arg7[%dma_start3A_72] : memref<10240xf32, #tpu.memory_space<vmem_shared>> -> memref<10240xf32, #tpu.memory_space<vmem_shared>>
        tpu.enqueue_indirect_dma source(%arg5 : memref<128xf32, #tpu.memory_space<vmem>>) target(%dma_start3A_73 : memref<10240xf32, #tpu.memory_space<vmem_shared>>) offsets(%dma_start3A_71 : memref<128xi32, #tpu.memory_space<vmem>>) semaphore(%run_scoped3A : memref<!tpu.dma_semaphore, #tpu.memory_space<semaphore_mem>>) {add = true}
        %dma_wait3A = arith.constant 0 : i32
        %dma_wait3A_74 = tpu.memref_slice %arg4[%add3A_69, %dma_wait3A] : memref<160x128xi32, #tpu.memory_space<vmem>> -> memref<1x128xi32, #tpu.memory_space<vmem>>
        %dma_wait3A_75 = tpu.memref_squeeze %dma_wait3A_74 : memref<1x128xi32, #tpu.memory_space<vmem>> -> memref<128xi32, #tpu.memory_space<vmem>>
        %dma_wait3A_76 = arith.constant 0 : i32
        %dma_wait3A_77 = tpu.memref_slice %arg7[%dma_wait3A_76] : memref<10240xf32, #tpu.memory_space<vmem_shared>> -> memref<10240xf32, #tpu.memory_space<vmem_shared>>
        tpu.wait_indirect_dma semaphore(%run_scoped3A : memref<!tpu.dma_semaphore, #tpu.memory_space<semaphore_mem>>) src(%arg5 : memref<128xf32, #tpu.memory_space<vmem>>) dst(%dma_wait3A_77 : memref<10240xf32, #tpu.memory_space<vmem_shared>>)
        tpu.yield
      }) : () -> ()
    }
    %scan3A_59 = arith.constant 80 : i32
    %barrier3A_60 = arith.constant 0 : index
    tpu.barrier barrier_id(%barrier3A_60)
    %mul3A_61 = arith.constant 640 : i32
    %mul3A_62 = arith.muli %arg1, %mul3A_61 : i32
    %mul3A_63 = arith.constant 640 : i32
    %mul3A_64 = arith.muli %arg1, %mul3A_63 : i32
    "tpu.region"() ({
      %run_scoped3A = tpu.sem_alloc : memref<!tpu.dma_semaphore, #tpu.memory_space<semaphore_mem>>
      %dma_start3A = tpu.memref_slice %arg3[%arg0, %mul3A_64] : memref<2x10240xf32, #tpu.memory_space<hbm>> -> memref<1x640xf32, #tpu.memory_space<hbm>>
      %dma_start3A_65 = tpu.memref_squeeze %dma_start3A : memref<1x640xf32, #tpu.memory_space<hbm>> -> memref<640xf32, #tpu.memory_space<hbm>>
      %dma_start3A_66 = tpu.memref_slice %arg7[%mul3A_62] : memref<10240xf32, #tpu.memory_space<vmem_shared>> -> memref<640xf32, #tpu.memory_space<vmem_shared>>
      tpu.enqueue_dma source(%dma_start3A_66 : memref<640xf32, #tpu.memory_space<vmem_shared>>) target(%dma_start3A_65 : memref<640xf32, #tpu.memory_space<hbm>>) target_semaphore(%run_scoped3A : memref<!tpu.dma_semaphore, #tpu.memory_space<semaphore_mem>>)
      %dma_wait3A = tpu.memref_slice %arg3[%arg0, %mul3A_64] : memref<2x10240xf32, #tpu.memory_space<hbm>> -> memref<1x640xf32, #tpu.memory_space<hbm>>
      %dma_wait3A_67 = tpu.memref_squeeze %dma_wait3A : memref<1x640xf32, #tpu.memory_space<hbm>> -> memref<640xf32, #tpu.memory_space<hbm>>
      %dma_wait3A_68 = tpu.memref_slice %arg7[%mul3A_62] : memref<10240xf32, #tpu.memory_space<vmem_shared>> -> memref<640xf32, #tpu.memory_space<vmem_shared>>
      tpu.wait_dma2 semaphore(%run_scoped3A : memref<!tpu.dma_semaphore, #tpu.memory_space<semaphore_mem>>) src(%dma_wait3A_68 : memref<640xf32, #tpu.memory_space<vmem_shared>>) dst(%dma_wait3A_67 : memref<640xf32, #tpu.memory_space<hbm>>)
      tpu.yield
    }) : () -> ()
    return
  }
}

#map = affine_map<(d0, d1) -> (0, 0)>
#map1 = affine_map<(d0, d1) -> (0, 0, 0, 0)>
#map2 = affine_map<(d0, d1) -> (0, 0, 0)>
module attributes {stable_mosaic.version = 14 : i64} {
  func.func @scatter_kernel(%arg0: i32, %arg1: i32, %arg2: memref<10000x128xf32, #tpu.memory_space<hbm>>, %arg3: memref<16x160x2x128xi32, #tpu.memory_space<hbm>>, %arg4: memref<2x10240x128xf32, #tpu.memory_space<hbm>>, %arg5: memref<4x2x128xi32, #tpu.memory_space<vmem>>, %arg6: memref<2x128x128xf32, #tpu.memory_space<vmem>>, %arg7: memref<10240x128xf32, #tpu.memory_space<vmem_shared>>, %arg8: memref<!tpu.dma_semaphore, #tpu.memory_space<semaphore_mem>>, %arg9: memref<!tpu.dma_semaphore, #tpu.memory_space<semaphore_mem>>, %arg10: memref<!tpu.dma_semaphore, #tpu.memory_space<semaphore_mem>>, %arg11: memref<!tpu.dma_semaphore, #tpu.memory_space<semaphore_mem>>, %arg12: memref<!tpu.dma_semaphore, #tpu.memory_space<semaphore_mem>>, %arg13: memref<!tpu.dma_semaphore, #tpu.memory_space<semaphore_mem>>) attributes {dimension_semantics = [#tpu.dimension_semantics<core_parallel>, #tpu.dimension_semantics<subcore_parallel>], iteration_bounds = array<i64: 2, 16>, scalar_prefetch = 0 : i64, scratch_operands = 9 : i64, tpu.core_type = #tpu.core_type<sc_vector_subcore>, window_params = [{transform_indices = #map}, {transform_indices = #map1}, {transform_indices = #map2}]} {
    %scan3A = arith.constant 0 : i32
    %scan3A_0 = arith.constant 0 : i32
    %scan3A_1 = arith.constant 128 : i32
    %scan3A_2 = arith.addi %scan3A_0, %scan3A_1 : i32
    %scan3A_3 = arith.constant 1 : i32
    scf.for %scan3A_75 = %scan3A_0 to %scan3A_2 step %scan3A_3  : i32 {
      %broadcast_in_dim3A = arith.constant 0.000000e+00 : f32
      %broadcast_in_dim3A_76 = vector.broadcast %broadcast_in_dim3A : f32 to vector<16xf32>
      %swap3A = arith.constant 0 : i32
      %swap3A_77 = arith.index_cast %swap3A : i32 to index
      %swap3A_78 = arith.index_cast %scan3A_75 : i32 to index
      %swap3A_79 = arith.constant 0 : index
      %swap3A_80 = tpu.vector_load %arg6[%swap3A_77, %swap3A_78, %swap3A_79] {strides = array<i32>} : memref<2x128x128xf32, #tpu.memory_space<vmem>>, vector<1x1x16xf32>,
      %swap3A_81 = vector.shape_cast %swap3A_80 : vector<1x1x16xf32> to vector<16xf32>
      %swap3A_82 = vector.shape_cast %broadcast_in_dim3A_76 : vector<16xf32> to vector<1x1x16xf32>
      tpu.vector_store %arg6[%swap3A_77, %swap3A_78, %swap3A_79], %swap3A_82 {strides = array<i32>} : memref<2x128x128xf32, #tpu.memory_space<vmem>>, vector<1x1x16xf32>,
      %broadcast_in_dim3A_83 = arith.constant 0.000000e+00 : f32
      %broadcast_in_dim3A_84 = vector.broadcast %broadcast_in_dim3A_83 : f32 to vector<16xf32>
      %swap3A_85 = arith.constant 0 : i32
      %swap3A_86 = arith.index_cast %swap3A_85 : i32 to index
      %swap3A_87 = arith.index_cast %scan3A_75 : i32 to index
      %swap3A_88 = arith.constant 16 : index
      %swap3A_89 = tpu.vector_load %arg6[%swap3A_86, %swap3A_87, %swap3A_88] {strides = array<i32>} : memref<2x128x128xf32, #tpu.memory_space<vmem>>, vector<1x1x16xf32>,
      %swap3A_90 = vector.shape_cast %swap3A_89 : vector<1x1x16xf32> to vector<16xf32>
      %swap3A_91 = vector.shape_cast %broadcast_in_dim3A_84 : vector<16xf32> to vector<1x1x16xf32>
      tpu.vector_store %arg6[%swap3A_86, %swap3A_87, %swap3A_88], %swap3A_91 {strides = array<i32>} : memref<2x128x128xf32, #tpu.memory_space<vmem>>, vector<1x1x16xf32>,
      %broadcast_in_dim3A_92 = arith.constant 0.000000e+00 : f32
      %broadcast_in_dim3A_93 = vector.broadcast %broadcast_in_dim3A_92 : f32 to vector<16xf32>
      %swap3A_94 = arith.constant 0 : i32
      %swap3A_95 = arith.index_cast %swap3A_94 : i32 to index
      %swap3A_96 = arith.index_cast %scan3A_75 : i32 to index
      %swap3A_97 = arith.constant 32 : index
      %swap3A_98 = tpu.vector_load %arg6[%swap3A_95, %swap3A_96, %swap3A_97] {strides = array<i32>} : memref<2x128x128xf32, #tpu.memory_space<vmem>>, vector<1x1x16xf32>,
      %swap3A_99 = vector.shape_cast %swap3A_98 : vector<1x1x16xf32> to vector<16xf32>
      %swap3A_100 = vector.shape_cast %broadcast_in_dim3A_93 : vector<16xf32> to vector<1x1x16xf32>
      tpu.vector_store %arg6[%swap3A_95, %swap3A_96, %swap3A_97], %swap3A_100 {strides = array<i32>} : memref<2x128x128xf32, #tpu.memory_space<vmem>>, vector<1x1x16xf32>,
      %broadcast_in_dim3A_101 = arith.constant 0.000000e+00 : f32
      %broadcast_in_dim3A_102 = vector.broadcast %broadcast_in_dim3A_101 : f32 to vector<16xf32>
      %swap3A_103 = arith.constant 0 : i32
      %swap3A_104 = arith.index_cast %swap3A_103 : i32 to index
      %swap3A_105 = arith.index_cast %scan3A_75 : i32 to index
      %swap3A_106 = arith.constant 48 : index
      %swap3A_107 = tpu.vector_load %arg6[%swap3A_104, %swap3A_105, %swap3A_106] {strides = array<i32>} : memref<2x128x128xf32, #tpu.memory_space<vmem>>, vector<1x1x16xf32>,
      %swap3A_108 = vector.shape_cast %swap3A_107 : vector<1x1x16xf32> to vector<16xf32>
      %swap3A_109 = vector.shape_cast %broadcast_in_dim3A_102 : vector<16xf32> to vector<1x1x16xf32>
      tpu.vector_store %arg6[%swap3A_104, %swap3A_105, %swap3A_106], %swap3A_109 {strides = array<i32>} : memref<2x128x128xf32, #tpu.memory_space<vmem>>, vector<1x1x16xf32>,
      %broadcast_in_dim3A_110 = arith.constant 0.000000e+00 : f32
      %broadcast_in_dim3A_111 = vector.broadcast %broadcast_in_dim3A_110 : f32 to vector<16xf32>
      %swap3A_112 = arith.constant 0 : i32
      %swap3A_113 = arith.index_cast %swap3A_112 : i32 to index
      %swap3A_114 = arith.index_cast %scan3A_75 : i32 to index
      %swap3A_115 = arith.constant 64 : index
      %swap3A_116 = tpu.vector_load %arg6[%swap3A_113, %swap3A_114, %swap3A_115] {strides = array<i32>} : memref<2x128x128xf32, #tpu.memory_space<vmem>>, vector<1x1x16xf32>,
      %swap3A_117 = vector.shape_cast %swap3A_116 : vector<1x1x16xf32> to vector<16xf32>
      %swap3A_118 = vector.shape_cast %broadcast_in_dim3A_111 : vector<16xf32> to vector<1x1x16xf32>
      tpu.vector_store %arg6[%swap3A_113, %swap3A_114, %swap3A_115], %swap3A_118 {strides = array<i32>} : memref<2x128x128xf32, #tpu.memory_space<vmem>>, vector<1x1x16xf32>,
      %broadcast_in_dim3A_119 = arith.constant 0.000000e+00 : f32
      %broadcast_in_dim3A_120 = vector.broadcast %broadcast_in_dim3A_119 : f32 to vector<16xf32>
      %swap3A_121 = arith.constant 0 : i32
      %swap3A_122 = arith.index_cast %swap3A_121 : i32 to index
      %swap3A_123 = arith.index_cast %scan3A_75 : i32 to index
      %swap3A_124 = arith.constant 80 : index
      %swap3A_125 = tpu.vector_load %arg6[%swap3A_122, %swap3A_123, %swap3A_124] {strides = array<i32>} : memref<2x128x128xf32, #tpu.memory_space<vmem>>, vector<1x1x16xf32>,
      %swap3A_126 = vector.shape_cast %swap3A_125 : vector<1x1x16xf32> to vector<16xf32>
      %swap3A_127 = vector.shape_cast %broadcast_in_dim3A_120 : vector<16xf32> to vector<1x1x16xf32>
      tpu.vector_store %arg6[%swap3A_122, %swap3A_123, %swap3A_124], %swap3A_127 {strides = array<i32>} : memref<2x128x128xf32, #tpu.memory_space<vmem>>, vector<1x1x16xf32>,
      %broadcast_in_dim3A_128 = arith.constant 0.000000e+00 : f32
      %broadcast_in_dim3A_129 = vector.broadcast %broadcast_in_dim3A_128 : f32 to vector<16xf32>
      %swap3A_130 = arith.constant 0 : i32
      %swap3A_131 = arith.index_cast %swap3A_130 : i32 to index
      %swap3A_132 = arith.index_cast %scan3A_75 : i32 to index
      %swap3A_133 = arith.constant 96 : index
      %swap3A_134 = tpu.vector_load %arg6[%swap3A_131, %swap3A_132, %swap3A_133] {strides = array<i32>} : memref<2x128x128xf32, #tpu.memory_space<vmem>>, vector<1x1x16xf32>,
      %swap3A_135 = vector.shape_cast %swap3A_134 : vector<1x1x16xf32> to vector<16xf32>
      %swap3A_136 = vector.shape_cast %broadcast_in_dim3A_129 : vector<16xf32> to vector<1x1x16xf32>
      tpu.vector_store %arg6[%swap3A_131, %swap3A_132, %swap3A_133], %swap3A_136 {strides = array<i32>} : memref<2x128x128xf32, #tpu.memory_space<vmem>>, vector<1x1x16xf32>,
      %broadcast_in_dim3A_137 = arith.constant 0.000000e+00 : f32
      %broadcast_in_dim3A_138 = vector.broadcast %broadcast_in_dim3A_137 : f32 to vector<16xf32>
      %swap3A_139 = arith.constant 0 : i32
      %swap3A_140 = arith.index_cast %swap3A_139 : i32 to index
      %swap3A_141 = arith.index_cast %scan3A_75 : i32 to index
      %swap3A_142 = arith.constant 112 : index
      %swap3A_143 = tpu.vector_load %arg6[%swap3A_140, %swap3A_141, %swap3A_142] {strides = array<i32>} : memref<2x128x128xf32, #tpu.memory_space<vmem>>, vector<1x1x16xf32>,
      %swap3A_144 = vector.shape_cast %swap3A_143 : vector<1x1x16xf32> to vector<16xf32>
      %swap3A_145 = vector.shape_cast %broadcast_in_dim3A_138 : vector<16xf32> to vector<1x1x16xf32>
      tpu.vector_store %arg6[%swap3A_140, %swap3A_141, %swap3A_142], %swap3A_145 {strides = array<i32>} : memref<2x128x128xf32, #tpu.memory_space<vmem>>, vector<1x1x16xf32>,
    }
    %scan3A_4 = arith.constant 128 : i32
    %mul3A = arith.constant 640 : i32
    %mul3A_5 = arith.muli %arg1, %mul3A : i32
    %add3A = arith.constant 0 : i32
    %add3A_6 = arith.addi %mul3A_5, %add3A : i32
    %run_scoped3A = arith.constant 0 : i32
    "tpu.region"() ({
      %run_scoped3A_75 = tpu.sem_alloc : memref<!tpu.dma_semaphore, #tpu.memory_space<semaphore_mem>>
      %dma_start3A = arith.constant 0 : i32
      %dma_start3A_76 = arith.constant 0 : i32
      %dma_start3A_77 = tpu.memref_slice %arg6[%run_scoped3A, %dma_start3A, %dma_start3A_76] : memref<2x128x128xf32, #tpu.memory_space<vmem>> -> memref<1x128x128xf32, #tpu.memory_space<vmem>>
      %dma_start3A_78 = tpu.memref_squeeze %dma_start3A_77 : memref<1x128x128xf32, #tpu.memory_space<vmem>> -> memref<128x128xf32, #tpu.memory_space<vmem>>
      %dma_start3A_79 = arith.constant 0 : i32
      %dma_start3A_80 = tpu.memref_slice %arg7[%add3A_6, %dma_start3A_79] : memref<10240x128xf32, #tpu.memory_space<vmem_shared>> -> memref<128x128xf32, #tpu.memory_space<vmem_shared>>
      %dma_start3A_81 = arith.constant 0 : i32
      %dma_start3A_82 = tpu.memref_slice %arg7[%add3A_6, %dma_start3A_81] : memref<10240x128xf32, #tpu.memory_space<vmem_shared>> -> memref<128x128xf32, #tpu.memory_space<vmem_shared>>
      %dma_start3A_83 = arith.constant 0 : i32
      %dma_start3A_84 = arith.constant 0 : i32
      %dma_start3A_85 = tpu.memref_slice %arg6[%run_scoped3A, %dma_start3A_83, %dma_start3A_84] : memref<2x128x128xf32, #tpu.memory_space<vmem>> -> memref<1x128x128xf32, #tpu.memory_space<vmem>>
      %dma_start3A_86 = tpu.memref_squeeze %dma_start3A_85 : memref<1x128x128xf32, #tpu.memory_space<vmem>> -> memref<128x128xf32, #tpu.memory_space<vmem>>
      tpu.enqueue_dma source(%dma_start3A_86 : memref<128x128xf32, #tpu.memory_space<vmem>>) target(%dma_start3A_82 : memref<128x128xf32, #tpu.memory_space<vmem_shared>>) target_semaphore(%run_scoped3A_75 : memref<!tpu.dma_semaphore, #tpu.memory_space<semaphore_mem>>)
      %dma_wait3A = arith.constant 0 : i32
      %dma_wait3A_87 = arith.constant 0 : i32
      %dma_wait3A_88 = tpu.memref_slice %arg6[%run_scoped3A, %dma_wait3A, %dma_wait3A_87] : memref<2x128x128xf32, #tpu.memory_space<vmem>> -> memref<1x128x128xf32, #tpu.memory_space<vmem>>
      %dma_wait3A_89 = tpu.memref_squeeze %dma_wait3A_88 : memref<1x128x128xf32, #tpu.memory_space<vmem>> -> memref<128x128xf32, #tpu.memory_space<vmem>>
      %dma_wait3A_90 = arith.constant 0 : i32
      %dma_wait3A_91 = tpu.memref_slice %arg7[%add3A_6, %dma_wait3A_90] : memref<10240x128xf32, #tpu.memory_space<vmem_shared>> -> memref<128x128xf32, #tpu.memory_space<vmem_shared>>
      %dma_wait3A_92 = arith.constant 0 : i32
      %dma_wait3A_93 = tpu.memref_slice %arg7[%add3A_6, %dma_wait3A_92] : memref<10240x128xf32, #tpu.memory_space<vmem_shared>> -> memref<128x128xf32, #tpu.memory_space<vmem_shared>>
      %dma_wait3A_94 = arith.constant 0 : i32
      %dma_wait3A_95 = arith.constant 0 : i32
      %dma_wait3A_96 = tpu.memref_slice %arg6[%run_scoped3A, %dma_wait3A_94, %dma_wait3A_95] : memref<2x128x128xf32, #tpu.memory_space<vmem>> -> memref<1x128x128xf32, #tpu.memory_space<vmem>>
      %dma_wait3A_97 = tpu.memref_squeeze %dma_wait3A_96 : memref<1x128x128xf32, #tpu.memory_space<vmem>> -> memref<128x128xf32, #tpu.memory_space<vmem>>
      tpu.wait_dma2 semaphore(%run_scoped3A_75 : memref<!tpu.dma_semaphore, #tpu.memory_space<semaphore_mem>>) src(%dma_wait3A_97 : memref<128x128xf32, #tpu.memory_space<vmem>>) dst(%dma_wait3A_93 : memref<128x128xf32, #tpu.memory_space<vmem_shared>>)
      tpu.yield
    }) : () -> ()
    %mul3A_7 = arith.constant 640 : i32
    %mul3A_8 = arith.muli %arg1, %mul3A_7 : i32
    %add3A_9 = arith.constant 128 : i32
    %add3A_10 = arith.addi %mul3A_8, %add3A_9 : i32
    %run_scoped3A_11 = arith.constant 0 : i32
    "tpu.region"() ({
      %run_scoped3A_75 = tpu.sem_alloc : memref<!tpu.dma_semaphore, #tpu.memory_space<semaphore_mem>>
      %dma_start3A = arith.constant 0 : i32
      %dma_start3A_76 = arith.constant 0 : i32
      %dma_start3A_77 = tpu.memref_slice %arg6[%run_scoped3A_11, %dma_start3A, %dma_start3A_76] : memref<2x128x128xf32, #tpu.memory_space<vmem>> -> memref<1x128x128xf32, #tpu.memory_space<vmem>>
      %dma_start3A_78 = tpu.memref_squeeze %dma_start3A_77 : memref<1x128x128xf32, #tpu.memory_space<vmem>> -> memref<128x128xf32, #tpu.memory_space<vmem>>
      %dma_start3A_79 = arith.constant 0 : i32
      %dma_start3A_80 = tpu.memref_slice %arg7[%add3A_10, %dma_start3A_79] : memref<10240x128xf32, #tpu.memory_space<vmem_shared>> -> memref<128x128xf32, #tpu.memory_space<vmem_shared>>
      %dma_start3A_81 = arith.constant 0 : i32
      %dma_start3A_82 = tpu.memref_slice %arg7[%add3A_10, %dma_start3A_81] : memref<10240x128xf32, #tpu.memory_space<vmem_shared>> -> memref<128x128xf32, #tpu.memory_space<vmem_shared>>
      %dma_start3A_83 = arith.constant 0 : i32
      %dma_start3A_84 = arith.constant 0 : i32
      %dma_start3A_85 = tpu.memref_slice %arg6[%run_scoped3A_11, %dma_start3A_83, %dma_start3A_84] : memref<2x128x128xf32, #tpu.memory_space<vmem>> -> memref<1x128x128xf32, #tpu.memory_space<vmem>>
      %dma_start3A_86 = tpu.memref_squeeze %dma_start3A_85 : memref<1x128x128xf32, #tpu.memory_space<vmem>> -> memref<128x128xf32, #tpu.memory_space<vmem>>
      tpu.enqueue_dma source(%dma_start3A_86 : memref<128x128xf32, #tpu.memory_space<vmem>>) target(%dma_start3A_82 : memref<128x128xf32, #tpu.memory_space<vmem_shared>>) target_semaphore(%run_scoped3A_75 : memref<!tpu.dma_semaphore, #tpu.memory_space<semaphore_mem>>)
      %dma_wait3A = arith.constant 0 : i32
      %dma_wait3A_87 = arith.constant 0 : i32
      %dma_wait3A_88 = tpu.memref_slice %arg6[%run_scoped3A_11, %dma_wait3A, %dma_wait3A_87] : memref<2x128x128xf32, #tpu.memory_space<vmem>> -> memref<1x128x128xf32, #tpu.memory_space<vmem>>
      %dma_wait3A_89 = tpu.memref_squeeze %dma_wait3A_88 : memref<1x128x128xf32, #tpu.memory_space<vmem>> -> memref<128x128xf32, #tpu.memory_space<vmem>>
      %dma_wait3A_90 = arith.constant 0 : i32
      %dma_wait3A_91 = tpu.memref_slice %arg7[%add3A_10, %dma_wait3A_90] : memref<10240x128xf32, #tpu.memory_space<vmem_shared>> -> memref<128x128xf32, #tpu.memory_space<vmem_shared>>
      %dma_wait3A_92 = arith.constant 0 : i32
      %dma_wait3A_93 = tpu.memref_slice %arg7[%add3A_10, %dma_wait3A_92] : memref<10240x128xf32, #tpu.memory_space<vmem_shared>> -> memref<128x128xf32, #tpu.memory_space<vmem_shared>>
      %dma_wait3A_94 = arith.constant 0 : i32
      %dma_wait3A_95 = arith.constant 0 : i32
      %dma_wait3A_96 = tpu.memref_slice %arg6[%run_scoped3A_11, %dma_wait3A_94, %dma_wait3A_95] : memref<2x128x128xf32, #tpu.memory_space<vmem>> -> memref<1x128x128xf32, #tpu.memory_space<vmem>>
      %dma_wait3A_97 = tpu.memref_squeeze %dma_wait3A_96 : memref<1x128x128xf32, #tpu.memory_space<vmem>> -> memref<128x128xf32, #tpu.memory_space<vmem>>
      tpu.wait_dma2 semaphore(%run_scoped3A_75 : memref<!tpu.dma_semaphore, #tpu.memory_space<semaphore_mem>>) src(%dma_wait3A_97 : memref<128x128xf32, #tpu.memory_space<vmem>>) dst(%dma_wait3A_93 : memref<128x128xf32, #tpu.memory_space<vmem_shared>>)
      tpu.yield
    }) : () -> ()
    %mul3A_12 = arith.constant 640 : i32
    %mul3A_13 = arith.muli %arg1, %mul3A_12 : i32
    %add3A_14 = arith.constant 256 : i32
    %add3A_15 = arith.addi %mul3A_13, %add3A_14 : i32
    %run_scoped3A_16 = arith.constant 0 : i32
    "tpu.region"() ({
      %run_scoped3A_75 = tpu.sem_alloc : memref<!tpu.dma_semaphore, #tpu.memory_space<semaphore_mem>>
      %dma_start3A = arith.constant 0 : i32
      %dma_start3A_76 = arith.constant 0 : i32
      %dma_start3A_77 = tpu.memref_slice %arg6[%run_scoped3A_16, %dma_start3A, %dma_start3A_76] : memref<2x128x128xf32, #tpu.memory_space<vmem>> -> memref<1x128x128xf32, #tpu.memory_space<vmem>>
      %dma_start3A_78 = tpu.memref_squeeze %dma_start3A_77 : memref<1x128x128xf32, #tpu.memory_space<vmem>> -> memref<128x128xf32, #tpu.memory_space<vmem>>
      %dma_start3A_79 = arith.constant 0 : i32
      %dma_start3A_80 = tpu.memref_slice %arg7[%add3A_15, %dma_start3A_79] : memref<10240x128xf32, #tpu.memory_space<vmem_shared>> -> memref<128x128xf32, #tpu.memory_space<vmem_shared>>
      %dma_start3A_81 = arith.constant 0 : i32
      %dma_start3A_82 = tpu.memref_slice %arg7[%add3A_15, %dma_start3A_81] : memref<10240x128xf32, #tpu.memory_space<vmem_shared>> -> memref<128x128xf32, #tpu.memory_space<vmem_shared>>
      %dma_start3A_83 = arith.constant 0 : i32
      %dma_start3A_84 = arith.constant 0 : i32
      %dma_start3A_85 = tpu.memref_slice %arg6[%run_scoped3A_16, %dma_start3A_83, %dma_start3A_84] : memref<2x128x128xf32, #tpu.memory_space<vmem>> -> memref<1x128x128xf32, #tpu.memory_space<vmem>>
      %dma_start3A_86 = tpu.memref_squeeze %dma_start3A_85 : memref<1x128x128xf32, #tpu.memory_space<vmem>> -> memref<128x128xf32, #tpu.memory_space<vmem>>
      tpu.enqueue_dma source(%dma_start3A_86 : memref<128x128xf32, #tpu.memory_space<vmem>>) target(%dma_start3A_82 : memref<128x128xf32, #tpu.memory_space<vmem_shared>>) target_semaphore(%run_scoped3A_75 : memref<!tpu.dma_semaphore, #tpu.memory_space<semaphore_mem>>)
      %dma_wait3A = arith.constant 0 : i32
      %dma_wait3A_87 = arith.constant 0 : i32
      %dma_wait3A_88 = tpu.memref_slice %arg6[%run_scoped3A_16, %dma_wait3A, %dma_wait3A_87] : memref<2x128x128xf32, #tpu.memory_space<vmem>> -> memref<1x128x128xf32, #tpu.memory_space<vmem>>
      %dma_wait3A_89 = tpu.memref_squeeze %dma_wait3A_88 : memref<1x128x128xf32, #tpu.memory_space<vmem>> -> memref<128x128xf32, #tpu.memory_space<vmem>>
      %dma_wait3A_90 = arith.constant 0 : i32
      %dma_wait3A_91 = tpu.memref_slice %arg7[%add3A_15, %dma_wait3A_90] : memref<10240x128xf32, #tpu.memory_space<vmem_shared>> -> memref<128x128xf32, #tpu.memory_space<vmem_shared>>
      %dma_wait3A_92 = arith.constant 0 : i32
      %dma_wait3A_93 = tpu.memref_slice %arg7[%add3A_15, %dma_wait3A_92] : memref<10240x128xf32, #tpu.memory_space<vmem_shared>> -> memref<128x128xf32, #tpu.memory_space<vmem_shared>>
      %dma_wait3A_94 = arith.constant 0 : i32
      %dma_wait3A_95 = arith.constant 0 : i32
      %dma_wait3A_96 = tpu.memref_slice %arg6[%run_scoped3A_16, %dma_wait3A_94, %dma_wait3A_95] : memref<2x128x128xf32, #tpu.memory_space<vmem>> -> memref<1x128x128xf32, #tpu.memory_space<vmem>>
      %dma_wait3A_97 = tpu.memref_squeeze %dma_wait3A_96 : memref<1x128x128xf32, #tpu.memory_space<vmem>> -> memref<128x128xf32, #tpu.memory_space<vmem>>
      tpu.wait_dma2 semaphore(%run_scoped3A_75 : memref<!tpu.dma_semaphore, #tpu.memory_space<semaphore_mem>>) src(%dma_wait3A_97 : memref<128x128xf32, #tpu.memory_space<vmem>>) dst(%dma_wait3A_93 : memref<128x128xf32, #tpu.memory_space<vmem_shared>>)
      tpu.yield
    }) : () -> ()
    %mul3A_17 = arith.constant 640 : i32
    %mul3A_18 = arith.muli %arg1, %mul3A_17 : i32
    %add3A_19 = arith.constant 384 : i32
    %add3A_20 = arith.addi %mul3A_18, %add3A_19 : i32
    %run_scoped3A_21 = arith.constant 0 : i32
    "tpu.region"() ({
      %run_scoped3A_75 = tpu.sem_alloc : memref<!tpu.dma_semaphore, #tpu.memory_space<semaphore_mem>>
      %dma_start3A = arith.constant 0 : i32
      %dma_start3A_76 = arith.constant 0 : i32
      %dma_start3A_77 = tpu.memref_slice %arg6[%run_scoped3A_21, %dma_start3A, %dma_start3A_76] : memref<2x128x128xf32, #tpu.memory_space<vmem>> -> memref<1x128x128xf32, #tpu.memory_space<vmem>>
      %dma_start3A_78 = tpu.memref_squeeze %dma_start3A_77 : memref<1x128x128xf32, #tpu.memory_space<vmem>> -> memref<128x128xf32, #tpu.memory_space<vmem>>
      %dma_start3A_79 = arith.constant 0 : i32
      %dma_start3A_80 = tpu.memref_slice %arg7[%add3A_20, %dma_start3A_79] : memref<10240x128xf32, #tpu.memory_space<vmem_shared>> -> memref<128x128xf32, #tpu.memory_space<vmem_shared>>
      %dma_start3A_81 = arith.constant 0 : i32
      %dma_start3A_82 = tpu.memref_slice %arg7[%add3A_20, %dma_start3A_81] : memref<10240x128xf32, #tpu.memory_space<vmem_shared>> -> memref<128x128xf32, #tpu.memory_space<vmem_shared>>
      %dma_start3A_83 = arith.constant 0 : i32
      %dma_start3A_84 = arith.constant 0 : i32
      %dma_start3A_85 = tpu.memref_slice %arg6[%run_scoped3A_21, %dma_start3A_83, %dma_start3A_84] : memref<2x128x128xf32, #tpu.memory_space<vmem>> -> memref<1x128x128xf32, #tpu.memory_space<vmem>>
      %dma_start3A_86 = tpu.memref_squeeze %dma_start3A_85 : memref<1x128x128xf32, #tpu.memory_space<vmem>> -> memref<128x128xf32, #tpu.memory_space<vmem>>
      tpu.enqueue_dma source(%dma_start3A_86 : memref<128x128xf32, #tpu.memory_space<vmem>>) target(%dma_start3A_82 : memref<128x128xf32, #tpu.memory_space<vmem_shared>>) target_semaphore(%run_scoped3A_75 : memref<!tpu.dma_semaphore, #tpu.memory_space<semaphore_mem>>)
      %dma_wait3A = arith.constant 0 : i32
      %dma_wait3A_87 = arith.constant 0 : i32
      %dma_wait3A_88 = tpu.memref_slice %arg6[%run_scoped3A_21, %dma_wait3A, %dma_wait3A_87] : memref<2x128x128xf32, #tpu.memory_space<vmem>> -> memref<1x128x128xf32, #tpu.memory_space<vmem>>
      %dma_wait3A_89 = tpu.memref_squeeze %dma_wait3A_88 : memref<1x128x128xf32, #tpu.memory_space<vmem>> -> memref<128x128xf32, #tpu.memory_space<vmem>>
      %dma_wait3A_90 = arith.constant 0 : i32
      %dma_wait3A_91 = tpu.memref_slice %arg7[%add3A_20, %dma_wait3A_90] : memref<10240x128xf32, #tpu.memory_space<vmem_shared>> -> memref<128x128xf32, #tpu.memory_space<vmem_shared>>
      %dma_wait3A_92 = arith.constant 0 : i32
      %dma_wait3A_93 = tpu.memref_slice %arg7[%add3A_20, %dma_wait3A_92] : memref<10240x128xf32, #tpu.memory_space<vmem_shared>> -> memref<128x128xf32, #tpu.memory_space<vmem_shared>>
      %dma_wait3A_94 = arith.constant 0 : i32
      %dma_wait3A_95 = arith.constant 0 : i32
      %dma_wait3A_96 = tpu.memref_slice %arg6[%run_scoped3A_21, %dma_wait3A_94, %dma_wait3A_95] : memref<2x128x128xf32, #tpu.memory_space<vmem>> -> memref<1x128x128xf32, #tpu.memory_space<vmem>>
      %dma_wait3A_97 = tpu.memref_squeeze %dma_wait3A_96 : memref<1x128x128xf32, #tpu.memory_space<vmem>> -> memref<128x128xf32, #tpu.memory_space<vmem>>
      tpu.wait_dma2 semaphore(%run_scoped3A_75 : memref<!tpu.dma_semaphore, #tpu.memory_space<semaphore_mem>>) src(%dma_wait3A_97 : memref<128x128xf32, #tpu.memory_space<vmem>>) dst(%dma_wait3A_93 : memref<128x128xf32, #tpu.memory_space<vmem_shared>>)
      tpu.yield
    }) : () -> ()
    %mul3A_22 = arith.constant 640 : i32
    %mul3A_23 = arith.muli %arg1, %mul3A_22 : i32
    %add3A_24 = arith.constant 512 : i32
    %add3A_25 = arith.addi %mul3A_23, %add3A_24 : i32
    %run_scoped3A_26 = arith.constant 0 : i32
    "tpu.region"() ({
      %run_scoped3A_75 = tpu.sem_alloc : memref<!tpu.dma_semaphore, #tpu.memory_space<semaphore_mem>>
      %dma_start3A = arith.constant 0 : i32
      %dma_start3A_76 = arith.constant 0 : i32
      %dma_start3A_77 = tpu.memref_slice %arg6[%run_scoped3A_26, %dma_start3A, %dma_start3A_76] : memref<2x128x128xf32, #tpu.memory_space<vmem>> -> memref<1x128x128xf32, #tpu.memory_space<vmem>>
      %dma_start3A_78 = tpu.memref_squeeze %dma_start3A_77 : memref<1x128x128xf32, #tpu.memory_space<vmem>> -> memref<128x128xf32, #tpu.memory_space<vmem>>
      %dma_start3A_79 = arith.constant 0 : i32
      %dma_start3A_80 = tpu.memref_slice %arg7[%add3A_25, %dma_start3A_79] : memref<10240x128xf32, #tpu.memory_space<vmem_shared>> -> memref<128x128xf32, #tpu.memory_space<vmem_shared>>
      %dma_start3A_81 = arith.constant 0 : i32
      %dma_start3A_82 = tpu.memref_slice %arg7[%add3A_25, %dma_start3A_81] : memref<10240x128xf32, #tpu.memory_space<vmem_shared>> -> memref<128x128xf32, #tpu.memory_space<vmem_shared>>
      %dma_start3A_83 = arith.constant 0 : i32
      %dma_start3A_84 = arith.constant 0 : i32
      %dma_start3A_85 = tpu.memref_slice %arg6[%run_scoped3A_26, %dma_start3A_83, %dma_start3A_84] : memref<2x128x128xf32, #tpu.memory_space<vmem>> -> memref<1x128x128xf32, #tpu.memory_space<vmem>>
      %dma_start3A_86 = tpu.memref_squeeze %dma_start3A_85 : memref<1x128x128xf32, #tpu.memory_space<vmem>> -> memref<128x128xf32, #tpu.memory_space<vmem>>
      tpu.enqueue_dma source(%dma_start3A_86 : memref<128x128xf32, #tpu.memory_space<vmem>>) target(%dma_start3A_82 : memref<128x128xf32, #tpu.memory_space<vmem_shared>>) target_semaphore(%run_scoped3A_75 : memref<!tpu.dma_semaphore, #tpu.memory_space<semaphore_mem>>)
      %dma_wait3A = arith.constant 0 : i32
      %dma_wait3A_87 = arith.constant 0 : i32
      %dma_wait3A_88 = tpu.memref_slice %arg6[%run_scoped3A_26, %dma_wait3A, %dma_wait3A_87] : memref<2x128x128xf32, #tpu.memory_space<vmem>> -> memref<1x128x128xf32, #tpu.memory_space<vmem>>
      %dma_wait3A_89 = tpu.memref_squeeze %dma_wait3A_88 : memref<1x128x128xf32, #tpu.memory_space<vmem>> -> memref<128x128xf32, #tpu.memory_space<vmem>>
      %dma_wait3A_90 = arith.constant 0 : i32
      %dma_wait3A_91 = tpu.memref_slice %arg7[%add3A_25, %dma_wait3A_90] : memref<10240x128xf32, #tpu.memory_space<vmem_shared>> -> memref<128x128xf32, #tpu.memory_space<vmem_shared>>
      %dma_wait3A_92 = arith.constant 0 : i32
      %dma_wait3A_93 = tpu.memref_slice %arg7[%add3A_25, %dma_wait3A_92] : memref<10240x128xf32, #tpu.memory_space<vmem_shared>> -> memref<128x128xf32, #tpu.memory_space<vmem_shared>>
      %dma_wait3A_94 = arith.constant 0 : i32
      %dma_wait3A_95 = arith.constant 0 : i32
      %dma_wait3A_96 = tpu.memref_slice %arg6[%run_scoped3A_26, %dma_wait3A_94, %dma_wait3A_95] : memref<2x128x128xf32, #tpu.memory_space<vmem>> -> memref<1x128x128xf32, #tpu.memory_space<vmem>>
      %dma_wait3A_97 = tpu.memref_squeeze %dma_wait3A_96 : memref<1x128x128xf32, #tpu.memory_space<vmem>> -> memref<128x128xf32, #tpu.memory_space<vmem>>
      tpu.wait_dma2 semaphore(%run_scoped3A_75 : memref<!tpu.dma_semaphore, #tpu.memory_space<semaphore_mem>>) src(%dma_wait3A_97 : memref<128x128xf32, #tpu.memory_space<vmem>>) dst(%dma_wait3A_93 : memref<128x128xf32, #tpu.memory_space<vmem_shared>>)
      tpu.yield
    }) : () -> ()
    %barrier3A = arith.constant 0 : index
    tpu.barrier barrier_id(%barrier3A)
    %eq3A = arith.constant 0 : i32
    %eq3A_27 = arith.cmpi eq, %arg0, %eq3A : i32
    %convert_element_type3A = arith.extui %eq3A_27 : i1 to i32
    %cond3A = arith.constant 0 : i32
    %cond3A_28 = arith.cmpi ne, %convert_element_type3A, %cond3A : i32
    scf.if %cond3A_28 {
      %dma_start3A = arith.constant 0 : i32
      %dma_start3A_75 = arith.constant 0 : i32
      %dma_start3A_76 = arith.constant 0 : i32
      %dma_start3A_77 = arith.constant 0 : i32
      %dma_start3A_78 = tpu.memref_slice %arg5[%dma_start3A_75, %dma_start3A_76, %dma_start3A_77] : memref<4x2x128xi32, #tpu.memory_space<vmem>> -> memref<1x2x128xi32, #tpu.memory_space<vmem>>
      %dma_start3A_79 = tpu.memref_squeeze %dma_start3A_78 : memref<1x2x128xi32, #tpu.memory_space<vmem>> -> memref<2x128xi32, #tpu.memory_space<vmem>>
      %dma_start3A_80 = arith.constant 0 : i32
      %dma_start3A_81 = arith.constant 0 : i32
      %dma_start3A_82 = tpu.memref_slice %arg3[%arg1, %dma_start3A, %dma_start3A_80, %dma_start3A_81] : memref<16x160x2x128xi32, #tpu.memory_space<hbm>> -> memref<1x1x2x128xi32, #tpu.memory_space<hbm>>
      %dma_start3A_83 = tpu.memref_squeeze %dma_start3A_82 : memref<1x1x2x128xi32, #tpu.memory_space<hbm>> -> memref<2x128xi32, #tpu.memory_space<hbm>>
      %dma_start3A_84 = arith.constant 0 : i32
      %dma_start3A_85 = arith.constant 0 : i32
      %dma_start3A_86 = tpu.memref_slice %arg5[%dma_start3A_75, %dma_start3A_84, %dma_start3A_85] : memref<4x2x128xi32, #tpu.memory_space<vmem>> -> memref<1x2x128xi32, #tpu.memory_space<vmem>>
      %dma_start3A_87 = tpu.memref_squeeze %dma_start3A_86 : memref<1x2x128xi32, #tpu.memory_space<vmem>> -> memref<2x128xi32, #tpu.memory_space<vmem>>
      %dma_start3A_88 = arith.constant 0 : i32
      %dma_start3A_89 = arith.constant 0 : i32
      %dma_start3A_90 = tpu.memref_slice %arg3[%arg1, %dma_start3A, %dma_start3A_88, %dma_start3A_89] : memref<16x160x2x128xi32, #tpu.memory_space<hbm>> -> memref<1x1x2x128xi32, #tpu.memory_space<hbm>>
      %dma_start3A_91 = tpu.memref_squeeze %dma_start3A_90 : memref<1x1x2x128xi32, #tpu.memory_space<hbm>> -> memref<2x128xi32, #tpu.memory_space<hbm>>
      tpu.enqueue_dma source(%dma_start3A_91 : memref<2x128xi32, #tpu.memory_space<hbm>>) target(%dma_start3A_87 : memref<2x128xi32, #tpu.memory_space<vmem>>) target_semaphore(%arg8 : memref<!tpu.dma_semaphore, #tpu.memory_space<semaphore_mem>>)
      %dma_start3A_92 = arith.constant 1 : i32
      %dma_start3A_93 = arith.constant 1 : i32
      %dma_start3A_94 = arith.constant 0 : i32
      %dma_start3A_95 = arith.constant 0 : i32
      %dma_start3A_96 = tpu.memref_slice %arg5[%dma_start3A_93, %dma_start3A_94, %dma_start3A_95] : memref<4x2x128xi32, #tpu.memory_space<vmem>> -> memref<1x2x128xi32, #tpu.memory_space<vmem>>
      %dma_start3A_97 = tpu.memref_squeeze %dma_start3A_96 : memref<1x2x128xi32, #tpu.memory_space<vmem>> -> memref<2x128xi32, #tpu.memory_space<vmem>>
      %dma_start3A_98 = arith.constant 0 : i32
      %dma_start3A_99 = arith.constant 0 : i32
      %dma_start3A_100 = tpu.memref_slice %arg3[%arg1, %dma_start3A_92, %dma_start3A_98, %dma_start3A_99] : memref<16x160x2x128xi32, #tpu.memory_space<hbm>> -> memref<1x1x2x128xi32, #tpu.memory_space<hbm>>
      %dma_start3A_101 = tpu.memref_squeeze %dma_start3A_100 : memref<1x1x2x128xi32, #tpu.memory_space<hbm>> -> memref<2x128xi32, #tpu.memory_space<hbm>>
      %dma_start3A_102 = arith.constant 0 : i32
      %dma_start3A_103 = arith.constant 0 : i32
      %dma_start3A_104 = tpu.memref_slice %arg5[%dma_start3A_93, %dma_start3A_102, %dma_start3A_103] : memref<4x2x128xi32, #tpu.memory_space<vmem>> -> memref<1x2x128xi32, #tpu.memory_space<vmem>>
      %dma_start3A_105 = tpu.memref_squeeze %dma_start3A_104 : memref<1x2x128xi32, #tpu.memory_space<vmem>> -> memref<2x128xi32, #tpu.memory_space<vmem>>
      %dma_start3A_106 = arith.constant 0 : i32
      %dma_start3A_107 = arith.constant 0 : i32
      %dma_start3A_108 = tpu.memref_slice %arg3[%arg1, %dma_start3A_92, %dma_start3A_106, %dma_start3A_107] : memref<16x160x2x128xi32, #tpu.memory_space<hbm>> -> memref<1x1x2x128xi32, #tpu.memory_space<hbm>>
      %dma_start3A_109 = tpu.memref_squeeze %dma_start3A_108 : memref<1x1x2x128xi32, #tpu.memory_space<hbm>> -> memref<2x128xi32, #tpu.memory_space<hbm>>
      tpu.enqueue_dma source(%dma_start3A_109 : memref<2x128xi32, #tpu.memory_space<hbm>>) target(%dma_start3A_105 : memref<2x128xi32, #tpu.memory_space<vmem>>) target_semaphore(%arg9 : memref<!tpu.dma_semaphore, #tpu.memory_space<semaphore_mem>>)
      %dma_wait3A = arith.constant 0 : i32
      %dma_wait3A_110 = arith.constant 0 : i32
      %dma_wait3A_111 = arith.constant 0 : i32
      %dma_wait3A_112 = arith.constant 0 : i32
      %dma_wait3A_113 = tpu.memref_slice %arg5[%dma_wait3A_110, %dma_wait3A_111, %dma_wait3A_112] : memref<4x2x128xi32, #tpu.memory_space<vmem>> -> memref<1x2x128xi32, #tpu.memory_space<vmem>>
      %dma_wait3A_114 = tpu.memref_squeeze %dma_wait3A_113 : memref<1x2x128xi32, #tpu.memory_space<vmem>> -> memref<2x128xi32, #tpu.memory_space<vmem>>
      %dma_wait3A_115 = arith.constant 0 : i32
      %dma_wait3A_116 = arith.constant 0 : i32
      %dma_wait3A_117 = tpu.memref_slice %arg3[%arg1, %dma_wait3A, %dma_wait3A_115, %dma_wait3A_116] : memref<16x160x2x128xi32, #tpu.memory_space<hbm>> -> memref<1x1x2x128xi32, #tpu.memory_space<hbm>>
      %dma_wait3A_118 = tpu.memref_squeeze %dma_wait3A_117 : memref<1x1x2x128xi32, #tpu.memory_space<hbm>> -> memref<2x128xi32, #tpu.memory_space<hbm>>
      %dma_wait3A_119 = arith.constant 0 : i32
      %dma_wait3A_120 = arith.constant 0 : i32
      %dma_wait3A_121 = tpu.memref_slice %arg5[%dma_wait3A_110, %dma_wait3A_119, %dma_wait3A_120] : memref<4x2x128xi32, #tpu.memory_space<vmem>> -> memref<1x2x128xi32, #tpu.memory_space<vmem>>
      %dma_wait3A_122 = tpu.memref_squeeze %dma_wait3A_121 : memref<1x2x128xi32, #tpu.memory_space<vmem>> -> memref<2x128xi32, #tpu.memory_space<vmem>>
      %dma_wait3A_123 = arith.constant 0 : i32
      %dma_wait3A_124 = arith.constant 0 : i32
      %dma_wait3A_125 = tpu.memref_slice %arg3[%arg1, %dma_wait3A, %dma_wait3A_123, %dma_wait3A_124] : memref<16x160x2x128xi32, #tpu.memory_space<hbm>> -> memref<1x1x2x128xi32, #tpu.memory_space<hbm>>
      %dma_wait3A_126 = tpu.memref_squeeze %dma_wait3A_125 : memref<1x1x2x128xi32, #tpu.memory_space<hbm>> -> memref<2x128xi32, #tpu.memory_space<hbm>>
      tpu.wait_dma2 semaphore(%arg8 : memref<!tpu.dma_semaphore, #tpu.memory_space<semaphore_mem>>) src(%dma_wait3A_126 : memref<2x128xi32, #tpu.memory_space<hbm>>) dst(%dma_wait3A_122 : memref<2x128xi32, #tpu.memory_space<vmem>>)
      %dma_start3A_127 = arith.constant 0 : i32
      %dma_start3A_128 = arith.constant 0 : i32
      %dma_start3A_129 = arith.constant 0 : i32
      %dma_start3A_130 = arith.constant 0 : i32
      %dma_start3A_131 = arith.constant 0 : i32
      %dma_start3A_132 = tpu.memref_slice %arg6[%dma_start3A_129, %dma_start3A_130, %dma_start3A_131] : memref<2x128x128xf32, #tpu.memory_space<vmem>> -> memref<1x128x128xf32, #tpu.memory_space<vmem>>
      %dma_start3A_133 = tpu.memref_squeeze %dma_start3A_132 : memref<1x128x128xf32, #tpu.memory_space<vmem>> -> memref<128x128xf32, #tpu.memory_space<vmem>>
      %dma_start3A_134 = arith.constant 0 : i32
      %dma_start3A_135 = tpu.memref_slice %arg5[%dma_start3A_127, %dma_start3A_128, %dma_start3A_134] : memref<4x2x128xi32, #tpu.memory_space<vmem>> -> memref<1x1x128xi32, #tpu.memory_space<vmem>>
      %dma_start3A_136 = tpu.memref_squeeze %dma_start3A_135 : memref<1x1x128xi32, #tpu.memory_space<vmem>> -> memref<128xi32, #tpu.memory_space<vmem>>
      %dma_start3A_137 = arith.constant 0 : i32
      %dma_start3A_138 = arith.constant 0 : i32
      %dma_start3A_139 = tpu.memref_slice %arg2[%dma_start3A_137, %dma_start3A_138] : memref<10000x128xf32, #tpu.memory_space<hbm>> -> memref<10000x128xf32, #tpu.memory_space<hbm>>
      tpu.enqueue_indirect_dma source(%dma_start3A_139 : memref<10000x128xf32, #tpu.memory_space<hbm>>) target(%dma_start3A_133 : memref<128x128xf32, #tpu.memory_space<vmem>>) offsets(%dma_start3A_136 : memref<128xi32, #tpu.memory_space<vmem>>) semaphore(%arg12 : memref<!tpu.dma_semaphore, #tpu.memory_space<semaphore_mem>>)
      %scan3A_140 = arith.constant 0 : i32
      %scan3A_141 = arith.constant 0 : i32
      %scan3A_142 = arith.constant 20 : i32
      %scan3A_143 = arith.addi %scan3A_141, %scan3A_142 : i32
      %scan3A_144 = arith.constant 1 : i32
      scf.for %scan3A_146 = %scan3A_141 to %scan3A_143 step %scan3A_144  : i32 {
        %mul3A_147 = arith.constant 4 : i32
        %mul3A_148 = arith.muli %mul3A_147, %scan3A_146 : i32
        %add3A_149 = arith.constant 0 : i32
        %add3A_150 = arith.addi %mul3A_148, %add3A_149 : i32
        %add3A_151 = arith.constant 0 : i32
        %add3A_152 = arith.addi %add3A_151, %add3A_150 : i32
        %add3A_153 = arith.constant 2 : i32
        %add3A_154 = arith.addi %add3A_150, %add3A_153 : i32
        %lt3A = arith.constant 80 : i32
        %lt3A_155 = arith.cmpi slt, %add3A_154, %lt3A : i32
        %convert_element_type3A_156 = arith.extui %lt3A_155 : i1 to i32
        %cond3A_157 = arith.constant 0 : i32
        %cond3A_158 = arith.cmpi ne, %convert_element_type3A_156, %cond3A_157 : i32
        scf.if %cond3A_158 {
          %add3A_290 = arith.constant 2 : i32
          %add3A_291 = arith.addi %add3A_152, %add3A_290 : i32
          %dma_start3A_292 = arith.constant 2 : i32
          %dma_start3A_293 = arith.constant 0 : i32
          %dma_start3A_294 = arith.constant 0 : i32
          %dma_start3A_295 = tpu.memref_slice %arg5[%dma_start3A_292, %dma_start3A_293, %dma_start3A_294] : memref<4x2x128xi32, #tpu.memory_space<vmem>> -> memref<1x2x128xi32, #tpu.memory_space<vmem>>
          %dma_start3A_296 = tpu.memref_squeeze %dma_start3A_295 : memref<1x2x128xi32, #tpu.memory_space<vmem>> -> memref<2x128xi32, #tpu.memory_space<vmem>>
          %dma_start3A_297 = arith.constant 0 : i32
          %dma_start3A_298 = arith.constant 0 : i32
          %dma_start3A_299 = tpu.memref_slice %arg3[%arg1, %add3A_291, %dma_start3A_297, %dma_start3A_298] : memref<16x160x2x128xi32, #tpu.memory_space<hbm>> -> memref<1x1x2x128xi32, #tpu.memory_space<hbm>>
          %dma_start3A_300 = tpu.memref_squeeze %dma_start3A_299 : memref<1x1x2x128xi32, #tpu.memory_space<hbm>> -> memref<2x128xi32, #tpu.memory_space<hbm>>
          %dma_start3A_301 = arith.constant 0 : i32
          %dma_start3A_302 = arith.constant 0 : i32
          %dma_start3A_303 = tpu.memref_slice %arg5[%dma_start3A_292, %dma_start3A_301, %dma_start3A_302] : memref<4x2x128xi32, #tpu.memory_space<vmem>> -> memref<1x2x128xi32, #tpu.memory_space<vmem>>
          %dma_start3A_304 = tpu.memref_squeeze %dma_start3A_303 : memref<1x2x128xi32, #tpu.memory_space<vmem>> -> memref<2x128xi32, #tpu.memory_space<vmem>>
          %dma_start3A_305 = arith.constant 0 : i32
          %dma_start3A_306 = arith.constant 0 : i32
          %dma_start3A_307 = tpu.memref_slice %arg3[%arg1, %add3A_291, %dma_start3A_305, %dma_start3A_306] : memref<16x160x2x128xi32, #tpu.memory_space<hbm>> -> memref<1x1x2x128xi32, #tpu.memory_space<hbm>>
          %dma_start3A_308 = tpu.memref_squeeze %dma_start3A_307 : memref<1x1x2x128xi32, #tpu.memory_space<hbm>> -> memref<2x128xi32, #tpu.memory_space<hbm>>
          tpu.enqueue_dma source(%dma_start3A_308 : memref<2x128xi32, #tpu.memory_space<hbm>>) target(%dma_start3A_304 : memref<2x128xi32, #tpu.memory_space<vmem>>) target_semaphore(%arg10 : memref<!tpu.dma_semaphore, #tpu.memory_space<semaphore_mem>>)
        } else {
        }
        %add3A_159 = arith.constant 1 : i32
        %add3A_160 = arith.addi %add3A_150, %add3A_159 : i32
        %lt3A_161 = arith.constant 80 : i32
        %lt3A_162 = arith.cmpi slt, %add3A_160, %lt3A_161 : i32
        %convert_element_type3A_163 = arith.extui %lt3A_162 : i1 to i32
        %cond3A_164 = arith.constant 0 : i32
        %cond3A_165 = arith.cmpi ne, %convert_element_type3A_163, %cond3A_164 : i32
        scf.if %cond3A_165 {
          %add3A_290 = arith.constant 1 : i32
          %add3A_291 = arith.addi %add3A_152, %add3A_290 : i32
          %dma_wait3A_292 = arith.constant 1 : i32
          %dma_wait3A_293 = arith.constant 0 : i32
          %dma_wait3A_294 = arith.constant 0 : i32
          %dma_wait3A_295 = tpu.memref_slice %arg5[%dma_wait3A_292, %dma_wait3A_293, %dma_wait3A_294] : memref<4x2x128xi32, #tpu.memory_space<vmem>> -> memref<1x2x128xi32, #tpu.memory_space<vmem>>
          %dma_wait3A_296 = tpu.memref_squeeze %dma_wait3A_295 : memref<1x2x128xi32, #tpu.memory_space<vmem>> -> memref<2x128xi32, #tpu.memory_space<vmem>>
          %dma_wait3A_297 = arith.constant 0 : i32
          %dma_wait3A_298 = arith.constant 0 : i32
          %dma_wait3A_299 = tpu.memref_slice %arg3[%arg1, %add3A_291, %dma_wait3A_297, %dma_wait3A_298] : memref<16x160x2x128xi32, #tpu.memory_space<hbm>> -> memref<1x1x2x128xi32, #tpu.memory_space<hbm>>
          %dma_wait3A_300 = tpu.memref_squeeze %dma_wait3A_299 : memref<1x1x2x128xi32, #tpu.memory_space<hbm>> -> memref<2x128xi32, #tpu.memory_space<hbm>>
          %dma_wait3A_301 = arith.constant 0 : i32
          %dma_wait3A_302 = arith.constant 0 : i32
          %dma_wait3A_303 = tpu.memref_slice %arg5[%dma_wait3A_292, %dma_wait3A_301, %dma_wait3A_302] : memref<4x2x128xi32, #tpu.memory_space<vmem>> -> memref<1x2x128xi32, #tpu.memory_space<vmem>>
          %dma_wait3A_304 = tpu.memref_squeeze %dma_wait3A_303 : memref<1x2x128xi32, #tpu.memory_space<vmem>> -> memref<2x128xi32, #tpu.memory_space<vmem>>
          %dma_wait3A_305 = arith.constant 0 : i32
          %dma_wait3A_306 = arith.constant 0 : i32
          %dma_wait3A_307 = tpu.memref_slice %arg3[%arg1, %add3A_291, %dma_wait3A_305, %dma_wait3A_306] : memref<16x160x2x128xi32, #tpu.memory_space<hbm>> -> memref<1x1x2x128xi32, #tpu.memory_space<hbm>>
          %dma_wait3A_308 = tpu.memref_squeeze %dma_wait3A_307 : memref<1x1x2x128xi32, #tpu.memory_space<hbm>> -> memref<2x128xi32, #tpu.memory_space<hbm>>
          tpu.wait_dma2 semaphore(%arg9 : memref<!tpu.dma_semaphore, #tpu.memory_space<semaphore_mem>>) src(%dma_wait3A_308 : memref<2x128xi32, #tpu.memory_space<hbm>>) dst(%dma_wait3A_304 : memref<2x128xi32, #tpu.memory_space<vmem>>)
          %dma_start3A_309 = arith.constant 1 : i32
          %dma_start3A_310 = arith.constant 0 : i32
          %dma_start3A_311 = arith.constant 1 : i32
          %dma_start3A_312 = arith.constant 0 : i32
          %dma_start3A_313 = arith.constant 0 : i32
          %dma_start3A_314 = tpu.memref_slice %arg6[%dma_start3A_311, %dma_start3A_312, %dma_start3A_313] : memref<2x128x128xf32, #tpu.memory_space<vmem>> -> memref<1x128x128xf32, #tpu.memory_space<vmem>>
          %dma_start3A_315 = tpu.memref_squeeze %dma_start3A_314 : memref<1x128x128xf32, #tpu.memory_space<vmem>> -> memref<128x128xf32, #tpu.memory_space<vmem>>
          %dma_start3A_316 = arith.constant 0 : i32
          %dma_start3A_317 = tpu.memref_slice %arg5[%dma_start3A_309, %dma_start3A_310, %dma_start3A_316] : memref<4x2x128xi32, #tpu.memory_space<vmem>> -> memref<1x1x128xi32, #tpu.memory_space<vmem>>
          %dma_start3A_318 = tpu.memref_squeeze %dma_start3A_317 : memref<1x1x128xi32, #tpu.memory_space<vmem>> -> memref<128xi32, #tpu.memory_space<vmem>>
          %dma_start3A_319 = arith.constant 0 : i32
          %dma_start3A_320 = arith.constant 0 : i32
          %dma_start3A_321 = tpu.memref_slice %arg2[%dma_start3A_319, %dma_start3A_320] : memref<10000x128xf32, #tpu.memory_space<hbm>> -> memref<10000x128xf32, #tpu.memory_space<hbm>>
          tpu.enqueue_indirect_dma source(%dma_start3A_321 : memref<10000x128xf32, #tpu.memory_space<hbm>>) target(%dma_start3A_315 : memref<128x128xf32, #tpu.memory_space<vmem>>) offsets(%dma_start3A_318 : memref<128xi32, #tpu.memory_space<vmem>>) semaphore(%arg13 : memref<!tpu.dma_semaphore, #tpu.memory_space<semaphore_mem>>)
        } else {
        }
        %dma_wait3A_166 = arith.constant 0 : i32
        %dma_wait3A_167 = arith.constant 0 : i32
        %dma_wait3A_168 = arith.constant 0 : i32
        %dma_wait3A_169 = arith.constant 0 : i32
        %dma_wait3A_170 = arith.constant 0 : i32
        %dma_wait3A_171 = tpu.memref_slice %arg6[%dma_wait3A_168, %dma_wait3A_169, %dma_wait3A_170] : memref<2x128x128xf32, #tpu.memory_space<vmem>> -> memref<1x128x128xf32, #tpu.memory_space<vmem>>
        %dma_wait3A_172 = tpu.memref_squeeze %dma_wait3A_171 : memref<1x128x128xf32, #tpu.memory_space<vmem>> -> memref<128x128xf32, #tpu.memory_space<vmem>>
        %dma_wait3A_173 = arith.constant 0 : i32
        %dma_wait3A_174 = tpu.memref_slice %arg5[%dma_wait3A_166, %dma_wait3A_167, %dma_wait3A_173] : memref<4x2x128xi32, #tpu.memory_space<vmem>> -> memref<1x1x128xi32, #tpu.memory_space<vmem>>
        %dma_wait3A_175 = tpu.memref_squeeze %dma_wait3A_174 : memref<1x1x128xi32, #tpu.memory_space<vmem>> -> memref<128xi32, #tpu.memory_space<vmem>>
        %dma_wait3A_176 = arith.constant 0 : i32
        %dma_wait3A_177 = arith.constant 0 : i32
        %dma_wait3A_178 = tpu.memref_slice %arg2[%dma_wait3A_176, %dma_wait3A_177] : memref<10000x128xf32, #tpu.memory_space<hbm>> -> memref<10000x128xf32, #tpu.memory_space<hbm>>
        tpu.wait_indirect_dma semaphore(%arg12 : memref<!tpu.dma_semaphore, #tpu.memory_space<semaphore_mem>>) src(%dma_wait3A_178 : memref<10000x128xf32, #tpu.memory_space<hbm>>) dst(%dma_wait3A_172 : memref<128x128xf32, #tpu.memory_space<vmem>>)
        %run_scoped3A_179 = arith.constant 0 : i32
        %run_scoped3A_180 = arith.constant 0 : i32
        %run_scoped3A_181 = arith.constant 1 : i32
        "tpu.region"() ({
          %run_scoped3A_290 = tpu.sem_alloc : memref<!tpu.dma_semaphore, #tpu.memory_space<semaphore_mem>>
          %dma_start3A_291 = arith.constant 0 : i32
          %dma_start3A_292 = arith.constant 0 : i32
          %dma_start3A_293 = tpu.memref_slice %arg6[%run_scoped3A_179, %dma_start3A_291, %dma_start3A_292] : memref<2x128x128xf32, #tpu.memory_space<vmem>> -> memref<1x128x128xf32, #tpu.memory_space<vmem>>
          %dma_start3A_294 = tpu.memref_squeeze %dma_start3A_293 : memref<1x128x128xf32, #tpu.memory_space<vmem>> -> memref<128x128xf32, #tpu.memory_space<vmem>>
          %dma_start3A_295 = arith.constant 0 : i32
          %dma_start3A_296 = tpu.memref_slice %arg5[%run_scoped3A_180, %run_scoped3A_181, %dma_start3A_295] : memref<4x2x128xi32, #tpu.memory_space<vmem>> -> memref<1x1x128xi32, #tpu.memory_space<vmem>>
          %dma_start3A_297 = tpu.memref_squeeze %dma_start3A_296 : memref<1x1x128xi32, #tpu.memory_space<vmem>> -> memref<128xi32, #tpu.memory_space<vmem>>
          %dma_start3A_298 = arith.constant 0 : i32
          %dma_start3A_299 = arith.constant 0 : i32
          %dma_start3A_300 = tpu.memref_slice %arg7[%dma_start3A_298, %dma_start3A_299] : memref<10240x128xf32, #tpu.memory_space<vmem_shared>> -> memref<10240x128xf32, #tpu.memory_space<vmem_shared>>
          tpu.enqueue_indirect_dma source(%dma_start3A_294 : memref<128x128xf32, #tpu.memory_space<vmem>>) target(%dma_start3A_300 : memref<10240x128xf32, #tpu.memory_space<vmem_shared>>) offsets(%dma_start3A_297 : memref<128xi32, #tpu.memory_space<vmem>>) semaphore(%run_scoped3A_290 : memref<!tpu.dma_semaphore, #tpu.memory_space<semaphore_mem>>) {add = true}
          %dma_wait3A_301 = arith.constant 0 : i32
          %dma_wait3A_302 = arith.constant 0 : i32
          %dma_wait3A_303 = tpu.memref_slice %arg6[%run_scoped3A_179, %dma_wait3A_301, %dma_wait3A_302] : memref<2x128x128xf32, #tpu.memory_space<vmem>> -> memref<1x128x128xf32, #tpu.memory_space<vmem>>
          %dma_wait3A_304 = tpu.memref_squeeze %dma_wait3A_303 : memref<1x128x128xf32, #tpu.memory_space<vmem>> -> memref<128x128xf32, #tpu.memory_space<vmem>>
          %dma_wait3A_305 = arith.constant 0 : i32
          %dma_wait3A_306 = tpu.memref_slice %arg5[%run_scoped3A_180, %run_scoped3A_181, %dma_wait3A_305] : memref<4x2x128xi32, #tpu.memory_space<vmem>> -> memref<1x1x128xi32, #tpu.memory_space<vmem>>
          %dma_wait3A_307 = tpu.memref_squeeze %dma_wait3A_306 : memref<1x1x128xi32, #tpu.memory_space<vmem>> -> memref<128xi32, #tpu.memory_space<vmem>>
          %dma_wait3A_308 = arith.constant 0 : i32
          %dma_wait3A_309 = arith.constant 0 : i32
          %dma_wait3A_310 = tpu.memref_slice %arg7[%dma_wait3A_308, %dma_wait3A_309] : memref<10240x128xf32, #tpu.memory_space<vmem_shared>> -> memref<10240x128xf32, #tpu.memory_space<vmem_shared>>
          tpu.wait_indirect_dma semaphore(%run_scoped3A_290 : memref<!tpu.dma_semaphore, #tpu.memory_space<semaphore_mem>>) src(%dma_wait3A_304 : memref<128x128xf32, #tpu.memory_space<vmem>>) dst(%dma_wait3A_310 : memref<10240x128xf32, #tpu.memory_space<vmem_shared>>)
          tpu.yield
        }) : () -> ()
        %mul3A_182 = arith.constant 4 : i32
        %mul3A_183 = arith.muli %mul3A_182, %scan3A_146 : i32
        %add3A_184 = arith.constant 1 : i32
        %add3A_185 = arith.addi %mul3A_183, %add3A_184 : i32
        %add3A_186 = arith.constant 0 : i32
        %add3A_187 = arith.addi %add3A_186, %add3A_185 : i32
        %add3A_188 = arith.constant 2 : i32
        %add3A_189 = arith.addi %add3A_185, %add3A_188 : i32
        %lt3A_190 = arith.constant 80 : i32
        %lt3A_191 = arith.cmpi slt, %add3A_189, %lt3A_190 : i32
        %convert_element_type3A_192 = arith.extui %lt3A_191 : i1 to i32
        %cond3A_193 = arith.constant 0 : i32
        %cond3A_194 = arith.cmpi ne, %convert_element_type3A_192, %cond3A_193 : i32
        scf.if %cond3A_194 {
          %add3A_290 = arith.constant 2 : i32
          %add3A_291 = arith.addi %add3A_187, %add3A_290 : i32
          %dma_start3A_292 = arith.constant 3 : i32
          %dma_start3A_293 = arith.constant 0 : i32
          %dma_start3A_294 = arith.constant 0 : i32
          %dma_start3A_295 = tpu.memref_slice %arg5[%dma_start3A_292, %dma_start3A_293, %dma_start3A_294] : memref<4x2x128xi32, #tpu.memory_space<vmem>> -> memref<1x2x128xi32, #tpu.memory_space<vmem>>
          %dma_start3A_296 = tpu.memref_squeeze %dma_start3A_295 : memref<1x2x128xi32, #tpu.memory_space<vmem>> -> memref<2x128xi32, #tpu.memory_space<vmem>>
          %dma_start3A_297 = arith.constant 0 : i32
          %dma_start3A_298 = arith.constant 0 : i32
          %dma_start3A_299 = tpu.memref_slice %arg3[%arg1, %add3A_291, %dma_start3A_297, %dma_start3A_298] : memref<16x160x2x128xi32, #tpu.memory_space<hbm>> -> memref<1x1x2x128xi32, #tpu.memory_space<hbm>>
          %dma_start3A_300 = tpu.memref_squeeze %dma_start3A_299 : memref<1x1x2x128xi32, #tpu.memory_space<hbm>> -> memref<2x128xi32, #tpu.memory_space<hbm>>
          %dma_start3A_301 = arith.constant 0 : i32
          %dma_start3A_302 = arith.constant 0 : i32
          %dma_start3A_303 = tpu.memref_slice %arg5[%dma_start3A_292, %dma_start3A_301, %dma_start3A_302] : memref<4x2x128xi32, #tpu.memory_space<vmem>> -> memref<1x2x128xi32, #tpu.memory_space<vmem>>
          %dma_start3A_304 = tpu.memref_squeeze %dma_start3A_303 : memref<1x2x128xi32, #tpu.memory_space<vmem>> -> memref<2x128xi32, #tpu.memory_space<vmem>>
          %dma_start3A_305 = arith.constant 0 : i32
          %dma_start3A_306 = arith.constant 0 : i32
          %dma_start3A_307 = tpu.memref_slice %arg3[%arg1, %add3A_291, %dma_start3A_305, %dma_start3A_306] : memref<16x160x2x128xi32, #tpu.memory_space<hbm>> -> memref<1x1x2x128xi32, #tpu.memory_space<hbm>>
          %dma_start3A_308 = tpu.memref_squeeze %dma_start3A_307 : memref<1x1x2x128xi32, #tpu.memory_space<hbm>> -> memref<2x128xi32, #tpu.memory_space<hbm>>
          tpu.enqueue_dma source(%dma_start3A_308 : memref<2x128xi32, #tpu.memory_space<hbm>>) target(%dma_start3A_304 : memref<2x128xi32, #tpu.memory_space<vmem>>) target_semaphore(%arg11 : memref<!tpu.dma_semaphore, #tpu.memory_space<semaphore_mem>>)
        } else {
        }
        %add3A_195 = arith.constant 1 : i32
        %add3A_196 = arith.addi %add3A_185, %add3A_195 : i32
        %lt3A_197 = arith.constant 80 : i32
        %lt3A_198 = arith.cmpi slt, %add3A_196, %lt3A_197 : i32
        %convert_element_type3A_199 = arith.extui %lt3A_198 : i1 to i32
        %cond3A_200 = arith.constant 0 : i32
        %cond3A_201 = arith.cmpi ne, %convert_element_type3A_199, %cond3A_200 : i32
        scf.if %cond3A_201 {
          %add3A_290 = arith.constant 1 : i32
          %add3A_291 = arith.addi %add3A_187, %add3A_290 : i32
          %dma_wait3A_292 = arith.constant 2 : i32
          %dma_wait3A_293 = arith.constant 0 : i32
          %dma_wait3A_294 = arith.constant 0 : i32
          %dma_wait3A_295 = tpu.memref_slice %arg5[%dma_wait3A_292, %dma_wait3A_293, %dma_wait3A_294] : memref<4x2x128xi32, #tpu.memory_space<vmem>> -> memref<1x2x128xi32, #tpu.memory_space<vmem>>
          %dma_wait3A_296 = tpu.memref_squeeze %dma_wait3A_295 : memref<1x2x128xi32, #tpu.memory_space<vmem>> -> memref<2x128xi32, #tpu.memory_space<vmem>>
          %dma_wait3A_297 = arith.constant 0 : i32
          %dma_wait3A_298 = arith.constant 0 : i32
          %dma_wait3A_299 = tpu.memref_slice %arg3[%arg1, %add3A_291, %dma_wait3A_297, %dma_wait3A_298] : memref<16x160x2x128xi32, #tpu.memory_space<hbm>> -> memref<1x1x2x128xi32, #tpu.memory_space<hbm>>
          %dma_wait3A_300 = tpu.memref_squeeze %dma_wait3A_299 : memref<1x1x2x128xi32, #tpu.memory_space<hbm>> -> memref<2x128xi32, #tpu.memory_space<hbm>>
          %dma_wait3A_301 = arith.constant 0 : i32
          %dma_wait3A_302 = arith.constant 0 : i32
          %dma_wait3A_303 = tpu.memref_slice %arg5[%dma_wait3A_292, %dma_wait3A_301, %dma_wait3A_302] : memref<4x2x128xi32, #tpu.memory_space<vmem>> -> memref<1x2x128xi32, #tpu.memory_space<vmem>>
          %dma_wait3A_304 = tpu.memref_squeeze %dma_wait3A_303 : memref<1x2x128xi32, #tpu.memory_space<vmem>> -> memref<2x128xi32, #tpu.memory_space<vmem>>
          %dma_wait3A_305 = arith.constant 0 : i32
          %dma_wait3A_306 = arith.constant 0 : i32
          %dma_wait3A_307 = tpu.memref_slice %arg3[%arg1, %add3A_291, %dma_wait3A_305, %dma_wait3A_306] : memref<16x160x2x128xi32, #tpu.memory_space<hbm>> -> memref<1x1x2x128xi32, #tpu.memory_space<hbm>>
          %dma_wait3A_308 = tpu.memref_squeeze %dma_wait3A_307 : memref<1x1x2x128xi32, #tpu.memory_space<hbm>> -> memref<2x128xi32, #tpu.memory_space<hbm>>
          tpu.wait_dma2 semaphore(%arg10 : memref<!tpu.dma_semaphore, #tpu.memory_space<semaphore_mem>>) src(%dma_wait3A_308 : memref<2x128xi32, #tpu.memory_space<hbm>>) dst(%dma_wait3A_304 : memref<2x128xi32, #tpu.memory_space<vmem>>)
          %dma_start3A_309 = arith.constant 2 : i32
          %dma_start3A_310 = arith.constant 0 : i32
          %dma_start3A_311 = arith.constant 0 : i32
          %dma_start3A_312 = arith.constant 0 : i32
          %dma_start3A_313 = arith.constant 0 : i32
          %dma_start3A_314 = tpu.memref_slice %arg6[%dma_start3A_311, %dma_start3A_312, %dma_start3A_313] : memref<2x128x128xf32, #tpu.memory_space<vmem>> -> memref<1x128x128xf32, #tpu.memory_space<vmem>>
          %dma_start3A_315 = tpu.memref_squeeze %dma_start3A_314 : memref<1x128x128xf32, #tpu.memory_space<vmem>> -> memref<128x128xf32, #tpu.memory_space<vmem>>
          %dma_start3A_316 = arith.constant 0 : i32
          %dma_start3A_317 = tpu.memref_slice %arg5[%dma_start3A_309, %dma_start3A_310, %dma_start3A_316] : memref<4x2x128xi32, #tpu.memory_space<vmem>> -> memref<1x1x128xi32, #tpu.memory_space<vmem>>
          %dma_start3A_318 = tpu.memref_squeeze %dma_start3A_317 : memref<1x1x128xi32, #tpu.memory_space<vmem>> -> memref<128xi32, #tpu.memory_space<vmem>>
          %dma_start3A_319 = arith.constant 0 : i32
          %dma_start3A_320 = arith.constant 0 : i32
          %dma_start3A_321 = tpu.memref_slice %arg2[%dma_start3A_319, %dma_start3A_320] : memref<10000x128xf32, #tpu.memory_space<hbm>> -> memref<10000x128xf32, #tpu.memory_space<hbm>>
          tpu.enqueue_indirect_dma source(%dma_start3A_321 : memref<10000x128xf32, #tpu.memory_space<hbm>>) target(%dma_start3A_315 : memref<128x128xf32, #tpu.memory_space<vmem>>) offsets(%dma_start3A_318 : memref<128xi32, #tpu.memory_space<vmem>>) semaphore(%arg12 : memref<!tpu.dma_semaphore, #tpu.memory_space<semaphore_mem>>)
        } else {
        }
        %dma_wait3A_202 = arith.constant 1 : i32
        %dma_wait3A_203 = arith.constant 0 : i32
        %dma_wait3A_204 = arith.constant 1 : i32
        %dma_wait3A_205 = arith.constant 0 : i32
        %dma_wait3A_206 = arith.constant 0 : i32
        %dma_wait3A_207 = tpu.memref_slice %arg6[%dma_wait3A_204, %dma_wait3A_205, %dma_wait3A_206] : memref<2x128x128xf32, #tpu.memory_space<vmem>> -> memref<1x128x128xf32, #tpu.memory_space<vmem>>
        %dma_wait3A_208 = tpu.memref_squeeze %dma_wait3A_207 : memref<1x128x128xf32, #tpu.memory_space<vmem>> -> memref<128x128xf32, #tpu.memory_space<vmem>>
        %dma_wait3A_209 = arith.constant 0 : i32
        %dma_wait3A_210 = tpu.memref_slice %arg5[%dma_wait3A_202, %dma_wait3A_203, %dma_wait3A_209] : memref<4x2x128xi32, #tpu.memory_space<vmem>> -> memref<1x1x128xi32, #tpu.memory_space<vmem>>
        %dma_wait3A_211 = tpu.memref_squeeze %dma_wait3A_210 : memref<1x1x128xi32, #tpu.memory_space<vmem>> -> memref<128xi32, #tpu.memory_space<vmem>>
        %dma_wait3A_212 = arith.constant 0 : i32
        %dma_wait3A_213 = arith.constant 0 : i32
        %dma_wait3A_214 = tpu.memref_slice %arg2[%dma_wait3A_212, %dma_wait3A_213] : memref<10000x128xf32, #tpu.memory_space<hbm>> -> memref<10000x128xf32, #tpu.memory_space<hbm>>
        tpu.wait_indirect_dma semaphore(%arg13 : memref<!tpu.dma_semaphore, #tpu.memory_space<semaphore_mem>>) src(%dma_wait3A_214 : memref<10000x128xf32, #tpu.memory_space<hbm>>) dst(%dma_wait3A_208 : memref<128x128xf32, #tpu.memory_space<vmem>>)
        %run_scoped3A_215 = arith.constant 1 : i32
        %run_scoped3A_216 = arith.constant 1 : i32
        %run_scoped3A_217 = arith.constant 1 : i32
        "tpu.region"() ({
          %run_scoped3A_290 = tpu.sem_alloc : memref<!tpu.dma_semaphore, #tpu.memory_space<semaphore_mem>>
          %dma_start3A_291 = arith.constant 0 : i32
          %dma_start3A_292 = arith.constant 0 : i32
          %dma_start3A_293 = tpu.memref_slice %arg6[%run_scoped3A_215, %dma_start3A_291, %dma_start3A_292] : memref<2x128x128xf32, #tpu.memory_space<vmem>> -> memref<1x128x128xf32, #tpu.memory_space<vmem>>
          %dma_start3A_294 = tpu.memref_squeeze %dma_start3A_293 : memref<1x128x128xf32, #tpu.memory_space<vmem>> -> memref<128x128xf32, #tpu.memory_space<vmem>>
          %dma_start3A_295 = arith.constant 0 : i32
          %dma_start3A_296 = tpu.memref_slice %arg5[%run_scoped3A_216, %run_scoped3A_217, %dma_start3A_295] : memref<4x2x128xi32, #tpu.memory_space<vmem>> -> memref<1x1x128xi32, #tpu.memory_space<vmem>>
          %dma_start3A_297 = tpu.memref_squeeze %dma_start3A_296 : memref<1x1x128xi32, #tpu.memory_space<vmem>> -> memref<128xi32, #tpu.memory_space<vmem>>
          %dma_start3A_298 = arith.constant 0 : i32
          %dma_start3A_299 = arith.constant 0 : i32
          %dma_start3A_300 = tpu.memref_slice %arg7[%dma_start3A_298, %dma_start3A_299] : memref<10240x128xf32, #tpu.memory_space<vmem_shared>> -> memref<10240x128xf32, #tpu.memory_space<vmem_shared>>
          tpu.enqueue_indirect_dma source(%dma_start3A_294 : memref<128x128xf32, #tpu.memory_space<vmem>>) target(%dma_start3A_300 : memref<10240x128xf32, #tpu.memory_space<vmem_shared>>) offsets(%dma_start3A_297 : memref<128xi32, #tpu.memory_space<vmem>>) semaphore(%run_scoped3A_290 : memref<!tpu.dma_semaphore, #tpu.memory_space<semaphore_mem>>) {add = true}
          %dma_wait3A_301 = arith.constant 0 : i32
          %dma_wait3A_302 = arith.constant 0 : i32
          %dma_wait3A_303 = tpu.memref_slice %arg6[%run_scoped3A_215, %dma_wait3A_301, %dma_wait3A_302] : memref<2x128x128xf32, #tpu.memory_space<vmem>> -> memref<1x128x128xf32, #tpu.memory_space<vmem>>
          %dma_wait3A_304 = tpu.memref_squeeze %dma_wait3A_303 : memref<1x128x128xf32, #tpu.memory_space<vmem>> -> memref<128x128xf32, #tpu.memory_space<vmem>>
          %dma_wait3A_305 = arith.constant 0 : i32
          %dma_wait3A_306 = tpu.memref_slice %arg5[%run_scoped3A_216, %run_scoped3A_217, %dma_wait3A_305] : memref<4x2x128xi32, #tpu.memory_space<vmem>> -> memref<1x1x128xi32, #tpu.memory_space<vmem>>
          %dma_wait3A_307 = tpu.memref_squeeze %dma_wait3A_306 : memref<1x1x128xi32, #tpu.memory_space<vmem>> -> memref<128xi32, #tpu.memory_space<vmem>>
          %dma_wait3A_308 = arith.constant 0 : i32
          %dma_wait3A_309 = arith.constant 0 : i32
          %dma_wait3A_310 = tpu.memref_slice %arg7[%dma_wait3A_308, %dma_wait3A_309] : memref<10240x128xf32, #tpu.memory_space<vmem_shared>> -> memref<10240x128xf32, #tpu.memory_space<vmem_shared>>
          tpu.wait_indirect_dma semaphore(%run_scoped3A_290 : memref<!tpu.dma_semaphore, #tpu.memory_space<semaphore_mem>>) src(%dma_wait3A_304 : memref<128x128xf32, #tpu.memory_space<vmem>>) dst(%dma_wait3A_310 : memref<10240x128xf32, #tpu.memory_space<vmem_shared>>)
          tpu.yield
        }) : () -> ()
        %mul3A_218 = arith.constant 4 : i32
        %mul3A_219 = arith.muli %mul3A_218, %scan3A_146 : i32
        %add3A_220 = arith.constant 2 : i32
        %add3A_221 = arith.addi %mul3A_219, %add3A_220 : i32
        %add3A_222 = arith.constant 0 : i32
        %add3A_223 = arith.addi %add3A_222, %add3A_221 : i32
        %add3A_224 = arith.constant 2 : i32
        %add3A_225 = arith.addi %add3A_221, %add3A_224 : i32
        %lt3A_226 = arith.constant 80 : i32
        %lt3A_227 = arith.cmpi slt, %add3A_225, %lt3A_226 : i32
        %convert_element_type3A_228 = arith.extui %lt3A_227 : i1 to i32
        %cond3A_229 = arith.constant 0 : i32
        %cond3A_230 = arith.cmpi ne, %convert_element_type3A_228, %cond3A_229 : i32
        scf.if %cond3A_230 {
          %add3A_290 = arith.constant 2 : i32
          %add3A_291 = arith.addi %add3A_223, %add3A_290 : i32
          %dma_start3A_292 = arith.constant 0 : i32
          %dma_start3A_293 = arith.constant 0 : i32
          %dma_start3A_294 = arith.constant 0 : i32
          %dma_start3A_295 = tpu.memref_slice %arg5[%dma_start3A_292, %dma_start3A_293, %dma_start3A_294] : memref<4x2x128xi32, #tpu.memory_space<vmem>> -> memref<1x2x128xi32, #tpu.memory_space<vmem>>
          %dma_start3A_296 = tpu.memref_squeeze %dma_start3A_295 : memref<1x2x128xi32, #tpu.memory_space<vmem>> -> memref<2x128xi32, #tpu.memory_space<vmem>>
          %dma_start3A_297 = arith.constant 0 : i32
          %dma_start3A_298 = arith.constant 0 : i32
          %dma_start3A_299 = tpu.memref_slice %arg3[%arg1, %add3A_291, %dma_start3A_297, %dma_start3A_298] : memref<16x160x2x128xi32, #tpu.memory_space<hbm>> -> memref<1x1x2x128xi32, #tpu.memory_space<hbm>>
          %dma_start3A_300 = tpu.memref_squeeze %dma_start3A_299 : memref<1x1x2x128xi32, #tpu.memory_space<hbm>> -> memref<2x128xi32, #tpu.memory_space<hbm>>
          %dma_start3A_301 = arith.constant 0 : i32
          %dma_start3A_302 = arith.constant 0 : i32
          %dma_start3A_303 = tpu.memref_slice %arg5[%dma_start3A_292, %dma_start3A_301, %dma_start3A_302] : memref<4x2x128xi32, #tpu.memory_space<vmem>> -> memref<1x2x128xi32, #tpu.memory_space<vmem>>
          %dma_start3A_304 = tpu.memref_squeeze %dma_start3A_303 : memref<1x2x128xi32, #tpu.memory_space<vmem>> -> memref<2x128xi32, #tpu.memory_space<vmem>>
          %dma_start3A_305 = arith.constant 0 : i32
          %dma_start3A_306 = arith.constant 0 : i32
          %dma_start3A_307 = tpu.memref_slice %arg3[%arg1, %add3A_291, %dma_start3A_305, %dma_start3A_306] : memref<16x160x2x128xi32, #tpu.memory_space<hbm>> -> memref<1x1x2x128xi32, #tpu.memory_space<hbm>>
          %dma_start3A_308 = tpu.memref_squeeze %dma_start3A_307 : memref<1x1x2x128xi32, #tpu.memory_space<hbm>> -> memref<2x128xi32, #tpu.memory_space<hbm>>
          tpu.enqueue_dma source(%dma_start3A_308 : memref<2x128xi32, #tpu.memory_space<hbm>>) target(%dma_start3A_304 : memref<2x128xi32, #tpu.memory_space<vmem>>) target_semaphore(%arg8 : memref<!tpu.dma_semaphore, #tpu.memory_space<semaphore_mem>>)
        } else {
        }
        %add3A_231 = arith.constant 1 : i32
        %add3A_232 = arith.addi %add3A_221, %add3A_231 : i32
        %lt3A_233 = arith.constant 80 : i32
        %lt3A_234 = arith.cmpi slt, %add3A_232, %lt3A_233 : i32
        %convert_element_type3A_235 = arith.extui %lt3A_234 : i1 to i32
        %cond3A_236 = arith.constant 0 : i32
        %cond3A_237 = arith.cmpi ne, %convert_element_type3A_235, %cond3A_236 : i32
        scf.if %cond3A_237 {
          %add3A_290 = arith.constant 1 : i32
          %add3A_291 = arith.addi %add3A_223, %add3A_290 : i32
          %dma_wait3A_292 = arith.constant 3 : i32
          %dma_wait3A_293 = arith.constant 0 : i32
          %dma_wait3A_294 = arith.constant 0 : i32
          %dma_wait3A_295 = tpu.memref_slice %arg5[%dma_wait3A_292, %dma_wait3A_293, %dma_wait3A_294] : memref<4x2x128xi32, #tpu.memory_space<vmem>> -> memref<1x2x128xi32, #tpu.memory_space<vmem>>
          %dma_wait3A_296 = tpu.memref_squeeze %dma_wait3A_295 : memref<1x2x128xi32, #tpu.memory_space<vmem>> -> memref<2x128xi32, #tpu.memory_space<vmem>>
          %dma_wait3A_297 = arith.constant 0 : i32
          %dma_wait3A_298 = arith.constant 0 : i32
          %dma_wait3A_299 = tpu.memref_slice %arg3[%arg1, %add3A_291, %dma_wait3A_297, %dma_wait3A_298] : memref<16x160x2x128xi32, #tpu.memory_space<hbm>> -> memref<1x1x2x128xi32, #tpu.memory_space<hbm>>
          %dma_wait3A_300 = tpu.memref_squeeze %dma_wait3A_299 : memref<1x1x2x128xi32, #tpu.memory_space<hbm>> -> memref<2x128xi32, #tpu.memory_space<hbm>>
          %dma_wait3A_301 = arith.constant 0 : i32
          %dma_wait3A_302 = arith.constant 0 : i32
          %dma_wait3A_303 = tpu.memref_slice %arg5[%dma_wait3A_292, %dma_wait3A_301, %dma_wait3A_302] : memref<4x2x128xi32, #tpu.memory_space<vmem>> -> memref<1x2x128xi32, #tpu.memory_space<vmem>>
          %dma_wait3A_304 = tpu.memref_squeeze %dma_wait3A_303 : memref<1x2x128xi32, #tpu.memory_space<vmem>> -> memref<2x128xi32, #tpu.memory_space<vmem>>
          %dma_wait3A_305 = arith.constant 0 : i32
          %dma_wait3A_306 = arith.constant 0 : i32
          %dma_wait3A_307 = tpu.memref_slice %arg3[%arg1, %add3A_291, %dma_wait3A_305, %dma_wait3A_306] : memref<16x160x2x128xi32, #tpu.memory_space<hbm>> -> memref<1x1x2x128xi32, #tpu.memory_space<hbm>>
          %dma_wait3A_308 = tpu.memref_squeeze %dma_wait3A_307 : memref<1x1x2x128xi32, #tpu.memory_space<hbm>> -> memref<2x128xi32, #tpu.memory_space<hbm>>
          tpu.wait_dma2 semaphore(%arg11 : memref<!tpu.dma_semaphore, #tpu.memory_space<semaphore_mem>>) src(%dma_wait3A_308 : memref<2x128xi32, #tpu.memory_space<hbm>>) dst(%dma_wait3A_304 : memref<2x128xi32, #tpu.memory_space<vmem>>)
          %dma_start3A_309 = arith.constant 3 : i32
          %dma_start3A_310 = arith.constant 0 : i32
          %dma_start3A_311 = arith.constant 1 : i32
          %dma_start3A_312 = arith.constant 0 : i32
          %dma_start3A_313 = arith.constant 0 : i32
          %dma_start3A_314 = tpu.memref_slice %arg6[%dma_start3A_311, %dma_start3A_312, %dma_start3A_313] : memref<2x128x128xf32, #tpu.memory_space<vmem>> -> memref<1x128x128xf32, #tpu.memory_space<vmem>>
          %dma_start3A_315 = tpu.memref_squeeze %dma_start3A_314 : memref<1x128x128xf32, #tpu.memory_space<vmem>> -> memref<128x128xf32, #tpu.memory_space<vmem>>
          %dma_start3A_316 = arith.constant 0 : i32
          %dma_start3A_317 = tpu.memref_slice %arg5[%dma_start3A_309, %dma_start3A_310, %dma_start3A_316] : memref<4x2x128xi32, #tpu.memory_space<vmem>> -> memref<1x1x128xi32, #tpu.memory_space<vmem>>
          %dma_start3A_318 = tpu.memref_squeeze %dma_start3A_317 : memref<1x1x128xi32, #tpu.memory_space<vmem>> -> memref<128xi32, #tpu.memory_space<vmem>>
          %dma_start3A_319 = arith.constant 0 : i32
          %dma_start3A_320 = arith.constant 0 : i32
          %dma_start3A_321 = tpu.memref_slice %arg2[%dma_start3A_319, %dma_start3A_320] : memref<10000x128xf32, #tpu.memory_space<hbm>> -> memref<10000x128xf32, #tpu.memory_space<hbm>>
          tpu.enqueue_indirect_dma source(%dma_start3A_321 : memref<10000x128xf32, #tpu.memory_space<hbm>>) target(%dma_start3A_315 : memref<128x128xf32, #tpu.memory_space<vmem>>) offsets(%dma_start3A_318 : memref<128xi32, #tpu.memory_space<vmem>>) semaphore(%arg13 : memref<!tpu.dma_semaphore, #tpu.memory_space<semaphore_mem>>)
        } else {
        }
        %dma_wait3A_238 = arith.constant 2 : i32
        %dma_wait3A_239 = arith.constant 0 : i32
        %dma_wait3A_240 = arith.constant 0 : i32
        %dma_wait3A_241 = arith.constant 0 : i32
        %dma_wait3A_242 = arith.constant 0 : i32
        %dma_wait3A_243 = tpu.memref_slice %arg6[%dma_wait3A_240, %dma_wait3A_241, %dma_wait3A_242] : memref<2x128x128xf32, #tpu.memory_space<vmem>> -> memref<1x128x128xf32, #tpu.memory_space<vmem>>
        %dma_wait3A_244 = tpu.memref_squeeze %dma_wait3A_243 : memref<1x128x128xf32, #tpu.memory_space<vmem>> -> memref<128x128xf32, #tpu.memory_space<vmem>>
        %dma_wait3A_245 = arith.constant 0 : i32
        %dma_wait3A_246 = tpu.memref_slice %arg5[%dma_wait3A_238, %dma_wait3A_239, %dma_wait3A_245] : memref<4x2x128xi32, #tpu.memory_space<vmem>> -> memref<1x1x128xi32, #tpu.memory_space<vmem>>
        %dma_wait3A_247 = tpu.memref_squeeze %dma_wait3A_246 : memref<1x1x128xi32, #tpu.memory_space<vmem>> -> memref<128xi32, #tpu.memory_space<vmem>>
        %dma_wait3A_248 = arith.constant 0 : i32
        %dma_wait3A_249 = arith.constant 0 : i32
        %dma_wait3A_250 = tpu.memref_slice %arg2[%dma_wait3A_248, %dma_wait3A_249] : memref<10000x128xf32, #tpu.memory_space<hbm>> -> memref<10000x128xf32, #tpu.memory_space<hbm>>
        tpu.wait_indirect_dma semaphore(%arg12 : memref<!tpu.dma_semaphore, #tpu.memory_space<semaphore_mem>>) src(%dma_wait3A_250 : memref<10000x128xf32, #tpu.memory_space<hbm>>) dst(%dma_wait3A_244 : memref<128x128xf32, #tpu.memory_space<vmem>>)
        %run_scoped3A_251 = arith.constant 0 : i32
        %run_scoped3A_252 = arith.constant 2 : i32
        %run_scoped3A_253 = arith.constant 1 : i32
        "tpu.region"() ({
          %run_scoped3A_290 = tpu.sem_alloc : memref<!tpu.dma_semaphore, #tpu.memory_space<semaphore_mem>>
          %dma_start3A_291 = arith.constant 0 : i32
          %dma_start3A_292 = arith.constant 0 : i32
          %dma_start3A_293 = tpu.memref_slice %arg6[%run_scoped3A_251, %dma_start3A_291, %dma_start3A_292] : memref<2x128x128xf32, #tpu.memory_space<vmem>> -> memref<1x128x128xf32, #tpu.memory_space<vmem>>
          %dma_start3A_294 = tpu.memref_squeeze %dma_start3A_293 : memref<1x128x128xf32, #tpu.memory_space<vmem>> -> memref<128x128xf32, #tpu.memory_space<vmem>>
          %dma_start3A_295 = arith.constant 0 : i32
          %dma_start3A_296 = tpu.memref_slice %arg5[%run_scoped3A_252, %run_scoped3A_253, %dma_start3A_295] : memref<4x2x128xi32, #tpu.memory_space<vmem>> -> memref<1x1x128xi32, #tpu.memory_space<vmem>>
          %dma_start3A_297 = tpu.memref_squeeze %dma_start3A_296 : memref<1x1x128xi32, #tpu.memory_space<vmem>> -> memref<128xi32, #tpu.memory_space<vmem>>
          %dma_start3A_298 = arith.constant 0 : i32
          %dma_start3A_299 = arith.constant 0 : i32
          %dma_start3A_300 = tpu.memref_slice %arg7[%dma_start3A_298, %dma_start3A_299] : memref<10240x128xf32, #tpu.memory_space<vmem_shared>> -> memref<10240x128xf32, #tpu.memory_space<vmem_shared>>
          tpu.enqueue_indirect_dma source(%dma_start3A_294 : memref<128x128xf32, #tpu.memory_space<vmem>>) target(%dma_start3A_300 : memref<10240x128xf32, #tpu.memory_space<vmem_shared>>) offsets(%dma_start3A_297 : memref<128xi32, #tpu.memory_space<vmem>>) semaphore(%run_scoped3A_290 : memref<!tpu.dma_semaphore, #tpu.memory_space<semaphore_mem>>) {add = true}
          %dma_wait3A_301 = arith.constant 0 : i32
          %dma_wait3A_302 = arith.constant 0 : i32
          %dma_wait3A_303 = tpu.memref_slice %arg6[%run_scoped3A_251, %dma_wait3A_301, %dma_wait3A_302] : memref<2x128x128xf32, #tpu.memory_space<vmem>> -> memref<1x128x128xf32, #tpu.memory_space<vmem>>
          %dma_wait3A_304 = tpu.memref_squeeze %dma_wait3A_303 : memref<1x128x128xf32, #tpu.memory_space<vmem>> -> memref<128x128xf32, #tpu.memory_space<vmem>>
          %dma_wait3A_305 = arith.constant 0 : i32
          %dma_wait3A_306 = tpu.memref_slice %arg5[%run_scoped3A_252, %run_scoped3A_253, %dma_wait3A_305] : memref<4x2x128xi32, #tpu.memory_space<vmem>> -> memref<1x1x128xi32, #tpu.memory_space<vmem>>
          %dma_wait3A_307 = tpu.memref_squeeze %dma_wait3A_306 : memref<1x1x128xi32, #tpu.memory_space<vmem>> -> memref<128xi32, #tpu.memory_space<vmem>>
          %dma_wait3A_308 = arith.constant 0 : i32
          %dma_wait3A_309 = arith.constant 0 : i32
          %dma_wait3A_310 = tpu.memref_slice %arg7[%dma_wait3A_308, %dma_wait3A_309] : memref<10240x128xf32, #tpu.memory_space<vmem_shared>> -> memref<10240x128xf32, #tpu.memory_space<vmem_shared>>
          tpu.wait_indirect_dma semaphore(%run_scoped3A_290 : memref<!tpu.dma_semaphore, #tpu.memory_space<semaphore_mem>>) src(%dma_wait3A_304 : memref<128x128xf32, #tpu.memory_space<vmem>>) dst(%dma_wait3A_310 : memref<10240x128xf32, #tpu.memory_space<vmem_shared>>)
          tpu.yield
        }) : () -> ()
        %mul3A_254 = arith.constant 4 : i32
        %mul3A_255 = arith.muli %mul3A_254, %scan3A_146 : i32
        %add3A_256 = arith.constant 3 : i32
        %add3A_257 = arith.addi %mul3A_255, %add3A_256 : i32
        %add3A_258 = arith.constant 0 : i32
        %add3A_259 = arith.addi %add3A_258, %add3A_257 : i32
        %add3A_260 = arith.constant 2 : i32
        %add3A_261 = arith.addi %add3A_257, %add3A_260 : i32
        %lt3A_262 = arith.constant 80 : i32
        %lt3A_263 = arith.cmpi slt, %add3A_261, %lt3A_262 : i32
        %convert_element_type3A_264 = arith.extui %lt3A_263 : i1 to i32
        %cond3A_265 = arith.constant 0 : i32
        %cond3A_266 = arith.cmpi ne, %convert_element_type3A_264, %cond3A_265 : i32
        scf.if %cond3A_266 {
          %add3A_290 = arith.constant 2 : i32
          %add3A_291 = arith.addi %add3A_259, %add3A_290 : i32
          %dma_start3A_292 = arith.constant 1 : i32
          %dma_start3A_293 = arith.constant 0 : i32
          %dma_start3A_294 = arith.constant 0 : i32
          %dma_start3A_295 = tpu.memref_slice %arg5[%dma_start3A_292, %dma_start3A_293, %dma_start3A_294] : memref<4x2x128xi32, #tpu.memory_space<vmem>> -> memref<1x2x128xi32, #tpu.memory_space<vmem>>
          %dma_start3A_296 = tpu.memref_squeeze %dma_start3A_295 : memref<1x2x128xi32, #tpu.memory_space<vmem>> -> memref<2x128xi32, #tpu.memory_space<vmem>>
          %dma_start3A_297 = arith.constant 0 : i32
          %dma_start3A_298 = arith.constant 0 : i32
          %dma_start3A_299 = tpu.memref_slice %arg3[%arg1, %add3A_291, %dma_start3A_297, %dma_start3A_298] : memref<16x160x2x128xi32, #tpu.memory_space<hbm>> -> memref<1x1x2x128xi32, #tpu.memory_space<hbm>>
          %dma_start3A_300 = tpu.memref_squeeze %dma_start3A_299 : memref<1x1x2x128xi32, #tpu.memory_space<hbm>> -> memref<2x128xi32, #tpu.memory_space<hbm>>
          %dma_start3A_301 = arith.constant 0 : i32
          %dma_start3A_302 = arith.constant 0 : i32
          %dma_start3A_303 = tpu.memref_slice %arg5[%dma_start3A_292, %dma_start3A_301, %dma_start3A_302] : memref<4x2x128xi32, #tpu.memory_space<vmem>> -> memref<1x2x128xi32, #tpu.memory_space<vmem>>
          %dma_start3A_304 = tpu.memref_squeeze %dma_start3A_303 : memref<1x2x128xi32, #tpu.memory_space<vmem>> -> memref<2x128xi32, #tpu.memory_space<vmem>>
          %dma_start3A_305 = arith.constant 0 : i32
          %dma_start3A_306 = arith.constant 0 : i32
          %dma_start3A_307 = tpu.memref_slice %arg3[%arg1, %add3A_291, %dma_start3A_305, %dma_start3A_306] : memref<16x160x2x128xi32, #tpu.memory_space<hbm>> -> memref<1x1x2x128xi32, #tpu.memory_space<hbm>>
          %dma_start3A_308 = tpu.memref_squeeze %dma_start3A_307 : memref<1x1x2x128xi32, #tpu.memory_space<hbm>> -> memref<2x128xi32, #tpu.memory_space<hbm>>
          tpu.enqueue_dma source(%dma_start3A_308 : memref<2x128xi32, #tpu.memory_space<hbm>>) target(%dma_start3A_304 : memref<2x128xi32, #tpu.memory_space<vmem>>) target_semaphore(%arg9 : memref<!tpu.dma_semaphore, #tpu.memory_space<semaphore_mem>>)
        } else {
        }
        %add3A_267 = arith.constant 1 : i32
        %add3A_268 = arith.addi %add3A_257, %add3A_267 : i32
        %lt3A_269 = arith.constant 80 : i32
        %lt3A_270 = arith.cmpi slt, %add3A_268, %lt3A_269 : i32
        %convert_element_type3A_271 = arith.extui %lt3A_270 : i1 to i32
        %cond3A_272 = arith.constant 0 : i32
        %cond3A_273 = arith.cmpi ne, %convert_element_type3A_271, %cond3A_272 : i32
        scf.if %cond3A_273 {
          %add3A_290 = arith.constant 1 : i32
          %add3A_291 = arith.addi %add3A_259, %add3A_290 : i32
          %dma_wait3A_292 = arith.constant 0 : i32
          %dma_wait3A_293 = arith.constant 0 : i32
          %dma_wait3A_294 = arith.constant 0 : i32
          %dma_wait3A_295 = tpu.memref_slice %arg5[%dma_wait3A_292, %dma_wait3A_293, %dma_wait3A_294] : memref<4x2x128xi32, #tpu.memory_space<vmem>> -> memref<1x2x128xi32, #tpu.memory_space<vmem>>
          %dma_wait3A_296 = tpu.memref_squeeze %dma_wait3A_295 : memref<1x2x128xi32, #tpu.memory_space<vmem>> -> memref<2x128xi32, #tpu.memory_space<vmem>>
          %dma_wait3A_297 = arith.constant 0 : i32
          %dma_wait3A_298 = arith.constant 0 : i32
          %dma_wait3A_299 = tpu.memref_slice %arg3[%arg1, %add3A_291, %dma_wait3A_297, %dma_wait3A_298] : memref<16x160x2x128xi32, #tpu.memory_space<hbm>> -> memref<1x1x2x128xi32, #tpu.memory_space<hbm>>
          %dma_wait3A_300 = tpu.memref_squeeze %dma_wait3A_299 : memref<1x1x2x128xi32, #tpu.memory_space<hbm>> -> memref<2x128xi32, #tpu.memory_space<hbm>>
          %dma_wait3A_301 = arith.constant 0 : i32
          %dma_wait3A_302 = arith.constant 0 : i32
          %dma_wait3A_303 = tpu.memref_slice %arg5[%dma_wait3A_292, %dma_wait3A_301, %dma_wait3A_302] : memref<4x2x128xi32, #tpu.memory_space<vmem>> -> memref<1x2x128xi32, #tpu.memory_space<vmem>>
          %dma_wait3A_304 = tpu.memref_squeeze %dma_wait3A_303 : memref<1x2x128xi32, #tpu.memory_space<vmem>> -> memref<2x128xi32, #tpu.memory_space<vmem>>
          %dma_wait3A_305 = arith.constant 0 : i32
          %dma_wait3A_306 = arith.constant 0 : i32
          %dma_wait3A_307 = tpu.memref_slice %arg3[%arg1, %add3A_291, %dma_wait3A_305, %dma_wait3A_306] : memref<16x160x2x128xi32, #tpu.memory_space<hbm>> -> memref<1x1x2x128xi32, #tpu.memory_space<hbm>>
          %dma_wait3A_308 = tpu.memref_squeeze %dma_wait3A_307 : memref<1x1x2x128xi32, #tpu.memory_space<hbm>> -> memref<2x128xi32, #tpu.memory_space<hbm>>
          tpu.wait_dma2 semaphore(%arg8 : memref<!tpu.dma_semaphore, #tpu.memory_space<semaphore_mem>>) src(%dma_wait3A_308 : memref<2x128xi32, #tpu.memory_space<hbm>>) dst(%dma_wait3A_304 : memref<2x128xi32, #tpu.memory_space<vmem>>)
          %dma_start3A_309 = arith.constant 0 : i32
          %dma_start3A_310 = arith.constant 0 : i32
          %dma_start3A_311 = arith.constant 0 : i32
          %dma_start3A_312 = arith.constant 0 : i32
          %dma_start3A_313 = arith.constant 0 : i32
          %dma_start3A_314 = tpu.memref_slice %arg6[%dma_start3A_311, %dma_start3A_312, %dma_start3A_313] : memref<2x128x128xf32, #tpu.memory_space<vmem>> -> memref<1x128x128xf32, #tpu.memory_space<vmem>>
          %dma_start3A_315 = tpu.memref_squeeze %dma_start3A_314 : memref<1x128x128xf32, #tpu.memory_space<vmem>> -> memref<128x128xf32, #tpu.memory_space<vmem>>
          %dma_start3A_316 = arith.constant 0 : i32
          %dma_start3A_317 = tpu.memref_slice %arg5[%dma_start3A_309, %dma_start3A_310, %dma_start3A_316] : memref<4x2x128xi32, #tpu.memory_space<vmem>> -> memref<1x1x128xi32, #tpu.memory_space<vmem>>
          %dma_start3A_318 = tpu.memref_squeeze %dma_start3A_317 : memref<1x1x128xi32, #tpu.memory_space<vmem>> -> memref<128xi32, #tpu.memory_space<vmem>>
          %dma_start3A_319 = arith.constant 0 : i32
          %dma_start3A_320 = arith.constant 0 : i32
          %dma_start3A_321 = tpu.memref_slice %arg2[%dma_start3A_319, %dma_start3A_320] : memref<10000x128xf32, #tpu.memory_space<hbm>> -> memref<10000x128xf32, #tpu.memory_space<hbm>>
          tpu.enqueue_indirect_dma source(%dma_start3A_321 : memref<10000x128xf32, #tpu.memory_space<hbm>>) target(%dma_start3A_315 : memref<128x128xf32, #tpu.memory_space<vmem>>) offsets(%dma_start3A_318 : memref<128xi32, #tpu.memory_space<vmem>>) semaphore(%arg12 : memref<!tpu.dma_semaphore, #tpu.memory_space<semaphore_mem>>)
        } else {
        }
        %dma_wait3A_274 = arith.constant 3 : i32
        %dma_wait3A_275 = arith.constant 0 : i32
        %dma_wait3A_276 = arith.constant 1 : i32
        %dma_wait3A_277 = arith.constant 0 : i32
        %dma_wait3A_278 = arith.constant 0 : i32
        %dma_wait3A_279 = tpu.memref_slice %arg6[%dma_wait3A_276, %dma_wait3A_277, %dma_wait3A_278] : memref<2x128x128xf32, #tpu.memory_space<vmem>> -> memref<1x128x128xf32, #tpu.memory_space<vmem>>
        %dma_wait3A_280 = tpu.memref_squeeze %dma_wait3A_279 : memref<1x128x128xf32, #tpu.memory_space<vmem>> -> memref<128x128xf32, #tpu.memory_space<vmem>>
        %dma_wait3A_281 = arith.constant 0 : i32
        %dma_wait3A_282 = tpu.memref_slice %arg5[%dma_wait3A_274, %dma_wait3A_275, %dma_wait3A_281] : memref<4x2x128xi32, #tpu.memory_space<vmem>> -> memref<1x1x128xi32, #tpu.memory_space<vmem>>
        %dma_wait3A_283 = tpu.memref_squeeze %dma_wait3A_282 : memref<1x1x128xi32, #tpu.memory_space<vmem>> -> memref<128xi32, #tpu.memory_space<vmem>>
        %dma_wait3A_284 = arith.constant 0 : i32
        %dma_wait3A_285 = arith.constant 0 : i32
        %dma_wait3A_286 = tpu.memref_slice %arg2[%dma_wait3A_284, %dma_wait3A_285] : memref<10000x128xf32, #tpu.memory_space<hbm>> -> memref<10000x128xf32, #tpu.memory_space<hbm>>
        tpu.wait_indirect_dma semaphore(%arg13 : memref<!tpu.dma_semaphore, #tpu.memory_space<semaphore_mem>>) src(%dma_wait3A_286 : memref<10000x128xf32, #tpu.memory_space<hbm>>) dst(%dma_wait3A_280 : memref<128x128xf32, #tpu.memory_space<vmem>>)
        %run_scoped3A_287 = arith.constant 1 : i32
        %run_scoped3A_288 = arith.constant 3 : i32
        %run_scoped3A_289 = arith.constant 1 : i32
        "tpu.region"() ({
          %run_scoped3A_290 = tpu.sem_alloc : memref<!tpu.dma_semaphore, #tpu.memory_space<semaphore_mem>>
          %dma_start3A_291 = arith.constant 0 : i32
          %dma_start3A_292 = arith.constant 0 : i32
          %dma_start3A_293 = tpu.memref_slice %arg6[%run_scoped3A_287, %dma_start3A_291, %dma_start3A_292] : memref<2x128x128xf32, #tpu.memory_space<vmem>> -> memref<1x128x128xf32, #tpu.memory_space<vmem>>
          %dma_start3A_294 = tpu.memref_squeeze %dma_start3A_293 : memref<1x128x128xf32, #tpu.memory_space<vmem>> -> memref<128x128xf32, #tpu.memory_space<vmem>>
          %dma_start3A_295 = arith.constant 0 : i32
          %dma_start3A_296 = tpu.memref_slice %arg5[%run_scoped3A_288, %run_scoped3A_289, %dma_start3A_295] : memref<4x2x128xi32, #tpu.memory_space<vmem>> -> memref<1x1x128xi32, #tpu.memory_space<vmem>>
          %dma_start3A_297 = tpu.memref_squeeze %dma_start3A_296 : memref<1x1x128xi32, #tpu.memory_space<vmem>> -> memref<128xi32, #tpu.memory_space<vmem>>
          %dma_start3A_298 = arith.constant 0 : i32
          %dma_start3A_299 = arith.constant 0 : i32
          %dma_start3A_300 = tpu.memref_slice %arg7[%dma_start3A_298, %dma_start3A_299] : memref<10240x128xf32, #tpu.memory_space<vmem_shared>> -> memref<10240x128xf32, #tpu.memory_space<vmem_shared>>
          tpu.enqueue_indirect_dma source(%dma_start3A_294 : memref<128x128xf32, #tpu.memory_space<vmem>>) target(%dma_start3A_300 : memref<10240x128xf32, #tpu.memory_space<vmem_shared>>) offsets(%dma_start3A_297 : memref<128xi32, #tpu.memory_space<vmem>>) semaphore(%run_scoped3A_290 : memref<!tpu.dma_semaphore, #tpu.memory_space<semaphore_mem>>) {add = true}
          %dma_wait3A_301 = arith.constant 0 : i32
          %dma_wait3A_302 = arith.constant 0 : i32
          %dma_wait3A_303 = tpu.memref_slice %arg6[%run_scoped3A_287, %dma_wait3A_301, %dma_wait3A_302] : memref<2x128x128xf32, #tpu.memory_space<vmem>> -> memref<1x128x128xf32, #tpu.memory_space<vmem>>
          %dma_wait3A_304 = tpu.memref_squeeze %dma_wait3A_303 : memref<1x128x128xf32, #tpu.memory_space<vmem>> -> memref<128x128xf32, #tpu.memory_space<vmem>>
          %dma_wait3A_305 = arith.constant 0 : i32
          %dma_wait3A_306 = tpu.memref_slice %arg5[%run_scoped3A_288, %run_scoped3A_289, %dma_wait3A_305] : memref<4x2x128xi32, #tpu.memory_space<vmem>> -> memref<1x1x128xi32, #tpu.memory_space<vmem>>
          %dma_wait3A_307 = tpu.memref_squeeze %dma_wait3A_306 : memref<1x1x128xi32, #tpu.memory_space<vmem>> -> memref<128xi32, #tpu.memory_space<vmem>>
          %dma_wait3A_308 = arith.constant 0 : i32
          %dma_wait3A_309 = arith.constant 0 : i32
          %dma_wait3A_310 = tpu.memref_slice %arg7[%dma_wait3A_308, %dma_wait3A_309] : memref<10240x128xf32, #tpu.memory_space<vmem_shared>> -> memref<10240x128xf32, #tpu.memory_space<vmem_shared>>
          tpu.wait_indirect_dma semaphore(%run_scoped3A_290 : memref<!tpu.dma_semaphore, #tpu.memory_space<semaphore_mem>>) src(%dma_wait3A_304 : memref<128x128xf32, #tpu.memory_space<vmem>>) dst(%dma_wait3A_310 : memref<10240x128xf32, #tpu.memory_space<vmem_shared>>)
          tpu.yield
        }) : () -> ()
      }
      %scan3A_145 = arith.constant 20 : i32
    } else {
    }
    %eq3A_29 = arith.constant 1 : i32
    %eq3A_30 = arith.cmpi eq, %arg0, %eq3A_29 : i32
    %convert_element_type3A_31 = arith.extui %eq3A_30 : i1 to i32
    %cond3A_32 = arith.constant 0 : i32
    %cond3A_33 = arith.cmpi ne, %convert_element_type3A_31, %cond3A_32 : i32
    scf.if %cond3A_33 {
      %dma_start3A = arith.constant 80 : i32
      %dma_start3A_75 = arith.constant 0 : i32
      %dma_start3A_76 = arith.constant 0 : i32
      %dma_start3A_77 = arith.constant 0 : i32
      %dma_start3A_78 = tpu.memref_slice %arg5[%dma_start3A_75, %dma_start3A_76, %dma_start3A_77] : memref<4x2x128xi32, #tpu.memory_space<vmem>> -> memref<1x2x128xi32, #tpu.memory_space<vmem>>
      %dma_start3A_79 = tpu.memref_squeeze %dma_start3A_78 : memref<1x2x128xi32, #tpu.memory_space<vmem>> -> memref<2x128xi32, #tpu.memory_space<vmem>>
      %dma_start3A_80 = arith.constant 0 : i32
      %dma_start3A_81 = arith.constant 0 : i32
      %dma_start3A_82 = tpu.memref_slice %arg3[%arg1, %dma_start3A, %dma_start3A_80, %dma_start3A_81] : memref<16x160x2x128xi32, #tpu.memory_space<hbm>> -> memref<1x1x2x128xi32, #tpu.memory_space<hbm>>
      %dma_start3A_83 = tpu.memref_squeeze %dma_start3A_82 : memref<1x1x2x128xi32, #tpu.memory_space<hbm>> -> memref<2x128xi32, #tpu.memory_space<hbm>>
      %dma_start3A_84 = arith.constant 0 : i32
      %dma_start3A_85 = arith.constant 0 : i32
      %dma_start3A_86 = tpu.memref_slice %arg5[%dma_start3A_75, %dma_start3A_84, %dma_start3A_85] : memref<4x2x128xi32, #tpu.memory_space<vmem>> -> memref<1x2x128xi32, #tpu.memory_space<vmem>>
      %dma_start3A_87 = tpu.memref_squeeze %dma_start3A_86 : memref<1x2x128xi32, #tpu.memory_space<vmem>> -> memref<2x128xi32, #tpu.memory_space<vmem>>
      %dma_start3A_88 = arith.constant 0 : i32
      %dma_start3A_89 = arith.constant 0 : i32
      %dma_start3A_90 = tpu.memref_slice %arg3[%arg1, %dma_start3A, %dma_start3A_88, %dma_start3A_89] : memref<16x160x2x128xi32, #tpu.memory_space<hbm>> -> memref<1x1x2x128xi32, #tpu.memory_space<hbm>>
      %dma_start3A_91 = tpu.memref_squeeze %dma_start3A_90 : memref<1x1x2x128xi32, #tpu.memory_space<hbm>> -> memref<2x128xi32, #tpu.memory_space<hbm>>
      tpu.enqueue_dma source(%dma_start3A_91 : memref<2x128xi32, #tpu.memory_space<hbm>>) target(%dma_start3A_87 : memref<2x128xi32, #tpu.memory_space<vmem>>) target_semaphore(%arg8 : memref<!tpu.dma_semaphore, #tpu.memory_space<semaphore_mem>>)
      %dma_start3A_92 = arith.constant 81 : i32
      %dma_start3A_93 = arith.constant 1 : i32
      %dma_start3A_94 = arith.constant 0 : i32
      %dma_start3A_95 = arith.constant 0 : i32
      %dma_start3A_96 = tpu.memref_slice %arg5[%dma_start3A_93, %dma_start3A_94, %dma_start3A_95] : memref<4x2x128xi32, #tpu.memory_space<vmem>> -> memref<1x2x128xi32, #tpu.memory_space<vmem>>
      %dma_start3A_97 = tpu.memref_squeeze %dma_start3A_96 : memref<1x2x128xi32, #tpu.memory_space<vmem>> -> memref<2x128xi32, #tpu.memory_space<vmem>>
      %dma_start3A_98 = arith.constant 0 : i32
      %dma_start3A_99 = arith.constant 0 : i32
      %dma_start3A_100 = tpu.memref_slice %arg3[%arg1, %dma_start3A_92, %dma_start3A_98, %dma_start3A_99] : memref<16x160x2x128xi32, #tpu.memory_space<hbm>> -> memref<1x1x2x128xi32, #tpu.memory_space<hbm>>
      %dma_start3A_101 = tpu.memref_squeeze %dma_start3A_100 : memref<1x1x2x128xi32, #tpu.memory_space<hbm>> -> memref<2x128xi32, #tpu.memory_space<hbm>>
      %dma_start3A_102 = arith.constant 0 : i32
      %dma_start3A_103 = arith.constant 0 : i32
      %dma_start3A_104 = tpu.memref_slice %arg5[%dma_start3A_93, %dma_start3A_102, %dma_start3A_103] : memref<4x2x128xi32, #tpu.memory_space<vmem>> -> memref<1x2x128xi32, #tpu.memory_space<vmem>>
      %dma_start3A_105 = tpu.memref_squeeze %dma_start3A_104 : memref<1x2x128xi32, #tpu.memory_space<vmem>> -> memref<2x128xi32, #tpu.memory_space<vmem>>
      %dma_start3A_106 = arith.constant 0 : i32
      %dma_start3A_107 = arith.constant 0 : i32
      %dma_start3A_108 = tpu.memref_slice %arg3[%arg1, %dma_start3A_92, %dma_start3A_106, %dma_start3A_107] : memref<16x160x2x128xi32, #tpu.memory_space<hbm>> -> memref<1x1x2x128xi32, #tpu.memory_space<hbm>>
      %dma_start3A_109 = tpu.memref_squeeze %dma_start3A_108 : memref<1x1x2x128xi32, #tpu.memory_space<hbm>> -> memref<2x128xi32, #tpu.memory_space<hbm>>
      tpu.enqueue_dma source(%dma_start3A_109 : memref<2x128xi32, #tpu.memory_space<hbm>>) target(%dma_start3A_105 : memref<2x128xi32, #tpu.memory_space<vmem>>) target_semaphore(%arg9 : memref<!tpu.dma_semaphore, #tpu.memory_space<semaphore_mem>>)
      %dma_wait3A = arith.constant 80 : i32
      %dma_wait3A_110 = arith.constant 0 : i32
      %dma_wait3A_111 = arith.constant 0 : i32
      %dma_wait3A_112 = arith.constant 0 : i32
      %dma_wait3A_113 = tpu.memref_slice %arg5[%dma_wait3A_110, %dma_wait3A_111, %dma_wait3A_112] : memref<4x2x128xi32, #tpu.memory_space<vmem>> -> memref<1x2x128xi32, #tpu.memory_space<vmem>>
      %dma_wait3A_114 = tpu.memref_squeeze %dma_wait3A_113 : memref<1x2x128xi32, #tpu.memory_space<vmem>> -> memref<2x128xi32, #tpu.memory_space<vmem>>
      %dma_wait3A_115 = arith.constant 0 : i32
      %dma_wait3A_116 = arith.constant 0 : i32
      %dma_wait3A_117 = tpu.memref_slice %arg3[%arg1, %dma_wait3A, %dma_wait3A_115, %dma_wait3A_116] : memref<16x160x2x128xi32, #tpu.memory_space<hbm>> -> memref<1x1x2x128xi32, #tpu.memory_space<hbm>>
      %dma_wait3A_118 = tpu.memref_squeeze %dma_wait3A_117 : memref<1x1x2x128xi32, #tpu.memory_space<hbm>> -> memref<2x128xi32, #tpu.memory_space<hbm>>
      %dma_wait3A_119 = arith.constant 0 : i32
      %dma_wait3A_120 = arith.constant 0 : i32
      %dma_wait3A_121 = tpu.memref_slice %arg5[%dma_wait3A_110, %dma_wait3A_119, %dma_wait3A_120] : memref<4x2x128xi32, #tpu.memory_space<vmem>> -> memref<1x2x128xi32, #tpu.memory_space<vmem>>
      %dma_wait3A_122 = tpu.memref_squeeze %dma_wait3A_121 : memref<1x2x128xi32, #tpu.memory_space<vmem>> -> memref<2x128xi32, #tpu.memory_space<vmem>>
      %dma_wait3A_123 = arith.constant 0 : i32
      %dma_wait3A_124 = arith.constant 0 : i32
      %dma_wait3A_125 = tpu.memref_slice %arg3[%arg1, %dma_wait3A, %dma_wait3A_123, %dma_wait3A_124] : memref<16x160x2x128xi32, #tpu.memory_space<hbm>> -> memref<1x1x2x128xi32, #tpu.memory_space<hbm>>
      %dma_wait3A_126 = tpu.memref_squeeze %dma_wait3A_125 : memref<1x1x2x128xi32, #tpu.memory_space<hbm>> -> memref<2x128xi32, #tpu.memory_space<hbm>>
      tpu.wait_dma2 semaphore(%arg8 : memref<!tpu.dma_semaphore, #tpu.memory_space<semaphore_mem>>) src(%dma_wait3A_126 : memref<2x128xi32, #tpu.memory_space<hbm>>) dst(%dma_wait3A_122 : memref<2x128xi32, #tpu.memory_space<vmem>>)
      %dma_start3A_127 = arith.constant 0 : i32
      %dma_start3A_128 = arith.constant 0 : i32
      %dma_start3A_129 = arith.constant 0 : i32
      %dma_start3A_130 = arith.constant 0 : i32
      %dma_start3A_131 = arith.constant 0 : i32
      %dma_start3A_132 = tpu.memref_slice %arg6[%dma_start3A_129, %dma_start3A_130, %dma_start3A_131] : memref<2x128x128xf32, #tpu.memory_space<vmem>> -> memref<1x128x128xf32, #tpu.memory_space<vmem>>
      %dma_start3A_133 = tpu.memref_squeeze %dma_start3A_132 : memref<1x128x128xf32, #tpu.memory_space<vmem>> -> memref<128x128xf32, #tpu.memory_space<vmem>>
      %dma_start3A_134 = arith.constant 0 : i32
      %dma_start3A_135 = tpu.memref_slice %arg5[%dma_start3A_127, %dma_start3A_128, %dma_start3A_134] : memref<4x2x128xi32, #tpu.memory_space<vmem>> -> memref<1x1x128xi32, #tpu.memory_space<vmem>>
      %dma_start3A_136 = tpu.memref_squeeze %dma_start3A_135 : memref<1x1x128xi32, #tpu.memory_space<vmem>> -> memref<128xi32, #tpu.memory_space<vmem>>
      %dma_start3A_137 = arith.constant 0 : i32
      %dma_start3A_138 = arith.constant 0 : i32
      %dma_start3A_139 = tpu.memref_slice %arg2[%dma_start3A_137, %dma_start3A_138] : memref<10000x128xf32, #tpu.memory_space<hbm>> -> memref<10000x128xf32, #tpu.memory_space<hbm>>
      tpu.enqueue_indirect_dma source(%dma_start3A_139 : memref<10000x128xf32, #tpu.memory_space<hbm>>) target(%dma_start3A_133 : memref<128x128xf32, #tpu.memory_space<vmem>>) offsets(%dma_start3A_136 : memref<128xi32, #tpu.memory_space<vmem>>) semaphore(%arg12 : memref<!tpu.dma_semaphore, #tpu.memory_space<semaphore_mem>>)
      %scan3A_140 = arith.constant 0 : i32
      %scan3A_141 = arith.constant 0 : i32
      %scan3A_142 = arith.constant 20 : i32
      %scan3A_143 = arith.addi %scan3A_141, %scan3A_142 : i32
      %scan3A_144 = arith.constant 1 : i32
      scf.for %scan3A_146 = %scan3A_141 to %scan3A_143 step %scan3A_144  : i32 {
        %mul3A_147 = arith.constant 4 : i32
        %mul3A_148 = arith.muli %mul3A_147, %scan3A_146 : i32
        %add3A_149 = arith.constant 0 : i32
        %add3A_150 = arith.addi %mul3A_148, %add3A_149 : i32
        %add3A_151 = arith.constant 80 : i32
        %add3A_152 = arith.addi %add3A_151, %add3A_150 : i32
        %add3A_153 = arith.constant 2 : i32
        %add3A_154 = arith.addi %add3A_150, %add3A_153 : i32
        %lt3A = arith.constant 80 : i32
        %lt3A_155 = arith.cmpi slt, %add3A_154, %lt3A : i32
        %convert_element_type3A_156 = arith.extui %lt3A_155 : i1 to i32
        %cond3A_157 = arith.constant 0 : i32
        %cond3A_158 = arith.cmpi ne, %convert_element_type3A_156, %cond3A_157 : i32
        scf.if %cond3A_158 {
          %add3A_290 = arith.constant 2 : i32
          %add3A_291 = arith.addi %add3A_152, %add3A_290 : i32
          %dma_start3A_292 = arith.constant 2 : i32
          %dma_start3A_293 = arith.constant 0 : i32
          %dma_start3A_294 = arith.constant 0 : i32
          %dma_start3A_295 = tpu.memref_slice %arg5[%dma_start3A_292, %dma_start3A_293, %dma_start3A_294] : memref<4x2x128xi32, #tpu.memory_space<vmem>> -> memref<1x2x128xi32, #tpu.memory_space<vmem>>
          %dma_start3A_296 = tpu.memref_squeeze %dma_start3A_295 : memref<1x2x128xi32, #tpu.memory_space<vmem>> -> memref<2x128xi32, #tpu.memory_space<vmem>>
          %dma_start3A_297 = arith.constant 0 : i32
          %dma_start3A_298 = arith.constant 0 : i32
          %dma_start3A_299 = tpu.memref_slice %arg3[%arg1, %add3A_291, %dma_start3A_297, %dma_start3A_298] : memref<16x160x2x128xi32, #tpu.memory_space<hbm>> -> memref<1x1x2x128xi32, #tpu.memory_space<hbm>>
          %dma_start3A_300 = tpu.memref_squeeze %dma_start3A_299 : memref<1x1x2x128xi32, #tpu.memory_space<hbm>> -> memref<2x128xi32, #tpu.memory_space<hbm>>
          %dma_start3A_301 = arith.constant 0 : i32
          %dma_start3A_302 = arith.constant 0 : i32
          %dma_start3A_303 = tpu.memref_slice %arg5[%dma_start3A_292, %dma_start3A_301, %dma_start3A_302] : memref<4x2x128xi32, #tpu.memory_space<vmem>> -> memref<1x2x128xi32, #tpu.memory_space<vmem>>
          %dma_start3A_304 = tpu.memref_squeeze %dma_start3A_303 : memref<1x2x128xi32, #tpu.memory_space<vmem>> -> memref<2x128xi32, #tpu.memory_space<vmem>>
          %dma_start3A_305 = arith.constant 0 : i32
          %dma_start3A_306 = arith.constant 0 : i32
          %dma_start3A_307 = tpu.memref_slice %arg3[%arg1, %add3A_291, %dma_start3A_305, %dma_start3A_306] : memref<16x160x2x128xi32, #tpu.memory_space<hbm>> -> memref<1x1x2x128xi32, #tpu.memory_space<hbm>>
          %dma_start3A_308 = tpu.memref_squeeze %dma_start3A_307 : memref<1x1x2x128xi32, #tpu.memory_space<hbm>> -> memref<2x128xi32, #tpu.memory_space<hbm>>
          tpu.enqueue_dma source(%dma_start3A_308 : memref<2x128xi32, #tpu.memory_space<hbm>>) target(%dma_start3A_304 : memref<2x128xi32, #tpu.memory_space<vmem>>) target_semaphore(%arg10 : memref<!tpu.dma_semaphore, #tpu.memory_space<semaphore_mem>>)
        } else {
        }
        %add3A_159 = arith.constant 1 : i32
        %add3A_160 = arith.addi %add3A_150, %add3A_159 : i32
        %lt3A_161 = arith.constant 80 : i32
        %lt3A_162 = arith.cmpi slt, %add3A_160, %lt3A_161 : i32
        %convert_element_type3A_163 = arith.extui %lt3A_162 : i1 to i32
        %cond3A_164 = arith.constant 0 : i32
        %cond3A_165 = arith.cmpi ne, %convert_element_type3A_163, %cond3A_164 : i32
        scf.if %cond3A_165 {
          %add3A_290 = arith.constant 1 : i32
          %add3A_291 = arith.addi %add3A_152, %add3A_290 : i32
          %dma_wait3A_292 = arith.constant 1 : i32
          %dma_wait3A_293 = arith.constant 0 : i32
          %dma_wait3A_294 = arith.constant 0 : i32
          %dma_wait3A_295 = tpu.memref_slice %arg5[%dma_wait3A_292, %dma_wait3A_293, %dma_wait3A_294] : memref<4x2x128xi32, #tpu.memory_space<vmem>> -> memref<1x2x128xi32, #tpu.memory_space<vmem>>
          %dma_wait3A_296 = tpu.memref_squeeze %dma_wait3A_295 : memref<1x2x128xi32, #tpu.memory_space<vmem>> -> memref<2x128xi32, #tpu.memory_space<vmem>>
          %dma_wait3A_297 = arith.constant 0 : i32
          %dma_wait3A_298 = arith.constant 0 : i32
          %dma_wait3A_299 = tpu.memref_slice %arg3[%arg1, %add3A_291, %dma_wait3A_297, %dma_wait3A_298] : memref<16x160x2x128xi32, #tpu.memory_space<hbm>> -> memref<1x1x2x128xi32, #tpu.memory_space<hbm>>
          %dma_wait3A_300 = tpu.memref_squeeze %dma_wait3A_299 : memref<1x1x2x128xi32, #tpu.memory_space<hbm>> -> memref<2x128xi32, #tpu.memory_space<hbm>>
          %dma_wait3A_301 = arith.constant 0 : i32
          %dma_wait3A_302 = arith.constant 0 : i32
          %dma_wait3A_303 = tpu.memref_slice %arg5[%dma_wait3A_292, %dma_wait3A_301, %dma_wait3A_302] : memref<4x2x128xi32, #tpu.memory_space<vmem>> -> memref<1x2x128xi32, #tpu.memory_space<vmem>>
          %dma_wait3A_304 = tpu.memref_squeeze %dma_wait3A_303 : memref<1x2x128xi32, #tpu.memory_space<vmem>> -> memref<2x128xi32, #tpu.memory_space<vmem>>
          %dma_wait3A_305 = arith.constant 0 : i32
          %dma_wait3A_306 = arith.constant 0 : i32
          %dma_wait3A_307 = tpu.memref_slice %arg3[%arg1, %add3A_291, %dma_wait3A_305, %dma_wait3A_306] : memref<16x160x2x128xi32, #tpu.memory_space<hbm>> -> memref<1x1x2x128xi32, #tpu.memory_space<hbm>>
          %dma_wait3A_308 = tpu.memref_squeeze %dma_wait3A_307 : memref<1x1x2x128xi32, #tpu.memory_space<hbm>> -> memref<2x128xi32, #tpu.memory_space<hbm>>
          tpu.wait_dma2 semaphore(%arg9 : memref<!tpu.dma_semaphore, #tpu.memory_space<semaphore_mem>>) src(%dma_wait3A_308 : memref<2x128xi32, #tpu.memory_space<hbm>>) dst(%dma_wait3A_304 : memref<2x128xi32, #tpu.memory_space<vmem>>)
          %dma_start3A_309 = arith.constant 1 : i32
          %dma_start3A_310 = arith.constant 0 : i32
          %dma_start3A_311 = arith.constant 1 : i32
          %dma_start3A_312 = arith.constant 0 : i32
          %dma_start3A_313 = arith.constant 0 : i32
          %dma_start3A_314 = tpu.memref_slice %arg6[%dma_start3A_311, %dma_start3A_312, %dma_start3A_313] : memref<2x128x128xf32, #tpu.memory_space<vmem>> -> memref<1x128x128xf32, #tpu.memory_space<vmem>>
          %dma_start3A_315 = tpu.memref_squeeze %dma_start3A_314 : memref<1x128x128xf32, #tpu.memory_space<vmem>> -> memref<128x128xf32, #tpu.memory_space<vmem>>
          %dma_start3A_316 = arith.constant 0 : i32
          %dma_start3A_317 = tpu.memref_slice %arg5[%dma_start3A_309, %dma_start3A_310, %dma_start3A_316] : memref<4x2x128xi32, #tpu.memory_space<vmem>> -> memref<1x1x128xi32, #tpu.memory_space<vmem>>
          %dma_start3A_318 = tpu.memref_squeeze %dma_start3A_317 : memref<1x1x128xi32, #tpu.memory_space<vmem>> -> memref<128xi32, #tpu.memory_space<vmem>>
          %dma_start3A_319 = arith.constant 0 : i32
          %dma_start3A_320 = arith.constant 0 : i32
          %dma_start3A_321 = tpu.memref_slice %arg2[%dma_start3A_319, %dma_start3A_320] : memref<10000x128xf32, #tpu.memory_space<hbm>> -> memref<10000x128xf32, #tpu.memory_space<hbm>>
          tpu.enqueue_indirect_dma source(%dma_start3A_321 : memref<10000x128xf32, #tpu.memory_space<hbm>>) target(%dma_start3A_315 : memref<128x128xf32, #tpu.memory_space<vmem>>) offsets(%dma_start3A_318 : memref<128xi32, #tpu.memory_space<vmem>>) semaphore(%arg13 : memref<!tpu.dma_semaphore, #tpu.memory_space<semaphore_mem>>)
        } else {
        }
        %dma_wait3A_166 = arith.constant 0 : i32
        %dma_wait3A_167 = arith.constant 0 : i32
        %dma_wait3A_168 = arith.constant 0 : i32
        %dma_wait3A_169 = arith.constant 0 : i32
        %dma_wait3A_170 = arith.constant 0 : i32
        %dma_wait3A_171 = tpu.memref_slice %arg6[%dma_wait3A_168, %dma_wait3A_169, %dma_wait3A_170] : memref<2x128x128xf32, #tpu.memory_space<vmem>> -> memref<1x128x128xf32, #tpu.memory_space<vmem>>
        %dma_wait3A_172 = tpu.memref_squeeze %dma_wait3A_171 : memref<1x128x128xf32, #tpu.memory_space<vmem>> -> memref<128x128xf32, #tpu.memory_space<vmem>>
        %dma_wait3A_173 = arith.constant 0 : i32
        %dma_wait3A_174 = tpu.memref_slice %arg5[%dma_wait3A_166, %dma_wait3A_167, %dma_wait3A_173] : memref<4x2x128xi32, #tpu.memory_space<vmem>> -> memref<1x1x128xi32, #tpu.memory_space<vmem>>
        %dma_wait3A_175 = tpu.memref_squeeze %dma_wait3A_174 : memref<1x1x128xi32, #tpu.memory_space<vmem>> -> memref<128xi32, #tpu.memory_space<vmem>>
        %dma_wait3A_176 = arith.constant 0 : i32
        %dma_wait3A_177 = arith.constant 0 : i32
        %dma_wait3A_178 = tpu.memref_slice %arg2[%dma_wait3A_176, %dma_wait3A_177] : memref<10000x128xf32, #tpu.memory_space<hbm>> -> memref<10000x128xf32, #tpu.memory_space<hbm>>
        tpu.wait_indirect_dma semaphore(%arg12 : memref<!tpu.dma_semaphore, #tpu.memory_space<semaphore_mem>>) src(%dma_wait3A_178 : memref<10000x128xf32, #tpu.memory_space<hbm>>) dst(%dma_wait3A_172 : memref<128x128xf32, #tpu.memory_space<vmem>>)
        %run_scoped3A_179 = arith.constant 0 : i32
        %run_scoped3A_180 = arith.constant 0 : i32
        %run_scoped3A_181 = arith.constant 1 : i32
        "tpu.region"() ({
          %run_scoped3A_290 = tpu.sem_alloc : memref<!tpu.dma_semaphore, #tpu.memory_space<semaphore_mem>>
          %dma_start3A_291 = arith.constant 0 : i32
          %dma_start3A_292 = arith.constant 0 : i32
          %dma_start3A_293 = tpu.memref_slice %arg6[%run_scoped3A_179, %dma_start3A_291, %dma_start3A_292] : memref<2x128x128xf32, #tpu.memory_space<vmem>> -> memref<1x128x128xf32, #tpu.memory_space<vmem>>
          %dma_start3A_294 = tpu.memref_squeeze %dma_start3A_293 : memref<1x128x128xf32, #tpu.memory_space<vmem>> -> memref<128x128xf32, #tpu.memory_space<vmem>>
          %dma_start3A_295 = arith.constant 0 : i32
          %dma_start3A_296 = tpu.memref_slice %arg5[%run_scoped3A_180, %run_scoped3A_181, %dma_start3A_295] : memref<4x2x128xi32, #tpu.memory_space<vmem>> -> memref<1x1x128xi32, #tpu.memory_space<vmem>>
          %dma_start3A_297 = tpu.memref_squeeze %dma_start3A_296 : memref<1x1x128xi32, #tpu.memory_space<vmem>> -> memref<128xi32, #tpu.memory_space<vmem>>
          %dma_start3A_298 = arith.constant 0 : i32
          %dma_start3A_299 = arith.constant 0 : i32
          %dma_start3A_300 = tpu.memref_slice %arg7[%dma_start3A_298, %dma_start3A_299] : memref<10240x128xf32, #tpu.memory_space<vmem_shared>> -> memref<10240x128xf32, #tpu.memory_space<vmem_shared>>
          tpu.enqueue_indirect_dma source(%dma_start3A_294 : memref<128x128xf32, #tpu.memory_space<vmem>>) target(%dma_start3A_300 : memref<10240x128xf32, #tpu.memory_space<vmem_shared>>) offsets(%dma_start3A_297 : memref<128xi32, #tpu.memory_space<vmem>>) semaphore(%run_scoped3A_290 : memref<!tpu.dma_semaphore, #tpu.memory_space<semaphore_mem>>) {add = true}
          %dma_wait3A_301 = arith.constant 0 : i32
          %dma_wait3A_302 = arith.constant 0 : i32
          %dma_wait3A_303 = tpu.memref_slice %arg6[%run_scoped3A_179, %dma_wait3A_301, %dma_wait3A_302] : memref<2x128x128xf32, #tpu.memory_space<vmem>> -> memref<1x128x128xf32, #tpu.memory_space<vmem>>
          %dma_wait3A_304 = tpu.memref_squeeze %dma_wait3A_303 : memref<1x128x128xf32, #tpu.memory_space<vmem>> -> memref<128x128xf32, #tpu.memory_space<vmem>>
          %dma_wait3A_305 = arith.constant 0 : i32
          %dma_wait3A_306 = tpu.memref_slice %arg5[%run_scoped3A_180, %run_scoped3A_181, %dma_wait3A_305] : memref<4x2x128xi32, #tpu.memory_space<vmem>> -> memref<1x1x128xi32, #tpu.memory_space<vmem>>
          %dma_wait3A_307 = tpu.memref_squeeze %dma_wait3A_306 : memref<1x1x128xi32, #tpu.memory_space<vmem>> -> memref<128xi32, #tpu.memory_space<vmem>>
          %dma_wait3A_308 = arith.constant 0 : i32
          %dma_wait3A_309 = arith.constant 0 : i32
          %dma_wait3A_310 = tpu.memref_slice %arg7[%dma_wait3A_308, %dma_wait3A_309] : memref<10240x128xf32, #tpu.memory_space<vmem_shared>> -> memref<10240x128xf32, #tpu.memory_space<vmem_shared>>
          tpu.wait_indirect_dma semaphore(%run_scoped3A_290 : memref<!tpu.dma_semaphore, #tpu.memory_space<semaphore_mem>>) src(%dma_wait3A_304 : memref<128x128xf32, #tpu.memory_space<vmem>>) dst(%dma_wait3A_310 : memref<10240x128xf32, #tpu.memory_space<vmem_shared>>)
          tpu.yield
        }) : () -> ()
        %mul3A_182 = arith.constant 4 : i32
        %mul3A_183 = arith.muli %mul3A_182, %scan3A_146 : i32
        %add3A_184 = arith.constant 1 : i32
        %add3A_185 = arith.addi %mul3A_183, %add3A_184 : i32
        %add3A_186 = arith.constant 80 : i32
        %add3A_187 = arith.addi %add3A_186, %add3A_185 : i32
        %add3A_188 = arith.constant 2 : i32
        %add3A_189 = arith.addi %add3A_185, %add3A_188 : i32
        %lt3A_190 = arith.constant 80 : i32
        %lt3A_191 = arith.cmpi slt, %add3A_189, %lt3A_190 : i32
        %convert_element_type3A_192 = arith.extui %lt3A_191 : i1 to i32
        %cond3A_193 = arith.constant 0 : i32
        %cond3A_194 = arith.cmpi ne, %convert_element_type3A_192, %cond3A_193 : i32
        scf.if %cond3A_194 {
          %add3A_290 = arith.constant 2 : i32
          %add3A_291 = arith.addi %add3A_187, %add3A_290 : i32
          %dma_start3A_292 = arith.constant 3 : i32
          %dma_start3A_293 = arith.constant 0 : i32
          %dma_start3A_294 = arith.constant 0 : i32
          %dma_start3A_295 = tpu.memref_slice %arg5[%dma_start3A_292, %dma_start3A_293, %dma_start3A_294] : memref<4x2x128xi32, #tpu.memory_space<vmem>> -> memref<1x2x128xi32, #tpu.memory_space<vmem>>
          %dma_start3A_296 = tpu.memref_squeeze %dma_start3A_295 : memref<1x2x128xi32, #tpu.memory_space<vmem>> -> memref<2x128xi32, #tpu.memory_space<vmem>>
          %dma_start3A_297 = arith.constant 0 : i32
          %dma_start3A_298 = arith.constant 0 : i32
          %dma_start3A_299 = tpu.memref_slice %arg3[%arg1, %add3A_291, %dma_start3A_297, %dma_start3A_298] : memref<16x160x2x128xi32, #tpu.memory_space<hbm>> -> memref<1x1x2x128xi32, #tpu.memory_space<hbm>>
          %dma_start3A_300 = tpu.memref_squeeze %dma_start3A_299 : memref<1x1x2x128xi32, #tpu.memory_space<hbm>> -> memref<2x128xi32, #tpu.memory_space<hbm>>
          %dma_start3A_301 = arith.constant 0 : i32
          %dma_start3A_302 = arith.constant 0 : i32
          %dma_start3A_303 = tpu.memref_slice %arg5[%dma_start3A_292, %dma_start3A_301, %dma_start3A_302] : memref<4x2x128xi32, #tpu.memory_space<vmem>> -> memref<1x2x128xi32, #tpu.memory_space<vmem>>
          %dma_start3A_304 = tpu.memref_squeeze %dma_start3A_303 : memref<1x2x128xi32, #tpu.memory_space<vmem>> -> memref<2x128xi32, #tpu.memory_space<vmem>>
          %dma_start3A_305 = arith.constant 0 : i32
          %dma_start3A_306 = arith.constant 0 : i32
          %dma_start3A_307 = tpu.memref_slice %arg3[%arg1, %add3A_291, %dma_start3A_305, %dma_start3A_306] : memref<16x160x2x128xi32, #tpu.memory_space<hbm>> -> memref<1x1x2x128xi32, #tpu.memory_space<hbm>>
          %dma_start3A_308 = tpu.memref_squeeze %dma_start3A_307 : memref<1x1x2x128xi32, #tpu.memory_space<hbm>> -> memref<2x128xi32, #tpu.memory_space<hbm>>
          tpu.enqueue_dma source(%dma_start3A_308 : memref<2x128xi32, #tpu.memory_space<hbm>>) target(%dma_start3A_304 : memref<2x128xi32, #tpu.memory_space<vmem>>) target_semaphore(%arg11 : memref<!tpu.dma_semaphore, #tpu.memory_space<semaphore_mem>>)
        } else {
        }
        %add3A_195 = arith.constant 1 : i32
        %add3A_196 = arith.addi %add3A_185, %add3A_195 : i32
        %lt3A_197 = arith.constant 80 : i32
        %lt3A_198 = arith.cmpi slt, %add3A_196, %lt3A_197 : i32
        %convert_element_type3A_199 = arith.extui %lt3A_198 : i1 to i32
        %cond3A_200 = arith.constant 0 : i32
        %cond3A_201 = arith.cmpi ne, %convert_element_type3A_199, %cond3A_200 : i32
        scf.if %cond3A_201 {
          %add3A_290 = arith.constant 1 : i32
          %add3A_291 = arith.addi %add3A_187, %add3A_290 : i32
          %dma_wait3A_292 = arith.constant 2 : i32
          %dma_wait3A_293 = arith.constant 0 : i32
          %dma_wait3A_294 = arith.constant 0 : i32
          %dma_wait3A_295 = tpu.memref_slice %arg5[%dma_wait3A_292, %dma_wait3A_293, %dma_wait3A_294] : memref<4x2x128xi32, #tpu.memory_space<vmem>> -> memref<1x2x128xi32, #tpu.memory_space<vmem>>
          %dma_wait3A_296 = tpu.memref_squeeze %dma_wait3A_295 : memref<1x2x128xi32, #tpu.memory_space<vmem>> -> memref<2x128xi32, #tpu.memory_space<vmem>>
          %dma_wait3A_297 = arith.constant 0 : i32
          %dma_wait3A_298 = arith.constant 0 : i32
          %dma_wait3A_299 = tpu.memref_slice %arg3[%arg1, %add3A_291, %dma_wait3A_297, %dma_wait3A_298] : memref<16x160x2x128xi32, #tpu.memory_space<hbm>> -> memref<1x1x2x128xi32, #tpu.memory_space<hbm>>
          %dma_wait3A_300 = tpu.memref_squeeze %dma_wait3A_299 : memref<1x1x2x128xi32, #tpu.memory_space<hbm>> -> memref<2x128xi32, #tpu.memory_space<hbm>>
          %dma_wait3A_301 = arith.constant 0 : i32
          %dma_wait3A_302 = arith.constant 0 : i32
          %dma_wait3A_303 = tpu.memref_slice %arg5[%dma_wait3A_292, %dma_wait3A_301, %dma_wait3A_302] : memref<4x2x128xi32, #tpu.memory_space<vmem>> -> memref<1x2x128xi32, #tpu.memory_space<vmem>>
          %dma_wait3A_304 = tpu.memref_squeeze %dma_wait3A_303 : memref<1x2x128xi32, #tpu.memory_space<vmem>> -> memref<2x128xi32, #tpu.memory_space<vmem>>
          %dma_wait3A_305 = arith.constant 0 : i32
          %dma_wait3A_306 = arith.constant 0 : i32
          %dma_wait3A_307 = tpu.memref_slice %arg3[%arg1, %add3A_291, %dma_wait3A_305, %dma_wait3A_306] : memref<16x160x2x128xi32, #tpu.memory_space<hbm>> -> memref<1x1x2x128xi32, #tpu.memory_space<hbm>>
          %dma_wait3A_308 = tpu.memref_squeeze %dma_wait3A_307 : memref<1x1x2x128xi32, #tpu.memory_space<hbm>> -> memref<2x128xi32, #tpu.memory_space<hbm>>
          tpu.wait_dma2 semaphore(%arg10 : memref<!tpu.dma_semaphore, #tpu.memory_space<semaphore_mem>>) src(%dma_wait3A_308 : memref<2x128xi32, #tpu.memory_space<hbm>>) dst(%dma_wait3A_304 : memref<2x128xi32, #tpu.memory_space<vmem>>)
          %dma_start3A_309 = arith.constant 2 : i32
          %dma_start3A_310 = arith.constant 0 : i32
          %dma_start3A_311 = arith.constant 0 : i32
          %dma_start3A_312 = arith.constant 0 : i32
          %dma_start3A_313 = arith.constant 0 : i32
          %dma_start3A_314 = tpu.memref_slice %arg6[%dma_start3A_311, %dma_start3A_312, %dma_start3A_313] : memref<2x128x128xf32, #tpu.memory_space<vmem>> -> memref<1x128x128xf32, #tpu.memory_space<vmem>>
          %dma_start3A_315 = tpu.memref_squeeze %dma_start3A_314 : memref<1x128x128xf32, #tpu.memory_space<vmem>> -> memref<128x128xf32, #tpu.memory_space<vmem>>
          %dma_start3A_316 = arith.constant 0 : i32
          %dma_start3A_317 = tpu.memref_slice %arg5[%dma_start3A_309, %dma_start3A_310, %dma_start3A_316] : memref<4x2x128xi32, #tpu.memory_space<vmem>> -> memref<1x1x128xi32, #tpu.memory_space<vmem>>
          %dma_start3A_318 = tpu.memref_squeeze %dma_start3A_317 : memref<1x1x128xi32, #tpu.memory_space<vmem>> -> memref<128xi32, #tpu.memory_space<vmem>>
          %dma_start3A_319 = arith.constant 0 : i32
          %dma_start3A_320 = arith.constant 0 : i32
          %dma_start3A_321 = tpu.memref_slice %arg2[%dma_start3A_319, %dma_start3A_320] : memref<10000x128xf32, #tpu.memory_space<hbm>> -> memref<10000x128xf32, #tpu.memory_space<hbm>>
          tpu.enqueue_indirect_dma source(%dma_start3A_321 : memref<10000x128xf32, #tpu.memory_space<hbm>>) target(%dma_start3A_315 : memref<128x128xf32, #tpu.memory_space<vmem>>) offsets(%dma_start3A_318 : memref<128xi32, #tpu.memory_space<vmem>>) semaphore(%arg12 : memref<!tpu.dma_semaphore, #tpu.memory_space<semaphore_mem>>)
        } else {
        }
        %dma_wait3A_202 = arith.constant 1 : i32
        %dma_wait3A_203 = arith.constant 0 : i32
        %dma_wait3A_204 = arith.constant 1 : i32
        %dma_wait3A_205 = arith.constant 0 : i32
        %dma_wait3A_206 = arith.constant 0 : i32
        %dma_wait3A_207 = tpu.memref_slice %arg6[%dma_wait3A_204, %dma_wait3A_205, %dma_wait3A_206] : memref<2x128x128xf32, #tpu.memory_space<vmem>> -> memref<1x128x128xf32, #tpu.memory_space<vmem>>
        %dma_wait3A_208 = tpu.memref_squeeze %dma_wait3A_207 : memref<1x128x128xf32, #tpu.memory_space<vmem>> -> memref<128x128xf32, #tpu.memory_space<vmem>>
        %dma_wait3A_209 = arith.constant 0 : i32
        %dma_wait3A_210 = tpu.memref_slice %arg5[%dma_wait3A_202, %dma_wait3A_203, %dma_wait3A_209] : memref<4x2x128xi32, #tpu.memory_space<vmem>> -> memref<1x1x128xi32, #tpu.memory_space<vmem>>
        %dma_wait3A_211 = tpu.memref_squeeze %dma_wait3A_210 : memref<1x1x128xi32, #tpu.memory_space<vmem>> -> memref<128xi32, #tpu.memory_space<vmem>>
        %dma_wait3A_212 = arith.constant 0 : i32
        %dma_wait3A_213 = arith.constant 0 : i32
        %dma_wait3A_214 = tpu.memref_slice %arg2[%dma_wait3A_212, %dma_wait3A_213] : memref<10000x128xf32, #tpu.memory_space<hbm>> -> memref<10000x128xf32, #tpu.memory_space<hbm>>
        tpu.wait_indirect_dma semaphore(%arg13 : memref<!tpu.dma_semaphore, #tpu.memory_space<semaphore_mem>>) src(%dma_wait3A_214 : memref<10000x128xf32, #tpu.memory_space<hbm>>) dst(%dma_wait3A_208 : memref<128x128xf32, #tpu.memory_space<vmem>>)
        %run_scoped3A_215 = arith.constant 1 : i32
        %run_scoped3A_216 = arith.constant 1 : i32
        %run_scoped3A_217 = arith.constant 1 : i32
        "tpu.region"() ({
          %run_scoped3A_290 = tpu.sem_alloc : memref<!tpu.dma_semaphore, #tpu.memory_space<semaphore_mem>>
          %dma_start3A_291 = arith.constant 0 : i32
          %dma_start3A_292 = arith.constant 0 : i32
          %dma_start3A_293 = tpu.memref_slice %arg6[%run_scoped3A_215, %dma_start3A_291, %dma_start3A_292] : memref<2x128x128xf32, #tpu.memory_space<vmem>> -> memref<1x128x128xf32, #tpu.memory_space<vmem>>
          %dma_start3A_294 = tpu.memref_squeeze %dma_start3A_293 : memref<1x128x128xf32, #tpu.memory_space<vmem>> -> memref<128x128xf32, #tpu.memory_space<vmem>>
          %dma_start3A_295 = arith.constant 0 : i32
          %dma_start3A_296 = tpu.memref_slice %arg5[%run_scoped3A_216, %run_scoped3A_217, %dma_start3A_295] : memref<4x2x128xi32, #tpu.memory_space<vmem>> -> memref<1x1x128xi32, #tpu.memory_space<vmem>>
          %dma_start3A_297 = tpu.memref_squeeze %dma_start3A_296 : memref<1x1x128xi32, #tpu.memory_space<vmem>> -> memref<128xi32, #tpu.memory_space<vmem>>
          %dma_start3A_298 = arith.constant 0 : i32
          %dma_start3A_299 = arith.constant 0 : i32
          %dma_start3A_300 = tpu.memref_slice %arg7[%dma_start3A_298, %dma_start3A_299] : memref<10240x128xf32, #tpu.memory_space<vmem_shared>> -> memref<10240x128xf32, #tpu.memory_space<vmem_shared>>
          tpu.enqueue_indirect_dma source(%dma_start3A_294 : memref<128x128xf32, #tpu.memory_space<vmem>>) target(%dma_start3A_300 : memref<10240x128xf32, #tpu.memory_space<vmem_shared>>) offsets(%dma_start3A_297 : memref<128xi32, #tpu.memory_space<vmem>>) semaphore(%run_scoped3A_290 : memref<!tpu.dma_semaphore, #tpu.memory_space<semaphore_mem>>) {add = true}
          %dma_wait3A_301 = arith.constant 0 : i32
          %dma_wait3A_302 = arith.constant 0 : i32
          %dma_wait3A_303 = tpu.memref_slice %arg6[%run_scoped3A_215, %dma_wait3A_301, %dma_wait3A_302] : memref<2x128x128xf32, #tpu.memory_space<vmem>> -> memref<1x128x128xf32, #tpu.memory_space<vmem>>
          %dma_wait3A_304 = tpu.memref_squeeze %dma_wait3A_303 : memref<1x128x128xf32, #tpu.memory_space<vmem>> -> memref<128x128xf32, #tpu.memory_space<vmem>>
          %dma_wait3A_305 = arith.constant 0 : i32
          %dma_wait3A_306 = tpu.memref_slice %arg5[%run_scoped3A_216, %run_scoped3A_217, %dma_wait3A_305] : memref<4x2x128xi32, #tpu.memory_space<vmem>> -> memref<1x1x128xi32, #tpu.memory_space<vmem>>
          %dma_wait3A_307 = tpu.memref_squeeze %dma_wait3A_306 : memref<1x1x128xi32, #tpu.memory_space<vmem>> -> memref<128xi32, #tpu.memory_space<vmem>>
          %dma_wait3A_308 = arith.constant 0 : i32
          %dma_wait3A_309 = arith.constant 0 : i32
          %dma_wait3A_310 = tpu.memref_slice %arg7[%dma_wait3A_308, %dma_wait3A_309] : memref<10240x128xf32, #tpu.memory_space<vmem_shared>> -> memref<10240x128xf32, #tpu.memory_space<vmem_shared>>
          tpu.wait_indirect_dma semaphore(%run_scoped3A_290 : memref<!tpu.dma_semaphore, #tpu.memory_space<semaphore_mem>>) src(%dma_wait3A_304 : memref<128x128xf32, #tpu.memory_space<vmem>>) dst(%dma_wait3A_310 : memref<10240x128xf32, #tpu.memory_space<vmem_shared>>)
          tpu.yield
        }) : () -> ()
        %mul3A_218 = arith.constant 4 : i32
        %mul3A_219 = arith.muli %mul3A_218, %scan3A_146 : i32
        %add3A_220 = arith.constant 2 : i32
        %add3A_221 = arith.addi %mul3A_219, %add3A_220 : i32
        %add3A_222 = arith.constant 80 : i32
        %add3A_223 = arith.addi %add3A_222, %add3A_221 : i32
        %add3A_224 = arith.constant 2 : i32
        %add3A_225 = arith.addi %add3A_221, %add3A_224 : i32
        %lt3A_226 = arith.constant 80 : i32
        %lt3A_227 = arith.cmpi slt, %add3A_225, %lt3A_226 : i32
        %convert_element_type3A_228 = arith.extui %lt3A_227 : i1 to i32
        %cond3A_229 = arith.constant 0 : i32
        %cond3A_230 = arith.cmpi ne, %convert_element_type3A_228, %cond3A_229 : i32
        scf.if %cond3A_230 {
          %add3A_290 = arith.constant 2 : i32
          %add3A_291 = arith.addi %add3A_223, %add3A_290 : i32
          %dma_start3A_292 = arith.constant 0 : i32
          %dma_start3A_293 = arith.constant 0 : i32
          %dma_start3A_294 = arith.constant 0 : i32
          %dma_start3A_295 = tpu.memref_slice %arg5[%dma_start3A_292, %dma_start3A_293, %dma_start3A_294] : memref<4x2x128xi32, #tpu.memory_space<vmem>> -> memref<1x2x128xi32, #tpu.memory_space<vmem>>
          %dma_start3A_296 = tpu.memref_squeeze %dma_start3A_295 : memref<1x2x128xi32, #tpu.memory_space<vmem>> -> memref<2x128xi32, #tpu.memory_space<vmem>>
          %dma_start3A_297 = arith.constant 0 : i32
          %dma_start3A_298 = arith.constant 0 : i32
          %dma_start3A_299 = tpu.memref_slice %arg3[%arg1, %add3A_291, %dma_start3A_297, %dma_start3A_298] : memref<16x160x2x128xi32, #tpu.memory_space<hbm>> -> memref<1x1x2x128xi32, #tpu.memory_space<hbm>>
          %dma_start3A_300 = tpu.memref_squeeze %dma_start3A_299 : memref<1x1x2x128xi32, #tpu.memory_space<hbm>> -> memref<2x128xi32, #tpu.memory_space<hbm>>
          %dma_start3A_301 = arith.constant 0 : i32
          %dma_start3A_302 = arith.constant 0 : i32
          %dma_start3A_303 = tpu.memref_slice %arg5[%dma_start3A_292, %dma_start3A_301, %dma_start3A_302] : memref<4x2x128xi32, #tpu.memory_space<vmem>> -> memref<1x2x128xi32, #tpu.memory_space<vmem>>
          %dma_start3A_304 = tpu.memref_squeeze %dma_start3A_303 : memref<1x2x128xi32, #tpu.memory_space<vmem>> -> memref<2x128xi32, #tpu.memory_space<vmem>>
          %dma_start3A_305 = arith.constant 0 : i32
          %dma_start3A_306 = arith.constant 0 : i32
          %dma_start3A_307 = tpu.memref_slice %arg3[%arg1, %add3A_291, %dma_start3A_305, %dma_start3A_306] : memref<16x160x2x128xi32, #tpu.memory_space<hbm>> -> memref<1x1x2x128xi32, #tpu.memory_space<hbm>>
          %dma_start3A_308 = tpu.memref_squeeze %dma_start3A_307 : memref<1x1x2x128xi32, #tpu.memory_space<hbm>> -> memref<2x128xi32, #tpu.memory_space<hbm>>
          tpu.enqueue_dma source(%dma_start3A_308 : memref<2x128xi32, #tpu.memory_space<hbm>>) target(%dma_start3A_304 : memref<2x128xi32, #tpu.memory_space<vmem>>) target_semaphore(%arg8 : memref<!tpu.dma_semaphore, #tpu.memory_space<semaphore_mem>>)
        } else {
        }
        %add3A_231 = arith.constant 1 : i32
        %add3A_232 = arith.addi %add3A_221, %add3A_231 : i32
        %lt3A_233 = arith.constant 80 : i32
        %lt3A_234 = arith.cmpi slt, %add3A_232, %lt3A_233 : i32
        %convert_element_type3A_235 = arith.extui %lt3A_234 : i1 to i32
        %cond3A_236 = arith.constant 0 : i32
        %cond3A_237 = arith.cmpi ne, %convert_element_type3A_235, %cond3A_236 : i32
        scf.if %cond3A_237 {
          %add3A_290 = arith.constant 1 : i32
          %add3A_291 = arith.addi %add3A_223, %add3A_290 : i32
          %dma_wait3A_292 = arith.constant 3 : i32
          %dma_wait3A_293 = arith.constant 0 : i32
          %dma_wait3A_294 = arith.constant 0 : i32
          %dma_wait3A_295 = tpu.memref_slice %arg5[%dma_wait3A_292, %dma_wait3A_293, %dma_wait3A_294] : memref<4x2x128xi32, #tpu.memory_space<vmem>> -> memref<1x2x128xi32, #tpu.memory_space<vmem>>
          %dma_wait3A_296 = tpu.memref_squeeze %dma_wait3A_295 : memref<1x2x128xi32, #tpu.memory_space<vmem>> -> memref<2x128xi32, #tpu.memory_space<vmem>>
          %dma_wait3A_297 = arith.constant 0 : i32
          %dma_wait3A_298 = arith.constant 0 : i32
          %dma_wait3A_299 = tpu.memref_slice %arg3[%arg1, %add3A_291, %dma_wait3A_297, %dma_wait3A_298] : memref<16x160x2x128xi32, #tpu.memory_space<hbm>> -> memref<1x1x2x128xi32, #tpu.memory_space<hbm>>
          %dma_wait3A_300 = tpu.memref_squeeze %dma_wait3A_299 : memref<1x1x2x128xi32, #tpu.memory_space<hbm>> -> memref<2x128xi32, #tpu.memory_space<hbm>>
          %dma_wait3A_301 = arith.constant 0 : i32
          %dma_wait3A_302 = arith.constant 0 : i32
          %dma_wait3A_303 = tpu.memref_slice %arg5[%dma_wait3A_292, %dma_wait3A_301, %dma_wait3A_302] : memref<4x2x128xi32, #tpu.memory_space<vmem>> -> memref<1x2x128xi32, #tpu.memory_space<vmem>>
          %dma_wait3A_304 = tpu.memref_squeeze %dma_wait3A_303 : memref<1x2x128xi32, #tpu.memory_space<vmem>> -> memref<2x128xi32, #tpu.memory_space<vmem>>
          %dma_wait3A_305 = arith.constant 0 : i32
          %dma_wait3A_306 = arith.constant 0 : i32
          %dma_wait3A_307 = tpu.memref_slice %arg3[%arg1, %add3A_291, %dma_wait3A_305, %dma_wait3A_306] : memref<16x160x2x128xi32, #tpu.memory_space<hbm>> -> memref<1x1x2x128xi32, #tpu.memory_space<hbm>>
          %dma_wait3A_308 = tpu.memref_squeeze %dma_wait3A_307 : memref<1x1x2x128xi32, #tpu.memory_space<hbm>> -> memref<2x128xi32, #tpu.memory_space<hbm>>
          tpu.wait_dma2 semaphore(%arg11 : memref<!tpu.dma_semaphore, #tpu.memory_space<semaphore_mem>>) src(%dma_wait3A_308 : memref<2x128xi32, #tpu.memory_space<hbm>>) dst(%dma_wait3A_304 : memref<2x128xi32, #tpu.memory_space<vmem>>)
          %dma_start3A_309 = arith.constant 3 : i32
          %dma_start3A_310 = arith.constant 0 : i32
          %dma_start3A_311 = arith.constant 1 : i32
          %dma_start3A_312 = arith.constant 0 : i32
          %dma_start3A_313 = arith.constant 0 : i32
          %dma_start3A_314 = tpu.memref_slice %arg6[%dma_start3A_311, %dma_start3A_312, %dma_start3A_313] : memref<2x128x128xf32, #tpu.memory_space<vmem>> -> memref<1x128x128xf32, #tpu.memory_space<vmem>>
          %dma_start3A_315 = tpu.memref_squeeze %dma_start3A_314 : memref<1x128x128xf32, #tpu.memory_space<vmem>> -> memref<128x128xf32, #tpu.memory_space<vmem>>
          %dma_start3A_316 = arith.constant 0 : i32
          %dma_start3A_317 = tpu.memref_slice %arg5[%dma_start3A_309, %dma_start3A_310, %dma_start3A_316] : memref<4x2x128xi32, #tpu.memory_space<vmem>> -> memref<1x1x128xi32, #tpu.memory_space<vmem>>
          %dma_start3A_318 = tpu.memref_squeeze %dma_start3A_317 : memref<1x1x128xi32, #tpu.memory_space<vmem>> -> memref<128xi32, #tpu.memory_space<vmem>>
          %dma_start3A_319 = arith.constant 0 : i32
          %dma_start3A_320 = arith.constant 0 : i32
          %dma_start3A_321 = tpu.memref_slice %arg2[%dma_start3A_319, %dma_start3A_320] : memref<10000x128xf32, #tpu.memory_space<hbm>> -> memref<10000x128xf32, #tpu.memory_space<hbm>>
          tpu.enqueue_indirect_dma source(%dma_start3A_321 : memref<10000x128xf32, #tpu.memory_space<hbm>>) target(%dma_start3A_315 : memref<128x128xf32, #tpu.memory_space<vmem>>) offsets(%dma_start3A_318 : memref<128xi32, #tpu.memory_space<vmem>>) semaphore(%arg13 : memref<!tpu.dma_semaphore, #tpu.memory_space<semaphore_mem>>)
        } else {
        }
        %dma_wait3A_238 = arith.constant 2 : i32
        %dma_wait3A_239 = arith.constant 0 : i32
        %dma_wait3A_240 = arith.constant 0 : i32
        %dma_wait3A_241 = arith.constant 0 : i32
        %dma_wait3A_242 = arith.constant 0 : i32
        %dma_wait3A_243 = tpu.memref_slice %arg6[%dma_wait3A_240, %dma_wait3A_241, %dma_wait3A_242] : memref<2x128x128xf32, #tpu.memory_space<vmem>> -> memref<1x128x128xf32, #tpu.memory_space<vmem>>
        %dma_wait3A_244 = tpu.memref_squeeze %dma_wait3A_243 : memref<1x128x128xf32, #tpu.memory_space<vmem>> -> memref<128x128xf32, #tpu.memory_space<vmem>>
        %dma_wait3A_245 = arith.constant 0 : i32
        %dma_wait3A_246 = tpu.memref_slice %arg5[%dma_wait3A_238, %dma_wait3A_239, %dma_wait3A_245] : memref<4x2x128xi32, #tpu.memory_space<vmem>> -> memref<1x1x128xi32, #tpu.memory_space<vmem>>
        %dma_wait3A_247 = tpu.memref_squeeze %dma_wait3A_246 : memref<1x1x128xi32, #tpu.memory_space<vmem>> -> memref<128xi32, #tpu.memory_space<vmem>>
        %dma_wait3A_248 = arith.constant 0 : i32
        %dma_wait3A_249 = arith.constant 0 : i32
        %dma_wait3A_250 = tpu.memref_slice %arg2[%dma_wait3A_248, %dma_wait3A_249] : memref<10000x128xf32, #tpu.memory_space<hbm>> -> memref<10000x128xf32, #tpu.memory_space<hbm>>
        tpu.wait_indirect_dma semaphore(%arg12 : memref<!tpu.dma_semaphore, #tpu.memory_space<semaphore_mem>>) src(%dma_wait3A_250 : memref<10000x128xf32, #tpu.memory_space<hbm>>) dst(%dma_wait3A_244 : memref<128x128xf32, #tpu.memory_space<vmem>>)
        %run_scoped3A_251 = arith.constant 0 : i32
        %run_scoped3A_252 = arith.constant 2 : i32
        %run_scoped3A_253 = arith.constant 1 : i32
        "tpu.region"() ({
          %run_scoped3A_290 = tpu.sem_alloc : memref<!tpu.dma_semaphore, #tpu.memory_space<semaphore_mem>>
          %dma_start3A_291 = arith.constant 0 : i32
          %dma_start3A_292 = arith.constant 0 : i32
          %dma_start3A_293 = tpu.memref_slice %arg6[%run_scoped3A_251, %dma_start3A_291, %dma_start3A_292] : memref<2x128x128xf32, #tpu.memory_space<vmem>> -> memref<1x128x128xf32, #tpu.memory_space<vmem>>
          %dma_start3A_294 = tpu.memref_squeeze %dma_start3A_293 : memref<1x128x128xf32, #tpu.memory_space<vmem>> -> memref<128x128xf32, #tpu.memory_space<vmem>>
          %dma_start3A_295 = arith.constant 0 : i32
          %dma_start3A_296 = tpu.memref_slice %arg5[%run_scoped3A_252, %run_scoped3A_253, %dma_start3A_295] : memref<4x2x128xi32, #tpu.memory_space<vmem>> -> memref<1x1x128xi32, #tpu.memory_space<vmem>>
          %dma_start3A_297 = tpu.memref_squeeze %dma_start3A_296 : memref<1x1x128xi32, #tpu.memory_space<vmem>> -> memref<128xi32, #tpu.memory_space<vmem>>
          %dma_start3A_298 = arith.constant 0 : i32
          %dma_start3A_299 = arith.constant 0 : i32
          %dma_start3A_300 = tpu.memref_slice %arg7[%dma_start3A_298, %dma_start3A_299] : memref<10240x128xf32, #tpu.memory_space<vmem_shared>> -> memref<10240x128xf32, #tpu.memory_space<vmem_shared>>
          tpu.enqueue_indirect_dma source(%dma_start3A_294 : memref<128x128xf32, #tpu.memory_space<vmem>>) target(%dma_start3A_300 : memref<10240x128xf32, #tpu.memory_space<vmem_shared>>) offsets(%dma_start3A_297 : memref<128xi32, #tpu.memory_space<vmem>>) semaphore(%run_scoped3A_290 : memref<!tpu.dma_semaphore, #tpu.memory_space<semaphore_mem>>) {add = true}
          %dma_wait3A_301 = arith.constant 0 : i32
          %dma_wait3A_302 = arith.constant 0 : i32
          %dma_wait3A_303 = tpu.memref_slice %arg6[%run_scoped3A_251, %dma_wait3A_301, %dma_wait3A_302] : memref<2x128x128xf32, #tpu.memory_space<vmem>> -> memref<1x128x128xf32, #tpu.memory_space<vmem>>
          %dma_wait3A_304 = tpu.memref_squeeze %dma_wait3A_303 : memref<1x128x128xf32, #tpu.memory_space<vmem>> -> memref<128x128xf32, #tpu.memory_space<vmem>>
          %dma_wait3A_305 = arith.constant 0 : i32
          %dma_wait3A_306 = tpu.memref_slice %arg5[%run_scoped3A_252, %run_scoped3A_253, %dma_wait3A_305] : memref<4x2x128xi32, #tpu.memory_space<vmem>> -> memref<1x1x128xi32, #tpu.memory_space<vmem>>
          %dma_wait3A_307 = tpu.memref_squeeze %dma_wait3A_306 : memref<1x1x128xi32, #tpu.memory_space<vmem>> -> memref<128xi32, #tpu.memory_space<vmem>>
          %dma_wait3A_308 = arith.constant 0 : i32
          %dma_wait3A_309 = arith.constant 0 : i32
          %dma_wait3A_310 = tpu.memref_slice %arg7[%dma_wait3A_308, %dma_wait3A_309] : memref<10240x128xf32, #tpu.memory_space<vmem_shared>> -> memref<10240x128xf32, #tpu.memory_space<vmem_shared>>
          tpu.wait_indirect_dma semaphore(%run_scoped3A_290 : memref<!tpu.dma_semaphore, #tpu.memory_space<semaphore_mem>>) src(%dma_wait3A_304 : memref<128x128xf32, #tpu.memory_space<vmem>>) dst(%dma_wait3A_310 : memref<10240x128xf32, #tpu.memory_space<vmem_shared>>)
          tpu.yield
        }) : () -> ()
        %mul3A_254 = arith.constant 4 : i32
        %mul3A_255 = arith.muli %mul3A_254, %scan3A_146 : i32
        %add3A_256 = arith.constant 3 : i32
        %add3A_257 = arith.addi %mul3A_255, %add3A_256 : i32
        %add3A_258 = arith.constant 80 : i32
        %add3A_259 = arith.addi %add3A_258, %add3A_257 : i32
        %add3A_260 = arith.constant 2 : i32
        %add3A_261 = arith.addi %add3A_257, %add3A_260 : i32
        %lt3A_262 = arith.constant 80 : i32
        %lt3A_263 = arith.cmpi slt, %add3A_261, %lt3A_262 : i32
        %convert_element_type3A_264 = arith.extui %lt3A_263 : i1 to i32
        %cond3A_265 = arith.constant 0 : i32
        %cond3A_266 = arith.cmpi ne, %convert_element_type3A_264, %cond3A_265 : i32
        scf.if %cond3A_266 {
          %add3A_290 = arith.constant 2 : i32
          %add3A_291 = arith.addi %add3A_259, %add3A_290 : i32
          %dma_start3A_292 = arith.constant 1 : i32
          %dma_start3A_293 = arith.constant 0 : i32
          %dma_start3A_294 = arith.constant 0 : i32
          %dma_start3A_295 = tpu.memref_slice %arg5[%dma_start3A_292, %dma_start3A_293, %dma_start3A_294] : memref<4x2x128xi32, #tpu.memory_space<vmem>> -> memref<1x2x128xi32, #tpu.memory_space<vmem>>
          %dma_start3A_296 = tpu.memref_squeeze %dma_start3A_295 : memref<1x2x128xi32, #tpu.memory_space<vmem>> -> memref<2x128xi32, #tpu.memory_space<vmem>>
          %dma_start3A_297 = arith.constant 0 : i32
          %dma_start3A_298 = arith.constant 0 : i32
          %dma_start3A_299 = tpu.memref_slice %arg3[%arg1, %add3A_291, %dma_start3A_297, %dma_start3A_298] : memref<16x160x2x128xi32, #tpu.memory_space<hbm>> -> memref<1x1x2x128xi32, #tpu.memory_space<hbm>>
          %dma_start3A_300 = tpu.memref_squeeze %dma_start3A_299 : memref<1x1x2x128xi32, #tpu.memory_space<hbm>> -> memref<2x128xi32, #tpu.memory_space<hbm>>
          %dma_start3A_301 = arith.constant 0 : i32
          %dma_start3A_302 = arith.constant 0 : i32
          %dma_start3A_303 = tpu.memref_slice %arg5[%dma_start3A_292, %dma_start3A_301, %dma_start3A_302] : memref<4x2x128xi32, #tpu.memory_space<vmem>> -> memref<1x2x128xi32, #tpu.memory_space<vmem>>
          %dma_start3A_304 = tpu.memref_squeeze %dma_start3A_303 : memref<1x2x128xi32, #tpu.memory_space<vmem>> -> memref<2x128xi32, #tpu.memory_space<vmem>>
          %dma_start3A_305 = arith.constant 0 : i32
          %dma_start3A_306 = arith.constant 0 : i32
          %dma_start3A_307 = tpu.memref_slice %arg3[%arg1, %add3A_291, %dma_start3A_305, %dma_start3A_306] : memref<16x160x2x128xi32, #tpu.memory_space<hbm>> -> memref<1x1x2x128xi32, #tpu.memory_space<hbm>>
          %dma_start3A_308 = tpu.memref_squeeze %dma_start3A_307 : memref<1x1x2x128xi32, #tpu.memory_space<hbm>> -> memref<2x128xi32, #tpu.memory_space<hbm>>
          tpu.enqueue_dma source(%dma_start3A_308 : memref<2x128xi32, #tpu.memory_space<hbm>>) target(%dma_start3A_304 : memref<2x128xi32, #tpu.memory_space<vmem>>) target_semaphore(%arg9 : memref<!tpu.dma_semaphore, #tpu.memory_space<semaphore_mem>>)
        } else {
        }
        %add3A_267 = arith.constant 1 : i32
        %add3A_268 = arith.addi %add3A_257, %add3A_267 : i32
        %lt3A_269 = arith.constant 80 : i32
        %lt3A_270 = arith.cmpi slt, %add3A_268, %lt3A_269 : i32
        %convert_element_type3A_271 = arith.extui %lt3A_270 : i1 to i32
        %cond3A_272 = arith.constant 0 : i32
        %cond3A_273 = arith.cmpi ne, %convert_element_type3A_271, %cond3A_272 : i32
        scf.if %cond3A_273 {
          %add3A_290 = arith.constant 1 : i32
          %add3A_291 = arith.addi %add3A_259, %add3A_290 : i32
          %dma_wait3A_292 = arith.constant 0 : i32
          %dma_wait3A_293 = arith.constant 0 : i32
          %dma_wait3A_294 = arith.constant 0 : i32
          %dma_wait3A_295 = tpu.memref_slice %arg5[%dma_wait3A_292, %dma_wait3A_293, %dma_wait3A_294] : memref<4x2x128xi32, #tpu.memory_space<vmem>> -> memref<1x2x128xi32, #tpu.memory_space<vmem>>
          %dma_wait3A_296 = tpu.memref_squeeze %dma_wait3A_295 : memref<1x2x128xi32, #tpu.memory_space<vmem>> -> memref<2x128xi32, #tpu.memory_space<vmem>>
          %dma_wait3A_297 = arith.constant 0 : i32
          %dma_wait3A_298 = arith.constant 0 : i32
          %dma_wait3A_299 = tpu.memref_slice %arg3[%arg1, %add3A_291, %dma_wait3A_297, %dma_wait3A_298] : memref<16x160x2x128xi32, #tpu.memory_space<hbm>> -> memref<1x1x2x128xi32, #tpu.memory_space<hbm>>
          %dma_wait3A_300 = tpu.memref_squeeze %dma_wait3A_299 : memref<1x1x2x128xi32, #tpu.memory_space<hbm>> -> memref<2x128xi32, #tpu.memory_space<hbm>>
          %dma_wait3A_301 = arith.constant 0 : i32
          %dma_wait3A_302 = arith.constant 0 : i32
          %dma_wait3A_303 = tpu.memref_slice %arg5[%dma_wait3A_292, %dma_wait3A_301, %dma_wait3A_302] : memref<4x2x128xi32, #tpu.memory_space<vmem>> -> memref<1x2x128xi32, #tpu.memory_space<vmem>>
          %dma_wait3A_304 = tpu.memref_squeeze %dma_wait3A_303 : memref<1x2x128xi32, #tpu.memory_space<vmem>> -> memref<2x128xi32, #tpu.memory_space<vmem>>
          %dma_wait3A_305 = arith.constant 0 : i32
          %dma_wait3A_306 = arith.constant 0 : i32
          %dma_wait3A_307 = tpu.memref_slice %arg3[%arg1, %add3A_291, %dma_wait3A_305, %dma_wait3A_306] : memref<16x160x2x128xi32, #tpu.memory_space<hbm>> -> memref<1x1x2x128xi32, #tpu.memory_space<hbm>>
          %dma_wait3A_308 = tpu.memref_squeeze %dma_wait3A_307 : memref<1x1x2x128xi32, #tpu.memory_space<hbm>> -> memref<2x128xi32, #tpu.memory_space<hbm>>
          tpu.wait_dma2 semaphore(%arg8 : memref<!tpu.dma_semaphore, #tpu.memory_space<semaphore_mem>>) src(%dma_wait3A_308 : memref<2x128xi32, #tpu.memory_space<hbm>>) dst(%dma_wait3A_304 : memref<2x128xi32, #tpu.memory_space<vmem>>)
          %dma_start3A_309 = arith.constant 0 : i32
          %dma_start3A_310 = arith.constant 0 : i32
          %dma_start3A_311 = arith.constant 0 : i32
          %dma_start3A_312 = arith.constant 0 : i32
          %dma_start3A_313 = arith.constant 0 : i32
          %dma_start3A_314 = tpu.memref_slice %arg6[%dma_start3A_311, %dma_start3A_312, %dma_start3A_313] : memref<2x128x128xf32, #tpu.memory_space<vmem>> -> memref<1x128x128xf32, #tpu.memory_space<vmem>>
          %dma_start3A_315 = tpu.memref_squeeze %dma_start3A_314 : memref<1x128x128xf32, #tpu.memory_space<vmem>> -> memref<128x128xf32, #tpu.memory_space<vmem>>
          %dma_start3A_316 = arith.constant 0 : i32
          %dma_start3A_317 = tpu.memref_slice %arg5[%dma_start3A_309, %dma_start3A_310, %dma_start3A_316] : memref<4x2x128xi32, #tpu.memory_space<vmem>> -> memref<1x1x128xi32, #tpu.memory_space<vmem>>
          %dma_start3A_318 = tpu.memref_squeeze %dma_start3A_317 : memref<1x1x128xi32, #tpu.memory_space<vmem>> -> memref<128xi32, #tpu.memory_space<vmem>>
          %dma_start3A_319 = arith.constant 0 : i32
          %dma_start3A_320 = arith.constant 0 : i32
          %dma_start3A_321 = tpu.memref_slice %arg2[%dma_start3A_319, %dma_start3A_320] : memref<10000x128xf32, #tpu.memory_space<hbm>> -> memref<10000x128xf32, #tpu.memory_space<hbm>>
          tpu.enqueue_indirect_dma source(%dma_start3A_321 : memref<10000x128xf32, #tpu.memory_space<hbm>>) target(%dma_start3A_315 : memref<128x128xf32, #tpu.memory_space<vmem>>) offsets(%dma_start3A_318 : memref<128xi32, #tpu.memory_space<vmem>>) semaphore(%arg12 : memref<!tpu.dma_semaphore, #tpu.memory_space<semaphore_mem>>)
        } else {
        }
        %dma_wait3A_274 = arith.constant 3 : i32
        %dma_wait3A_275 = arith.constant 0 : i32
        %dma_wait3A_276 = arith.constant 1 : i32
        %dma_wait3A_277 = arith.constant 0 : i32
        %dma_wait3A_278 = arith.constant 0 : i32
        %dma_wait3A_279 = tpu.memref_slice %arg6[%dma_wait3A_276, %dma_wait3A_277, %dma_wait3A_278] : memref<2x128x128xf32, #tpu.memory_space<vmem>> -> memref<1x128x128xf32, #tpu.memory_space<vmem>>
        %dma_wait3A_280 = tpu.memref_squeeze %dma_wait3A_279 : memref<1x128x128xf32, #tpu.memory_space<vmem>> -> memref<128x128xf32, #tpu.memory_space<vmem>>
        %dma_wait3A_281 = arith.constant 0 : i32
        %dma_wait3A_282 = tpu.memref_slice %arg5[%dma_wait3A_274, %dma_wait3A_275, %dma_wait3A_281] : memref<4x2x128xi32, #tpu.memory_space<vmem>> -> memref<1x1x128xi32, #tpu.memory_space<vmem>>
        %dma_wait3A_283 = tpu.memref_squeeze %dma_wait3A_282 : memref<1x1x128xi32, #tpu.memory_space<vmem>> -> memref<128xi32, #tpu.memory_space<vmem>>
        %dma_wait3A_284 = arith.constant 0 : i32
        %dma_wait3A_285 = arith.constant 0 : i32
        %dma_wait3A_286 = tpu.memref_slice %arg2[%dma_wait3A_284, %dma_wait3A_285] : memref<10000x128xf32, #tpu.memory_space<hbm>> -> memref<10000x128xf32, #tpu.memory_space<hbm>>
        tpu.wait_indirect_dma semaphore(%arg13 : memref<!tpu.dma_semaphore, #tpu.memory_space<semaphore_mem>>) src(%dma_wait3A_286 : memref<10000x128xf32, #tpu.memory_space<hbm>>) dst(%dma_wait3A_280 : memref<128x128xf32, #tpu.memory_space<vmem>>)
        %run_scoped3A_287 = arith.constant 1 : i32
        %run_scoped3A_288 = arith.constant 3 : i32
        %run_scoped3A_289 = arith.constant 1 : i32
        "tpu.region"() ({
          %run_scoped3A_290 = tpu.sem_alloc : memref<!tpu.dma_semaphore, #tpu.memory_space<semaphore_mem>>
          %dma_start3A_291 = arith.constant 0 : i32
          %dma_start3A_292 = arith.constant 0 : i32
          %dma_start3A_293 = tpu.memref_slice %arg6[%run_scoped3A_287, %dma_start3A_291, %dma_start3A_292] : memref<2x128x128xf32, #tpu.memory_space<vmem>> -> memref<1x128x128xf32, #tpu.memory_space<vmem>>
          %dma_start3A_294 = tpu.memref_squeeze %dma_start3A_293 : memref<1x128x128xf32, #tpu.memory_space<vmem>> -> memref<128x128xf32, #tpu.memory_space<vmem>>
          %dma_start3A_295 = arith.constant 0 : i32
          %dma_start3A_296 = tpu.memref_slice %arg5[%run_scoped3A_288, %run_scoped3A_289, %dma_start3A_295] : memref<4x2x128xi32, #tpu.memory_space<vmem>> -> memref<1x1x128xi32, #tpu.memory_space<vmem>>
          %dma_start3A_297 = tpu.memref_squeeze %dma_start3A_296 : memref<1x1x128xi32, #tpu.memory_space<vmem>> -> memref<128xi32, #tpu.memory_space<vmem>>
          %dma_start3A_298 = arith.constant 0 : i32
          %dma_start3A_299 = arith.constant 0 : i32
          %dma_start3A_300 = tpu.memref_slice %arg7[%dma_start3A_298, %dma_start3A_299] : memref<10240x128xf32, #tpu.memory_space<vmem_shared>> -> memref<10240x128xf32, #tpu.memory_space<vmem_shared>>
          tpu.enqueue_indirect_dma source(%dma_start3A_294 : memref<128x128xf32, #tpu.memory_space<vmem>>) target(%dma_start3A_300 : memref<10240x128xf32, #tpu.memory_space<vmem_shared>>) offsets(%dma_start3A_297 : memref<128xi32, #tpu.memory_space<vmem>>) semaphore(%run_scoped3A_290 : memref<!tpu.dma_semaphore, #tpu.memory_space<semaphore_mem>>) {add = true}
          %dma_wait3A_301 = arith.constant 0 : i32
          %dma_wait3A_302 = arith.constant 0 : i32
          %dma_wait3A_303 = tpu.memref_slice %arg6[%run_scoped3A_287, %dma_wait3A_301, %dma_wait3A_302] : memref<2x128x128xf32, #tpu.memory_space<vmem>> -> memref<1x128x128xf32, #tpu.memory_space<vmem>>
          %dma_wait3A_304 = tpu.memref_squeeze %dma_wait3A_303 : memref<1x128x128xf32, #tpu.memory_space<vmem>> -> memref<128x128xf32, #tpu.memory_space<vmem>>
          %dma_wait3A_305 = arith.constant 0 : i32
          %dma_wait3A_306 = tpu.memref_slice %arg5[%run_scoped3A_288, %run_scoped3A_289, %dma_wait3A_305] : memref<4x2x128xi32, #tpu.memory_space<vmem>> -> memref<1x1x128xi32, #tpu.memory_space<vmem>>
          %dma_wait3A_307 = tpu.memref_squeeze %dma_wait3A_306 : memref<1x1x128xi32, #tpu.memory_space<vmem>> -> memref<128xi32, #tpu.memory_space<vmem>>
          %dma_wait3A_308 = arith.constant 0 : i32
          %dma_wait3A_309 = arith.constant 0 : i32
          %dma_wait3A_310 = tpu.memref_slice %arg7[%dma_wait3A_308, %dma_wait3A_309] : memref<10240x128xf32, #tpu.memory_space<vmem_shared>> -> memref<10240x128xf32, #tpu.memory_space<vmem_shared>>
          tpu.wait_indirect_dma semaphore(%run_scoped3A_290 : memref<!tpu.dma_semaphore, #tpu.memory_space<semaphore_mem>>) src(%dma_wait3A_304 : memref<128x128xf32, #tpu.memory_space<vmem>>) dst(%dma_wait3A_310 : memref<10240x128xf32, #tpu.memory_space<vmem_shared>>)
          tpu.yield
        }) : () -> ()
      }
      %scan3A_145 = arith.constant 20 : i32
    } else {
    }
    %barrier3A_34 = arith.constant 0 : index
    tpu.barrier barrier_id(%barrier3A_34)
    %mul3A_35 = arith.constant 640 : i32
    %mul3A_36 = arith.muli %arg1, %mul3A_35 : i32
    %add3A_37 = arith.constant 0 : i32
    %add3A_38 = arith.addi %mul3A_36, %add3A_37 : i32
    %mul3A_39 = arith.constant 640 : i32
    %mul3A_40 = arith.muli %arg1, %mul3A_39 : i32
    %add3A_41 = arith.constant 0 : i32
    %add3A_42 = arith.addi %mul3A_40, %add3A_41 : i32
    "tpu.region"() ({
      %run_scoped3A_75 = tpu.sem_alloc : memref<!tpu.dma_semaphore, #tpu.memory_space<semaphore_mem>>
      %dma_start3A = arith.constant 0 : i32
      %dma_start3A_76 = tpu.memref_slice %arg4[%arg0, %add3A_42, %dma_start3A] : memref<2x10240x128xf32, #tpu.memory_space<hbm>> -> memref<1x128x128xf32, #tpu.memory_space<hbm>>
      %dma_start3A_77 = tpu.memref_squeeze %dma_start3A_76 : memref<1x128x128xf32, #tpu.memory_space<hbm>> -> memref<128x128xf32, #tpu.memory_space<hbm>>
      %dma_start3A_78 = arith.constant 0 : i32
      %dma_start3A_79 = tpu.memref_slice %arg7[%add3A_38, %dma_start3A_78] : memref<10240x128xf32, #tpu.memory_space<vmem_shared>> -> memref<128x128xf32, #tpu.memory_space<vmem_shared>>
      tpu.enqueue_dma source(%dma_start3A_79 : memref<128x128xf32, #tpu.memory_space<vmem_shared>>) target(%dma_start3A_77 : memref<128x128xf32, #tpu.memory_space<hbm>>) target_semaphore(%run_scoped3A_75 : memref<!tpu.dma_semaphore, #tpu.memory_space<semaphore_mem>>)
      %dma_wait3A = arith.constant 0 : i32
      %dma_wait3A_80 = tpu.memref_slice %arg4[%arg0, %add3A_42, %dma_wait3A] : memref<2x10240x128xf32, #tpu.memory_space<hbm>> -> memref<1x128x128xf32, #tpu.memory_space<hbm>>
      %dma_wait3A_81 = tpu.memref_squeeze %dma_wait3A_80 : memref<1x128x128xf32, #tpu.memory_space<hbm>> -> memref<128x128xf32, #tpu.memory_space<hbm>>
      %dma_wait3A_82 = arith.constant 0 : i32
      %dma_wait3A_83 = tpu.memref_slice %arg7[%add3A_38, %dma_wait3A_82] : memref<10240x128xf32, #tpu.memory_space<vmem_shared>> -> memref<128x128xf32, #tpu.memory_space<vmem_shared>>
      tpu.wait_dma2 semaphore(%run_scoped3A_75 : memref<!tpu.dma_semaphore, #tpu.memory_space<semaphore_mem>>) src(%dma_wait3A_83 : memref<128x128xf32, #tpu.memory_space<vmem_shared>>) dst(%dma_wait3A_81 : memref<128x128xf32, #tpu.memory_space<hbm>>)
      tpu.yield
    }) : () -> ()
    %mul3A_43 = arith.constant 640 : i32
    %mul3A_44 = arith.muli %arg1, %mul3A_43 : i32
    %add3A_45 = arith.constant 128 : i32
    %add3A_46 = arith.addi %mul3A_44, %add3A_45 : i32
    %mul3A_47 = arith.constant 640 : i32
    %mul3A_48 = arith.muli %arg1, %mul3A_47 : i32
    %add3A_49 = arith.constant 128 : i32
    %add3A_50 = arith.addi %mul3A_48, %add3A_49 : i32
    "tpu.region"() ({
      %run_scoped3A_75 = tpu.sem_alloc : memref<!tpu.dma_semaphore, #tpu.memory_space<semaphore_mem>>
      %dma_start3A = arith.constant 0 : i32
      %dma_start3A_76 = tpu.memref_slice %arg4[%arg0, %add3A_50, %dma_start3A] : memref<2x10240x128xf32, #tpu.memory_space<hbm>> -> memref<1x128x128xf32, #tpu.memory_space<hbm>>
      %dma_start3A_77 = tpu.memref_squeeze %dma_start3A_76 : memref<1x128x128xf32, #tpu.memory_space<hbm>> -> memref<128x128xf32, #tpu.memory_space<hbm>>
      %dma_start3A_78 = arith.constant 0 : i32
      %dma_start3A_79 = tpu.memref_slice %arg7[%add3A_46, %dma_start3A_78] : memref<10240x128xf32, #tpu.memory_space<vmem_shared>> -> memref<128x128xf32, #tpu.memory_space<vmem_shared>>
      tpu.enqueue_dma source(%dma_start3A_79 : memref<128x128xf32, #tpu.memory_space<vmem_shared>>) target(%dma_start3A_77 : memref<128x128xf32, #tpu.memory_space<hbm>>) target_semaphore(%run_scoped3A_75 : memref<!tpu.dma_semaphore, #tpu.memory_space<semaphore_mem>>)
      %dma_wait3A = arith.constant 0 : i32
      %dma_wait3A_80 = tpu.memref_slice %arg4[%arg0, %add3A_50, %dma_wait3A] : memref<2x10240x128xf32, #tpu.memory_space<hbm>> -> memref<1x128x128xf32, #tpu.memory_space<hbm>>
      %dma_wait3A_81 = tpu.memref_squeeze %dma_wait3A_80 : memref<1x128x128xf32, #tpu.memory_space<hbm>> -> memref<128x128xf32, #tpu.memory_space<hbm>>
      %dma_wait3A_82 = arith.constant 0 : i32
      %dma_wait3A_83 = tpu.memref_slice %arg7[%add3A_46, %dma_wait3A_82] : memref<10240x128xf32, #tpu.memory_space<vmem_shared>> -> memref<128x128xf32, #tpu.memory_space<vmem_shared>>
      tpu.wait_dma2 semaphore(%run_scoped3A_75 : memref<!tpu.dma_semaphore, #tpu.memory_space<semaphore_mem>>) src(%dma_wait3A_83 : memref<128x128xf32, #tpu.memory_space<vmem_shared>>) dst(%dma_wait3A_81 : memref<128x128xf32, #tpu.memory_space<hbm>>)
      tpu.yield
    }) : () -> ()
    %mul3A_51 = arith.constant 640 : i32
    %mul3A_52 = arith.muli %arg1, %mul3A_51 : i32
    %add3A_53 = arith.constant 256 : i32
    %add3A_54 = arith.addi %mul3A_52, %add3A_53 : i32
    %mul3A_55 = arith.constant 640 : i32
    %mul3A_56 = arith.muli %arg1, %mul3A_55 : i32
    %add3A_57 = arith.constant 256 : i32
    %add3A_58 = arith.addi %mul3A_56, %add3A_57 : i32
    "tpu.region"() ({
      %run_scoped3A_75 = tpu.sem_alloc : memref<!tpu.dma_semaphore, #tpu.memory_space<semaphore_mem>>
      %dma_start3A = arith.constant 0 : i32
      %dma_start3A_76 = tpu.memref_slice %arg4[%arg0, %add3A_58, %dma_start3A] : memref<2x10240x128xf32, #tpu.memory_space<hbm>> -> memref<1x128x128xf32, #tpu.memory_space<hbm>>
      %dma_start3A_77 = tpu.memref_squeeze %dma_start3A_76 : memref<1x128x128xf32, #tpu.memory_space<hbm>> -> memref<128x128xf32, #tpu.memory_space<hbm>>
      %dma_start3A_78 = arith.constant 0 : i32
      %dma_start3A_79 = tpu.memref_slice %arg7[%add3A_54, %dma_start3A_78] : memref<10240x128xf32, #tpu.memory_space<vmem_shared>> -> memref<128x128xf32, #tpu.memory_space<vmem_shared>>
      tpu.enqueue_dma source(%dma_start3A_79 : memref<128x128xf32, #tpu.memory_space<vmem_shared>>) target(%dma_start3A_77 : memref<128x128xf32, #tpu.memory_space<hbm>>) target_semaphore(%run_scoped3A_75 : memref<!tpu.dma_semaphore, #tpu.memory_space<semaphore_mem>>)
      %dma_wait3A = arith.constant 0 : i32
      %dma_wait3A_80 = tpu.memref_slice %arg4[%arg0, %add3A_58, %dma_wait3A] : memref<2x10240x128xf32, #tpu.memory_space<hbm>> -> memref<1x128x128xf32, #tpu.memory_space<hbm>>
      %dma_wait3A_81 = tpu.memref_squeeze %dma_wait3A_80 : memref<1x128x128xf32, #tpu.memory_space<hbm>> -> memref<128x128xf32, #tpu.memory_space<hbm>>
      %dma_wait3A_82 = arith.constant 0 : i32
      %dma_wait3A_83 = tpu.memref_slice %arg7[%add3A_54, %dma_wait3A_82] : memref<10240x128xf32, #tpu.memory_space<vmem_shared>> -> memref<128x128xf32, #tpu.memory_space<vmem_shared>>
      tpu.wait_dma2 semaphore(%run_scoped3A_75 : memref<!tpu.dma_semaphore, #tpu.memory_space<semaphore_mem>>) src(%dma_wait3A_83 : memref<128x128xf32, #tpu.memory_space<vmem_shared>>) dst(%dma_wait3A_81 : memref<128x128xf32, #tpu.memory_space<hbm>>)
      tpu.yield
    }) : () -> ()
    %mul3A_59 = arith.constant 640 : i32
    %mul3A_60 = arith.muli %arg1, %mul3A_59 : i32
    %add3A_61 = arith.constant 384 : i32
    %add3A_62 = arith.addi %mul3A_60, %add3A_61 : i32
    %mul3A_63 = arith.constant 640 : i32
    %mul3A_64 = arith.muli %arg1, %mul3A_63 : i32
    %add3A_65 = arith.constant 384 : i32
    %add3A_66 = arith.addi %mul3A_64, %add3A_65 : i32
    "tpu.region"() ({
      %run_scoped3A_75 = tpu.sem_alloc : memref<!tpu.dma_semaphore, #tpu.memory_space<semaphore_mem>>
      %dma_start3A = arith.constant 0 : i32
      %dma_start3A_76 = tpu.memref_slice %arg4[%arg0, %add3A_66, %dma_start3A] : memref<2x10240x128xf32, #tpu.memory_space<hbm>> -> memref<1x128x128xf32, #tpu.memory_space<hbm>>
      %dma_start3A_77 = tpu.memref_squeeze %dma_start3A_76 : memref<1x128x128xf32, #tpu.memory_space<hbm>> -> memref<128x128xf32, #tpu.memory_space<hbm>>
      %dma_start3A_78 = arith.constant 0 : i32
      %dma_start3A_79 = tpu.memref_slice %arg7[%add3A_62, %dma_start3A_78] : memref<10240x128xf32, #tpu.memory_space<vmem_shared>> -> memref<128x128xf32, #tpu.memory_space<vmem_shared>>
      tpu.enqueue_dma source(%dma_start3A_79 : memref<128x128xf32, #tpu.memory_space<vmem_shared>>) target(%dma_start3A_77 : memref<128x128xf32, #tpu.memory_space<hbm>>) target_semaphore(%run_scoped3A_75 : memref<!tpu.dma_semaphore, #tpu.memory_space<semaphore_mem>>)
      %dma_wait3A = arith.constant 0 : i32
      %dma_wait3A_80 = tpu.memref_slice %arg4[%arg0, %add3A_66, %dma_wait3A] : memref<2x10240x128xf32, #tpu.memory_space<hbm>> -> memref<1x128x128xf32, #tpu.memory_space<hbm>>
      %dma_wait3A_81 = tpu.memref_squeeze %dma_wait3A_80 : memref<1x128x128xf32, #tpu.memory_space<hbm>> -> memref<128x128xf32, #tpu.memory_space<hbm>>
      %dma_wait3A_82 = arith.constant 0 : i32
      %dma_wait3A_83 = tpu.memref_slice %arg7[%add3A_62, %dma_wait3A_82] : memref<10240x128xf32, #tpu.memory_space<vmem_shared>> -> memref<128x128xf32, #tpu.memory_space<vmem_shared>>
      tpu.wait_dma2 semaphore(%run_scoped3A_75 : memref<!tpu.dma_semaphore, #tpu.memory_space<semaphore_mem>>) src(%dma_wait3A_83 : memref<128x128xf32, #tpu.memory_space<vmem_shared>>) dst(%dma_wait3A_81 : memref<128x128xf32, #tpu.memory_space<hbm>>)
      tpu.yield
    }) : () -> ()
    %mul3A_67 = arith.constant 640 : i32
    %mul3A_68 = arith.muli %arg1, %mul3A_67 : i32
    %add3A_69 = arith.constant 512 : i32
    %add3A_70 = arith.addi %mul3A_68, %add3A_69 : i32
    %mul3A_71 = arith.constant 640 : i32
    %mul3A_72 = arith.muli %arg1, %mul3A_71 : i32
    %add3A_73 = arith.constant 512 : i32
    %add3A_74 = arith.addi %mul3A_72, %add3A_73 : i32
    "tpu.region"() ({
      %run_scoped3A_75 = tpu.sem_alloc : memref<!tpu.dma_semaphore, #tpu.memory_space<semaphore_mem>>
      %dma_start3A = arith.constant 0 : i32
      %dma_start3A_76 = tpu.memref_slice %arg4[%arg0, %add3A_74, %dma_start3A] : memref<2x10240x128xf32, #tpu.memory_space<hbm>> -> memref<1x128x128xf32, #tpu.memory_space<hbm>>
      %dma_start3A_77 = tpu.memref_squeeze %dma_start3A_76 : memref<1x128x128xf32, #tpu.memory_space<hbm>> -> memref<128x128xf32, #tpu.memory_space<hbm>>
      %dma_start3A_78 = arith.constant 0 : i32
      %dma_start3A_79 = tpu.memref_slice %arg7[%add3A_70, %dma_start3A_78] : memref<10240x128xf32, #tpu.memory_space<vmem_shared>> -> memref<128x128xf32, #tpu.memory_space<vmem_shared>>
      tpu.enqueue_dma source(%dma_start3A_79 : memref<128x128xf32, #tpu.memory_space<vmem_shared>>) target(%dma_start3A_77 : memref<128x128xf32, #tpu.memory_space<hbm>>) target_semaphore(%run_scoped3A_75 : memref<!tpu.dma_semaphore, #tpu.memory_space<semaphore_mem>>)
      %dma_wait3A = arith.constant 0 : i32
      %dma_wait3A_80 = tpu.memref_slice %arg4[%arg0, %add3A_74, %dma_wait3A] : memref<2x10240x128xf32, #tpu.memory_space<hbm>> -> memref<1x128x128xf32, #tpu.memory_space<hbm>>
      %dma_wait3A_81 = tpu.memref_squeeze %dma_wait3A_80 : memref<1x128x128xf32, #tpu.memory_space<hbm>> -> memref<128x128xf32, #tpu.memory_space<hbm>>
      %dma_wait3A_82 = arith.constant 0 : i32
      %dma_wait3A_83 = tpu.memref_slice %arg7[%add3A_70, %dma_wait3A_82] : memref<10240x128xf32, #tpu.memory_space<vmem_shared>> -> memref<128x128xf32, #tpu.memory_space<vmem_shared>>
      tpu.wait_dma2 semaphore(%run_scoped3A_75 : memref<!tpu.dma_semaphore, #tpu.memory_space<semaphore_mem>>) src(%dma_wait3A_83 : memref<128x128xf32, #tpu.memory_space<vmem_shared>>) dst(%dma_wait3A_81 : memref<128x128xf32, #tpu.memory_space<hbm>>)
      tpu.yield
    }) : () -> ()
    return
  }
}

#map = affine_map<(d0, d1) -> (0, 0)>
#map1 = affine_map<(d0, d1) -> (0, 0, 0, 0)>
#map2 = affine_map<(d0, d1) -> (0, 0, 0)>
module attributes {stable_mosaic.version = 14 : i64} {
  func.func @scatter_kernel(%arg0: i32, %arg1: i32, %arg2: memref<10000x128xf32, #tpu.memory_space<hbm>>, %arg3: memref<16x160x2x128xi32, #tpu.memory_space<hbm>>, %arg4: memref<2x10240x128xf32, #tpu.memory_space<hbm>>, %arg5: memref<4x2x128xi32, #tpu.memory_space<vmem>>, %arg6: memref<2x128x128xf32, #tpu.memory_space<vmem>>, %arg7: memref<10240x128xf32, #tpu.memory_space<vmem_shared>>, %arg8: memref<!tpu.dma_semaphore, #tpu.memory_space<semaphore_mem>>, %arg9: memref<!tpu.dma_semaphore, #tpu.memory_space<semaphore_mem>>, %arg10: memref<!tpu.dma_semaphore, #tpu.memory_space<semaphore_mem>>, %arg11: memref<!tpu.dma_semaphore, #tpu.memory_space<semaphore_mem>>, %arg12: memref<!tpu.dma_semaphore, #tpu.memory_space<semaphore_mem>>, %arg13: memref<!tpu.dma_semaphore, #tpu.memory_space<semaphore_mem>>) attributes {dimension_semantics = [#tpu.dimension_semantics<core_parallel>, #tpu.dimension_semantics<subcore_parallel>], iteration_bounds = array<i64: 2, 16>, scalar_prefetch = 0 : i64, scratch_operands = 9 : i64, tpu.core_type = #tpu.core_type<sc_vector_subcore>, window_params = [{transform_indices = #map}, {transform_indices = #map1}, {transform_indices = #map2}]} {
    %scan3A = arith.constant 0 : i32
    %scan3A_0 = arith.constant 0 : i32
    %scan3A_1 = arith.constant 128 : i32
    %scan3A_2 = arith.addi %scan3A_0, %scan3A_1 : i32
    %scan3A_3 = arith.constant 1 : i32
    scf.for %scan3A_75 = %scan3A_0 to %scan3A_2 step %scan3A_3  : i32 {
      %broadcast_in_dim3A = arith.constant 0.000000e+00 : f32
      %broadcast_in_dim3A_76 = vector.broadcast %broadcast_in_dim3A : f32 to vector<16xf32>
      %swap3A = arith.constant 0 : i32
      %swap3A_77 = arith.index_cast %swap3A : i32 to index
      %swap3A_78 = arith.index_cast %scan3A_75 : i32 to index
      %swap3A_79 = arith.constant 0 : index
      %swap3A_80 = tpu.vector_load %arg6[%swap3A_77, %swap3A_78, %swap3A_79] {strides = array<i32>} : memref<2x128x128xf32, #tpu.memory_space<vmem>>, vector<1x1x16xf32>,
      %swap3A_81 = vector.shape_cast %swap3A_80 : vector<1x1x16xf32> to vector<16xf32>
      %swap3A_82 = vector.shape_cast %broadcast_in_dim3A_76 : vector<16xf32> to vector<1x1x16xf32>
      tpu.vector_store %arg6[%swap3A_77, %swap3A_78, %swap3A_79], %swap3A_82 {strides = array<i32>} : memref<2x128x128xf32, #tpu.memory_space<vmem>>, vector<1x1x16xf32>,
      %broadcast_in_dim3A_83 = arith.constant 0.000000e+00 : f32
      %broadcast_in_dim3A_84 = vector.broadcast %broadcast_in_dim3A_83 : f32 to vector<16xf32>
      %swap3A_85 = arith.constant 0 : i32
      %swap3A_86 = arith.index_cast %swap3A_85 : i32 to index
      %swap3A_87 = arith.index_cast %scan3A_75 : i32 to index
      %swap3A_88 = arith.constant 16 : index
      %swap3A_89 = tpu.vector_load %arg6[%swap3A_86, %swap3A_87, %swap3A_88] {strides = array<i32>} : memref<2x128x128xf32, #tpu.memory_space<vmem>>, vector<1x1x16xf32>,
      %swap3A_90 = vector.shape_cast %swap3A_89 : vector<1x1x16xf32> to vector<16xf32>
      %swap3A_91 = vector.shape_cast %broadcast_in_dim3A_84 : vector<16xf32> to vector<1x1x16xf32>
      tpu.vector_store %arg6[%swap3A_86, %swap3A_87, %swap3A_88], %swap3A_91 {strides = array<i32>} : memref<2x128x128xf32, #tpu.memory_space<vmem>>, vector<1x1x16xf32>,
      %broadcast_in_dim3A_92 = arith.constant 0.000000e+00 : f32
      %broadcast_in_dim3A_93 = vector.broadcast %broadcast_in_dim3A_92 : f32 to vector<16xf32>
      %swap3A_94 = arith.constant 0 : i32
      %swap3A_95 = arith.index_cast %swap3A_94 : i32 to index
      %swap3A_96 = arith.index_cast %scan3A_75 : i32 to index
      %swap3A_97 = arith.constant 32 : index
      %swap3A_98 = tpu.vector_load %arg6[%swap3A_95, %swap3A_96, %swap3A_97] {strides = array<i32>} : memref<2x128x128xf32, #tpu.memory_space<vmem>>, vector<1x1x16xf32>,
      %swap3A_99 = vector.shape_cast %swap3A_98 : vector<1x1x16xf32> to vector<16xf32>
      %swap3A_100 = vector.shape_cast %broadcast_in_dim3A_93 : vector<16xf32> to vector<1x1x16xf32>
      tpu.vector_store %arg6[%swap3A_95, %swap3A_96, %swap3A_97], %swap3A_100 {strides = array<i32>} : memref<2x128x128xf32, #tpu.memory_space<vmem>>, vector<1x1x16xf32>,
      %broadcast_in_dim3A_101 = arith.constant 0.000000e+00 : f32
      %broadcast_in_dim3A_102 = vector.broadcast %broadcast_in_dim3A_101 : f32 to vector<16xf32>
      %swap3A_103 = arith.constant 0 : i32
      %swap3A_104 = arith.index_cast %swap3A_103 : i32 to index
      %swap3A_105 = arith.index_cast %scan3A_75 : i32 to index
      %swap3A_106 = arith.constant 48 : index
      %swap3A_107 = tpu.vector_load %arg6[%swap3A_104, %swap3A_105, %swap3A_106] {strides = array<i32>} : memref<2x128x128xf32, #tpu.memory_space<vmem>>, vector<1x1x16xf32>,
      %swap3A_108 = vector.shape_cast %swap3A_107 : vector<1x1x16xf32> to vector<16xf32>
      %swap3A_109 = vector.shape_cast %broadcast_in_dim3A_102 : vector<16xf32> to vector<1x1x16xf32>
      tpu.vector_store %arg6[%swap3A_104, %swap3A_105, %swap3A_106], %swap3A_109 {strides = array<i32>} : memref<2x128x128xf32, #tpu.memory_space<vmem>>, vector<1x1x16xf32>,
      %broadcast_in_dim3A_110 = arith.constant 0.000000e+00 : f32
      %broadcast_in_dim3A_111 = vector.broadcast %broadcast_in_dim3A_110 : f32 to vector<16xf32>
      %swap3A_112 = arith.constant 0 : i32
      %swap3A_113 = arith.index_cast %swap3A_112 : i32 to index
      %swap3A_114 = arith.index_cast %scan3A_75 : i32 to index
      %swap3A_115 = arith.constant 64 : index
      %swap3A_116 = tpu.vector_load %arg6[%swap3A_113, %swap3A_114, %swap3A_115] {strides = array<i32>} : memref<2x128x128xf32, #tpu.memory_space<vmem>>, vector<1x1x16xf32>,
      %swap3A_117 = vector.shape_cast %swap3A_116 : vector<1x1x16xf32> to vector<16xf32>
      %swap3A_118 = vector.shape_cast %broadcast_in_dim3A_111 : vector<16xf32> to vector<1x1x16xf32>
      tpu.vector_store %arg6[%swap3A_113, %swap3A_114, %swap3A_115], %swap3A_118 {strides = array<i32>} : memref<2x128x128xf32, #tpu.memory_space<vmem>>, vector<1x1x16xf32>,
      %broadcast_in_dim3A_119 = arith.constant 0.000000e+00 : f32
      %broadcast_in_dim3A_120 = vector.broadcast %broadcast_in_dim3A_119 : f32 to vector<16xf32>
      %swap3A_121 = arith.constant 0 : i32
      %swap3A_122 = arith.index_cast %swap3A_121 : i32 to index
      %swap3A_123 = arith.index_cast %scan3A_75 : i32 to index
      %swap3A_124 = arith.constant 80 : index
      %swap3A_125 = tpu.vector_load %arg6[%swap3A_122, %swap3A_123, %swap3A_124] {strides = array<i32>} : memref<2x128x128xf32, #tpu.memory_space<vmem>>, vector<1x1x16xf32>,
      %swap3A_126 = vector.shape_cast %swap3A_125 : vector<1x1x16xf32> to vector<16xf32>
      %swap3A_127 = vector.shape_cast %broadcast_in_dim3A_120 : vector<16xf32> to vector<1x1x16xf32>
      tpu.vector_store %arg6[%swap3A_122, %swap3A_123, %swap3A_124], %swap3A_127 {strides = array<i32>} : memref<2x128x128xf32, #tpu.memory_space<vmem>>, vector<1x1x16xf32>,
      %broadcast_in_dim3A_128 = arith.constant 0.000000e+00 : f32
      %broadcast_in_dim3A_129 = vector.broadcast %broadcast_in_dim3A_128 : f32 to vector<16xf32>
      %swap3A_130 = arith.constant 0 : i32
      %swap3A_131 = arith.index_cast %swap3A_130 : i32 to index
      %swap3A_132 = arith.index_cast %scan3A_75 : i32 to index
      %swap3A_133 = arith.constant 96 : index
      %swap3A_134 = tpu.vector_load %arg6[%swap3A_131, %swap3A_132, %swap3A_133] {strides = array<i32>} : memref<2x128x128xf32, #tpu.memory_space<vmem>>, vector<1x1x16xf32>,
      %swap3A_135 = vector.shape_cast %swap3A_134 : vector<1x1x16xf32> to vector<16xf32>
      %swap3A_136 = vector.shape_cast %broadcast_in_dim3A_129 : vector<16xf32> to vector<1x1x16xf32>
      tpu.vector_store %arg6[%swap3A_131, %swap3A_132, %swap3A_133], %swap3A_136 {strides = array<i32>} : memref<2x128x128xf32, #tpu.memory_space<vmem>>, vector<1x1x16xf32>,
      %broadcast_in_dim3A_137 = arith.constant 0.000000e+00 : f32
      %broadcast_in_dim3A_138 = vector.broadcast %broadcast_in_dim3A_137 : f32 to vector<16xf32>
      %swap3A_139 = arith.constant 0 : i32
      %swap3A_140 = arith.index_cast %swap3A_139 : i32 to index
      %swap3A_141 = arith.index_cast %scan3A_75 : i32 to index
      %swap3A_142 = arith.constant 112 : index
      %swap3A_143 = tpu.vector_load %arg6[%swap3A_140, %swap3A_141, %swap3A_142] {strides = array<i32>} : memref<2x128x128xf32, #tpu.memory_space<vmem>>, vector<1x1x16xf32>,
      %swap3A_144 = vector.shape_cast %swap3A_143 : vector<1x1x16xf32> to vector<16xf32>
      %swap3A_145 = vector.shape_cast %broadcast_in_dim3A_138 : vector<16xf32> to vector<1x1x16xf32>
      tpu.vector_store %arg6[%swap3A_140, %swap3A_141, %swap3A_142], %swap3A_145 {strides = array<i32>} : memref<2x128x128xf32, #tpu.memory_space<vmem>>, vector<1x1x16xf32>,
    }
    %scan3A_4 = arith.constant 128 : i32
    %mul3A = arith.constant 640 : i32
    %mul3A_5 = arith.muli %arg1, %mul3A : i32
    %add3A = arith.constant 0 : i32
    %add3A_6 = arith.addi %mul3A_5, %add3A : i32
    %run_scoped3A = arith.constant 0 : i32
    "tpu.region"() ({
      %run_scoped3A_75 = tpu.sem_alloc : memref<!tpu.dma_semaphore, #tpu.memory_space<semaphore_mem>>
      %dma_start3A = arith.constant 0 : i32
      %dma_start3A_76 = arith.constant 0 : i32
      %dma_start3A_77 = tpu.memref_slice %arg6[%run_scoped3A, %dma_start3A, %dma_start3A_76] : memref<2x128x128xf32, #tpu.memory_space<vmem>> -> memref<1x128x128xf32, #tpu.memory_space<vmem>>
      %dma_start3A_78 = tpu.memref_squeeze %dma_start3A_77 : memref<1x128x128xf32, #tpu.memory_space<vmem>> -> memref<128x128xf32, #tpu.memory_space<vmem>>
      %dma_start3A_79 = arith.constant 0 : i32
      %dma_start3A_80 = tpu.memref_slice %arg7[%add3A_6, %dma_start3A_79] : memref<10240x128xf32, #tpu.memory_space<vmem_shared>> -> memref<128x128xf32, #tpu.memory_space<vmem_shared>>
      %dma_start3A_81 = arith.constant 0 : i32
      %dma_start3A_82 = tpu.memref_slice %arg7[%add3A_6, %dma_start3A_81] : memref<10240x128xf32, #tpu.memory_space<vmem_shared>> -> memref<128x128xf32, #tpu.memory_space<vmem_shared>>
      %dma_start3A_83 = arith.constant 0 : i32
      %dma_start3A_84 = arith.constant 0 : i32
      %dma_start3A_85 = tpu.memref_slice %arg6[%run_scoped3A, %dma_start3A_83, %dma_start3A_84] : memref<2x128x128xf32, #tpu.memory_space<vmem>> -> memref<1x128x128xf32, #tpu.memory_space<vmem>>
      %dma_start3A_86 = tpu.memref_squeeze %dma_start3A_85 : memref<1x128x128xf32, #tpu.memory_space<vmem>> -> memref<128x128xf32, #tpu.memory_space<vmem>>
      tpu.enqueue_dma source(%dma_start3A_86 : memref<128x128xf32, #tpu.memory_space<vmem>>) target(%dma_start3A_82 : memref<128x128xf32, #tpu.memory_space<vmem_shared>>) target_semaphore(%run_scoped3A_75 : memref<!tpu.dma_semaphore, #tpu.memory_space<semaphore_mem>>)
      %dma_wait3A = arith.constant 0 : i32
      %dma_wait3A_87 = arith.constant 0 : i32
      %dma_wait3A_88 = tpu.memref_slice %arg6[%run_scoped3A, %dma_wait3A, %dma_wait3A_87] : memref<2x128x128xf32, #tpu.memory_space<vmem>> -> memref<1x128x128xf32, #tpu.memory_space<vmem>>
      %dma_wait3A_89 = tpu.memref_squeeze %dma_wait3A_88 : memref<1x128x128xf32, #tpu.memory_space<vmem>> -> memref<128x128xf32, #tpu.memory_space<vmem>>
      %dma_wait3A_90 = arith.constant 0 : i32
      %dma_wait3A_91 = tpu.memref_slice %arg7[%add3A_6, %dma_wait3A_90] : memref<10240x128xf32, #tpu.memory_space<vmem_shared>> -> memref<128x128xf32, #tpu.memory_space<vmem_shared>>
      %dma_wait3A_92 = arith.constant 0 : i32
      %dma_wait3A_93 = tpu.memref_slice %arg7[%add3A_6, %dma_wait3A_92] : memref<10240x128xf32, #tpu.memory_space<vmem_shared>> -> memref<128x128xf32, #tpu.memory_space<vmem_shared>>
      %dma_wait3A_94 = arith.constant 0 : i32
      %dma_wait3A_95 = arith.constant 0 : i32
      %dma_wait3A_96 = tpu.memref_slice %arg6[%run_scoped3A, %dma_wait3A_94, %dma_wait3A_95] : memref<2x128x128xf32, #tpu.memory_space<vmem>> -> memref<1x128x128xf32, #tpu.memory_space<vmem>>
      %dma_wait3A_97 = tpu.memref_squeeze %dma_wait3A_96 : memref<1x128x128xf32, #tpu.memory_space<vmem>> -> memref<128x128xf32, #tpu.memory_space<vmem>>
      tpu.wait_dma2 semaphore(%run_scoped3A_75 : memref<!tpu.dma_semaphore, #tpu.memory_space<semaphore_mem>>) src(%dma_wait3A_97 : memref<128x128xf32, #tpu.memory_space<vmem>>) dst(%dma_wait3A_93 : memref<128x128xf32, #tpu.memory_space<vmem_shared>>)
      tpu.yield
    }) : () -> ()
    %mul3A_7 = arith.constant 640 : i32
    %mul3A_8 = arith.muli %arg1, %mul3A_7 : i32
    %add3A_9 = arith.constant 128 : i32
    %add3A_10 = arith.addi %mul3A_8, %add3A_9 : i32
    %run_scoped3A_11 = arith.constant 0 : i32
    "tpu.region"() ({
      %run_scoped3A_75 = tpu.sem_alloc : memref<!tpu.dma_semaphore, #tpu.memory_space<semaphore_mem>>
      %dma_start3A = arith.constant 0 : i32
      %dma_start3A_76 = arith.constant 0 : i32
      %dma_start3A_77 = tpu.memref_slice %arg6[%run_scoped3A_11, %dma_start3A, %dma_start3A_76] : memref<2x128x128xf32, #tpu.memory_space<vmem>> -> memref<1x128x128xf32, #tpu.memory_space<vmem>>
      %dma_start3A_78 = tpu.memref_squeeze %dma_start3A_77 : memref<1x128x128xf32, #tpu.memory_space<vmem>> -> memref<128x128xf32, #tpu.memory_space<vmem>>
      %dma_start3A_79 = arith.constant 0 : i32
      %dma_start3A_80 = tpu.memref_slice %arg7[%add3A_10, %dma_start3A_79] : memref<10240x128xf32, #tpu.memory_space<vmem_shared>> -> memref<128x128xf32, #tpu.memory_space<vmem_shared>>
      %dma_start3A_81 = arith.constant 0 : i32
      %dma_start3A_82 = tpu.memref_slice %arg7[%add3A_10, %dma_start3A_81] : memref<10240x128xf32, #tpu.memory_space<vmem_shared>> -> memref<128x128xf32, #tpu.memory_space<vmem_shared>>
      %dma_start3A_83 = arith.constant 0 : i32
      %dma_start3A_84 = arith.constant 0 : i32
      %dma_start3A_85 = tpu.memref_slice %arg6[%run_scoped3A_11, %dma_start3A_83, %dma_start3A_84] : memref<2x128x128xf32, #tpu.memory_space<vmem>> -> memref<1x128x128xf32, #tpu.memory_space<vmem>>
      %dma_start3A_86 = tpu.memref_squeeze %dma_start3A_85 : memref<1x128x128xf32, #tpu.memory_space<vmem>> -> memref<128x128xf32, #tpu.memory_space<vmem>>
      tpu.enqueue_dma source(%dma_start3A_86 : memref<128x128xf32, #tpu.memory_space<vmem>>) target(%dma_start3A_82 : memref<128x128xf32, #tpu.memory_space<vmem_shared>>) target_semaphore(%run_scoped3A_75 : memref<!tpu.dma_semaphore, #tpu.memory_space<semaphore_mem>>)
      %dma_wait3A = arith.constant 0 : i32
      %dma_wait3A_87 = arith.constant 0 : i32
      %dma_wait3A_88 = tpu.memref_slice %arg6[%run_scoped3A_11, %dma_wait3A, %dma_wait3A_87] : memref<2x128x128xf32, #tpu.memory_space<vmem>> -> memref<1x128x128xf32, #tpu.memory_space<vmem>>
      %dma_wait3A_89 = tpu.memref_squeeze %dma_wait3A_88 : memref<1x128x128xf32, #tpu.memory_space<vmem>> -> memref<128x128xf32, #tpu.memory_space<vmem>>
      %dma_wait3A_90 = arith.constant 0 : i32
      %dma_wait3A_91 = tpu.memref_slice %arg7[%add3A_10, %dma_wait3A_90] : memref<10240x128xf32, #tpu.memory_space<vmem_shared>> -> memref<128x128xf32, #tpu.memory_space<vmem_shared>>
      %dma_wait3A_92 = arith.constant 0 : i32
      %dma_wait3A_93 = tpu.memref_slice %arg7[%add3A_10, %dma_wait3A_92] : memref<10240x128xf32, #tpu.memory_space<vmem_shared>> -> memref<128x128xf32, #tpu.memory_space<vmem_shared>>
      %dma_wait3A_94 = arith.constant 0 : i32
      %dma_wait3A_95 = arith.constant 0 : i32
      %dma_wait3A_96 = tpu.memref_slice %arg6[%run_scoped3A_11, %dma_wait3A_94, %dma_wait3A_95] : memref<2x128x128xf32, #tpu.memory_space<vmem>> -> memref<1x128x128xf32, #tpu.memory_space<vmem>>
      %dma_wait3A_97 = tpu.memref_squeeze %dma_wait3A_96 : memref<1x128x128xf32, #tpu.memory_space<vmem>> -> memref<128x128xf32, #tpu.memory_space<vmem>>
      tpu.wait_dma2 semaphore(%run_scoped3A_75 : memref<!tpu.dma_semaphore, #tpu.memory_space<semaphore_mem>>) src(%dma_wait3A_97 : memref<128x128xf32, #tpu.memory_space<vmem>>) dst(%dma_wait3A_93 : memref<128x128xf32, #tpu.memory_space<vmem_shared>>)
      tpu.yield
    }) : () -> ()
    %mul3A_12 = arith.constant 640 : i32
    %mul3A_13 = arith.muli %arg1, %mul3A_12 : i32
    %add3A_14 = arith.constant 256 : i32
    %add3A_15 = arith.addi %mul3A_13, %add3A_14 : i32
    %run_scoped3A_16 = arith.constant 0 : i32
    "tpu.region"() ({
      %run_scoped3A_75 = tpu.sem_alloc : memref<!tpu.dma_semaphore, #tpu.memory_space<semaphore_mem>>
      %dma_start3A = arith.constant 0 : i32
      %dma_start3A_76 = arith.constant 0 : i32
      %dma_start3A_77 = tpu.memref_slice %arg6[%run_scoped3A_16, %dma_start3A, %dma_start3A_76] : memref<2x128x128xf32, #tpu.memory_space<vmem>> -> memref<1x128x128xf32, #tpu.memory_space<vmem>>
      %dma_start3A_78 = tpu.memref_squeeze %dma_start3A_77 : memref<1x128x128xf32, #tpu.memory_space<vmem>> -> memref<128x128xf32, #tpu.memory_space<vmem>>
      %dma_start3A_79 = arith.constant 0 : i32
      %dma_start3A_80 = tpu.memref_slice %arg7[%add3A_15, %dma_start3A_79] : memref<10240x128xf32, #tpu.memory_space<vmem_shared>> -> memref<128x128xf32, #tpu.memory_space<vmem_shared>>
      %dma_start3A_81 = arith.constant 0 : i32
      %dma_start3A_82 = tpu.memref_slice %arg7[%add3A_15, %dma_start3A_81] : memref<10240x128xf32, #tpu.memory_space<vmem_shared>> -> memref<128x128xf32, #tpu.memory_space<vmem_shared>>
      %dma_start3A_83 = arith.constant 0 : i32
      %dma_start3A_84 = arith.constant 0 : i32
      %dma_start3A_85 = tpu.memref_slice %arg6[%run_scoped3A_16, %dma_start3A_83, %dma_start3A_84] : memref<2x128x128xf32, #tpu.memory_space<vmem>> -> memref<1x128x128xf32, #tpu.memory_space<vmem>>
      %dma_start3A_86 = tpu.memref_squeeze %dma_start3A_85 : memref<1x128x128xf32, #tpu.memory_space<vmem>> -> memref<128x128xf32, #tpu.memory_space<vmem>>
      tpu.enqueue_dma source(%dma_start3A_86 : memref<128x128xf32, #tpu.memory_space<vmem>>) target(%dma_start3A_82 : memref<128x128xf32, #tpu.memory_space<vmem_shared>>) target_semaphore(%run_scoped3A_75 : memref<!tpu.dma_semaphore, #tpu.memory_space<semaphore_mem>>)
      %dma_wait3A = arith.constant 0 : i32
      %dma_wait3A_87 = arith.constant 0 : i32
      %dma_wait3A_88 = tpu.memref_slice %arg6[%run_scoped3A_16, %dma_wait3A, %dma_wait3A_87] : memref<2x128x128xf32, #tpu.memory_space<vmem>> -> memref<1x128x128xf32, #tpu.memory_space<vmem>>
      %dma_wait3A_89 = tpu.memref_squeeze %dma_wait3A_88 : memref<1x128x128xf32, #tpu.memory_space<vmem>> -> memref<128x128xf32, #tpu.memory_space<vmem>>
      %dma_wait3A_90 = arith.constant 0 : i32
      %dma_wait3A_91 = tpu.memref_slice %arg7[%add3A_15, %dma_wait3A_90] : memref<10240x128xf32, #tpu.memory_space<vmem_shared>> -> memref<128x128xf32, #tpu.memory_space<vmem_shared>>
      %dma_wait3A_92 = arith.constant 0 : i32
      %dma_wait3A_93 = tpu.memref_slice %arg7[%add3A_15, %dma_wait3A_92] : memref<10240x128xf32, #tpu.memory_space<vmem_shared>> -> memref<128x128xf32, #tpu.memory_space<vmem_shared>>
      %dma_wait3A_94 = arith.constant 0 : i32
      %dma_wait3A_95 = arith.constant 0 : i32
      %dma_wait3A_96 = tpu.memref_slice %arg6[%run_scoped3A_16, %dma_wait3A_94, %dma_wait3A_95] : memref<2x128x128xf32, #tpu.memory_space<vmem>> -> memref<1x128x128xf32, #tpu.memory_space<vmem>>
      %dma_wait3A_97 = tpu.memref_squeeze %dma_wait3A_96 : memref<1x128x128xf32, #tpu.memory_space<vmem>> -> memref<128x128xf32, #tpu.memory_space<vmem>>
      tpu.wait_dma2 semaphore(%run_scoped3A_75 : memref<!tpu.dma_semaphore, #tpu.memory_space<semaphore_mem>>) src(%dma_wait3A_97 : memref<128x128xf32, #tpu.memory_space<vmem>>) dst(%dma_wait3A_93 : memref<128x128xf32, #tpu.memory_space<vmem_shared>>)
      tpu.yield
    }) : () -> ()
    %mul3A_17 = arith.constant 640 : i32
    %mul3A_18 = arith.muli %arg1, %mul3A_17 : i32
    %add3A_19 = arith.constant 384 : i32
    %add3A_20 = arith.addi %mul3A_18, %add3A_19 : i32
    %run_scoped3A_21 = arith.constant 0 : i32
    "tpu.region"() ({
      %run_scoped3A_75 = tpu.sem_alloc : memref<!tpu.dma_semaphore, #tpu.memory_space<semaphore_mem>>
      %dma_start3A = arith.constant 0 : i32
      %dma_start3A_76 = arith.constant 0 : i32
      %dma_start3A_77 = tpu.memref_slice %arg6[%run_scoped3A_21, %dma_start3A, %dma_start3A_76] : memref<2x128x128xf32, #tpu.memory_space<vmem>> -> memref<1x128x128xf32, #tpu.memory_space<vmem>>
      %dma_start3A_78 = tpu.memref_squeeze %dma_start3A_77 : memref<1x128x128xf32, #tpu.memory_space<vmem>> -> memref<128x128xf32, #tpu.memory_space<vmem>>
      %dma_start3A_79 = arith.constant 0 : i32
      %dma_start3A_80 = tpu.memref_slice %arg7[%add3A_20, %dma_start3A_79] : memref<10240x128xf32, #tpu.memory_space<vmem_shared>> -> memref<128x128xf32, #tpu.memory_space<vmem_shared>>
      %dma_start3A_81 = arith.constant 0 : i32
      %dma_start3A_82 = tpu.memref_slice %arg7[%add3A_20, %dma_start3A_81] : memref<10240x128xf32, #tpu.memory_space<vmem_shared>> -> memref<128x128xf32, #tpu.memory_space<vmem_shared>>
      %dma_start3A_83 = arith.constant 0 : i32
      %dma_start3A_84 = arith.constant 0 : i32
      %dma_start3A_85 = tpu.memref_slice %arg6[%run_scoped3A_21, %dma_start3A_83, %dma_start3A_84] : memref<2x128x128xf32, #tpu.memory_space<vmem>> -> memref<1x128x128xf32, #tpu.memory_space<vmem>>
      %dma_start3A_86 = tpu.memref_squeeze %dma_start3A_85 : memref<1x128x128xf32, #tpu.memory_space<vmem>> -> memref<128x128xf32, #tpu.memory_space<vmem>>
      tpu.enqueue_dma source(%dma_start3A_86 : memref<128x128xf32, #tpu.memory_space<vmem>>) target(%dma_start3A_82 : memref<128x128xf32, #tpu.memory_space<vmem_shared>>) target_semaphore(%run_scoped3A_75 : memref<!tpu.dma_semaphore, #tpu.memory_space<semaphore_mem>>)
      %dma_wait3A = arith.constant 0 : i32
      %dma_wait3A_87 = arith.constant 0 : i32
      %dma_wait3A_88 = tpu.memref_slice %arg6[%run_scoped3A_21, %dma_wait3A, %dma_wait3A_87] : memref<2x128x128xf32, #tpu.memory_space<vmem>> -> memref<1x128x128xf32, #tpu.memory_space<vmem>>
      %dma_wait3A_89 = tpu.memref_squeeze %dma_wait3A_88 : memref<1x128x128xf32, #tpu.memory_space<vmem>> -> memref<128x128xf32, #tpu.memory_space<vmem>>
      %dma_wait3A_90 = arith.constant 0 : i32
      %dma_wait3A_91 = tpu.memref_slice %arg7[%add3A_20, %dma_wait3A_90] : memref<10240x128xf32, #tpu.memory_space<vmem_shared>> -> memref<128x128xf32, #tpu.memory_space<vmem_shared>>
      %dma_wait3A_92 = arith.constant 0 : i32
      %dma_wait3A_93 = tpu.memref_slice %arg7[%add3A_20, %dma_wait3A_92] : memref<10240x128xf32, #tpu.memory_space<vmem_shared>> -> memref<128x128xf32, #tpu.memory_space<vmem_shared>>
      %dma_wait3A_94 = arith.constant 0 : i32
      %dma_wait3A_95 = arith.constant 0 : i32
      %dma_wait3A_96 = tpu.memref_slice %arg6[%run_scoped3A_21, %dma_wait3A_94, %dma_wait3A_95] : memref<2x128x128xf32, #tpu.memory_space<vmem>> -> memref<1x128x128xf32, #tpu.memory_space<vmem>>
      %dma_wait3A_97 = tpu.memref_squeeze %dma_wait3A_96 : memref<1x128x128xf32, #tpu.memory_space<vmem>> -> memref<128x128xf32, #tpu.memory_space<vmem>>
      tpu.wait_dma2 semaphore(%run_scoped3A_75 : memref<!tpu.dma_semaphore, #tpu.memory_space<semaphore_mem>>) src(%dma_wait3A_97 : memref<128x128xf32, #tpu.memory_space<vmem>>) dst(%dma_wait3A_93 : memref<128x128xf32, #tpu.memory_space<vmem_shared>>)
      tpu.yield
    }) : () -> ()
    %mul3A_22 = arith.constant 640 : i32
    %mul3A_23 = arith.muli %arg1, %mul3A_22 : i32
    %add3A_24 = arith.constant 512 : i32
    %add3A_25 = arith.addi %mul3A_23, %add3A_24 : i32
    %run_scoped3A_26 = arith.constant 0 : i32
    "tpu.region"() ({
      %run_scoped3A_75 = tpu.sem_alloc : memref<!tpu.dma_semaphore, #tpu.memory_space<semaphore_mem>>
      %dma_start3A = arith.constant 0 : i32
      %dma_start3A_76 = arith.constant 0 : i32
      %dma_start3A_77 = tpu.memref_slice %arg6[%run_scoped3A_26, %dma_start3A, %dma_start3A_76] : memref<2x128x128xf32, #tpu.memory_space<vmem>> -> memref<1x128x128xf32, #tpu.memory_space<vmem>>
      %dma_start3A_78 = tpu.memref_squeeze %dma_start3A_77 : memref<1x128x128xf32, #tpu.memory_space<vmem>> -> memref<128x128xf32, #tpu.memory_space<vmem>>
      %dma_start3A_79 = arith.constant 0 : i32
      %dma_start3A_80 = tpu.memref_slice %arg7[%add3A_25, %dma_start3A_79] : memref<10240x128xf32, #tpu.memory_space<vmem_shared>> -> memref<128x128xf32, #tpu.memory_space<vmem_shared>>
      %dma_start3A_81 = arith.constant 0 : i32
      %dma_start3A_82 = tpu.memref_slice %arg7[%add3A_25, %dma_start3A_81] : memref<10240x128xf32, #tpu.memory_space<vmem_shared>> -> memref<128x128xf32, #tpu.memory_space<vmem_shared>>
      %dma_start3A_83 = arith.constant 0 : i32
      %dma_start3A_84 = arith.constant 0 : i32
      %dma_start3A_85 = tpu.memref_slice %arg6[%run_scoped3A_26, %dma_start3A_83, %dma_start3A_84] : memref<2x128x128xf32, #tpu.memory_space<vmem>> -> memref<1x128x128xf32, #tpu.memory_space<vmem>>
      %dma_start3A_86 = tpu.memref_squeeze %dma_start3A_85 : memref<1x128x128xf32, #tpu.memory_space<vmem>> -> memref<128x128xf32, #tpu.memory_space<vmem>>
      tpu.enqueue_dma source(%dma_start3A_86 : memref<128x128xf32, #tpu.memory_space<vmem>>) target(%dma_start3A_82 : memref<128x128xf32, #tpu.memory_space<vmem_shared>>) target_semaphore(%run_scoped3A_75 : memref<!tpu.dma_semaphore, #tpu.memory_space<semaphore_mem>>)
      %dma_wait3A = arith.constant 0 : i32
      %dma_wait3A_87 = arith.constant 0 : i32
      %dma_wait3A_88 = tpu.memref_slice %arg6[%run_scoped3A_26, %dma_wait3A, %dma_wait3A_87] : memref<2x128x128xf32, #tpu.memory_space<vmem>> -> memref<1x128x128xf32, #tpu.memory_space<vmem>>
      %dma_wait3A_89 = tpu.memref_squeeze %dma_wait3A_88 : memref<1x128x128xf32, #tpu.memory_space<vmem>> -> memref<128x128xf32, #tpu.memory_space<vmem>>
      %dma_wait3A_90 = arith.constant 0 : i32
      %dma_wait3A_91 = tpu.memref_slice %arg7[%add3A_25, %dma_wait3A_90] : memref<10240x128xf32, #tpu.memory_space<vmem_shared>> -> memref<128x128xf32, #tpu.memory_space<vmem_shared>>
      %dma_wait3A_92 = arith.constant 0 : i32
      %dma_wait3A_93 = tpu.memref_slice %arg7[%add3A_25, %dma_wait3A_92] : memref<10240x128xf32, #tpu.memory_space<vmem_shared>> -> memref<128x128xf32, #tpu.memory_space<vmem_shared>>
      %dma_wait3A_94 = arith.constant 0 : i32
      %dma_wait3A_95 = arith.constant 0 : i32
      %dma_wait3A_96 = tpu.memref_slice %arg6[%run_scoped3A_26, %dma_wait3A_94, %dma_wait3A_95] : memref<2x128x128xf32, #tpu.memory_space<vmem>> -> memref<1x128x128xf32, #tpu.memory_space<vmem>>
      %dma_wait3A_97 = tpu.memref_squeeze %dma_wait3A_96 : memref<1x128x128xf32, #tpu.memory_space<vmem>> -> memref<128x128xf32, #tpu.memory_space<vmem>>
      tpu.wait_dma2 semaphore(%run_scoped3A_75 : memref<!tpu.dma_semaphore, #tpu.memory_space<semaphore_mem>>) src(%dma_wait3A_97 : memref<128x128xf32, #tpu.memory_space<vmem>>) dst(%dma_wait3A_93 : memref<128x128xf32, #tpu.memory_space<vmem_shared>>)
      tpu.yield
    }) : () -> ()
    %barrier3A = arith.constant 0 : index
    tpu.barrier barrier_id(%barrier3A)
    %eq3A = arith.constant 0 : i32
    %eq3A_27 = arith.cmpi eq, %arg0, %eq3A : i32
    %convert_element_type3A = arith.extui %eq3A_27 : i1 to i32
    %cond3A = arith.constant 0 : i32
    %cond3A_28 = arith.cmpi ne, %convert_element_type3A, %cond3A : i32
    scf.if %cond3A_28 {
      %dma_start3A = arith.constant 0 : i32
      %dma_start3A_75 = arith.constant 0 : i32
      %dma_start3A_76 = arith.constant 0 : i32
      %dma_start3A_77 = arith.constant 0 : i32
      %dma_start3A_78 = tpu.memref_slice %arg5[%dma_start3A_75, %dma_start3A_76, %dma_start3A_77] : memref<4x2x128xi32, #tpu.memory_space<vmem>> -> memref<1x2x128xi32, #tpu.memory_space<vmem>>
      %dma_start3A_79 = tpu.memref_squeeze %dma_start3A_78 : memref<1x2x128xi32, #tpu.memory_space<vmem>> -> memref<2x128xi32, #tpu.memory_space<vmem>>
      %dma_start3A_80 = arith.constant 0 : i32
      %dma_start3A_81 = arith.constant 0 : i32
      %dma_start3A_82 = tpu.memref_slice %arg3[%arg1, %dma_start3A, %dma_start3A_80, %dma_start3A_81] : memref<16x160x2x128xi32, #tpu.memory_space<hbm>> -> memref<1x1x2x128xi32, #tpu.memory_space<hbm>>
      %dma_start3A_83 = tpu.memref_squeeze %dma_start3A_82 : memref<1x1x2x128xi32, #tpu.memory_space<hbm>> -> memref<2x128xi32, #tpu.memory_space<hbm>>
      %dma_start3A_84 = arith.constant 0 : i32
      %dma_start3A_85 = arith.constant 0 : i32
      %dma_start3A_86 = tpu.memref_slice %arg5[%dma_start3A_75, %dma_start3A_84, %dma_start3A_85] : memref<4x2x128xi32, #tpu.memory_space<vmem>> -> memref<1x2x128xi32, #tpu.memory_space<vmem>>
      %dma_start3A_87 = tpu.memref_squeeze %dma_start3A_86 : memref<1x2x128xi32, #tpu.memory_space<vmem>> -> memref<2x128xi32, #tpu.memory_space<vmem>>
      %dma_start3A_88 = arith.constant 0 : i32
      %dma_start3A_89 = arith.constant 0 : i32
      %dma_start3A_90 = tpu.memref_slice %arg3[%arg1, %dma_start3A, %dma_start3A_88, %dma_start3A_89] : memref<16x160x2x128xi32, #tpu.memory_space<hbm>> -> memref<1x1x2x128xi32, #tpu.memory_space<hbm>>
      %dma_start3A_91 = tpu.memref_squeeze %dma_start3A_90 : memref<1x1x2x128xi32, #tpu.memory_space<hbm>> -> memref<2x128xi32, #tpu.memory_space<hbm>>
      tpu.enqueue_dma source(%dma_start3A_91 : memref<2x128xi32, #tpu.memory_space<hbm>>) target(%dma_start3A_87 : memref<2x128xi32, #tpu.memory_space<vmem>>) target_semaphore(%arg8 : memref<!tpu.dma_semaphore, #tpu.memory_space<semaphore_mem>>)
      %dma_start3A_92 = arith.constant 1 : i32
      %dma_start3A_93 = arith.constant 1 : i32
      %dma_start3A_94 = arith.constant 0 : i32
      %dma_start3A_95 = arith.constant 0 : i32
      %dma_start3A_96 = tpu.memref_slice %arg5[%dma_start3A_93, %dma_start3A_94, %dma_start3A_95] : memref<4x2x128xi32, #tpu.memory_space<vmem>> -> memref<1x2x128xi32, #tpu.memory_space<vmem>>
      %dma_start3A_97 = tpu.memref_squeeze %dma_start3A_96 : memref<1x2x128xi32, #tpu.memory_space<vmem>> -> memref<2x128xi32, #tpu.memory_space<vmem>>
      %dma_start3A_98 = arith.constant 0 : i32
      %dma_start3A_99 = arith.constant 0 : i32
      %dma_start3A_100 = tpu.memref_slice %arg3[%arg1, %dma_start3A_92, %dma_start3A_98, %dma_start3A_99] : memref<16x160x2x128xi32, #tpu.memory_space<hbm>> -> memref<1x1x2x128xi32, #tpu.memory_space<hbm>>
      %dma_start3A_101 = tpu.memref_squeeze %dma_start3A_100 : memref<1x1x2x128xi32, #tpu.memory_space<hbm>> -> memref<2x128xi32, #tpu.memory_space<hbm>>
      %dma_start3A_102 = arith.constant 0 : i32
      %dma_start3A_103 = arith.constant 0 : i32
      %dma_start3A_104 = tpu.memref_slice %arg5[%dma_start3A_93, %dma_start3A_102, %dma_start3A_103] : memref<4x2x128xi32, #tpu.memory_space<vmem>> -> memref<1x2x128xi32, #tpu.memory_space<vmem>>
      %dma_start3A_105 = tpu.memref_squeeze %dma_start3A_104 : memref<1x2x128xi32, #tpu.memory_space<vmem>> -> memref<2x128xi32, #tpu.memory_space<vmem>>
      %dma_start3A_106 = arith.constant 0 : i32
      %dma_start3A_107 = arith.constant 0 : i32
      %dma_start3A_108 = tpu.memref_slice %arg3[%arg1, %dma_start3A_92, %dma_start3A_106, %dma_start3A_107] : memref<16x160x2x128xi32, #tpu.memory_space<hbm>> -> memref<1x1x2x128xi32, #tpu.memory_space<hbm>>
      %dma_start3A_109 = tpu.memref_squeeze %dma_start3A_108 : memref<1x1x2x128xi32, #tpu.memory_space<hbm>> -> memref<2x128xi32, #tpu.memory_space<hbm>>
      tpu.enqueue_dma source(%dma_start3A_109 : memref<2x128xi32, #tpu.memory_space<hbm>>) target(%dma_start3A_105 : memref<2x128xi32, #tpu.memory_space<vmem>>) target_semaphore(%arg9 : memref<!tpu.dma_semaphore, #tpu.memory_space<semaphore_mem>>)
      %dma_wait3A = arith.constant 0 : i32
      %dma_wait3A_110 = arith.constant 0 : i32
      %dma_wait3A_111 = arith.constant 0 : i32
      %dma_wait3A_112 = arith.constant 0 : i32
      %dma_wait3A_113 = tpu.memref_slice %arg5[%dma_wait3A_110, %dma_wait3A_111, %dma_wait3A_112] : memref<4x2x128xi32, #tpu.memory_space<vmem>> -> memref<1x2x128xi32, #tpu.memory_space<vmem>>
      %dma_wait3A_114 = tpu.memref_squeeze %dma_wait3A_113 : memref<1x2x128xi32, #tpu.memory_space<vmem>> -> memref<2x128xi32, #tpu.memory_space<vmem>>
      %dma_wait3A_115 = arith.constant 0 : i32
      %dma_wait3A_116 = arith.constant 0 : i32
      %dma_wait3A_117 = tpu.memref_slice %arg3[%arg1, %dma_wait3A, %dma_wait3A_115, %dma_wait3A_116] : memref<16x160x2x128xi32, #tpu.memory_space<hbm>> -> memref<1x1x2x128xi32, #tpu.memory_space<hbm>>
      %dma_wait3A_118 = tpu.memref_squeeze %dma_wait3A_117 : memref<1x1x2x128xi32, #tpu.memory_space<hbm>> -> memref<2x128xi32, #tpu.memory_space<hbm>>
      %dma_wait3A_119 = arith.constant 0 : i32
      %dma_wait3A_120 = arith.constant 0 : i32
      %dma_wait3A_121 = tpu.memref_slice %arg5[%dma_wait3A_110, %dma_wait3A_119, %dma_wait3A_120] : memref<4x2x128xi32, #tpu.memory_space<vmem>> -> memref<1x2x128xi32, #tpu.memory_space<vmem>>
      %dma_wait3A_122 = tpu.memref_squeeze %dma_wait3A_121 : memref<1x2x128xi32, #tpu.memory_space<vmem>> -> memref<2x128xi32, #tpu.memory_space<vmem>>
      %dma_wait3A_123 = arith.constant 0 : i32
      %dma_wait3A_124 = arith.constant 0 : i32
      %dma_wait3A_125 = tpu.memref_slice %arg3[%arg1, %dma_wait3A, %dma_wait3A_123, %dma_wait3A_124] : memref<16x160x2x128xi32, #tpu.memory_space<hbm>> -> memref<1x1x2x128xi32, #tpu.memory_space<hbm>>
      %dma_wait3A_126 = tpu.memref_squeeze %dma_wait3A_125 : memref<1x1x2x128xi32, #tpu.memory_space<hbm>> -> memref<2x128xi32, #tpu.memory_space<hbm>>
      tpu.wait_dma2 semaphore(%arg8 : memref<!tpu.dma_semaphore, #tpu.memory_space<semaphore_mem>>) src(%dma_wait3A_126 : memref<2x128xi32, #tpu.memory_space<hbm>>) dst(%dma_wait3A_122 : memref<2x128xi32, #tpu.memory_space<vmem>>)
      %dma_start3A_127 = arith.constant 0 : i32
      %dma_start3A_128 = arith.constant 0 : i32
      %dma_start3A_129 = arith.constant 0 : i32
      %dma_start3A_130 = arith.constant 0 : i32
      %dma_start3A_131 = arith.constant 0 : i32
      %dma_start3A_132 = tpu.memref_slice %arg6[%dma_start3A_129, %dma_start3A_130, %dma_start3A_131] : memref<2x128x128xf32, #tpu.memory_space<vmem>> -> memref<1x128x128xf32, #tpu.memory_space<vmem>>
      %dma_start3A_133 = tpu.memref_squeeze %dma_start3A_132 : memref<1x128x128xf32, #tpu.memory_space<vmem>> -> memref<128x128xf32, #tpu.memory_space<vmem>>
      %dma_start3A_134 = arith.constant 0 : i32
      %dma_start3A_135 = tpu.memref_slice %arg5[%dma_start3A_127, %dma_start3A_128, %dma_start3A_134] : memref<4x2x128xi32, #tpu.memory_space<vmem>> -> memref<1x1x128xi32, #tpu.memory_space<vmem>>
      %dma_start3A_136 = tpu.memref_squeeze %dma_start3A_135 : memref<1x1x128xi32, #tpu.memory_space<vmem>> -> memref<128xi32, #tpu.memory_space<vmem>>
      %dma_start3A_137 = arith.constant 0 : i32
      %dma_start3A_138 = arith.constant 0 : i32
      %dma_start3A_139 = tpu.memref_slice %arg2[%dma_start3A_137, %dma_start3A_138] : memref<10000x128xf32, #tpu.memory_space<hbm>> -> memref<10000x128xf32, #tpu.memory_space<hbm>>
      tpu.enqueue_indirect_dma source(%dma_start3A_139 : memref<10000x128xf32, #tpu.memory_space<hbm>>) target(%dma_start3A_133 : memref<128x128xf32, #tpu.memory_space<vmem>>) offsets(%dma_start3A_136 : memref<128xi32, #tpu.memory_space<vmem>>) semaphore(%arg12 : memref<!tpu.dma_semaphore, #tpu.memory_space<semaphore_mem>>)
      %scan3A_140 = arith.constant 0 : i32
      %scan3A_141 = arith.constant 0 : i32
      %scan3A_142 = arith.constant 20 : i32
      %scan3A_143 = arith.addi %scan3A_141, %scan3A_142 : i32
      %scan3A_144 = arith.constant 1 : i32
      scf.for %scan3A_146 = %scan3A_141 to %scan3A_143 step %scan3A_144  : i32 {
        %mul3A_147 = arith.constant 4 : i32
        %mul3A_148 = arith.muli %mul3A_147, %scan3A_146 : i32
        %add3A_149 = arith.constant 0 : i32
        %add3A_150 = arith.addi %mul3A_148, %add3A_149 : i32
        %add3A_151 = arith.constant 0 : i32
        %add3A_152 = arith.addi %add3A_151, %add3A_150 : i32
        %add3A_153 = arith.constant 2 : i32
        %add3A_154 = arith.addi %add3A_150, %add3A_153 : i32
        %lt3A = arith.constant 80 : i32
        %lt3A_155 = arith.cmpi slt, %add3A_154, %lt3A : i32
        %convert_element_type3A_156 = arith.extui %lt3A_155 : i1 to i32
        %cond3A_157 = arith.constant 0 : i32
        %cond3A_158 = arith.cmpi ne, %convert_element_type3A_156, %cond3A_157 : i32
        scf.if %cond3A_158 {
          %add3A_290 = arith.constant 2 : i32
          %add3A_291 = arith.addi %add3A_152, %add3A_290 : i32
          %dma_start3A_292 = arith.constant 2 : i32
          %dma_start3A_293 = arith.constant 0 : i32
          %dma_start3A_294 = arith.constant 0 : i32
          %dma_start3A_295 = tpu.memref_slice %arg5[%dma_start3A_292, %dma_start3A_293, %dma_start3A_294] : memref<4x2x128xi32, #tpu.memory_space<vmem>> -> memref<1x2x128xi32, #tpu.memory_space<vmem>>
          %dma_start3A_296 = tpu.memref_squeeze %dma_start3A_295 : memref<1x2x128xi32, #tpu.memory_space<vmem>> -> memref<2x128xi32, #tpu.memory_space<vmem>>
          %dma_start3A_297 = arith.constant 0 : i32
          %dma_start3A_298 = arith.constant 0 : i32
          %dma_start3A_299 = tpu.memref_slice %arg3[%arg1, %add3A_291, %dma_start3A_297, %dma_start3A_298] : memref<16x160x2x128xi32, #tpu.memory_space<hbm>> -> memref<1x1x2x128xi32, #tpu.memory_space<hbm>>
          %dma_start3A_300 = tpu.memref_squeeze %dma_start3A_299 : memref<1x1x2x128xi32, #tpu.memory_space<hbm>> -> memref<2x128xi32, #tpu.memory_space<hbm>>
          %dma_start3A_301 = arith.constant 0 : i32
          %dma_start3A_302 = arith.constant 0 : i32
          %dma_start3A_303 = tpu.memref_slice %arg5[%dma_start3A_292, %dma_start3A_301, %dma_start3A_302] : memref<4x2x128xi32, #tpu.memory_space<vmem>> -> memref<1x2x128xi32, #tpu.memory_space<vmem>>
          %dma_start3A_304 = tpu.memref_squeeze %dma_start3A_303 : memref<1x2x128xi32, #tpu.memory_space<vmem>> -> memref<2x128xi32, #tpu.memory_space<vmem>>
          %dma_start3A_305 = arith.constant 0 : i32
          %dma_start3A_306 = arith.constant 0 : i32
          %dma_start3A_307 = tpu.memref_slice %arg3[%arg1, %add3A_291, %dma_start3A_305, %dma_start3A_306] : memref<16x160x2x128xi32, #tpu.memory_space<hbm>> -> memref<1x1x2x128xi32, #tpu.memory_space<hbm>>
          %dma_start3A_308 = tpu.memref_squeeze %dma_start3A_307 : memref<1x1x2x128xi32, #tpu.memory_space<hbm>> -> memref<2x128xi32, #tpu.memory_space<hbm>>
          tpu.enqueue_dma source(%dma_start3A_308 : memref<2x128xi32, #tpu.memory_space<hbm>>) target(%dma_start3A_304 : memref<2x128xi32, #tpu.memory_space<vmem>>) target_semaphore(%arg10 : memref<!tpu.dma_semaphore, #tpu.memory_space<semaphore_mem>>)
        } else {
        }
        %add3A_159 = arith.constant 1 : i32
        %add3A_160 = arith.addi %add3A_150, %add3A_159 : i32
        %lt3A_161 = arith.constant 80 : i32
        %lt3A_162 = arith.cmpi slt, %add3A_160, %lt3A_161 : i32
        %convert_element_type3A_163 = arith.extui %lt3A_162 : i1 to i32
        %cond3A_164 = arith.constant 0 : i32
        %cond3A_165 = arith.cmpi ne, %convert_element_type3A_163, %cond3A_164 : i32
        scf.if %cond3A_165 {
          %add3A_290 = arith.constant 1 : i32
          %add3A_291 = arith.addi %add3A_152, %add3A_290 : i32
          %dma_wait3A_292 = arith.constant 1 : i32
          %dma_wait3A_293 = arith.constant 0 : i32
          %dma_wait3A_294 = arith.constant 0 : i32
          %dma_wait3A_295 = tpu.memref_slice %arg5[%dma_wait3A_292, %dma_wait3A_293, %dma_wait3A_294] : memref<4x2x128xi32, #tpu.memory_space<vmem>> -> memref<1x2x128xi32, #tpu.memory_space<vmem>>
          %dma_wait3A_296 = tpu.memref_squeeze %dma_wait3A_295 : memref<1x2x128xi32, #tpu.memory_space<vmem>> -> memref<2x128xi32, #tpu.memory_space<vmem>>
          %dma_wait3A_297 = arith.constant 0 : i32
          %dma_wait3A_298 = arith.constant 0 : i32
          %dma_wait3A_299 = tpu.memref_slice %arg3[%arg1, %add3A_291, %dma_wait3A_297, %dma_wait3A_298] : memref<16x160x2x128xi32, #tpu.memory_space<hbm>> -> memref<1x1x2x128xi32, #tpu.memory_space<hbm>>
          %dma_wait3A_300 = tpu.memref_squeeze %dma_wait3A_299 : memref<1x1x2x128xi32, #tpu.memory_space<hbm>> -> memref<2x128xi32, #tpu.memory_space<hbm>>
          %dma_wait3A_301 = arith.constant 0 : i32
          %dma_wait3A_302 = arith.constant 0 : i32
          %dma_wait3A_303 = tpu.memref_slice %arg5[%dma_wait3A_292, %dma_wait3A_301, %dma_wait3A_302] : memref<4x2x128xi32, #tpu.memory_space<vmem>> -> memref<1x2x128xi32, #tpu.memory_space<vmem>>
          %dma_wait3A_304 = tpu.memref_squeeze %dma_wait3A_303 : memref<1x2x128xi32, #tpu.memory_space<vmem>> -> memref<2x128xi32, #tpu.memory_space<vmem>>
          %dma_wait3A_305 = arith.constant 0 : i32
          %dma_wait3A_306 = arith.constant 0 : i32
          %dma_wait3A_307 = tpu.memref_slice %arg3[%arg1, %add3A_291, %dma_wait3A_305, %dma_wait3A_306] : memref<16x160x2x128xi32, #tpu.memory_space<hbm>> -> memref<1x1x2x128xi32, #tpu.memory_space<hbm>>
          %dma_wait3A_308 = tpu.memref_squeeze %dma_wait3A_307 : memref<1x1x2x128xi32, #tpu.memory_space<hbm>> -> memref<2x128xi32, #tpu.memory_space<hbm>>
          tpu.wait_dma2 semaphore(%arg9 : memref<!tpu.dma_semaphore, #tpu.memory_space<semaphore_mem>>) src(%dma_wait3A_308 : memref<2x128xi32, #tpu.memory_space<hbm>>) dst(%dma_wait3A_304 : memref<2x128xi32, #tpu.memory_space<vmem>>)
          %dma_start3A_309 = arith.constant 1 : i32
          %dma_start3A_310 = arith.constant 0 : i32
          %dma_start3A_311 = arith.constant 1 : i32
          %dma_start3A_312 = arith.constant 0 : i32
          %dma_start3A_313 = arith.constant 0 : i32
          %dma_start3A_314 = tpu.memref_slice %arg6[%dma_start3A_311, %dma_start3A_312, %dma_start3A_313] : memref<2x128x128xf32, #tpu.memory_space<vmem>> -> memref<1x128x128xf32, #tpu.memory_space<vmem>>
          %dma_start3A_315 = tpu.memref_squeeze %dma_start3A_314 : memref<1x128x128xf32, #tpu.memory_space<vmem>> -> memref<128x128xf32, #tpu.memory_space<vmem>>
          %dma_start3A_316 = arith.constant 0 : i32
          %dma_start3A_317 = tpu.memref_slice %arg5[%dma_start3A_309, %dma_start3A_310, %dma_start3A_316] : memref<4x2x128xi32, #tpu.memory_space<vmem>> -> memref<1x1x128xi32, #tpu.memory_space<vmem>>
          %dma_start3A_318 = tpu.memref_squeeze %dma_start3A_317 : memref<1x1x128xi32, #tpu.memory_space<vmem>> -> memref<128xi32, #tpu.memory_space<vmem>>
          %dma_start3A_319 = arith.constant 0 : i32
          %dma_start3A_320 = arith.constant 0 : i32
          %dma_start3A_321 = tpu.memref_slice %arg2[%dma_start3A_319, %dma_start3A_320] : memref<10000x128xf32, #tpu.memory_space<hbm>> -> memref<10000x128xf32, #tpu.memory_space<hbm>>
          tpu.enqueue_indirect_dma source(%dma_start3A_321 : memref<10000x128xf32, #tpu.memory_space<hbm>>) target(%dma_start3A_315 : memref<128x128xf32, #tpu.memory_space<vmem>>) offsets(%dma_start3A_318 : memref<128xi32, #tpu.memory_space<vmem>>) semaphore(%arg13 : memref<!tpu.dma_semaphore, #tpu.memory_space<semaphore_mem>>)
        } else {
        }
        %dma_wait3A_166 = arith.constant 0 : i32
        %dma_wait3A_167 = arith.constant 0 : i32
        %dma_wait3A_168 = arith.constant 0 : i32
        %dma_wait3A_169 = arith.constant 0 : i32
        %dma_wait3A_170 = arith.constant 0 : i32
        %dma_wait3A_171 = tpu.memref_slice %arg6[%dma_wait3A_168, %dma_wait3A_169, %dma_wait3A_170] : memref<2x128x128xf32, #tpu.memory_space<vmem>> -> memref<1x128x128xf32, #tpu.memory_space<vmem>>
        %dma_wait3A_172 = tpu.memref_squeeze %dma_wait3A_171 : memref<1x128x128xf32, #tpu.memory_space<vmem>> -> memref<128x128xf32, #tpu.memory_space<vmem>>
        %dma_wait3A_173 = arith.constant 0 : i32
        %dma_wait3A_174 = tpu.memref_slice %arg5[%dma_wait3A_166, %dma_wait3A_167, %dma_wait3A_173] : memref<4x2x128xi32, #tpu.memory_space<vmem>> -> memref<1x1x128xi32, #tpu.memory_space<vmem>>
        %dma_wait3A_175 = tpu.memref_squeeze %dma_wait3A_174 : memref<1x1x128xi32, #tpu.memory_space<vmem>> -> memref<128xi32, #tpu.memory_space<vmem>>
        %dma_wait3A_176 = arith.constant 0 : i32
        %dma_wait3A_177 = arith.constant 0 : i32
        %dma_wait3A_178 = tpu.memref_slice %arg2[%dma_wait3A_176, %dma_wait3A_177] : memref<10000x128xf32, #tpu.memory_space<hbm>> -> memref<10000x128xf32, #tpu.memory_space<hbm>>
        tpu.wait_indirect_dma semaphore(%arg12 : memref<!tpu.dma_semaphore, #tpu.memory_space<semaphore_mem>>) src(%dma_wait3A_178 : memref<10000x128xf32, #tpu.memory_space<hbm>>) dst(%dma_wait3A_172 : memref<128x128xf32, #tpu.memory_space<vmem>>)
        %run_scoped3A_179 = arith.constant 0 : i32
        %run_scoped3A_180 = arith.constant 0 : i32
        %run_scoped3A_181 = arith.constant 1 : i32
        "tpu.region"() ({
          %run_scoped3A_290 = tpu.sem_alloc : memref<!tpu.dma_semaphore, #tpu.memory_space<semaphore_mem>>
          %dma_start3A_291 = arith.constant 0 : i32
          %dma_start3A_292 = arith.constant 0 : i32
          %dma_start3A_293 = tpu.memref_slice %arg6[%run_scoped3A_179, %dma_start3A_291, %dma_start3A_292] : memref<2x128x128xf32, #tpu.memory_space<vmem>> -> memref<1x128x128xf32, #tpu.memory_space<vmem>>
          %dma_start3A_294 = tpu.memref_squeeze %dma_start3A_293 : memref<1x128x128xf32, #tpu.memory_space<vmem>> -> memref<128x128xf32, #tpu.memory_space<vmem>>
          %dma_start3A_295 = arith.constant 0 : i32
          %dma_start3A_296 = tpu.memref_slice %arg5[%run_scoped3A_180, %run_scoped3A_181, %dma_start3A_295] : memref<4x2x128xi32, #tpu.memory_space<vmem>> -> memref<1x1x128xi32, #tpu.memory_space<vmem>>
          %dma_start3A_297 = tpu.memref_squeeze %dma_start3A_296 : memref<1x1x128xi32, #tpu.memory_space<vmem>> -> memref<128xi32, #tpu.memory_space<vmem>>
          %dma_start3A_298 = arith.constant 0 : i32
          %dma_start3A_299 = arith.constant 0 : i32
          %dma_start3A_300 = tpu.memref_slice %arg7[%dma_start3A_298, %dma_start3A_299] : memref<10240x128xf32, #tpu.memory_space<vmem_shared>> -> memref<10240x128xf32, #tpu.memory_space<vmem_shared>>
          tpu.enqueue_indirect_dma source(%dma_start3A_294 : memref<128x128xf32, #tpu.memory_space<vmem>>) target(%dma_start3A_300 : memref<10240x128xf32, #tpu.memory_space<vmem_shared>>) offsets(%dma_start3A_297 : memref<128xi32, #tpu.memory_space<vmem>>) semaphore(%run_scoped3A_290 : memref<!tpu.dma_semaphore, #tpu.memory_space<semaphore_mem>>) {add = true}
          %dma_wait3A_301 = arith.constant 0 : i32
          %dma_wait3A_302 = arith.constant 0 : i32
          %dma_wait3A_303 = tpu.memref_slice %arg6[%run_scoped3A_179, %dma_wait3A_301, %dma_wait3A_302] : memref<2x128x128xf32, #tpu.memory_space<vmem>> -> memref<1x128x128xf32, #tpu.memory_space<vmem>>
          %dma_wait3A_304 = tpu.memref_squeeze %dma_wait3A_303 : memref<1x128x128xf32, #tpu.memory_space<vmem>> -> memref<128x128xf32, #tpu.memory_space<vmem>>
          %dma_wait3A_305 = arith.constant 0 : i32
          %dma_wait3A_306 = tpu.memref_slice %arg5[%run_scoped3A_180, %run_scoped3A_181, %dma_wait3A_305] : memref<4x2x128xi32, #tpu.memory_space<vmem>> -> memref<1x1x128xi32, #tpu.memory_space<vmem>>
          %dma_wait3A_307 = tpu.memref_squeeze %dma_wait3A_306 : memref<1x1x128xi32, #tpu.memory_space<vmem>> -> memref<128xi32, #tpu.memory_space<vmem>>
          %dma_wait3A_308 = arith.constant 0 : i32
          %dma_wait3A_309 = arith.constant 0 : i32
          %dma_wait3A_310 = tpu.memref_slice %arg7[%dma_wait3A_308, %dma_wait3A_309] : memref<10240x128xf32, #tpu.memory_space<vmem_shared>> -> memref<10240x128xf32, #tpu.memory_space<vmem_shared>>
          tpu.wait_indirect_dma semaphore(%run_scoped3A_290 : memref<!tpu.dma_semaphore, #tpu.memory_space<semaphore_mem>>) src(%dma_wait3A_304 : memref<128x128xf32, #tpu.memory_space<vmem>>) dst(%dma_wait3A_310 : memref<10240x128xf32, #tpu.memory_space<vmem_shared>>)
          tpu.yield
        }) : () -> ()
        %mul3A_182 = arith.constant 4 : i32
        %mul3A_183 = arith.muli %mul3A_182, %scan3A_146 : i32
        %add3A_184 = arith.constant 1 : i32
        %add3A_185 = arith.addi %mul3A_183, %add3A_184 : i32
        %add3A_186 = arith.constant 0 : i32
        %add3A_187 = arith.addi %add3A_186, %add3A_185 : i32
        %add3A_188 = arith.constant 2 : i32
        %add3A_189 = arith.addi %add3A_185, %add3A_188 : i32
        %lt3A_190 = arith.constant 80 : i32
        %lt3A_191 = arith.cmpi slt, %add3A_189, %lt3A_190 : i32
        %convert_element_type3A_192 = arith.extui %lt3A_191 : i1 to i32
        %cond3A_193 = arith.constant 0 : i32
        %cond3A_194 = arith.cmpi ne, %convert_element_type3A_192, %cond3A_193 : i32
        scf.if %cond3A_194 {
          %add3A_290 = arith.constant 2 : i32
          %add3A_291 = arith.addi %add3A_187, %add3A_290 : i32
          %dma_start3A_292 = arith.constant 3 : i32
          %dma_start3A_293 = arith.constant 0 : i32
          %dma_start3A_294 = arith.constant 0 : i32
          %dma_start3A_295 = tpu.memref_slice %arg5[%dma_start3A_292, %dma_start3A_293, %dma_start3A_294] : memref<4x2x128xi32, #tpu.memory_space<vmem>> -> memref<1x2x128xi32, #tpu.memory_space<vmem>>
          %dma_start3A_296 = tpu.memref_squeeze %dma_start3A_295 : memref<1x2x128xi32, #tpu.memory_space<vmem>> -> memref<2x128xi32, #tpu.memory_space<vmem>>
          %dma_start3A_297 = arith.constant 0 : i32
          %dma_start3A_298 = arith.constant 0 : i32
          %dma_start3A_299 = tpu.memref_slice %arg3[%arg1, %add3A_291, %dma_start3A_297, %dma_start3A_298] : memref<16x160x2x128xi32, #tpu.memory_space<hbm>> -> memref<1x1x2x128xi32, #tpu.memory_space<hbm>>
          %dma_start3A_300 = tpu.memref_squeeze %dma_start3A_299 : memref<1x1x2x128xi32, #tpu.memory_space<hbm>> -> memref<2x128xi32, #tpu.memory_space<hbm>>
          %dma_start3A_301 = arith.constant 0 : i32
          %dma_start3A_302 = arith.constant 0 : i32
          %dma_start3A_303 = tpu.memref_slice %arg5[%dma_start3A_292, %dma_start3A_301, %dma_start3A_302] : memref<4x2x128xi32, #tpu.memory_space<vmem>> -> memref<1x2x128xi32, #tpu.memory_space<vmem>>
          %dma_start3A_304 = tpu.memref_squeeze %dma_start3A_303 : memref<1x2x128xi32, #tpu.memory_space<vmem>> -> memref<2x128xi32, #tpu.memory_space<vmem>>
          %dma_start3A_305 = arith.constant 0 : i32
          %dma_start3A_306 = arith.constant 0 : i32
          %dma_start3A_307 = tpu.memref_slice %arg3[%arg1, %add3A_291, %dma_start3A_305, %dma_start3A_306] : memref<16x160x2x128xi32, #tpu.memory_space<hbm>> -> memref<1x1x2x128xi32, #tpu.memory_space<hbm>>
          %dma_start3A_308 = tpu.memref_squeeze %dma_start3A_307 : memref<1x1x2x128xi32, #tpu.memory_space<hbm>> -> memref<2x128xi32, #tpu.memory_space<hbm>>
          tpu.enqueue_dma source(%dma_start3A_308 : memref<2x128xi32, #tpu.memory_space<hbm>>) target(%dma_start3A_304 : memref<2x128xi32, #tpu.memory_space<vmem>>) target_semaphore(%arg11 : memref<!tpu.dma_semaphore, #tpu.memory_space<semaphore_mem>>)
        } else {
        }
        %add3A_195 = arith.constant 1 : i32
        %add3A_196 = arith.addi %add3A_185, %add3A_195 : i32
        %lt3A_197 = arith.constant 80 : i32
        %lt3A_198 = arith.cmpi slt, %add3A_196, %lt3A_197 : i32
        %convert_element_type3A_199 = arith.extui %lt3A_198 : i1 to i32
        %cond3A_200 = arith.constant 0 : i32
        %cond3A_201 = arith.cmpi ne, %convert_element_type3A_199, %cond3A_200 : i32
        scf.if %cond3A_201 {
          %add3A_290 = arith.constant 1 : i32
          %add3A_291 = arith.addi %add3A_187, %add3A_290 : i32
          %dma_wait3A_292 = arith.constant 2 : i32
          %dma_wait3A_293 = arith.constant 0 : i32
          %dma_wait3A_294 = arith.constant 0 : i32
          %dma_wait3A_295 = tpu.memref_slice %arg5[%dma_wait3A_292, %dma_wait3A_293, %dma_wait3A_294] : memref<4x2x128xi32, #tpu.memory_space<vmem>> -> memref<1x2x128xi32, #tpu.memory_space<vmem>>
          %dma_wait3A_296 = tpu.memref_squeeze %dma_wait3A_295 : memref<1x2x128xi32, #tpu.memory_space<vmem>> -> memref<2x128xi32, #tpu.memory_space<vmem>>
          %dma_wait3A_297 = arith.constant 0 : i32
          %dma_wait3A_298 = arith.constant 0 : i32
          %dma_wait3A_299 = tpu.memref_slice %arg3[%arg1, %add3A_291, %dma_wait3A_297, %dma_wait3A_298] : memref<16x160x2x128xi32, #tpu.memory_space<hbm>> -> memref<1x1x2x128xi32, #tpu.memory_space<hbm>>
          %dma_wait3A_300 = tpu.memref_squeeze %dma_wait3A_299 : memref<1x1x2x128xi32, #tpu.memory_space<hbm>> -> memref<2x128xi32, #tpu.memory_space<hbm>>
          %dma_wait3A_301 = arith.constant 0 : i32
          %dma_wait3A_302 = arith.constant 0 : i32
          %dma_wait3A_303 = tpu.memref_slice %arg5[%dma_wait3A_292, %dma_wait3A_301, %dma_wait3A_302] : memref<4x2x128xi32, #tpu.memory_space<vmem>> -> memref<1x2x128xi32, #tpu.memory_space<vmem>>
          %dma_wait3A_304 = tpu.memref_squeeze %dma_wait3A_303 : memref<1x2x128xi32, #tpu.memory_space<vmem>> -> memref<2x128xi32, #tpu.memory_space<vmem>>
          %dma_wait3A_305 = arith.constant 0 : i32
          %dma_wait3A_306 = arith.constant 0 : i32
          %dma_wait3A_307 = tpu.memref_slice %arg3[%arg1, %add3A_291, %dma_wait3A_305, %dma_wait3A_306] : memref<16x160x2x128xi32, #tpu.memory_space<hbm>> -> memref<1x1x2x128xi32, #tpu.memory_space<hbm>>
          %dma_wait3A_308 = tpu.memref_squeeze %dma_wait3A_307 : memref<1x1x2x128xi32, #tpu.memory_space<hbm>> -> memref<2x128xi32, #tpu.memory_space<hbm>>
          tpu.wait_dma2 semaphore(%arg10 : memref<!tpu.dma_semaphore, #tpu.memory_space<semaphore_mem>>) src(%dma_wait3A_308 : memref<2x128xi32, #tpu.memory_space<hbm>>) dst(%dma_wait3A_304 : memref<2x128xi32, #tpu.memory_space<vmem>>)
          %dma_start3A_309 = arith.constant 2 : i32
          %dma_start3A_310 = arith.constant 0 : i32
          %dma_start3A_311 = arith.constant 0 : i32
          %dma_start3A_312 = arith.constant 0 : i32
          %dma_start3A_313 = arith.constant 0 : i32
          %dma_start3A_314 = tpu.memref_slice %arg6[%dma_start3A_311, %dma_start3A_312, %dma_start3A_313] : memref<2x128x128xf32, #tpu.memory_space<vmem>> -> memref<1x128x128xf32, #tpu.memory_space<vmem>>
          %dma_start3A_315 = tpu.memref_squeeze %dma_start3A_314 : memref<1x128x128xf32, #tpu.memory_space<vmem>> -> memref<128x128xf32, #tpu.memory_space<vmem>>
          %dma_start3A_316 = arith.constant 0 : i32
          %dma_start3A_317 = tpu.memref_slice %arg5[%dma_start3A_309, %dma_start3A_310, %dma_start3A_316] : memref<4x2x128xi32, #tpu.memory_space<vmem>> -> memref<1x1x128xi32, #tpu.memory_space<vmem>>
          %dma_start3A_318 = tpu.memref_squeeze %dma_start3A_317 : memref<1x1x128xi32, #tpu.memory_space<vmem>> -> memref<128xi32, #tpu.memory_space<vmem>>
          %dma_start3A_319 = arith.constant 0 : i32
          %dma_start3A_320 = arith.constant 0 : i32
          %dma_start3A_321 = tpu.memref_slice %arg2[%dma_start3A_319, %dma_start3A_320] : memref<10000x128xf32, #tpu.memory_space<hbm>> -> memref<10000x128xf32, #tpu.memory_space<hbm>>
          tpu.enqueue_indirect_dma source(%dma_start3A_321 : memref<10000x128xf32, #tpu.memory_space<hbm>>) target(%dma_start3A_315 : memref<128x128xf32, #tpu.memory_space<vmem>>) offsets(%dma_start3A_318 : memref<128xi32, #tpu.memory_space<vmem>>) semaphore(%arg12 : memref<!tpu.dma_semaphore, #tpu.memory_space<semaphore_mem>>)
        } else {
        }
        %dma_wait3A_202 = arith.constant 1 : i32
        %dma_wait3A_203 = arith.constant 0 : i32
        %dma_wait3A_204 = arith.constant 1 : i32
        %dma_wait3A_205 = arith.constant 0 : i32
        %dma_wait3A_206 = arith.constant 0 : i32
        %dma_wait3A_207 = tpu.memref_slice %arg6[%dma_wait3A_204, %dma_wait3A_205, %dma_wait3A_206] : memref<2x128x128xf32, #tpu.memory_space<vmem>> -> memref<1x128x128xf32, #tpu.memory_space<vmem>>
        %dma_wait3A_208 = tpu.memref_squeeze %dma_wait3A_207 : memref<1x128x128xf32, #tpu.memory_space<vmem>> -> memref<128x128xf32, #tpu.memory_space<vmem>>
        %dma_wait3A_209 = arith.constant 0 : i32
        %dma_wait3A_210 = tpu.memref_slice %arg5[%dma_wait3A_202, %dma_wait3A_203, %dma_wait3A_209] : memref<4x2x128xi32, #tpu.memory_space<vmem>> -> memref<1x1x128xi32, #tpu.memory_space<vmem>>
        %dma_wait3A_211 = tpu.memref_squeeze %dma_wait3A_210 : memref<1x1x128xi32, #tpu.memory_space<vmem>> -> memref<128xi32, #tpu.memory_space<vmem>>
        %dma_wait3A_212 = arith.constant 0 : i32
        %dma_wait3A_213 = arith.constant 0 : i32
        %dma_wait3A_214 = tpu.memref_slice %arg2[%dma_wait3A_212, %dma_wait3A_213] : memref<10000x128xf32, #tpu.memory_space<hbm>> -> memref<10000x128xf32, #tpu.memory_space<hbm>>
        tpu.wait_indirect_dma semaphore(%arg13 : memref<!tpu.dma_semaphore, #tpu.memory_space<semaphore_mem>>) src(%dma_wait3A_214 : memref<10000x128xf32, #tpu.memory_space<hbm>>) dst(%dma_wait3A_208 : memref<128x128xf32, #tpu.memory_space<vmem>>)
        %run_scoped3A_215 = arith.constant 1 : i32
        %run_scoped3A_216 = arith.constant 1 : i32
        %run_scoped3A_217 = arith.constant 1 : i32
        "tpu.region"() ({
          %run_scoped3A_290 = tpu.sem_alloc : memref<!tpu.dma_semaphore, #tpu.memory_space<semaphore_mem>>
          %dma_start3A_291 = arith.constant 0 : i32
          %dma_start3A_292 = arith.constant 0 : i32
          %dma_start3A_293 = tpu.memref_slice %arg6[%run_scoped3A_215, %dma_start3A_291, %dma_start3A_292] : memref<2x128x128xf32, #tpu.memory_space<vmem>> -> memref<1x128x128xf32, #tpu.memory_space<vmem>>
          %dma_start3A_294 = tpu.memref_squeeze %dma_start3A_293 : memref<1x128x128xf32, #tpu.memory_space<vmem>> -> memref<128x128xf32, #tpu.memory_space<vmem>>
          %dma_start3A_295 = arith.constant 0 : i32
          %dma_start3A_296 = tpu.memref_slice %arg5[%run_scoped3A_216, %run_scoped3A_217, %dma_start3A_295] : memref<4x2x128xi32, #tpu.memory_space<vmem>> -> memref<1x1x128xi32, #tpu.memory_space<vmem>>
          %dma_start3A_297 = tpu.memref_squeeze %dma_start3A_296 : memref<1x1x128xi32, #tpu.memory_space<vmem>> -> memref<128xi32, #tpu.memory_space<vmem>>
          %dma_start3A_298 = arith.constant 0 : i32
          %dma_start3A_299 = arith.constant 0 : i32
          %dma_start3A_300 = tpu.memref_slice %arg7[%dma_start3A_298, %dma_start3A_299] : memref<10240x128xf32, #tpu.memory_space<vmem_shared>> -> memref<10240x128xf32, #tpu.memory_space<vmem_shared>>
          tpu.enqueue_indirect_dma source(%dma_start3A_294 : memref<128x128xf32, #tpu.memory_space<vmem>>) target(%dma_start3A_300 : memref<10240x128xf32, #tpu.memory_space<vmem_shared>>) offsets(%dma_start3A_297 : memref<128xi32, #tpu.memory_space<vmem>>) semaphore(%run_scoped3A_290 : memref<!tpu.dma_semaphore, #tpu.memory_space<semaphore_mem>>) {add = true}
          %dma_wait3A_301 = arith.constant 0 : i32
          %dma_wait3A_302 = arith.constant 0 : i32
          %dma_wait3A_303 = tpu.memref_slice %arg6[%run_scoped3A_215, %dma_wait3A_301, %dma_wait3A_302] : memref<2x128x128xf32, #tpu.memory_space<vmem>> -> memref<1x128x128xf32, #tpu.memory_space<vmem>>
          %dma_wait3A_304 = tpu.memref_squeeze %dma_wait3A_303 : memref<1x128x128xf32, #tpu.memory_space<vmem>> -> memref<128x128xf32, #tpu.memory_space<vmem>>
          %dma_wait3A_305 = arith.constant 0 : i32
          %dma_wait3A_306 = tpu.memref_slice %arg5[%run_scoped3A_216, %run_scoped3A_217, %dma_wait3A_305] : memref<4x2x128xi32, #tpu.memory_space<vmem>> -> memref<1x1x128xi32, #tpu.memory_space<vmem>>
          %dma_wait3A_307 = tpu.memref_squeeze %dma_wait3A_306 : memref<1x1x128xi32, #tpu.memory_space<vmem>> -> memref<128xi32, #tpu.memory_space<vmem>>
          %dma_wait3A_308 = arith.constant 0 : i32
          %dma_wait3A_309 = arith.constant 0 : i32
          %dma_wait3A_310 = tpu.memref_slice %arg7[%dma_wait3A_308, %dma_wait3A_309] : memref<10240x128xf32, #tpu.memory_space<vmem_shared>> -> memref<10240x128xf32, #tpu.memory_space<vmem_shared>>
          tpu.wait_indirect_dma semaphore(%run_scoped3A_290 : memref<!tpu.dma_semaphore, #tpu.memory_space<semaphore_mem>>) src(%dma_wait3A_304 : memref<128x128xf32, #tpu.memory_space<vmem>>) dst(%dma_wait3A_310 : memref<10240x128xf32, #tpu.memory_space<vmem_shared>>)
          tpu.yield
        }) : () -> ()
        %mul3A_218 = arith.constant 4 : i32
        %mul3A_219 = arith.muli %mul3A_218, %scan3A_146 : i32
        %add3A_220 = arith.constant 2 : i32
        %add3A_221 = arith.addi %mul3A_219, %add3A_220 : i32
        %add3A_222 = arith.constant 0 : i32
        %add3A_223 = arith.addi %add3A_222, %add3A_221 : i32
        %add3A_224 = arith.constant 2 : i32
        %add3A_225 = arith.addi %add3A_221, %add3A_224 : i32
        %lt3A_226 = arith.constant 80 : i32
        %lt3A_227 = arith.cmpi slt, %add3A_225, %lt3A_226 : i32
        %convert_element_type3A_228 = arith.extui %lt3A_227 : i1 to i32
        %cond3A_229 = arith.constant 0 : i32
        %cond3A_230 = arith.cmpi ne, %convert_element_type3A_228, %cond3A_229 : i32
        scf.if %cond3A_230 {
          %add3A_290 = arith.constant 2 : i32
          %add3A_291 = arith.addi %add3A_223, %add3A_290 : i32
          %dma_start3A_292 = arith.constant 0 : i32
          %dma_start3A_293 = arith.constant 0 : i32
          %dma_start3A_294 = arith.constant 0 : i32
          %dma_start3A_295 = tpu.memref_slice %arg5[%dma_start3A_292, %dma_start3A_293, %dma_start3A_294] : memref<4x2x128xi32, #tpu.memory_space<vmem>> -> memref<1x2x128xi32, #tpu.memory_space<vmem>>
          %dma_start3A_296 = tpu.memref_squeeze %dma_start3A_295 : memref<1x2x128xi32, #tpu.memory_space<vmem>> -> memref<2x128xi32, #tpu.memory_space<vmem>>
          %dma_start3A_297 = arith.constant 0 : i32
          %dma_start3A_298 = arith.constant 0 : i32
          %dma_start3A_299 = tpu.memref_slice %arg3[%arg1, %add3A_291, %dma_start3A_297, %dma_start3A_298] : memref<16x160x2x128xi32, #tpu.memory_space<hbm>> -> memref<1x1x2x128xi32, #tpu.memory_space<hbm>>
          %dma_start3A_300 = tpu.memref_squeeze %dma_start3A_299 : memref<1x1x2x128xi32, #tpu.memory_space<hbm>> -> memref<2x128xi32, #tpu.memory_space<hbm>>
          %dma_start3A_301 = arith.constant 0 : i32
          %dma_start3A_302 = arith.constant 0 : i32
          %dma_start3A_303 = tpu.memref_slice %arg5[%dma_start3A_292, %dma_start3A_301, %dma_start3A_302] : memref<4x2x128xi32, #tpu.memory_space<vmem>> -> memref<1x2x128xi32, #tpu.memory_space<vmem>>
          %dma_start3A_304 = tpu.memref_squeeze %dma_start3A_303 : memref<1x2x128xi32, #tpu.memory_space<vmem>> -> memref<2x128xi32, #tpu.memory_space<vmem>>
          %dma_start3A_305 = arith.constant 0 : i32
          %dma_start3A_306 = arith.constant 0 : i32
          %dma_start3A_307 = tpu.memref_slice %arg3[%arg1, %add3A_291, %dma_start3A_305, %dma_start3A_306] : memref<16x160x2x128xi32, #tpu.memory_space<hbm>> -> memref<1x1x2x128xi32, #tpu.memory_space<hbm>>
          %dma_start3A_308 = tpu.memref_squeeze %dma_start3A_307 : memref<1x1x2x128xi32, #tpu.memory_space<hbm>> -> memref<2x128xi32, #tpu.memory_space<hbm>>
          tpu.enqueue_dma source(%dma_start3A_308 : memref<2x128xi32, #tpu.memory_space<hbm>>) target(%dma_start3A_304 : memref<2x128xi32, #tpu.memory_space<vmem>>) target_semaphore(%arg8 : memref<!tpu.dma_semaphore, #tpu.memory_space<semaphore_mem>>)
        } else {
        }
        %add3A_231 = arith.constant 1 : i32
        %add3A_232 = arith.addi %add3A_221, %add3A_231 : i32
        %lt3A_233 = arith.constant 80 : i32
        %lt3A_234 = arith.cmpi slt, %add3A_232, %lt3A_233 : i32
        %convert_element_type3A_235 = arith.extui %lt3A_234 : i1 to i32
        %cond3A_236 = arith.constant 0 : i32
        %cond3A_237 = arith.cmpi ne, %convert_element_type3A_235, %cond3A_236 : i32
        scf.if %cond3A_237 {
          %add3A_290 = arith.constant 1 : i32
          %add3A_291 = arith.addi %add3A_223, %add3A_290 : i32
          %dma_wait3A_292 = arith.constant 3 : i32
          %dma_wait3A_293 = arith.constant 0 : i32
          %dma_wait3A_294 = arith.constant 0 : i32
          %dma_wait3A_295 = tpu.memref_slice %arg5[%dma_wait3A_292, %dma_wait3A_293, %dma_wait3A_294] : memref<4x2x128xi32, #tpu.memory_space<vmem>> -> memref<1x2x128xi32, #tpu.memory_space<vmem>>
          %dma_wait3A_296 = tpu.memref_squeeze %dma_wait3A_295 : memref<1x2x128xi32, #tpu.memory_space<vmem>> -> memref<2x128xi32, #tpu.memory_space<vmem>>
          %dma_wait3A_297 = arith.constant 0 : i32
          %dma_wait3A_298 = arith.constant 0 : i32
          %dma_wait3A_299 = tpu.memref_slice %arg3[%arg1, %add3A_291, %dma_wait3A_297, %dma_wait3A_298] : memref<16x160x2x128xi32, #tpu.memory_space<hbm>> -> memref<1x1x2x128xi32, #tpu.memory_space<hbm>>
          %dma_wait3A_300 = tpu.memref_squeeze %dma_wait3A_299 : memref<1x1x2x128xi32, #tpu.memory_space<hbm>> -> memref<2x128xi32, #tpu.memory_space<hbm>>
          %dma_wait3A_301 = arith.constant 0 : i32
          %dma_wait3A_302 = arith.constant 0 : i32
          %dma_wait3A_303 = tpu.memref_slice %arg5[%dma_wait3A_292, %dma_wait3A_301, %dma_wait3A_302] : memref<4x2x128xi32, #tpu.memory_space<vmem>> -> memref<1x2x128xi32, #tpu.memory_space<vmem>>
          %dma_wait3A_304 = tpu.memref_squeeze %dma_wait3A_303 : memref<1x2x128xi32, #tpu.memory_space<vmem>> -> memref<2x128xi32, #tpu.memory_space<vmem>>
          %dma_wait3A_305 = arith.constant 0 : i32
          %dma_wait3A_306 = arith.constant 0 : i32
          %dma_wait3A_307 = tpu.memref_slice %arg3[%arg1, %add3A_291, %dma_wait3A_305, %dma_wait3A_306] : memref<16x160x2x128xi32, #tpu.memory_space<hbm>> -> memref<1x1x2x128xi32, #tpu.memory_space<hbm>>
          %dma_wait3A_308 = tpu.memref_squeeze %dma_wait3A_307 : memref<1x1x2x128xi32, #tpu.memory_space<hbm>> -> memref<2x128xi32, #tpu.memory_space<hbm>>
          tpu.wait_dma2 semaphore(%arg11 : memref<!tpu.dma_semaphore, #tpu.memory_space<semaphore_mem>>) src(%dma_wait3A_308 : memref<2x128xi32, #tpu.memory_space<hbm>>) dst(%dma_wait3A_304 : memref<2x128xi32, #tpu.memory_space<vmem>>)
          %dma_start3A_309 = arith.constant 3 : i32
          %dma_start3A_310 = arith.constant 0 : i32
          %dma_start3A_311 = arith.constant 1 : i32
          %dma_start3A_312 = arith.constant 0 : i32
          %dma_start3A_313 = arith.constant 0 : i32
          %dma_start3A_314 = tpu.memref_slice %arg6[%dma_start3A_311, %dma_start3A_312, %dma_start3A_313] : memref<2x128x128xf32, #tpu.memory_space<vmem>> -> memref<1x128x128xf32, #tpu.memory_space<vmem>>
          %dma_start3A_315 = tpu.memref_squeeze %dma_start3A_314 : memref<1x128x128xf32, #tpu.memory_space<vmem>> -> memref<128x128xf32, #tpu.memory_space<vmem>>
          %dma_start3A_316 = arith.constant 0 : i32
          %dma_start3A_317 = tpu.memref_slice %arg5[%dma_start3A_309, %dma_start3A_310, %dma_start3A_316] : memref<4x2x128xi32, #tpu.memory_space<vmem>> -> memref<1x1x128xi32, #tpu.memory_space<vmem>>
          %dma_start3A_318 = tpu.memref_squeeze %dma_start3A_317 : memref<1x1x128xi32, #tpu.memory_space<vmem>> -> memref<128xi32, #tpu.memory_space<vmem>>
          %dma_start3A_319 = arith.constant 0 : i32
          %dma_start3A_320 = arith.constant 0 : i32
          %dma_start3A_321 = tpu.memref_slice %arg2[%dma_start3A_319, %dma_start3A_320] : memref<10000x128xf32, #tpu.memory_space<hbm>> -> memref<10000x128xf32, #tpu.memory_space<hbm>>
          tpu.enqueue_indirect_dma source(%dma_start3A_321 : memref<10000x128xf32, #tpu.memory_space<hbm>>) target(%dma_start3A_315 : memref<128x128xf32, #tpu.memory_space<vmem>>) offsets(%dma_start3A_318 : memref<128xi32, #tpu.memory_space<vmem>>) semaphore(%arg13 : memref<!tpu.dma_semaphore, #tpu.memory_space<semaphore_mem>>)
        } else {
        }
        %dma_wait3A_238 = arith.constant 2 : i32
        %dma_wait3A_239 = arith.constant 0 : i32
        %dma_wait3A_240 = arith.constant 0 : i32
        %dma_wait3A_241 = arith.constant 0 : i32
        %dma_wait3A_242 = arith.constant 0 : i32
        %dma_wait3A_243 = tpu.memref_slice %arg6[%dma_wait3A_240, %dma_wait3A_241, %dma_wait3A_242] : memref<2x128x128xf32, #tpu.memory_space<vmem>> -> memref<1x128x128xf32, #tpu.memory_space<vmem>>
        %dma_wait3A_244 = tpu.memref_squeeze %dma_wait3A_243 : memref<1x128x128xf32, #tpu.memory_space<vmem>> -> memref<128x128xf32, #tpu.memory_space<vmem>>
        %dma_wait3A_245 = arith.constant 0 : i32
        %dma_wait3A_246 = tpu.memref_slice %arg5[%dma_wait3A_238, %dma_wait3A_239, %dma_wait3A_245] : memref<4x2x128xi32, #tpu.memory_space<vmem>> -> memref<1x1x128xi32, #tpu.memory_space<vmem>>
        %dma_wait3A_247 = tpu.memref_squeeze %dma_wait3A_246 : memref<1x1x128xi32, #tpu.memory_space<vmem>> -> memref<128xi32, #tpu.memory_space<vmem>>
        %dma_wait3A_248 = arith.constant 0 : i32
        %dma_wait3A_249 = arith.constant 0 : i32
        %dma_wait3A_250 = tpu.memref_slice %arg2[%dma_wait3A_248, %dma_wait3A_249] : memref<10000x128xf32, #tpu.memory_space<hbm>> -> memref<10000x128xf32, #tpu.memory_space<hbm>>
        tpu.wait_indirect_dma semaphore(%arg12 : memref<!tpu.dma_semaphore, #tpu.memory_space<semaphore_mem>>) src(%dma_wait3A_250 : memref<10000x128xf32, #tpu.memory_space<hbm>>) dst(%dma_wait3A_244 : memref<128x128xf32, #tpu.memory_space<vmem>>)
        %run_scoped3A_251 = arith.constant 0 : i32
        %run_scoped3A_252 = arith.constant 2 : i32
        %run_scoped3A_253 = arith.constant 1 : i32
        "tpu.region"() ({
          %run_scoped3A_290 = tpu.sem_alloc : memref<!tpu.dma_semaphore, #tpu.memory_space<semaphore_mem>>
          %dma_start3A_291 = arith.constant 0 : i32
          %dma_start3A_292 = arith.constant 0 : i32
          %dma_start3A_293 = tpu.memref_slice %arg6[%run_scoped3A_251, %dma_start3A_291, %dma_start3A_292] : memref<2x128x128xf32, #tpu.memory_space<vmem>> -> memref<1x128x128xf32, #tpu.memory_space<vmem>>
          %dma_start3A_294 = tpu.memref_squeeze %dma_start3A_293 : memref<1x128x128xf32, #tpu.memory_space<vmem>> -> memref<128x128xf32, #tpu.memory_space<vmem>>
          %dma_start3A_295 = arith.constant 0 : i32
          %dma_start3A_296 = tpu.memref_slice %arg5[%run_scoped3A_252, %run_scoped3A_253, %dma_start3A_295] : memref<4x2x128xi32, #tpu.memory_space<vmem>> -> memref<1x1x128xi32, #tpu.memory_space<vmem>>
          %dma_start3A_297 = tpu.memref_squeeze %dma_start3A_296 : memref<1x1x128xi32, #tpu.memory_space<vmem>> -> memref<128xi32, #tpu.memory_space<vmem>>
          %dma_start3A_298 = arith.constant 0 : i32
          %dma_start3A_299 = arith.constant 0 : i32
          %dma_start3A_300 = tpu.memref_slice %arg7[%dma_start3A_298, %dma_start3A_299] : memref<10240x128xf32, #tpu.memory_space<vmem_shared>> -> memref<10240x128xf32, #tpu.memory_space<vmem_shared>>
          tpu.enqueue_indirect_dma source(%dma_start3A_294 : memref<128x128xf32, #tpu.memory_space<vmem>>) target(%dma_start3A_300 : memref<10240x128xf32, #tpu.memory_space<vmem_shared>>) offsets(%dma_start3A_297 : memref<128xi32, #tpu.memory_space<vmem>>) semaphore(%run_scoped3A_290 : memref<!tpu.dma_semaphore, #tpu.memory_space<semaphore_mem>>) {add = true}
          %dma_wait3A_301 = arith.constant 0 : i32
          %dma_wait3A_302 = arith.constant 0 : i32
          %dma_wait3A_303 = tpu.memref_slice %arg6[%run_scoped3A_251, %dma_wait3A_301, %dma_wait3A_302] : memref<2x128x128xf32, #tpu.memory_space<vmem>> -> memref<1x128x128xf32, #tpu.memory_space<vmem>>
          %dma_wait3A_304 = tpu.memref_squeeze %dma_wait3A_303 : memref<1x128x128xf32, #tpu.memory_space<vmem>> -> memref<128x128xf32, #tpu.memory_space<vmem>>
          %dma_wait3A_305 = arith.constant 0 : i32
          %dma_wait3A_306 = tpu.memref_slice %arg5[%run_scoped3A_252, %run_scoped3A_253, %dma_wait3A_305] : memref<4x2x128xi32, #tpu.memory_space<vmem>> -> memref<1x1x128xi32, #tpu.memory_space<vmem>>
          %dma_wait3A_307 = tpu.memref_squeeze %dma_wait3A_306 : memref<1x1x128xi32, #tpu.memory_space<vmem>> -> memref<128xi32, #tpu.memory_space<vmem>>
          %dma_wait3A_308 = arith.constant 0 : i32
          %dma_wait3A_309 = arith.constant 0 : i32
          %dma_wait3A_310 = tpu.memref_slice %arg7[%dma_wait3A_308, %dma_wait3A_309] : memref<10240x128xf32, #tpu.memory_space<vmem_shared>> -> memref<10240x128xf32, #tpu.memory_space<vmem_shared>>
          tpu.wait_indirect_dma semaphore(%run_scoped3A_290 : memref<!tpu.dma_semaphore, #tpu.memory_space<semaphore_mem>>) src(%dma_wait3A_304 : memref<128x128xf32, #tpu.memory_space<vmem>>) dst(%dma_wait3A_310 : memref<10240x128xf32, #tpu.memory_space<vmem_shared>>)
          tpu.yield
        }) : () -> ()
        %mul3A_254 = arith.constant 4 : i32
        %mul3A_255 = arith.muli %mul3A_254, %scan3A_146 : i32
        %add3A_256 = arith.constant 3 : i32
        %add3A_257 = arith.addi %mul3A_255, %add3A_256 : i32
        %add3A_258 = arith.constant 0 : i32
        %add3A_259 = arith.addi %add3A_258, %add3A_257 : i32
        %add3A_260 = arith.constant 2 : i32
        %add3A_261 = arith.addi %add3A_257, %add3A_260 : i32
        %lt3A_262 = arith.constant 80 : i32
        %lt3A_263 = arith.cmpi slt, %add3A_261, %lt3A_262 : i32
        %convert_element_type3A_264 = arith.extui %lt3A_263 : i1 to i32
        %cond3A_265 = arith.constant 0 : i32
        %cond3A_266 = arith.cmpi ne, %convert_element_type3A_264, %cond3A_265 : i32
        scf.if %cond3A_266 {
          %add3A_290 = arith.constant 2 : i32
          %add3A_291 = arith.addi %add3A_259, %add3A_290 : i32
          %dma_start3A_292 = arith.constant 1 : i32
          %dma_start3A_293 = arith.constant 0 : i32
          %dma_start3A_294 = arith.constant 0 : i32
          %dma_start3A_295 = tpu.memref_slice %arg5[%dma_start3A_292, %dma_start3A_293, %dma_start3A_294] : memref<4x2x128xi32, #tpu.memory_space<vmem>> -> memref<1x2x128xi32, #tpu.memory_space<vmem>>
          %dma_start3A_296 = tpu.memref_squeeze %dma_start3A_295 : memref<1x2x128xi32, #tpu.memory_space<vmem>> -> memref<2x128xi32, #tpu.memory_space<vmem>>
          %dma_start3A_297 = arith.constant 0 : i32
          %dma_start3A_298 = arith.constant 0 : i32
          %dma_start3A_299 = tpu.memref_slice %arg3[%arg1, %add3A_291, %dma_start3A_297, %dma_start3A_298] : memref<16x160x2x128xi32, #tpu.memory_space<hbm>> -> memref<1x1x2x128xi32, #tpu.memory_space<hbm>>
          %dma_start3A_300 = tpu.memref_squeeze %dma_start3A_299 : memref<1x1x2x128xi32, #tpu.memory_space<hbm>> -> memref<2x128xi32, #tpu.memory_space<hbm>>
          %dma_start3A_301 = arith.constant 0 : i32
          %dma_start3A_302 = arith.constant 0 : i32
          %dma_start3A_303 = tpu.memref_slice %arg5[%dma_start3A_292, %dma_start3A_301, %dma_start3A_302] : memref<4x2x128xi32, #tpu.memory_space<vmem>> -> memref<1x2x128xi32, #tpu.memory_space<vmem>>
          %dma_start3A_304 = tpu.memref_squeeze %dma_start3A_303 : memref<1x2x128xi32, #tpu.memory_space<vmem>> -> memref<2x128xi32, #tpu.memory_space<vmem>>
          %dma_start3A_305 = arith.constant 0 : i32
          %dma_start3A_306 = arith.constant 0 : i32
          %dma_start3A_307 = tpu.memref_slice %arg3[%arg1, %add3A_291, %dma_start3A_305, %dma_start3A_306] : memref<16x160x2x128xi32, #tpu.memory_space<hbm>> -> memref<1x1x2x128xi32, #tpu.memory_space<hbm>>
          %dma_start3A_308 = tpu.memref_squeeze %dma_start3A_307 : memref<1x1x2x128xi32, #tpu.memory_space<hbm>> -> memref<2x128xi32, #tpu.memory_space<hbm>>
          tpu.enqueue_dma source(%dma_start3A_308 : memref<2x128xi32, #tpu.memory_space<hbm>>) target(%dma_start3A_304 : memref<2x128xi32, #tpu.memory_space<vmem>>) target_semaphore(%arg9 : memref<!tpu.dma_semaphore, #tpu.memory_space<semaphore_mem>>)
        } else {
        }
        %add3A_267 = arith.constant 1 : i32
        %add3A_268 = arith.addi %add3A_257, %add3A_267 : i32
        %lt3A_269 = arith.constant 80 : i32
        %lt3A_270 = arith.cmpi slt, %add3A_268, %lt3A_269 : i32
        %convert_element_type3A_271 = arith.extui %lt3A_270 : i1 to i32
        %cond3A_272 = arith.constant 0 : i32
        %cond3A_273 = arith.cmpi ne, %convert_element_type3A_271, %cond3A_272 : i32
        scf.if %cond3A_273 {
          %add3A_290 = arith.constant 1 : i32
          %add3A_291 = arith.addi %add3A_259, %add3A_290 : i32
          %dma_wait3A_292 = arith.constant 0 : i32
          %dma_wait3A_293 = arith.constant 0 : i32
          %dma_wait3A_294 = arith.constant 0 : i32
          %dma_wait3A_295 = tpu.memref_slice %arg5[%dma_wait3A_292, %dma_wait3A_293, %dma_wait3A_294] : memref<4x2x128xi32, #tpu.memory_space<vmem>> -> memref<1x2x128xi32, #tpu.memory_space<vmem>>
          %dma_wait3A_296 = tpu.memref_squeeze %dma_wait3A_295 : memref<1x2x128xi32, #tpu.memory_space<vmem>> -> memref<2x128xi32, #tpu.memory_space<vmem>>
          %dma_wait3A_297 = arith.constant 0 : i32
          %dma_wait3A_298 = arith.constant 0 : i32
          %dma_wait3A_299 = tpu.memref_slice %arg3[%arg1, %add3A_291, %dma_wait3A_297, %dma_wait3A_298] : memref<16x160x2x128xi32, #tpu.memory_space<hbm>> -> memref<1x1x2x128xi32, #tpu.memory_space<hbm>>
          %dma_wait3A_300 = tpu.memref_squeeze %dma_wait3A_299 : memref<1x1x2x128xi32, #tpu.memory_space<hbm>> -> memref<2x128xi32, #tpu.memory_space<hbm>>
          %dma_wait3A_301 = arith.constant 0 : i32
          %dma_wait3A_302 = arith.constant 0 : i32
          %dma_wait3A_303 = tpu.memref_slice %arg5[%dma_wait3A_292, %dma_wait3A_301, %dma_wait3A_302] : memref<4x2x128xi32, #tpu.memory_space<vmem>> -> memref<1x2x128xi32, #tpu.memory_space<vmem>>
          %dma_wait3A_304 = tpu.memref_squeeze %dma_wait3A_303 : memref<1x2x128xi32, #tpu.memory_space<vmem>> -> memref<2x128xi32, #tpu.memory_space<vmem>>
          %dma_wait3A_305 = arith.constant 0 : i32
          %dma_wait3A_306 = arith.constant 0 : i32
          %dma_wait3A_307 = tpu.memref_slice %arg3[%arg1, %add3A_291, %dma_wait3A_305, %dma_wait3A_306] : memref<16x160x2x128xi32, #tpu.memory_space<hbm>> -> memref<1x1x2x128xi32, #tpu.memory_space<hbm>>
          %dma_wait3A_308 = tpu.memref_squeeze %dma_wait3A_307 : memref<1x1x2x128xi32, #tpu.memory_space<hbm>> -> memref<2x128xi32, #tpu.memory_space<hbm>>
          tpu.wait_dma2 semaphore(%arg8 : memref<!tpu.dma_semaphore, #tpu.memory_space<semaphore_mem>>) src(%dma_wait3A_308 : memref<2x128xi32, #tpu.memory_space<hbm>>) dst(%dma_wait3A_304 : memref<2x128xi32, #tpu.memory_space<vmem>>)
          %dma_start3A_309 = arith.constant 0 : i32
          %dma_start3A_310 = arith.constant 0 : i32
          %dma_start3A_311 = arith.constant 0 : i32
          %dma_start3A_312 = arith.constant 0 : i32
          %dma_start3A_313 = arith.constant 0 : i32
          %dma_start3A_314 = tpu.memref_slice %arg6[%dma_start3A_311, %dma_start3A_312, %dma_start3A_313] : memref<2x128x128xf32, #tpu.memory_space<vmem>> -> memref<1x128x128xf32, #tpu.memory_space<vmem>>
          %dma_start3A_315 = tpu.memref_squeeze %dma_start3A_314 : memref<1x128x128xf32, #tpu.memory_space<vmem>> -> memref<128x128xf32, #tpu.memory_space<vmem>>
          %dma_start3A_316 = arith.constant 0 : i32
          %dma_start3A_317 = tpu.memref_slice %arg5[%dma_start3A_309, %dma_start3A_310, %dma_start3A_316] : memref<4x2x128xi32, #tpu.memory_space<vmem>> -> memref<1x1x128xi32, #tpu.memory_space<vmem>>
          %dma_start3A_318 = tpu.memref_squeeze %dma_start3A_317 : memref<1x1x128xi32, #tpu.memory_space<vmem>> -> memref<128xi32, #tpu.memory_space<vmem>>
          %dma_start3A_319 = arith.constant 0 : i32
          %dma_start3A_320 = arith.constant 0 : i32
          %dma_start3A_321 = tpu.memref_slice %arg2[%dma_start3A_319, %dma_start3A_320] : memref<10000x128xf32, #tpu.memory_space<hbm>> -> memref<10000x128xf32, #tpu.memory_space<hbm>>
          tpu.enqueue_indirect_dma source(%dma_start3A_321 : memref<10000x128xf32, #tpu.memory_space<hbm>>) target(%dma_start3A_315 : memref<128x128xf32, #tpu.memory_space<vmem>>) offsets(%dma_start3A_318 : memref<128xi32, #tpu.memory_space<vmem>>) semaphore(%arg12 : memref<!tpu.dma_semaphore, #tpu.memory_space<semaphore_mem>>)
        } else {
        }
        %dma_wait3A_274 = arith.constant 3 : i32
        %dma_wait3A_275 = arith.constant 0 : i32
        %dma_wait3A_276 = arith.constant 1 : i32
        %dma_wait3A_277 = arith.constant 0 : i32
        %dma_wait3A_278 = arith.constant 0 : i32
        %dma_wait3A_279 = tpu.memref_slice %arg6[%dma_wait3A_276, %dma_wait3A_277, %dma_wait3A_278] : memref<2x128x128xf32, #tpu.memory_space<vmem>> -> memref<1x128x128xf32, #tpu.memory_space<vmem>>
        %dma_wait3A_280 = tpu.memref_squeeze %dma_wait3A_279 : memref<1x128x128xf32, #tpu.memory_space<vmem>> -> memref<128x128xf32, #tpu.memory_space<vmem>>
        %dma_wait3A_281 = arith.constant 0 : i32
        %dma_wait3A_282 = tpu.memref_slice %arg5[%dma_wait3A_274, %dma_wait3A_275, %dma_wait3A_281] : memref<4x2x128xi32, #tpu.memory_space<vmem>> -> memref<1x1x128xi32, #tpu.memory_space<vmem>>
        %dma_wait3A_283 = tpu.memref_squeeze %dma_wait3A_282 : memref<1x1x128xi32, #tpu.memory_space<vmem>> -> memref<128xi32, #tpu.memory_space<vmem>>
        %dma_wait3A_284 = arith.constant 0 : i32
        %dma_wait3A_285 = arith.constant 0 : i32
        %dma_wait3A_286 = tpu.memref_slice %arg2[%dma_wait3A_284, %dma_wait3A_285] : memref<10000x128xf32, #tpu.memory_space<hbm>> -> memref<10000x128xf32, #tpu.memory_space<hbm>>
        tpu.wait_indirect_dma semaphore(%arg13 : memref<!tpu.dma_semaphore, #tpu.memory_space<semaphore_mem>>) src(%dma_wait3A_286 : memref<10000x128xf32, #tpu.memory_space<hbm>>) dst(%dma_wait3A_280 : memref<128x128xf32, #tpu.memory_space<vmem>>)
        %run_scoped3A_287 = arith.constant 1 : i32
        %run_scoped3A_288 = arith.constant 3 : i32
        %run_scoped3A_289 = arith.constant 1 : i32
        "tpu.region"() ({
          %run_scoped3A_290 = tpu.sem_alloc : memref<!tpu.dma_semaphore, #tpu.memory_space<semaphore_mem>>
          %dma_start3A_291 = arith.constant 0 : i32
          %dma_start3A_292 = arith.constant 0 : i32
          %dma_start3A_293 = tpu.memref_slice %arg6[%run_scoped3A_287, %dma_start3A_291, %dma_start3A_292] : memref<2x128x128xf32, #tpu.memory_space<vmem>> -> memref<1x128x128xf32, #tpu.memory_space<vmem>>
          %dma_start3A_294 = tpu.memref_squeeze %dma_start3A_293 : memref<1x128x128xf32, #tpu.memory_space<vmem>> -> memref<128x128xf32, #tpu.memory_space<vmem>>
          %dma_start3A_295 = arith.constant 0 : i32
          %dma_start3A_296 = tpu.memref_slice %arg5[%run_scoped3A_288, %run_scoped3A_289, %dma_start3A_295] : memref<4x2x128xi32, #tpu.memory_space<vmem>> -> memref<1x1x128xi32, #tpu.memory_space<vmem>>
          %dma_start3A_297 = tpu.memref_squeeze %dma_start3A_296 : memref<1x1x128xi32, #tpu.memory_space<vmem>> -> memref<128xi32, #tpu.memory_space<vmem>>
          %dma_start3A_298 = arith.constant 0 : i32
          %dma_start3A_299 = arith.constant 0 : i32
          %dma_start3A_300 = tpu.memref_slice %arg7[%dma_start3A_298, %dma_start3A_299] : memref<10240x128xf32, #tpu.memory_space<vmem_shared>> -> memref<10240x128xf32, #tpu.memory_space<vmem_shared>>
          tpu.enqueue_indirect_dma source(%dma_start3A_294 : memref<128x128xf32, #tpu.memory_space<vmem>>) target(%dma_start3A_300 : memref<10240x128xf32, #tpu.memory_space<vmem_shared>>) offsets(%dma_start3A_297 : memref<128xi32, #tpu.memory_space<vmem>>) semaphore(%run_scoped3A_290 : memref<!tpu.dma_semaphore, #tpu.memory_space<semaphore_mem>>) {add = true}
          %dma_wait3A_301 = arith.constant 0 : i32
          %dma_wait3A_302 = arith.constant 0 : i32
          %dma_wait3A_303 = tpu.memref_slice %arg6[%run_scoped3A_287, %dma_wait3A_301, %dma_wait3A_302] : memref<2x128x128xf32, #tpu.memory_space<vmem>> -> memref<1x128x128xf32, #tpu.memory_space<vmem>>
          %dma_wait3A_304 = tpu.memref_squeeze %dma_wait3A_303 : memref<1x128x128xf32, #tpu.memory_space<vmem>> -> memref<128x128xf32, #tpu.memory_space<vmem>>
          %dma_wait3A_305 = arith.constant 0 : i32
          %dma_wait3A_306 = tpu.memref_slice %arg5[%run_scoped3A_288, %run_scoped3A_289, %dma_wait3A_305] : memref<4x2x128xi32, #tpu.memory_space<vmem>> -> memref<1x1x128xi32, #tpu.memory_space<vmem>>
          %dma_wait3A_307 = tpu.memref_squeeze %dma_wait3A_306 : memref<1x1x128xi32, #tpu.memory_space<vmem>> -> memref<128xi32, #tpu.memory_space<vmem>>
          %dma_wait3A_308 = arith.constant 0 : i32
          %dma_wait3A_309 = arith.constant 0 : i32
          %dma_wait3A_310 = tpu.memref_slice %arg7[%dma_wait3A_308, %dma_wait3A_309] : memref<10240x128xf32, #tpu.memory_space<vmem_shared>> -> memref<10240x128xf32, #tpu.memory_space<vmem_shared>>
          tpu.wait_indirect_dma semaphore(%run_scoped3A_290 : memref<!tpu.dma_semaphore, #tpu.memory_space<semaphore_mem>>) src(%dma_wait3A_304 : memref<128x128xf32, #tpu.memory_space<vmem>>) dst(%dma_wait3A_310 : memref<10240x128xf32, #tpu.memory_space<vmem_shared>>)
          tpu.yield
        }) : () -> ()
      }
      %scan3A_145 = arith.constant 20 : i32
    } else {
    }
    %eq3A_29 = arith.constant 1 : i32
    %eq3A_30 = arith.cmpi eq, %arg0, %eq3A_29 : i32
    %convert_element_type3A_31 = arith.extui %eq3A_30 : i1 to i32
    %cond3A_32 = arith.constant 0 : i32
    %cond3A_33 = arith.cmpi ne, %convert_element_type3A_31, %cond3A_32 : i32
    scf.if %cond3A_33 {
      %dma_start3A = arith.constant 80 : i32
      %dma_start3A_75 = arith.constant 0 : i32
      %dma_start3A_76 = arith.constant 0 : i32
      %dma_start3A_77 = arith.constant 0 : i32
      %dma_start3A_78 = tpu.memref_slice %arg5[%dma_start3A_75, %dma_start3A_76, %dma_start3A_77] : memref<4x2x128xi32, #tpu.memory_space<vmem>> -> memref<1x2x128xi32, #tpu.memory_space<vmem>>
      %dma_start3A_79 = tpu.memref_squeeze %dma_start3A_78 : memref<1x2x128xi32, #tpu.memory_space<vmem>> -> memref<2x128xi32, #tpu.memory_space<vmem>>
      %dma_start3A_80 = arith.constant 0 : i32
      %dma_start3A_81 = arith.constant 0 : i32
      %dma_start3A_82 = tpu.memref_slice %arg3[%arg1, %dma_start3A, %dma_start3A_80, %dma_start3A_81] : memref<16x160x2x128xi32, #tpu.memory_space<hbm>> -> memref<1x1x2x128xi32, #tpu.memory_space<hbm>>
      %dma_start3A_83 = tpu.memref_squeeze %dma_start3A_82 : memref<1x1x2x128xi32, #tpu.memory_space<hbm>> -> memref<2x128xi32, #tpu.memory_space<hbm>>
      %dma_start3A_84 = arith.constant 0 : i32
      %dma_start3A_85 = arith.constant 0 : i32
      %dma_start3A_86 = tpu.memref_slice %arg5[%dma_start3A_75, %dma_start3A_84, %dma_start3A_85] : memref<4x2x128xi32, #tpu.memory_space<vmem>> -> memref<1x2x128xi32, #tpu.memory_space<vmem>>
      %dma_start3A_87 = tpu.memref_squeeze %dma_start3A_86 : memref<1x2x128xi32, #tpu.memory_space<vmem>> -> memref<2x128xi32, #tpu.memory_space<vmem>>
      %dma_start3A_88 = arith.constant 0 : i32
      %dma_start3A_89 = arith.constant 0 : i32
      %dma_start3A_90 = tpu.memref_slice %arg3[%arg1, %dma_start3A, %dma_start3A_88, %dma_start3A_89] : memref<16x160x2x128xi32, #tpu.memory_space<hbm>> -> memref<1x1x2x128xi32, #tpu.memory_space<hbm>>
      %dma_start3A_91 = tpu.memref_squeeze %dma_start3A_90 : memref<1x1x2x128xi32, #tpu.memory_space<hbm>> -> memref<2x128xi32, #tpu.memory_space<hbm>>
      tpu.enqueue_dma source(%dma_start3A_91 : memref<2x128xi32, #tpu.memory_space<hbm>>) target(%dma_start3A_87 : memref<2x128xi32, #tpu.memory_space<vmem>>) target_semaphore(%arg8 : memref<!tpu.dma_semaphore, #tpu.memory_space<semaphore_mem>>)
      %dma_start3A_92 = arith.constant 81 : i32
      %dma_start3A_93 = arith.constant 1 : i32
      %dma_start3A_94 = arith.constant 0 : i32
      %dma_start3A_95 = arith.constant 0 : i32
      %dma_start3A_96 = tpu.memref_slice %arg5[%dma_start3A_93, %dma_start3A_94, %dma_start3A_95] : memref<4x2x128xi32, #tpu.memory_space<vmem>> -> memref<1x2x128xi32, #tpu.memory_space<vmem>>
      %dma_start3A_97 = tpu.memref_squeeze %dma_start3A_96 : memref<1x2x128xi32, #tpu.memory_space<vmem>> -> memref<2x128xi32, #tpu.memory_space<vmem>>
      %dma_start3A_98 = arith.constant 0 : i32
      %dma_start3A_99 = arith.constant 0 : i32
      %dma_start3A_100 = tpu.memref_slice %arg3[%arg1, %dma_start3A_92, %dma_start3A_98, %dma_start3A_99] : memref<16x160x2x128xi32, #tpu.memory_space<hbm>> -> memref<1x1x2x128xi32, #tpu.memory_space<hbm>>
      %dma_start3A_101 = tpu.memref_squeeze %dma_start3A_100 : memref<1x1x2x128xi32, #tpu.memory_space<hbm>> -> memref<2x128xi32, #tpu.memory_space<hbm>>
      %dma_start3A_102 = arith.constant 0 : i32
      %dma_start3A_103 = arith.constant 0 : i32
      %dma_start3A_104 = tpu.memref_slice %arg5[%dma_start3A_93, %dma_start3A_102, %dma_start3A_103] : memref<4x2x128xi32, #tpu.memory_space<vmem>> -> memref<1x2x128xi32, #tpu.memory_space<vmem>>
      %dma_start3A_105 = tpu.memref_squeeze %dma_start3A_104 : memref<1x2x128xi32, #tpu.memory_space<vmem>> -> memref<2x128xi32, #tpu.memory_space<vmem>>
      %dma_start3A_106 = arith.constant 0 : i32
      %dma_start3A_107 = arith.constant 0 : i32
      %dma_start3A_108 = tpu.memref_slice %arg3[%arg1, %dma_start3A_92, %dma_start3A_106, %dma_start3A_107] : memref<16x160x2x128xi32, #tpu.memory_space<hbm>> -> memref<1x1x2x128xi32, #tpu.memory_space<hbm>>
      %dma_start3A_109 = tpu.memref_squeeze %dma_start3A_108 : memref<1x1x2x128xi32, #tpu.memory_space<hbm>> -> memref<2x128xi32, #tpu.memory_space<hbm>>
      tpu.enqueue_dma source(%dma_start3A_109 : memref<2x128xi32, #tpu.memory_space<hbm>>) target(%dma_start3A_105 : memref<2x128xi32, #tpu.memory_space<vmem>>) target_semaphore(%arg9 : memref<!tpu.dma_semaphore, #tpu.memory_space<semaphore_mem>>)
      %dma_wait3A = arith.constant 80 : i32
      %dma_wait3A_110 = arith.constant 0 : i32
      %dma_wait3A_111 = arith.constant 0 : i32
      %dma_wait3A_112 = arith.constant 0 : i32
      %dma_wait3A_113 = tpu.memref_slice %arg5[%dma_wait3A_110, %dma_wait3A_111, %dma_wait3A_112] : memref<4x2x128xi32, #tpu.memory_space<vmem>> -> memref<1x2x128xi32, #tpu.memory_space<vmem>>
      %dma_wait3A_114 = tpu.memref_squeeze %dma_wait3A_113 : memref<1x2x128xi32, #tpu.memory_space<vmem>> -> memref<2x128xi32, #tpu.memory_space<vmem>>
      %dma_wait3A_115 = arith.constant 0 : i32
      %dma_wait3A_116 = arith.constant 0 : i32
      %dma_wait3A_117 = tpu.memref_slice %arg3[%arg1, %dma_wait3A, %dma_wait3A_115, %dma_wait3A_116] : memref<16x160x2x128xi32, #tpu.memory_space<hbm>> -> memref<1x1x2x128xi32, #tpu.memory_space<hbm>>
      %dma_wait3A_118 = tpu.memref_squeeze %dma_wait3A_117 : memref<1x1x2x128xi32, #tpu.memory_space<hbm>> -> memref<2x128xi32, #tpu.memory_space<hbm>>
      %dma_wait3A_119 = arith.constant 0 : i32
      %dma_wait3A_120 = arith.constant 0 : i32
      %dma_wait3A_121 = tpu.memref_slice %arg5[%dma_wait3A_110, %dma_wait3A_119, %dma_wait3A_120] : memref<4x2x128xi32, #tpu.memory_space<vmem>> -> memref<1x2x128xi32, #tpu.memory_space<vmem>>
      %dma_wait3A_122 = tpu.memref_squeeze %dma_wait3A_121 : memref<1x2x128xi32, #tpu.memory_space<vmem>> -> memref<2x128xi32, #tpu.memory_space<vmem>>
      %dma_wait3A_123 = arith.constant 0 : i32
      %dma_wait3A_124 = arith.constant 0 : i32
      %dma_wait3A_125 = tpu.memref_slice %arg3[%arg1, %dma_wait3A, %dma_wait3A_123, %dma_wait3A_124] : memref<16x160x2x128xi32, #tpu.memory_space<hbm>> -> memref<1x1x2x128xi32, #tpu.memory_space<hbm>>
      %dma_wait3A_126 = tpu.memref_squeeze %dma_wait3A_125 : memref<1x1x2x128xi32, #tpu.memory_space<hbm>> -> memref<2x128xi32, #tpu.memory_space<hbm>>
      tpu.wait_dma2 semaphore(%arg8 : memref<!tpu.dma_semaphore, #tpu.memory_space<semaphore_mem>>) src(%dma_wait3A_126 : memref<2x128xi32, #tpu.memory_space<hbm>>) dst(%dma_wait3A_122 : memref<2x128xi32, #tpu.memory_space<vmem>>)
      %dma_start3A_127 = arith.constant 0 : i32
      %dma_start3A_128 = arith.constant 0 : i32
      %dma_start3A_129 = arith.constant 0 : i32
      %dma_start3A_130 = arith.constant 0 : i32
      %dma_start3A_131 = arith.constant 0 : i32
      %dma_start3A_132 = tpu.memref_slice %arg6[%dma_start3A_129, %dma_start3A_130, %dma_start3A_131] : memref<2x128x128xf32, #tpu.memory_space<vmem>> -> memref<1x128x128xf32, #tpu.memory_space<vmem>>
      %dma_start3A_133 = tpu.memref_squeeze %dma_start3A_132 : memref<1x128x128xf32, #tpu.memory_space<vmem>> -> memref<128x128xf32, #tpu.memory_space<vmem>>
      %dma_start3A_134 = arith.constant 0 : i32
      %dma_start3A_135 = tpu.memref_slice %arg5[%dma_start3A_127, %dma_start3A_128, %dma_start3A_134] : memref<4x2x128xi32, #tpu.memory_space<vmem>> -> memref<1x1x128xi32, #tpu.memory_space<vmem>>
      %dma_start3A_136 = tpu.memref_squeeze %dma_start3A_135 : memref<1x1x128xi32, #tpu.memory_space<vmem>> -> memref<128xi32, #tpu.memory_space<vmem>>
      %dma_start3A_137 = arith.constant 0 : i32
      %dma_start3A_138 = arith.constant 0 : i32
      %dma_start3A_139 = tpu.memref_slice %arg2[%dma_start3A_137, %dma_start3A_138] : memref<10000x128xf32, #tpu.memory_space<hbm>> -> memref<10000x128xf32, #tpu.memory_space<hbm>>
      tpu.enqueue_indirect_dma source(%dma_start3A_139 : memref<10000x128xf32, #tpu.memory_space<hbm>>) target(%dma_start3A_133 : memref<128x128xf32, #tpu.memory_space<vmem>>) offsets(%dma_start3A_136 : memref<128xi32, #tpu.memory_space<vmem>>) semaphore(%arg12 : memref<!tpu.dma_semaphore, #tpu.memory_space<semaphore_mem>>)
      %scan3A_140 = arith.constant 0 : i32
      %scan3A_141 = arith.constant 0 : i32
      %scan3A_142 = arith.constant 20 : i32
      %scan3A_143 = arith.addi %scan3A_141, %scan3A_142 : i32
      %scan3A_144 = arith.constant 1 : i32
      scf.for %scan3A_146 = %scan3A_141 to %scan3A_143 step %scan3A_144  : i32 {
        %mul3A_147 = arith.constant 4 : i32
        %mul3A_148 = arith.muli %mul3A_147, %scan3A_146 : i32
        %add3A_149 = arith.constant 0 : i32
        %add3A_150 = arith.addi %mul3A_148, %add3A_149 : i32
        %add3A_151 = arith.constant 80 : i32
        %add3A_152 = arith.addi %add3A_151, %add3A_150 : i32
        %add3A_153 = arith.constant 2 : i32
        %add3A_154 = arith.addi %add3A_150, %add3A_153 : i32
        %lt3A = arith.constant 80 : i32
        %lt3A_155 = arith.cmpi slt, %add3A_154, %lt3A : i32
        %convert_element_type3A_156 = arith.extui %lt3A_155 : i1 to i32
        %cond3A_157 = arith.constant 0 : i32
        %cond3A_158 = arith.cmpi ne, %convert_element_type3A_156, %cond3A_157 : i32
        scf.if %cond3A_158 {
          %add3A_290 = arith.constant 2 : i32
          %add3A_291 = arith.addi %add3A_152, %add3A_290 : i32
          %dma_start3A_292 = arith.constant 2 : i32
          %dma_start3A_293 = arith.constant 0 : i32
          %dma_start3A_294 = arith.constant 0 : i32
          %dma_start3A_295 = tpu.memref_slice %arg5[%dma_start3A_292, %dma_start3A_293, %dma_start3A_294] : memref<4x2x128xi32, #tpu.memory_space<vmem>> -> memref<1x2x128xi32, #tpu.memory_space<vmem>>
          %dma_start3A_296 = tpu.memref_squeeze %dma_start3A_295 : memref<1x2x128xi32, #tpu.memory_space<vmem>> -> memref<2x128xi32, #tpu.memory_space<vmem>>
          %dma_start3A_297 = arith.constant 0 : i32
          %dma_start3A_298 = arith.constant 0 : i32
          %dma_start3A_299 = tpu.memref_slice %arg3[%arg1, %add3A_291, %dma_start3A_297, %dma_start3A_298] : memref<16x160x2x128xi32, #tpu.memory_space<hbm>> -> memref<1x1x2x128xi32, #tpu.memory_space<hbm>>
          %dma_start3A_300 = tpu.memref_squeeze %dma_start3A_299 : memref<1x1x2x128xi32, #tpu.memory_space<hbm>> -> memref<2x128xi32, #tpu.memory_space<hbm>>
          %dma_start3A_301 = arith.constant 0 : i32
          %dma_start3A_302 = arith.constant 0 : i32
          %dma_start3A_303 = tpu.memref_slice %arg5[%dma_start3A_292, %dma_start3A_301, %dma_start3A_302] : memref<4x2x128xi32, #tpu.memory_space<vmem>> -> memref<1x2x128xi32, #tpu.memory_space<vmem>>
          %dma_start3A_304 = tpu.memref_squeeze %dma_start3A_303 : memref<1x2x128xi32, #tpu.memory_space<vmem>> -> memref<2x128xi32, #tpu.memory_space<vmem>>
          %dma_start3A_305 = arith.constant 0 : i32
          %dma_start3A_306 = arith.constant 0 : i32
          %dma_start3A_307 = tpu.memref_slice %arg3[%arg1, %add3A_291, %dma_start3A_305, %dma_start3A_306] : memref<16x160x2x128xi32, #tpu.memory_space<hbm>> -> memref<1x1x2x128xi32, #tpu.memory_space<hbm>>
          %dma_start3A_308 = tpu.memref_squeeze %dma_start3A_307 : memref<1x1x2x128xi32, #tpu.memory_space<hbm>> -> memref<2x128xi32, #tpu.memory_space<hbm>>
          tpu.enqueue_dma source(%dma_start3A_308 : memref<2x128xi32, #tpu.memory_space<hbm>>) target(%dma_start3A_304 : memref<2x128xi32, #tpu.memory_space<vmem>>) target_semaphore(%arg10 : memref<!tpu.dma_semaphore, #tpu.memory_space<semaphore_mem>>)
        } else {
        }
        %add3A_159 = arith.constant 1 : i32
        %add3A_160 = arith.addi %add3A_150, %add3A_159 : i32
        %lt3A_161 = arith.constant 80 : i32
        %lt3A_162 = arith.cmpi slt, %add3A_160, %lt3A_161 : i32
        %convert_element_type3A_163 = arith.extui %lt3A_162 : i1 to i32
        %cond3A_164 = arith.constant 0 : i32
        %cond3A_165 = arith.cmpi ne, %convert_element_type3A_163, %cond3A_164 : i32
        scf.if %cond3A_165 {
          %add3A_290 = arith.constant 1 : i32
          %add3A_291 = arith.addi %add3A_152, %add3A_290 : i32
          %dma_wait3A_292 = arith.constant 1 : i32
          %dma_wait3A_293 = arith.constant 0 : i32
          %dma_wait3A_294 = arith.constant 0 : i32
          %dma_wait3A_295 = tpu.memref_slice %arg5[%dma_wait3A_292, %dma_wait3A_293, %dma_wait3A_294] : memref<4x2x128xi32, #tpu.memory_space<vmem>> -> memref<1x2x128xi32, #tpu.memory_space<vmem>>
          %dma_wait3A_296 = tpu.memref_squeeze %dma_wait3A_295 : memref<1x2x128xi32, #tpu.memory_space<vmem>> -> memref<2x128xi32, #tpu.memory_space<vmem>>
          %dma_wait3A_297 = arith.constant 0 : i32
          %dma_wait3A_298 = arith.constant 0 : i32
          %dma_wait3A_299 = tpu.memref_slice %arg3[%arg1, %add3A_291, %dma_wait3A_297, %dma_wait3A_298] : memref<16x160x2x128xi32, #tpu.memory_space<hbm>> -> memref<1x1x2x128xi32, #tpu.memory_space<hbm>>
          %dma_wait3A_300 = tpu.memref_squeeze %dma_wait3A_299 : memref<1x1x2x128xi32, #tpu.memory_space<hbm>> -> memref<2x128xi32, #tpu.memory_space<hbm>>
          %dma_wait3A_301 = arith.constant 0 : i32
          %dma_wait3A_302 = arith.constant 0 : i32
          %dma_wait3A_303 = tpu.memref_slice %arg5[%dma_wait3A_292, %dma_wait3A_301, %dma_wait3A_302] : memref<4x2x128xi32, #tpu.memory_space<vmem>> -> memref<1x2x128xi32, #tpu.memory_space<vmem>>
          %dma_wait3A_304 = tpu.memref_squeeze %dma_wait3A_303 : memref<1x2x128xi32, #tpu.memory_space<vmem>> -> memref<2x128xi32, #tpu.memory_space<vmem>>
          %dma_wait3A_305 = arith.constant 0 : i32
          %dma_wait3A_306 = arith.constant 0 : i32
          %dma_wait3A_307 = tpu.memref_slice %arg3[%arg1, %add3A_291, %dma_wait3A_305, %dma_wait3A_306] : memref<16x160x2x128xi32, #tpu.memory_space<hbm>> -> memref<1x1x2x128xi32, #tpu.memory_space<hbm>>
          %dma_wait3A_308 = tpu.memref_squeeze %dma_wait3A_307 : memref<1x1x2x128xi32, #tpu.memory_space<hbm>> -> memref<2x128xi32, #tpu.memory_space<hbm>>
          tpu.wait_dma2 semaphore(%arg9 : memref<!tpu.dma_semaphore, #tpu.memory_space<semaphore_mem>>) src(%dma_wait3A_308 : memref<2x128xi32, #tpu.memory_space<hbm>>) dst(%dma_wait3A_304 : memref<2x128xi32, #tpu.memory_space<vmem>>)
          %dma_start3A_309 = arith.constant 1 : i32
          %dma_start3A_310 = arith.constant 0 : i32
          %dma_start3A_311 = arith.constant 1 : i32
          %dma_start3A_312 = arith.constant 0 : i32
          %dma_start3A_313 = arith.constant 0 : i32
          %dma_start3A_314 = tpu.memref_slice %arg6[%dma_start3A_311, %dma_start3A_312, %dma_start3A_313] : memref<2x128x128xf32, #tpu.memory_space<vmem>> -> memref<1x128x128xf32, #tpu.memory_space<vmem>>
          %dma_start3A_315 = tpu.memref_squeeze %dma_start3A_314 : memref<1x128x128xf32, #tpu.memory_space<vmem>> -> memref<128x128xf32, #tpu.memory_space<vmem>>
          %dma_start3A_316 = arith.constant 0 : i32
          %dma_start3A_317 = tpu.memref_slice %arg5[%dma_start3A_309, %dma_start3A_310, %dma_start3A_316] : memref<4x2x128xi32, #tpu.memory_space<vmem>> -> memref<1x1x128xi32, #tpu.memory_space<vmem>>
          %dma_start3A_318 = tpu.memref_squeeze %dma_start3A_317 : memref<1x1x128xi32, #tpu.memory_space<vmem>> -> memref<128xi32, #tpu.memory_space<vmem>>
          %dma_start3A_319 = arith.constant 0 : i32
          %dma_start3A_320 = arith.constant 0 : i32
          %dma_start3A_321 = tpu.memref_slice %arg2[%dma_start3A_319, %dma_start3A_320] : memref<10000x128xf32, #tpu.memory_space<hbm>> -> memref<10000x128xf32, #tpu.memory_space<hbm>>
          tpu.enqueue_indirect_dma source(%dma_start3A_321 : memref<10000x128xf32, #tpu.memory_space<hbm>>) target(%dma_start3A_315 : memref<128x128xf32, #tpu.memory_space<vmem>>) offsets(%dma_start3A_318 : memref<128xi32, #tpu.memory_space<vmem>>) semaphore(%arg13 : memref<!tpu.dma_semaphore, #tpu.memory_space<semaphore_mem>>)
        } else {
        }
        %dma_wait3A_166 = arith.constant 0 : i32
        %dma_wait3A_167 = arith.constant 0 : i32
        %dma_wait3A_168 = arith.constant 0 : i32
        %dma_wait3A_169 = arith.constant 0 : i32
        %dma_wait3A_170 = arith.constant 0 : i32
        %dma_wait3A_171 = tpu.memref_slice %arg6[%dma_wait3A_168, %dma_wait3A_169, %dma_wait3A_170] : memref<2x128x128xf32, #tpu.memory_space<vmem>> -> memref<1x128x128xf32, #tpu.memory_space<vmem>>
        %dma_wait3A_172 = tpu.memref_squeeze %dma_wait3A_171 : memref<1x128x128xf32, #tpu.memory_space<vmem>> -> memref<128x128xf32, #tpu.memory_space<vmem>>
        %dma_wait3A_173 = arith.constant 0 : i32
        %dma_wait3A_174 = tpu.memref_slice %arg5[%dma_wait3A_166, %dma_wait3A_167, %dma_wait3A_173] : memref<4x2x128xi32, #tpu.memory_space<vmem>> -> memref<1x1x128xi32, #tpu.memory_space<vmem>>
        %dma_wait3A_175 = tpu.memref_squeeze %dma_wait3A_174 : memref<1x1x128xi32, #tpu.memory_space<vmem>> -> memref<128xi32, #tpu.memory_space<vmem>>
        %dma_wait3A_176 = arith.constant 0 : i32
        %dma_wait3A_177 = arith.constant 0 : i32
        %dma_wait3A_178 = tpu.memref_slice %arg2[%dma_wait3A_176, %dma_wait3A_177] : memref<10000x128xf32, #tpu.memory_space<hbm>> -> memref<10000x128xf32, #tpu.memory_space<hbm>>
        tpu.wait_indirect_dma semaphore(%arg12 : memref<!tpu.dma_semaphore, #tpu.memory_space<semaphore_mem>>) src(%dma_wait3A_178 : memref<10000x128xf32, #tpu.memory_space<hbm>>) dst(%dma_wait3A_172 : memref<128x128xf32, #tpu.memory_space<vmem>>)
        %run_scoped3A_179 = arith.constant 0 : i32
        %run_scoped3A_180 = arith.constant 0 : i32
        %run_scoped3A_181 = arith.constant 1 : i32
        "tpu.region"() ({
          %run_scoped3A_290 = tpu.sem_alloc : memref<!tpu.dma_semaphore, #tpu.memory_space<semaphore_mem>>
          %dma_start3A_291 = arith.constant 0 : i32
          %dma_start3A_292 = arith.constant 0 : i32
          %dma_start3A_293 = tpu.memref_slice %arg6[%run_scoped3A_179, %dma_start3A_291, %dma_start3A_292] : memref<2x128x128xf32, #tpu.memory_space<vmem>> -> memref<1x128x128xf32, #tpu.memory_space<vmem>>
          %dma_start3A_294 = tpu.memref_squeeze %dma_start3A_293 : memref<1x128x128xf32, #tpu.memory_space<vmem>> -> memref<128x128xf32, #tpu.memory_space<vmem>>
          %dma_start3A_295 = arith.constant 0 : i32
          %dma_start3A_296 = tpu.memref_slice %arg5[%run_scoped3A_180, %run_scoped3A_181, %dma_start3A_295] : memref<4x2x128xi32, #tpu.memory_space<vmem>> -> memref<1x1x128xi32, #tpu.memory_space<vmem>>
          %dma_start3A_297 = tpu.memref_squeeze %dma_start3A_296 : memref<1x1x128xi32, #tpu.memory_space<vmem>> -> memref<128xi32, #tpu.memory_space<vmem>>
          %dma_start3A_298 = arith.constant 0 : i32
          %dma_start3A_299 = arith.constant 0 : i32
          %dma_start3A_300 = tpu.memref_slice %arg7[%dma_start3A_298, %dma_start3A_299] : memref<10240x128xf32, #tpu.memory_space<vmem_shared>> -> memref<10240x128xf32, #tpu.memory_space<vmem_shared>>
          tpu.enqueue_indirect_dma source(%dma_start3A_294 : memref<128x128xf32, #tpu.memory_space<vmem>>) target(%dma_start3A_300 : memref<10240x128xf32, #tpu.memory_space<vmem_shared>>) offsets(%dma_start3A_297 : memref<128xi32, #tpu.memory_space<vmem>>) semaphore(%run_scoped3A_290 : memref<!tpu.dma_semaphore, #tpu.memory_space<semaphore_mem>>) {add = true}
          %dma_wait3A_301 = arith.constant 0 : i32
          %dma_wait3A_302 = arith.constant 0 : i32
          %dma_wait3A_303 = tpu.memref_slice %arg6[%run_scoped3A_179, %dma_wait3A_301, %dma_wait3A_302] : memref<2x128x128xf32, #tpu.memory_space<vmem>> -> memref<1x128x128xf32, #tpu.memory_space<vmem>>
          %dma_wait3A_304 = tpu.memref_squeeze %dma_wait3A_303 : memref<1x128x128xf32, #tpu.memory_space<vmem>> -> memref<128x128xf32, #tpu.memory_space<vmem>>
          %dma_wait3A_305 = arith.constant 0 : i32
          %dma_wait3A_306 = tpu.memref_slice %arg5[%run_scoped3A_180, %run_scoped3A_181, %dma_wait3A_305] : memref<4x2x128xi32, #tpu.memory_space<vmem>> -> memref<1x1x128xi32, #tpu.memory_space<vmem>>
          %dma_wait3A_307 = tpu.memref_squeeze %dma_wait3A_306 : memref<1x1x128xi32, #tpu.memory_space<vmem>> -> memref<128xi32, #tpu.memory_space<vmem>>
          %dma_wait3A_308 = arith.constant 0 : i32
          %dma_wait3A_309 = arith.constant 0 : i32
          %dma_wait3A_310 = tpu.memref_slice %arg7[%dma_wait3A_308, %dma_wait3A_309] : memref<10240x128xf32, #tpu.memory_space<vmem_shared>> -> memref<10240x128xf32, #tpu.memory_space<vmem_shared>>
          tpu.wait_indirect_dma semaphore(%run_scoped3A_290 : memref<!tpu.dma_semaphore, #tpu.memory_space<semaphore_mem>>) src(%dma_wait3A_304 : memref<128x128xf32, #tpu.memory_space<vmem>>) dst(%dma_wait3A_310 : memref<10240x128xf32, #tpu.memory_space<vmem_shared>>)
          tpu.yield
        }) : () -> ()
        %mul3A_182 = arith.constant 4 : i32
        %mul3A_183 = arith.muli %mul3A_182, %scan3A_146 : i32
        %add3A_184 = arith.constant 1 : i32
        %add3A_185 = arith.addi %mul3A_183, %add3A_184 : i32
        %add3A_186 = arith.constant 80 : i32
        %add3A_187 = arith.addi %add3A_186, %add3A_185 : i32
        %add3A_188 = arith.constant 2 : i32
        %add3A_189 = arith.addi %add3A_185, %add3A_188 : i32
        %lt3A_190 = arith.constant 80 : i32
        %lt3A_191 = arith.cmpi slt, %add3A_189, %lt3A_190 : i32
        %convert_element_type3A_192 = arith.extui %lt3A_191 : i1 to i32
        %cond3A_193 = arith.constant 0 : i32
        %cond3A_194 = arith.cmpi ne, %convert_element_type3A_192, %cond3A_193 : i32
        scf.if %cond3A_194 {
          %add3A_290 = arith.constant 2 : i32
          %add3A_291 = arith.addi %add3A_187, %add3A_290 : i32
          %dma_start3A_292 = arith.constant 3 : i32
          %dma_start3A_293 = arith.constant 0 : i32
          %dma_start3A_294 = arith.constant 0 : i32
          %dma_start3A_295 = tpu.memref_slice %arg5[%dma_start3A_292, %dma_start3A_293, %dma_start3A_294] : memref<4x2x128xi32, #tpu.memory_space<vmem>> -> memref<1x2x128xi32, #tpu.memory_space<vmem>>
          %dma_start3A_296 = tpu.memref_squeeze %dma_start3A_295 : memref<1x2x128xi32, #tpu.memory_space<vmem>> -> memref<2x128xi32, #tpu.memory_space<vmem>>
          %dma_start3A_297 = arith.constant 0 : i32
          %dma_start3A_298 = arith.constant 0 : i32
          %dma_start3A_299 = tpu.memref_slice %arg3[%arg1, %add3A_291, %dma_start3A_297, %dma_start3A_298] : memref<16x160x2x128xi32, #tpu.memory_space<hbm>> -> memref<1x1x2x128xi32, #tpu.memory_space<hbm>>
          %dma_start3A_300 = tpu.memref_squeeze %dma_start3A_299 : memref<1x1x2x128xi32, #tpu.memory_space<hbm>> -> memref<2x128xi32, #tpu.memory_space<hbm>>
          %dma_start3A_301 = arith.constant 0 : i32
          %dma_start3A_302 = arith.constant 0 : i32
          %dma_start3A_303 = tpu.memref_slice %arg5[%dma_start3A_292, %dma_start3A_301, %dma_start3A_302] : memref<4x2x128xi32, #tpu.memory_space<vmem>> -> memref<1x2x128xi32, #tpu.memory_space<vmem>>
          %dma_start3A_304 = tpu.memref_squeeze %dma_start3A_303 : memref<1x2x128xi32, #tpu.memory_space<vmem>> -> memref<2x128xi32, #tpu.memory_space<vmem>>
          %dma_start3A_305 = arith.constant 0 : i32
          %dma_start3A_306 = arith.constant 0 : i32
          %dma_start3A_307 = tpu.memref_slice %arg3[%arg1, %add3A_291, %dma_start3A_305, %dma_start3A_306] : memref<16x160x2x128xi32, #tpu.memory_space<hbm>> -> memref<1x1x2x128xi32, #tpu.memory_space<hbm>>
          %dma_start3A_308 = tpu.memref_squeeze %dma_start3A_307 : memref<1x1x2x128xi32, #tpu.memory_space<hbm>> -> memref<2x128xi32, #tpu.memory_space<hbm>>
          tpu.enqueue_dma source(%dma_start3A_308 : memref<2x128xi32, #tpu.memory_space<hbm>>) target(%dma_start3A_304 : memref<2x128xi32, #tpu.memory_space<vmem>>) target_semaphore(%arg11 : memref<!tpu.dma_semaphore, #tpu.memory_space<semaphore_mem>>)
        } else {
        }
        %add3A_195 = arith.constant 1 : i32
        %add3A_196 = arith.addi %add3A_185, %add3A_195 : i32
        %lt3A_197 = arith.constant 80 : i32
        %lt3A_198 = arith.cmpi slt, %add3A_196, %lt3A_197 : i32
        %convert_element_type3A_199 = arith.extui %lt3A_198 : i1 to i32
        %cond3A_200 = arith.constant 0 : i32
        %cond3A_201 = arith.cmpi ne, %convert_element_type3A_199, %cond3A_200 : i32
        scf.if %cond3A_201 {
          %add3A_290 = arith.constant 1 : i32
          %add3A_291 = arith.addi %add3A_187, %add3A_290 : i32
          %dma_wait3A_292 = arith.constant 2 : i32
          %dma_wait3A_293 = arith.constant 0 : i32
          %dma_wait3A_294 = arith.constant 0 : i32
          %dma_wait3A_295 = tpu.memref_slice %arg5[%dma_wait3A_292, %dma_wait3A_293, %dma_wait3A_294] : memref<4x2x128xi32, #tpu.memory_space<vmem>> -> memref<1x2x128xi32, #tpu.memory_space<vmem>>
          %dma_wait3A_296 = tpu.memref_squeeze %dma_wait3A_295 : memref<1x2x128xi32, #tpu.memory_space<vmem>> -> memref<2x128xi32, #tpu.memory_space<vmem>>
          %dma_wait3A_297 = arith.constant 0 : i32
          %dma_wait3A_298 = arith.constant 0 : i32
          %dma_wait3A_299 = tpu.memref_slice %arg3[%arg1, %add3A_291, %dma_wait3A_297, %dma_wait3A_298] : memref<16x160x2x128xi32, #tpu.memory_space<hbm>> -> memref<1x1x2x128xi32, #tpu.memory_space<hbm>>
          %dma_wait3A_300 = tpu.memref_squeeze %dma_wait3A_299 : memref<1x1x2x128xi32, #tpu.memory_space<hbm>> -> memref<2x128xi32, #tpu.memory_space<hbm>>
          %dma_wait3A_301 = arith.constant 0 : i32
          %dma_wait3A_302 = arith.constant 0 : i32
          %dma_wait3A_303 = tpu.memref_slice %arg5[%dma_wait3A_292, %dma_wait3A_301, %dma_wait3A_302] : memref<4x2x128xi32, #tpu.memory_space<vmem>> -> memref<1x2x128xi32, #tpu.memory_space<vmem>>
          %dma_wait3A_304 = tpu.memref_squeeze %dma_wait3A_303 : memref<1x2x128xi32, #tpu.memory_space<vmem>> -> memref<2x128xi32, #tpu.memory_space<vmem>>
          %dma_wait3A_305 = arith.constant 0 : i32
          %dma_wait3A_306 = arith.constant 0 : i32
          %dma_wait3A_307 = tpu.memref_slice %arg3[%arg1, %add3A_291, %dma_wait3A_305, %dma_wait3A_306] : memref<16x160x2x128xi32, #tpu.memory_space<hbm>> -> memref<1x1x2x128xi32, #tpu.memory_space<hbm>>
          %dma_wait3A_308 = tpu.memref_squeeze %dma_wait3A_307 : memref<1x1x2x128xi32, #tpu.memory_space<hbm>> -> memref<2x128xi32, #tpu.memory_space<hbm>>
          tpu.wait_dma2 semaphore(%arg10 : memref<!tpu.dma_semaphore, #tpu.memory_space<semaphore_mem>>) src(%dma_wait3A_308 : memref<2x128xi32, #tpu.memory_space<hbm>>) dst(%dma_wait3A_304 : memref<2x128xi32, #tpu.memory_space<vmem>>)
          %dma_start3A_309 = arith.constant 2 : i32
          %dma_start3A_310 = arith.constant 0 : i32
          %dma_start3A_311 = arith.constant 0 : i32
          %dma_start3A_312 = arith.constant 0 : i32
          %dma_start3A_313 = arith.constant 0 : i32
          %dma_start3A_314 = tpu.memref_slice %arg6[%dma_start3A_311, %dma_start3A_312, %dma_start3A_313] : memref<2x128x128xf32, #tpu.memory_space<vmem>> -> memref<1x128x128xf32, #tpu.memory_space<vmem>>
          %dma_start3A_315 = tpu.memref_squeeze %dma_start3A_314 : memref<1x128x128xf32, #tpu.memory_space<vmem>> -> memref<128x128xf32, #tpu.memory_space<vmem>>
          %dma_start3A_316 = arith.constant 0 : i32
          %dma_start3A_317 = tpu.memref_slice %arg5[%dma_start3A_309, %dma_start3A_310, %dma_start3A_316] : memref<4x2x128xi32, #tpu.memory_space<vmem>> -> memref<1x1x128xi32, #tpu.memory_space<vmem>>
          %dma_start3A_318 = tpu.memref_squeeze %dma_start3A_317 : memref<1x1x128xi32, #tpu.memory_space<vmem>> -> memref<128xi32, #tpu.memory_space<vmem>>
          %dma_start3A_319 = arith.constant 0 : i32
          %dma_start3A_320 = arith.constant 0 : i32
          %dma_start3A_321 = tpu.memref_slice %arg2[%dma_start3A_319, %dma_start3A_320] : memref<10000x128xf32, #tpu.memory_space<hbm>> -> memref<10000x128xf32, #tpu.memory_space<hbm>>
          tpu.enqueue_indirect_dma source(%dma_start3A_321 : memref<10000x128xf32, #tpu.memory_space<hbm>>) target(%dma_start3A_315 : memref<128x128xf32, #tpu.memory_space<vmem>>) offsets(%dma_start3A_318 : memref<128xi32, #tpu.memory_space<vmem>>) semaphore(%arg12 : memref<!tpu.dma_semaphore, #tpu.memory_space<semaphore_mem>>)
        } else {
        }
        %dma_wait3A_202 = arith.constant 1 : i32
        %dma_wait3A_203 = arith.constant 0 : i32
        %dma_wait3A_204 = arith.constant 1 : i32
        %dma_wait3A_205 = arith.constant 0 : i32
        %dma_wait3A_206 = arith.constant 0 : i32
        %dma_wait3A_207 = tpu.memref_slice %arg6[%dma_wait3A_204, %dma_wait3A_205, %dma_wait3A_206] : memref<2x128x128xf32, #tpu.memory_space<vmem>> -> memref<1x128x128xf32, #tpu.memory_space<vmem>>
        %dma_wait3A_208 = tpu.memref_squeeze %dma_wait3A_207 : memref<1x128x128xf32, #tpu.memory_space<vmem>> -> memref<128x128xf32, #tpu.memory_space<vmem>>
        %dma_wait3A_209 = arith.constant 0 : i32
        %dma_wait3A_210 = tpu.memref_slice %arg5[%dma_wait3A_202, %dma_wait3A_203, %dma_wait3A_209] : memref<4x2x128xi32, #tpu.memory_space<vmem>> -> memref<1x1x128xi32, #tpu.memory_space<vmem>>
        %dma_wait3A_211 = tpu.memref_squeeze %dma_wait3A_210 : memref<1x1x128xi32, #tpu.memory_space<vmem>> -> memref<128xi32, #tpu.memory_space<vmem>>
        %dma_wait3A_212 = arith.constant 0 : i32
        %dma_wait3A_213 = arith.constant 0 : i32
        %dma_wait3A_214 = tpu.memref_slice %arg2[%dma_wait3A_212, %dma_wait3A_213] : memref<10000x128xf32, #tpu.memory_space<hbm>> -> memref<10000x128xf32, #tpu.memory_space<hbm>>
        tpu.wait_indirect_dma semaphore(%arg13 : memref<!tpu.dma_semaphore, #tpu.memory_space<semaphore_mem>>) src(%dma_wait3A_214 : memref<10000x128xf32, #tpu.memory_space<hbm>>) dst(%dma_wait3A_208 : memref<128x128xf32, #tpu.memory_space<vmem>>)
        %run_scoped3A_215 = arith.constant 1 : i32
        %run_scoped3A_216 = arith.constant 1 : i32
        %run_scoped3A_217 = arith.constant 1 : i32
        "tpu.region"() ({
          %run_scoped3A_290 = tpu.sem_alloc : memref<!tpu.dma_semaphore, #tpu.memory_space<semaphore_mem>>
          %dma_start3A_291 = arith.constant 0 : i32
          %dma_start3A_292 = arith.constant 0 : i32
          %dma_start3A_293 = tpu.memref_slice %arg6[%run_scoped3A_215, %dma_start3A_291, %dma_start3A_292] : memref<2x128x128xf32, #tpu.memory_space<vmem>> -> memref<1x128x128xf32, #tpu.memory_space<vmem>>
          %dma_start3A_294 = tpu.memref_squeeze %dma_start3A_293 : memref<1x128x128xf32, #tpu.memory_space<vmem>> -> memref<128x128xf32, #tpu.memory_space<vmem>>
          %dma_start3A_295 = arith.constant 0 : i32
          %dma_start3A_296 = tpu.memref_slice %arg5[%run_scoped3A_216, %run_scoped3A_217, %dma_start3A_295] : memref<4x2x128xi32, #tpu.memory_space<vmem>> -> memref<1x1x128xi32, #tpu.memory_space<vmem>>
          %dma_start3A_297 = tpu.memref_squeeze %dma_start3A_296 : memref<1x1x128xi32, #tpu.memory_space<vmem>> -> memref<128xi32, #tpu.memory_space<vmem>>
          %dma_start3A_298 = arith.constant 0 : i32
          %dma_start3A_299 = arith.constant 0 : i32
          %dma_start3A_300 = tpu.memref_slice %arg7[%dma_start3A_298, %dma_start3A_299] : memref<10240x128xf32, #tpu.memory_space<vmem_shared>> -> memref<10240x128xf32, #tpu.memory_space<vmem_shared>>
          tpu.enqueue_indirect_dma source(%dma_start3A_294 : memref<128x128xf32, #tpu.memory_space<vmem>>) target(%dma_start3A_300 : memref<10240x128xf32, #tpu.memory_space<vmem_shared>>) offsets(%dma_start3A_297 : memref<128xi32, #tpu.memory_space<vmem>>) semaphore(%run_scoped3A_290 : memref<!tpu.dma_semaphore, #tpu.memory_space<semaphore_mem>>) {add = true}
          %dma_wait3A_301 = arith.constant 0 : i32
          %dma_wait3A_302 = arith.constant 0 : i32
          %dma_wait3A_303 = tpu.memref_slice %arg6[%run_scoped3A_215, %dma_wait3A_301, %dma_wait3A_302] : memref<2x128x128xf32, #tpu.memory_space<vmem>> -> memref<1x128x128xf32, #tpu.memory_space<vmem>>
          %dma_wait3A_304 = tpu.memref_squeeze %dma_wait3A_303 : memref<1x128x128xf32, #tpu.memory_space<vmem>> -> memref<128x128xf32, #tpu.memory_space<vmem>>
          %dma_wait3A_305 = arith.constant 0 : i32
          %dma_wait3A_306 = tpu.memref_slice %arg5[%run_scoped3A_216, %run_scoped3A_217, %dma_wait3A_305] : memref<4x2x128xi32, #tpu.memory_space<vmem>> -> memref<1x1x128xi32, #tpu.memory_space<vmem>>
          %dma_wait3A_307 = tpu.memref_squeeze %dma_wait3A_306 : memref<1x1x128xi32, #tpu.memory_space<vmem>> -> memref<128xi32, #tpu.memory_space<vmem>>
          %dma_wait3A_308 = arith.constant 0 : i32
          %dma_wait3A_309 = arith.constant 0 : i32
          %dma_wait3A_310 = tpu.memref_slice %arg7[%dma_wait3A_308, %dma_wait3A_309] : memref<10240x128xf32, #tpu.memory_space<vmem_shared>> -> memref<10240x128xf32, #tpu.memory_space<vmem_shared>>
          tpu.wait_indirect_dma semaphore(%run_scoped3A_290 : memref<!tpu.dma_semaphore, #tpu.memory_space<semaphore_mem>>) src(%dma_wait3A_304 : memref<128x128xf32, #tpu.memory_space<vmem>>) dst(%dma_wait3A_310 : memref<10240x128xf32, #tpu.memory_space<vmem_shared>>)
          tpu.yield
        }) : () -> ()
        %mul3A_218 = arith.constant 4 : i32
        %mul3A_219 = arith.muli %mul3A_218, %scan3A_146 : i32
        %add3A_220 = arith.constant 2 : i32
        %add3A_221 = arith.addi %mul3A_219, %add3A_220 : i32
        %add3A_222 = arith.constant 80 : i32
        %add3A_223 = arith.addi %add3A_222, %add3A_221 : i32
        %add3A_224 = arith.constant 2 : i32
        %add3A_225 = arith.addi %add3A_221, %add3A_224 : i32
        %lt3A_226 = arith.constant 80 : i32
        %lt3A_227 = arith.cmpi slt, %add3A_225, %lt3A_226 : i32
        %convert_element_type3A_228 = arith.extui %lt3A_227 : i1 to i32
        %cond3A_229 = arith.constant 0 : i32
        %cond3A_230 = arith.cmpi ne, %convert_element_type3A_228, %cond3A_229 : i32
        scf.if %cond3A_230 {
          %add3A_290 = arith.constant 2 : i32
          %add3A_291 = arith.addi %add3A_223, %add3A_290 : i32
          %dma_start3A_292 = arith.constant 0 : i32
          %dma_start3A_293 = arith.constant 0 : i32
          %dma_start3A_294 = arith.constant 0 : i32
          %dma_start3A_295 = tpu.memref_slice %arg5[%dma_start3A_292, %dma_start3A_293, %dma_start3A_294] : memref<4x2x128xi32, #tpu.memory_space<vmem>> -> memref<1x2x128xi32, #tpu.memory_space<vmem>>
          %dma_start3A_296 = tpu.memref_squeeze %dma_start3A_295 : memref<1x2x128xi32, #tpu.memory_space<vmem>> -> memref<2x128xi32, #tpu.memory_space<vmem>>
          %dma_start3A_297 = arith.constant 0 : i32
          %dma_start3A_298 = arith.constant 0 : i32
          %dma_start3A_299 = tpu.memref_slice %arg3[%arg1, %add3A_291, %dma_start3A_297, %dma_start3A_298] : memref<16x160x2x128xi32, #tpu.memory_space<hbm>> -> memref<1x1x2x128xi32, #tpu.memory_space<hbm>>
          %dma_start3A_300 = tpu.memref_squeeze %dma_start3A_299 : memref<1x1x2x128xi32, #tpu.memory_space<hbm>> -> memref<2x128xi32, #tpu.memory_space<hbm>>
          %dma_start3A_301 = arith.constant 0 : i32
          %dma_start3A_302 = arith.constant 0 : i32
          %dma_start3A_303 = tpu.memref_slice %arg5[%dma_start3A_292, %dma_start3A_301, %dma_start3A_302] : memref<4x2x128xi32, #tpu.memory_space<vmem>> -> memref<1x2x128xi32, #tpu.memory_space<vmem>>
          %dma_start3A_304 = tpu.memref_squeeze %dma_start3A_303 : memref<1x2x128xi32, #tpu.memory_space<vmem>> -> memref<2x128xi32, #tpu.memory_space<vmem>>
          %dma_start3A_305 = arith.constant 0 : i32
          %dma_start3A_306 = arith.constant 0 : i32
          %dma_start3A_307 = tpu.memref_slice %arg3[%arg1, %add3A_291, %dma_start3A_305, %dma_start3A_306] : memref<16x160x2x128xi32, #tpu.memory_space<hbm>> -> memref<1x1x2x128xi32, #tpu.memory_space<hbm>>
          %dma_start3A_308 = tpu.memref_squeeze %dma_start3A_307 : memref<1x1x2x128xi32, #tpu.memory_space<hbm>> -> memref<2x128xi32, #tpu.memory_space<hbm>>
          tpu.enqueue_dma source(%dma_start3A_308 : memref<2x128xi32, #tpu.memory_space<hbm>>) target(%dma_start3A_304 : memref<2x128xi32, #tpu.memory_space<vmem>>) target_semaphore(%arg8 : memref<!tpu.dma_semaphore, #tpu.memory_space<semaphore_mem>>)
        } else {
        }
        %add3A_231 = arith.constant 1 : i32
        %add3A_232 = arith.addi %add3A_221, %add3A_231 : i32
        %lt3A_233 = arith.constant 80 : i32
        %lt3A_234 = arith.cmpi slt, %add3A_232, %lt3A_233 : i32
        %convert_element_type3A_235 = arith.extui %lt3A_234 : i1 to i32
        %cond3A_236 = arith.constant 0 : i32
        %cond3A_237 = arith.cmpi ne, %convert_element_type3A_235, %cond3A_236 : i32
        scf.if %cond3A_237 {
          %add3A_290 = arith.constant 1 : i32
          %add3A_291 = arith.addi %add3A_223, %add3A_290 : i32
          %dma_wait3A_292 = arith.constant 3 : i32
          %dma_wait3A_293 = arith.constant 0 : i32
          %dma_wait3A_294 = arith.constant 0 : i32
          %dma_wait3A_295 = tpu.memref_slice %arg5[%dma_wait3A_292, %dma_wait3A_293, %dma_wait3A_294] : memref<4x2x128xi32, #tpu.memory_space<vmem>> -> memref<1x2x128xi32, #tpu.memory_space<vmem>>
          %dma_wait3A_296 = tpu.memref_squeeze %dma_wait3A_295 : memref<1x2x128xi32, #tpu.memory_space<vmem>> -> memref<2x128xi32, #tpu.memory_space<vmem>>
          %dma_wait3A_297 = arith.constant 0 : i32
          %dma_wait3A_298 = arith.constant 0 : i32
          %dma_wait3A_299 = tpu.memref_slice %arg3[%arg1, %add3A_291, %dma_wait3A_297, %dma_wait3A_298] : memref<16x160x2x128xi32, #tpu.memory_space<hbm>> -> memref<1x1x2x128xi32, #tpu.memory_space<hbm>>
          %dma_wait3A_300 = tpu.memref_squeeze %dma_wait3A_299 : memref<1x1x2x128xi32, #tpu.memory_space<hbm>> -> memref<2x128xi32, #tpu.memory_space<hbm>>
          %dma_wait3A_301 = arith.constant 0 : i32
          %dma_wait3A_302 = arith.constant 0 : i32
          %dma_wait3A_303 = tpu.memref_slice %arg5[%dma_wait3A_292, %dma_wait3A_301, %dma_wait3A_302] : memref<4x2x128xi32, #tpu.memory_space<vmem>> -> memref<1x2x128xi32, #tpu.memory_space<vmem>>
          %dma_wait3A_304 = tpu.memref_squeeze %dma_wait3A_303 : memref<1x2x128xi32, #tpu.memory_space<vmem>> -> memref<2x128xi32, #tpu.memory_space<vmem>>
          %dma_wait3A_305 = arith.constant 0 : i32
          %dma_wait3A_306 = arith.constant 0 : i32
          %dma_wait3A_307 = tpu.memref_slice %arg3[%arg1, %add3A_291, %dma_wait3A_305, %dma_wait3A_306] : memref<16x160x2x128xi32, #tpu.memory_space<hbm>> -> memref<1x1x2x128xi32, #tpu.memory_space<hbm>>
          %dma_wait3A_308 = tpu.memref_squeeze %dma_wait3A_307 : memref<1x1x2x128xi32, #tpu.memory_space<hbm>> -> memref<2x128xi32, #tpu.memory_space<hbm>>
          tpu.wait_dma2 semaphore(%arg11 : memref<!tpu.dma_semaphore, #tpu.memory_space<semaphore_mem>>) src(%dma_wait3A_308 : memref<2x128xi32, #tpu.memory_space<hbm>>) dst(%dma_wait3A_304 : memref<2x128xi32, #tpu.memory_space<vmem>>)
          %dma_start3A_309 = arith.constant 3 : i32
          %dma_start3A_310 = arith.constant 0 : i32
          %dma_start3A_311 = arith.constant 1 : i32
          %dma_start3A_312 = arith.constant 0 : i32
          %dma_start3A_313 = arith.constant 0 : i32
          %dma_start3A_314 = tpu.memref_slice %arg6[%dma_start3A_311, %dma_start3A_312, %dma_start3A_313] : memref<2x128x128xf32, #tpu.memory_space<vmem>> -> memref<1x128x128xf32, #tpu.memory_space<vmem>>
          %dma_start3A_315 = tpu.memref_squeeze %dma_start3A_314 : memref<1x128x128xf32, #tpu.memory_space<vmem>> -> memref<128x128xf32, #tpu.memory_space<vmem>>
          %dma_start3A_316 = arith.constant 0 : i32
          %dma_start3A_317 = tpu.memref_slice %arg5[%dma_start3A_309, %dma_start3A_310, %dma_start3A_316] : memref<4x2x128xi32, #tpu.memory_space<vmem>> -> memref<1x1x128xi32, #tpu.memory_space<vmem>>
          %dma_start3A_318 = tpu.memref_squeeze %dma_start3A_317 : memref<1x1x128xi32, #tpu.memory_space<vmem>> -> memref<128xi32, #tpu.memory_space<vmem>>
          %dma_start3A_319 = arith.constant 0 : i32
          %dma_start3A_320 = arith.constant 0 : i32
          %dma_start3A_321 = tpu.memref_slice %arg2[%dma_start3A_319, %dma_start3A_320] : memref<10000x128xf32, #tpu.memory_space<hbm>> -> memref<10000x128xf32, #tpu.memory_space<hbm>>
          tpu.enqueue_indirect_dma source(%dma_start3A_321 : memref<10000x128xf32, #tpu.memory_space<hbm>>) target(%dma_start3A_315 : memref<128x128xf32, #tpu.memory_space<vmem>>) offsets(%dma_start3A_318 : memref<128xi32, #tpu.memory_space<vmem>>) semaphore(%arg13 : memref<!tpu.dma_semaphore, #tpu.memory_space<semaphore_mem>>)
        } else {
        }
        %dma_wait3A_238 = arith.constant 2 : i32
        %dma_wait3A_239 = arith.constant 0 : i32
        %dma_wait3A_240 = arith.constant 0 : i32
        %dma_wait3A_241 = arith.constant 0 : i32
        %dma_wait3A_242 = arith.constant 0 : i32
        %dma_wait3A_243 = tpu.memref_slice %arg6[%dma_wait3A_240, %dma_wait3A_241, %dma_wait3A_242] : memref<2x128x128xf32, #tpu.memory_space<vmem>> -> memref<1x128x128xf32, #tpu.memory_space<vmem>>
        %dma_wait3A_244 = tpu.memref_squeeze %dma_wait3A_243 : memref<1x128x128xf32, #tpu.memory_space<vmem>> -> memref<128x128xf32, #tpu.memory_space<vmem>>
        %dma_wait3A_245 = arith.constant 0 : i32
        %dma_wait3A_246 = tpu.memref_slice %arg5[%dma_wait3A_238, %dma_wait3A_239, %dma_wait3A_245] : memref<4x2x128xi32, #tpu.memory_space<vmem>> -> memref<1x1x128xi32, #tpu.memory_space<vmem>>
        %dma_wait3A_247 = tpu.memref_squeeze %dma_wait3A_246 : memref<1x1x128xi32, #tpu.memory_space<vmem>> -> memref<128xi32, #tpu.memory_space<vmem>>
        %dma_wait3A_248 = arith.constant 0 : i32
        %dma_wait3A_249 = arith.constant 0 : i32
        %dma_wait3A_250 = tpu.memref_slice %arg2[%dma_wait3A_248, %dma_wait3A_249] : memref<10000x128xf32, #tpu.memory_space<hbm>> -> memref<10000x128xf32, #tpu.memory_space<hbm>>
        tpu.wait_indirect_dma semaphore(%arg12 : memref<!tpu.dma_semaphore, #tpu.memory_space<semaphore_mem>>) src(%dma_wait3A_250 : memref<10000x128xf32, #tpu.memory_space<hbm>>) dst(%dma_wait3A_244 : memref<128x128xf32, #tpu.memory_space<vmem>>)
        %run_scoped3A_251 = arith.constant 0 : i32
        %run_scoped3A_252 = arith.constant 2 : i32
        %run_scoped3A_253 = arith.constant 1 : i32
        "tpu.region"() ({
          %run_scoped3A_290 = tpu.sem_alloc : memref<!tpu.dma_semaphore, #tpu.memory_space<semaphore_mem>>
          %dma_start3A_291 = arith.constant 0 : i32
          %dma_start3A_292 = arith.constant 0 : i32
          %dma_start3A_293 = tpu.memref_slice %arg6[%run_scoped3A_251, %dma_start3A_291, %dma_start3A_292] : memref<2x128x128xf32, #tpu.memory_space<vmem>> -> memref<1x128x128xf32, #tpu.memory_space<vmem>>
          %dma_start3A_294 = tpu.memref_squeeze %dma_start3A_293 : memref<1x128x128xf32, #tpu.memory_space<vmem>> -> memref<128x128xf32, #tpu.memory_space<vmem>>
          %dma_start3A_295 = arith.constant 0 : i32
          %dma_start3A_296 = tpu.memref_slice %arg5[%run_scoped3A_252, %run_scoped3A_253, %dma_start3A_295] : memref<4x2x128xi32, #tpu.memory_space<vmem>> -> memref<1x1x128xi32, #tpu.memory_space<vmem>>
          %dma_start3A_297 = tpu.memref_squeeze %dma_start3A_296 : memref<1x1x128xi32, #tpu.memory_space<vmem>> -> memref<128xi32, #tpu.memory_space<vmem>>
          %dma_start3A_298 = arith.constant 0 : i32
          %dma_start3A_299 = arith.constant 0 : i32
          %dma_start3A_300 = tpu.memref_slice %arg7[%dma_start3A_298, %dma_start3A_299] : memref<10240x128xf32, #tpu.memory_space<vmem_shared>> -> memref<10240x128xf32, #tpu.memory_space<vmem_shared>>
          tpu.enqueue_indirect_dma source(%dma_start3A_294 : memref<128x128xf32, #tpu.memory_space<vmem>>) target(%dma_start3A_300 : memref<10240x128xf32, #tpu.memory_space<vmem_shared>>) offsets(%dma_start3A_297 : memref<128xi32, #tpu.memory_space<vmem>>) semaphore(%run_scoped3A_290 : memref<!tpu.dma_semaphore, #tpu.memory_space<semaphore_mem>>) {add = true}
          %dma_wait3A_301 = arith.constant 0 : i32
          %dma_wait3A_302 = arith.constant 0 : i32
          %dma_wait3A_303 = tpu.memref_slice %arg6[%run_scoped3A_251, %dma_wait3A_301, %dma_wait3A_302] : memref<2x128x128xf32, #tpu.memory_space<vmem>> -> memref<1x128x128xf32, #tpu.memory_space<vmem>>
          %dma_wait3A_304 = tpu.memref_squeeze %dma_wait3A_303 : memref<1x128x128xf32, #tpu.memory_space<vmem>> -> memref<128x128xf32, #tpu.memory_space<vmem>>
          %dma_wait3A_305 = arith.constant 0 : i32
          %dma_wait3A_306 = tpu.memref_slice %arg5[%run_scoped3A_252, %run_scoped3A_253, %dma_wait3A_305] : memref<4x2x128xi32, #tpu.memory_space<vmem>> -> memref<1x1x128xi32, #tpu.memory_space<vmem>>
          %dma_wait3A_307 = tpu.memref_squeeze %dma_wait3A_306 : memref<1x1x128xi32, #tpu.memory_space<vmem>> -> memref<128xi32, #tpu.memory_space<vmem>>
          %dma_wait3A_308 = arith.constant 0 : i32
          %dma_wait3A_309 = arith.constant 0 : i32
          %dma_wait3A_310 = tpu.memref_slice %arg7[%dma_wait3A_308, %dma_wait3A_309] : memref<10240x128xf32, #tpu.memory_space<vmem_shared>> -> memref<10240x128xf32, #tpu.memory_space<vmem_shared>>
          tpu.wait_indirect_dma semaphore(%run_scoped3A_290 : memref<!tpu.dma_semaphore, #tpu.memory_space<semaphore_mem>>) src(%dma_wait3A_304 : memref<128x128xf32, #tpu.memory_space<vmem>>) dst(%dma_wait3A_310 : memref<10240x128xf32, #tpu.memory_space<vmem_shared>>)
          tpu.yield
        }) : () -> ()
        %mul3A_254 = arith.constant 4 : i32
        %mul3A_255 = arith.muli %mul3A_254, %scan3A_146 : i32
        %add3A_256 = arith.constant 3 : i32
        %add3A_257 = arith.addi %mul3A_255, %add3A_256 : i32
        %add3A_258 = arith.constant 80 : i32
        %add3A_259 = arith.addi %add3A_258, %add3A_257 : i32
        %add3A_260 = arith.constant 2 : i32
        %add3A_261 = arith.addi %add3A_257, %add3A_260 : i32
        %lt3A_262 = arith.constant 80 : i32
        %lt3A_263 = arith.cmpi slt, %add3A_261, %lt3A_262 : i32
        %convert_element_type3A_264 = arith.extui %lt3A_263 : i1 to i32
        %cond3A_265 = arith.constant 0 : i32
        %cond3A_266 = arith.cmpi ne, %convert_element_type3A_264, %cond3A_265 : i32
        scf.if %cond3A_266 {
          %add3A_290 = arith.constant 2 : i32
          %add3A_291 = arith.addi %add3A_259, %add3A_290 : i32
          %dma_start3A_292 = arith.constant 1 : i32
          %dma_start3A_293 = arith.constant 0 : i32
          %dma_start3A_294 = arith.constant 0 : i32
          %dma_start3A_295 = tpu.memref_slice %arg5[%dma_start3A_292, %dma_start3A_293, %dma_start3A_294] : memref<4x2x128xi32, #tpu.memory_space<vmem>> -> memref<1x2x128xi32, #tpu.memory_space<vmem>>
          %dma_start3A_296 = tpu.memref_squeeze %dma_start3A_295 : memref<1x2x128xi32, #tpu.memory_space<vmem>> -> memref<2x128xi32, #tpu.memory_space<vmem>>
          %dma_start3A_297 = arith.constant 0 : i32
          %dma_start3A_298 = arith.constant 0 : i32
          %dma_start3A_299 = tpu.memref_slice %arg3[%arg1, %add3A_291, %dma_start3A_297, %dma_start3A_298] : memref<16x160x2x128xi32, #tpu.memory_space<hbm>> -> memref<1x1x2x128xi32, #tpu.memory_space<hbm>>
          %dma_start3A_300 = tpu.memref_squeeze %dma_start3A_299 : memref<1x1x2x128xi32, #tpu.memory_space<hbm>> -> memref<2x128xi32, #tpu.memory_space<hbm>>
          %dma_start3A_301 = arith.constant 0 : i32
          %dma_start3A_302 = arith.constant 0 : i32
          %dma_start3A_303 = tpu.memref_slice %arg5[%dma_start3A_292, %dma_start3A_301, %dma_start3A_302] : memref<4x2x128xi32, #tpu.memory_space<vmem>> -> memref<1x2x128xi32, #tpu.memory_space<vmem>>
          %dma_start3A_304 = tpu.memref_squeeze %dma_start3A_303 : memref<1x2x128xi32, #tpu.memory_space<vmem>> -> memref<2x128xi32, #tpu.memory_space<vmem>>
          %dma_start3A_305 = arith.constant 0 : i32
          %dma_start3A_306 = arith.constant 0 : i32
          %dma_start3A_307 = tpu.memref_slice %arg3[%arg1, %add3A_291, %dma_start3A_305, %dma_start3A_306] : memref<16x160x2x128xi32, #tpu.memory_space<hbm>> -> memref<1x1x2x128xi32, #tpu.memory_space<hbm>>
          %dma_start3A_308 = tpu.memref_squeeze %dma_start3A_307 : memref<1x1x2x128xi32, #tpu.memory_space<hbm>> -> memref<2x128xi32, #tpu.memory_space<hbm>>
          tpu.enqueue_dma source(%dma_start3A_308 : memref<2x128xi32, #tpu.memory_space<hbm>>) target(%dma_start3A_304 : memref<2x128xi32, #tpu.memory_space<vmem>>) target_semaphore(%arg9 : memref<!tpu.dma_semaphore, #tpu.memory_space<semaphore_mem>>)
        } else {
        }
        %add3A_267 = arith.constant 1 : i32
        %add3A_268 = arith.addi %add3A_257, %add3A_267 : i32
        %lt3A_269 = arith.constant 80 : i32
        %lt3A_270 = arith.cmpi slt, %add3A_268, %lt3A_269 : i32
        %convert_element_type3A_271 = arith.extui %lt3A_270 : i1 to i32
        %cond3A_272 = arith.constant 0 : i32
        %cond3A_273 = arith.cmpi ne, %convert_element_type3A_271, %cond3A_272 : i32
        scf.if %cond3A_273 {
          %add3A_290 = arith.constant 1 : i32
          %add3A_291 = arith.addi %add3A_259, %add3A_290 : i32
          %dma_wait3A_292 = arith.constant 0 : i32
          %dma_wait3A_293 = arith.constant 0 : i32
          %dma_wait3A_294 = arith.constant 0 : i32
          %dma_wait3A_295 = tpu.memref_slice %arg5[%dma_wait3A_292, %dma_wait3A_293, %dma_wait3A_294] : memref<4x2x128xi32, #tpu.memory_space<vmem>> -> memref<1x2x128xi32, #tpu.memory_space<vmem>>
          %dma_wait3A_296 = tpu.memref_squeeze %dma_wait3A_295 : memref<1x2x128xi32, #tpu.memory_space<vmem>> -> memref<2x128xi32, #tpu.memory_space<vmem>>
          %dma_wait3A_297 = arith.constant 0 : i32
          %dma_wait3A_298 = arith.constant 0 : i32
          %dma_wait3A_299 = tpu.memref_slice %arg3[%arg1, %add3A_291, %dma_wait3A_297, %dma_wait3A_298] : memref<16x160x2x128xi32, #tpu.memory_space<hbm>> -> memref<1x1x2x128xi32, #tpu.memory_space<hbm>>
          %dma_wait3A_300 = tpu.memref_squeeze %dma_wait3A_299 : memref<1x1x2x128xi32, #tpu.memory_space<hbm>> -> memref<2x128xi32, #tpu.memory_space<hbm>>
          %dma_wait3A_301 = arith.constant 0 : i32
          %dma_wait3A_302 = arith.constant 0 : i32
          %dma_wait3A_303 = tpu.memref_slice %arg5[%dma_wait3A_292, %dma_wait3A_301, %dma_wait3A_302] : memref<4x2x128xi32, #tpu.memory_space<vmem>> -> memref<1x2x128xi32, #tpu.memory_space<vmem>>
          %dma_wait3A_304 = tpu.memref_squeeze %dma_wait3A_303 : memref<1x2x128xi32, #tpu.memory_space<vmem>> -> memref<2x128xi32, #tpu.memory_space<vmem>>
          %dma_wait3A_305 = arith.constant 0 : i32
          %dma_wait3A_306 = arith.constant 0 : i32
          %dma_wait3A_307 = tpu.memref_slice %arg3[%arg1, %add3A_291, %dma_wait3A_305, %dma_wait3A_306] : memref<16x160x2x128xi32, #tpu.memory_space<hbm>> -> memref<1x1x2x128xi32, #tpu.memory_space<hbm>>
          %dma_wait3A_308 = tpu.memref_squeeze %dma_wait3A_307 : memref<1x1x2x128xi32, #tpu.memory_space<hbm>> -> memref<2x128xi32, #tpu.memory_space<hbm>>
          tpu.wait_dma2 semaphore(%arg8 : memref<!tpu.dma_semaphore, #tpu.memory_space<semaphore_mem>>) src(%dma_wait3A_308 : memref<2x128xi32, #tpu.memory_space<hbm>>) dst(%dma_wait3A_304 : memref<2x128xi32, #tpu.memory_space<vmem>>)
          %dma_start3A_309 = arith.constant 0 : i32
          %dma_start3A_310 = arith.constant 0 : i32
          %dma_start3A_311 = arith.constant 0 : i32
          %dma_start3A_312 = arith.constant 0 : i32
          %dma_start3A_313 = arith.constant 0 : i32
          %dma_start3A_314 = tpu.memref_slice %arg6[%dma_start3A_311, %dma_start3A_312, %dma_start3A_313] : memref<2x128x128xf32, #tpu.memory_space<vmem>> -> memref<1x128x128xf32, #tpu.memory_space<vmem>>
          %dma_start3A_315 = tpu.memref_squeeze %dma_start3A_314 : memref<1x128x128xf32, #tpu.memory_space<vmem>> -> memref<128x128xf32, #tpu.memory_space<vmem>>
          %dma_start3A_316 = arith.constant 0 : i32
          %dma_start3A_317 = tpu.memref_slice %arg5[%dma_start3A_309, %dma_start3A_310, %dma_start3A_316] : memref<4x2x128xi32, #tpu.memory_space<vmem>> -> memref<1x1x128xi32, #tpu.memory_space<vmem>>
          %dma_start3A_318 = tpu.memref_squeeze %dma_start3A_317 : memref<1x1x128xi32, #tpu.memory_space<vmem>> -> memref<128xi32, #tpu.memory_space<vmem>>
          %dma_start3A_319 = arith.constant 0 : i32
          %dma_start3A_320 = arith.constant 0 : i32
          %dma_start3A_321 = tpu.memref_slice %arg2[%dma_start3A_319, %dma_start3A_320] : memref<10000x128xf32, #tpu.memory_space<hbm>> -> memref<10000x128xf32, #tpu.memory_space<hbm>>
          tpu.enqueue_indirect_dma source(%dma_start3A_321 : memref<10000x128xf32, #tpu.memory_space<hbm>>) target(%dma_start3A_315 : memref<128x128xf32, #tpu.memory_space<vmem>>) offsets(%dma_start3A_318 : memref<128xi32, #tpu.memory_space<vmem>>) semaphore(%arg12 : memref<!tpu.dma_semaphore, #tpu.memory_space<semaphore_mem>>)
        } else {
        }
        %dma_wait3A_274 = arith.constant 3 : i32
        %dma_wait3A_275 = arith.constant 0 : i32
        %dma_wait3A_276 = arith.constant 1 : i32
        %dma_wait3A_277 = arith.constant 0 : i32
        %dma_wait3A_278 = arith.constant 0 : i32
        %dma_wait3A_279 = tpu.memref_slice %arg6[%dma_wait3A_276, %dma_wait3A_277, %dma_wait3A_278] : memref<2x128x128xf32, #tpu.memory_space<vmem>> -> memref<1x128x128xf32, #tpu.memory_space<vmem>>
        %dma_wait3A_280 = tpu.memref_squeeze %dma_wait3A_279 : memref<1x128x128xf32, #tpu.memory_space<vmem>> -> memref<128x128xf32, #tpu.memory_space<vmem>>
        %dma_wait3A_281 = arith.constant 0 : i32
        %dma_wait3A_282 = tpu.memref_slice %arg5[%dma_wait3A_274, %dma_wait3A_275, %dma_wait3A_281] : memref<4x2x128xi32, #tpu.memory_space<vmem>> -> memref<1x1x128xi32, #tpu.memory_space<vmem>>
        %dma_wait3A_283 = tpu.memref_squeeze %dma_wait3A_282 : memref<1x1x128xi32, #tpu.memory_space<vmem>> -> memref<128xi32, #tpu.memory_space<vmem>>
        %dma_wait3A_284 = arith.constant 0 : i32
        %dma_wait3A_285 = arith.constant 0 : i32
        %dma_wait3A_286 = tpu.memref_slice %arg2[%dma_wait3A_284, %dma_wait3A_285] : memref<10000x128xf32, #tpu.memory_space<hbm>> -> memref<10000x128xf32, #tpu.memory_space<hbm>>
        tpu.wait_indirect_dma semaphore(%arg13 : memref<!tpu.dma_semaphore, #tpu.memory_space<semaphore_mem>>) src(%dma_wait3A_286 : memref<10000x128xf32, #tpu.memory_space<hbm>>) dst(%dma_wait3A_280 : memref<128x128xf32, #tpu.memory_space<vmem>>)
        %run_scoped3A_287 = arith.constant 1 : i32
        %run_scoped3A_288 = arith.constant 3 : i32
        %run_scoped3A_289 = arith.constant 1 : i32
        "tpu.region"() ({
          %run_scoped3A_290 = tpu.sem_alloc : memref<!tpu.dma_semaphore, #tpu.memory_space<semaphore_mem>>
          %dma_start3A_291 = arith.constant 0 : i32
          %dma_start3A_292 = arith.constant 0 : i32
          %dma_start3A_293 = tpu.memref_slice %arg6[%run_scoped3A_287, %dma_start3A_291, %dma_start3A_292] : memref<2x128x128xf32, #tpu.memory_space<vmem>> -> memref<1x128x128xf32, #tpu.memory_space<vmem>>
          %dma_start3A_294 = tpu.memref_squeeze %dma_start3A_293 : memref<1x128x128xf32, #tpu.memory_space<vmem>> -> memref<128x128xf32, #tpu.memory_space<vmem>>
          %dma_start3A_295 = arith.constant 0 : i32
          %dma_start3A_296 = tpu.memref_slice %arg5[%run_scoped3A_288, %run_scoped3A_289, %dma_start3A_295] : memref<4x2x128xi32, #tpu.memory_space<vmem>> -> memref<1x1x128xi32, #tpu.memory_space<vmem>>
          %dma_start3A_297 = tpu.memref_squeeze %dma_start3A_296 : memref<1x1x128xi32, #tpu.memory_space<vmem>> -> memref<128xi32, #tpu.memory_space<vmem>>
          %dma_start3A_298 = arith.constant 0 : i32
          %dma_start3A_299 = arith.constant 0 : i32
          %dma_start3A_300 = tpu.memref_slice %arg7[%dma_start3A_298, %dma_start3A_299] : memref<10240x128xf32, #tpu.memory_space<vmem_shared>> -> memref<10240x128xf32, #tpu.memory_space<vmem_shared>>
          tpu.enqueue_indirect_dma source(%dma_start3A_294 : memref<128x128xf32, #tpu.memory_space<vmem>>) target(%dma_start3A_300 : memref<10240x128xf32, #tpu.memory_space<vmem_shared>>) offsets(%dma_start3A_297 : memref<128xi32, #tpu.memory_space<vmem>>) semaphore(%run_scoped3A_290 : memref<!tpu.dma_semaphore, #tpu.memory_space<semaphore_mem>>) {add = true}
          %dma_wait3A_301 = arith.constant 0 : i32
          %dma_wait3A_302 = arith.constant 0 : i32
          %dma_wait3A_303 = tpu.memref_slice %arg6[%run_scoped3A_287, %dma_wait3A_301, %dma_wait3A_302] : memref<2x128x128xf32, #tpu.memory_space<vmem>> -> memref<1x128x128xf32, #tpu.memory_space<vmem>>
          %dma_wait3A_304 = tpu.memref_squeeze %dma_wait3A_303 : memref<1x128x128xf32, #tpu.memory_space<vmem>> -> memref<128x128xf32, #tpu.memory_space<vmem>>
          %dma_wait3A_305 = arith.constant 0 : i32
          %dma_wait3A_306 = tpu.memref_slice %arg5[%run_scoped3A_288, %run_scoped3A_289, %dma_wait3A_305] : memref<4x2x128xi32, #tpu.memory_space<vmem>> -> memref<1x1x128xi32, #tpu.memory_space<vmem>>
          %dma_wait3A_307 = tpu.memref_squeeze %dma_wait3A_306 : memref<1x1x128xi32, #tpu.memory_space<vmem>> -> memref<128xi32, #tpu.memory_space<vmem>>
          %dma_wait3A_308 = arith.constant 0 : i32
          %dma_wait3A_309 = arith.constant 0 : i32
          %dma_wait3A_310 = tpu.memref_slice %arg7[%dma_wait3A_308, %dma_wait3A_309] : memref<10240x128xf32, #tpu.memory_space<vmem_shared>> -> memref<10240x128xf32, #tpu.memory_space<vmem_shared>>
          tpu.wait_indirect_dma semaphore(%run_scoped3A_290 : memref<!tpu.dma_semaphore, #tpu.memory_space<semaphore_mem>>) src(%dma_wait3A_304 : memref<128x128xf32, #tpu.memory_space<vmem>>) dst(%dma_wait3A_310 : memref<10240x128xf32, #tpu.memory_space<vmem_shared>>)
          tpu.yield
        }) : () -> ()
      }
      %scan3A_145 = arith.constant 20 : i32
    } else {
    }
    %barrier3A_34 = arith.constant 0 : index
    tpu.barrier barrier_id(%barrier3A_34)
    %mul3A_35 = arith.constant 640 : i32
    %mul3A_36 = arith.muli %arg1, %mul3A_35 : i32
    %add3A_37 = arith.constant 0 : i32
    %add3A_38 = arith.addi %mul3A_36, %add3A_37 : i32
    %mul3A_39 = arith.constant 640 : i32
    %mul3A_40 = arith.muli %arg1, %mul3A_39 : i32
    %add3A_41 = arith.constant 0 : i32
    %add3A_42 = arith.addi %mul3A_40, %add3A_41 : i32
    "tpu.region"() ({
      %run_scoped3A_75 = tpu.sem_alloc : memref<!tpu.dma_semaphore, #tpu.memory_space<semaphore_mem>>
      %dma_start3A = arith.constant 0 : i32
      %dma_start3A_76 = tpu.memref_slice %arg4[%arg0, %add3A_42, %dma_start3A] : memref<2x10240x128xf32, #tpu.memory_space<hbm>> -> memref<1x128x128xf32, #tpu.memory_space<hbm>>
      %dma_start3A_77 = tpu.memref_squeeze %dma_start3A_76 : memref<1x128x128xf32, #tpu.memory_space<hbm>> -> memref<128x128xf32, #tpu.memory_space<hbm>>
      %dma_start3A_78 = arith.constant 0 : i32
      %dma_start3A_79 = tpu.memref_slice %arg7[%add3A_38, %dma_start3A_78] : memref<10240x128xf32, #tpu.memory_space<vmem_shared>> -> memref<128x128xf32, #tpu.memory_space<vmem_shared>>
      tpu.enqueue_dma source(%dma_start3A_79 : memref<128x128xf32, #tpu.memory_space<vmem_shared>>) target(%dma_start3A_77 : memref<128x128xf32, #tpu.memory_space<hbm>>) target_semaphore(%run_scoped3A_75 : memref<!tpu.dma_semaphore, #tpu.memory_space<semaphore_mem>>)
      %dma_wait3A = arith.constant 0 : i32
      %dma_wait3A_80 = tpu.memref_slice %arg4[%arg0, %add3A_42, %dma_wait3A] : memref<2x10240x128xf32, #tpu.memory_space<hbm>> -> memref<1x128x128xf32, #tpu.memory_space<hbm>>
      %dma_wait3A_81 = tpu.memref_squeeze %dma_wait3A_80 : memref<1x128x128xf32, #tpu.memory_space<hbm>> -> memref<128x128xf32, #tpu.memory_space<hbm>>
      %dma_wait3A_82 = arith.constant 0 : i32
      %dma_wait3A_83 = tpu.memref_slice %arg7[%add3A_38, %dma_wait3A_82] : memref<10240x128xf32, #tpu.memory_space<vmem_shared>> -> memref<128x128xf32, #tpu.memory_space<vmem_shared>>
      tpu.wait_dma2 semaphore(%run_scoped3A_75 : memref<!tpu.dma_semaphore, #tpu.memory_space<semaphore_mem>>) src(%dma_wait3A_83 : memref<128x128xf32, #tpu.memory_space<vmem_shared>>) dst(%dma_wait3A_81 : memref<128x128xf32, #tpu.memory_space<hbm>>)
      tpu.yield
    }) : () -> ()
    %mul3A_43 = arith.constant 640 : i32
    %mul3A_44 = arith.muli %arg1, %mul3A_43 : i32
    %add3A_45 = arith.constant 128 : i32
    %add3A_46 = arith.addi %mul3A_44, %add3A_45 : i32
    %mul3A_47 = arith.constant 640 : i32
    %mul3A_48 = arith.muli %arg1, %mul3A_47 : i32
    %add3A_49 = arith.constant 128 : i32
    %add3A_50 = arith.addi %mul3A_48, %add3A_49 : i32
    "tpu.region"() ({
      %run_scoped3A_75 = tpu.sem_alloc : memref<!tpu.dma_semaphore, #tpu.memory_space<semaphore_mem>>
      %dma_start3A = arith.constant 0 : i32
      %dma_start3A_76 = tpu.memref_slice %arg4[%arg0, %add3A_50, %dma_start3A] : memref<2x10240x128xf32, #tpu.memory_space<hbm>> -> memref<1x128x128xf32, #tpu.memory_space<hbm>>
      %dma_start3A_77 = tpu.memref_squeeze %dma_start3A_76 : memref<1x128x128xf32, #tpu.memory_space<hbm>> -> memref<128x128xf32, #tpu.memory_space<hbm>>
      %dma_start3A_78 = arith.constant 0 : i32
      %dma_start3A_79 = tpu.memref_slice %arg7[%add3A_46, %dma_start3A_78] : memref<10240x128xf32, #tpu.memory_space<vmem_shared>> -> memref<128x128xf32, #tpu.memory_space<vmem_shared>>
      tpu.enqueue_dma source(%dma_start3A_79 : memref<128x128xf32, #tpu.memory_space<vmem_shared>>) target(%dma_start3A_77 : memref<128x128xf32, #tpu.memory_space<hbm>>) target_semaphore(%run_scoped3A_75 : memref<!tpu.dma_semaphore, #tpu.memory_space<semaphore_mem>>)
      %dma_wait3A = arith.constant 0 : i32
      %dma_wait3A_80 = tpu.memref_slice %arg4[%arg0, %add3A_50, %dma_wait3A] : memref<2x10240x128xf32, #tpu.memory_space<hbm>> -> memref<1x128x128xf32, #tpu.memory_space<hbm>>
      %dma_wait3A_81 = tpu.memref_squeeze %dma_wait3A_80 : memref<1x128x128xf32, #tpu.memory_space<hbm>> -> memref<128x128xf32, #tpu.memory_space<hbm>>
      %dma_wait3A_82 = arith.constant 0 : i32
      %dma_wait3A_83 = tpu.memref_slice %arg7[%add3A_46, %dma_wait3A_82] : memref<10240x128xf32, #tpu.memory_space<vmem_shared>> -> memref<128x128xf32, #tpu.memory_space<vmem_shared>>
      tpu.wait_dma2 semaphore(%run_scoped3A_75 : memref<!tpu.dma_semaphore, #tpu.memory_space<semaphore_mem>>) src(%dma_wait3A_83 : memref<128x128xf32, #tpu.memory_space<vmem_shared>>) dst(%dma_wait3A_81 : memref<128x128xf32, #tpu.memory_space<hbm>>)
      tpu.yield
    }) : () -> ()
    %mul3A_51 = arith.constant 640 : i32
    %mul3A_52 = arith.muli %arg1, %mul3A_51 : i32
    %add3A_53 = arith.constant 256 : i32
    %add3A_54 = arith.addi %mul3A_52, %add3A_53 : i32
    %mul3A_55 = arith.constant 640 : i32
    %mul3A_56 = arith.muli %arg1, %mul3A_55 : i32
    %add3A_57 = arith.constant 256 : i32
    %add3A_58 = arith.addi %mul3A_56, %add3A_57 : i32
    "tpu.region"() ({
      %run_scoped3A_75 = tpu.sem_alloc : memref<!tpu.dma_semaphore, #tpu.memory_space<semaphore_mem>>
      %dma_start3A = arith.constant 0 : i32
      %dma_start3A_76 = tpu.memref_slice %arg4[%arg0, %add3A_58, %dma_start3A] : memref<2x10240x128xf32, #tpu.memory_space<hbm>> -> memref<1x128x128xf32, #tpu.memory_space<hbm>>
      %dma_start3A_77 = tpu.memref_squeeze %dma_start3A_76 : memref<1x128x128xf32, #tpu.memory_space<hbm>> -> memref<128x128xf32, #tpu.memory_space<hbm>>
      %dma_start3A_78 = arith.constant 0 : i32
      %dma_start3A_79 = tpu.memref_slice %arg7[%add3A_54, %dma_start3A_78] : memref<10240x128xf32, #tpu.memory_space<vmem_shared>> -> memref<128x128xf32, #tpu.memory_space<vmem_shared>>
      tpu.enqueue_dma source(%dma_start3A_79 : memref<128x128xf32, #tpu.memory_space<vmem_shared>>) target(%dma_start3A_77 : memref<128x128xf32, #tpu.memory_space<hbm>>) target_semaphore(%run_scoped3A_75 : memref<!tpu.dma_semaphore, #tpu.memory_space<semaphore_mem>>)
      %dma_wait3A = arith.constant 0 : i32
      %dma_wait3A_80 = tpu.memref_slice %arg4[%arg0, %add3A_58, %dma_wait3A] : memref<2x10240x128xf32, #tpu.memory_space<hbm>> -> memref<1x128x128xf32, #tpu.memory_space<hbm>>
      %dma_wait3A_81 = tpu.memref_squeeze %dma_wait3A_80 : memref<1x128x128xf32, #tpu.memory_space<hbm>> -> memref<128x128xf32, #tpu.memory_space<hbm>>
      %dma_wait3A_82 = arith.constant 0 : i32
      %dma_wait3A_83 = tpu.memref_slice %arg7[%add3A_54, %dma_wait3A_82] : memref<10240x128xf32, #tpu.memory_space<vmem_shared>> -> memref<128x128xf32, #tpu.memory_space<vmem_shared>>
      tpu.wait_dma2 semaphore(%run_scoped3A_75 : memref<!tpu.dma_semaphore, #tpu.memory_space<semaphore_mem>>) src(%dma_wait3A_83 : memref<128x128xf32, #tpu.memory_space<vmem_shared>>) dst(%dma_wait3A_81 : memref<128x128xf32, #tpu.memory_space<hbm>>)
      tpu.yield
    }) : () -> ()
    %mul3A_59 = arith.constant 640 : i32
    %mul3A_60 = arith.muli %arg1, %mul3A_59 : i32
    %add3A_61 = arith.constant 384 : i32
    %add3A_62 = arith.addi %mul3A_60, %add3A_61 : i32
    %mul3A_63 = arith.constant 640 : i32
    %mul3A_64 = arith.muli %arg1, %mul3A_63 : i32
    %add3A_65 = arith.constant 384 : i32
    %add3A_66 = arith.addi %mul3A_64, %add3A_65 : i32
    "tpu.region"() ({
      %run_scoped3A_75 = tpu.sem_alloc : memref<!tpu.dma_semaphore, #tpu.memory_space<semaphore_mem>>
      %dma_start3A = arith.constant 0 : i32
      %dma_start3A_76 = tpu.memref_slice %arg4[%arg0, %add3A_66, %dma_start3A] : memref<2x10240x128xf32, #tpu.memory_space<hbm>> -> memref<1x128x128xf32, #tpu.memory_space<hbm>>
      %dma_start3A_77 = tpu.memref_squeeze %dma_start3A_76 : memref<1x128x128xf32, #tpu.memory_space<hbm>> -> memref<128x128xf32, #tpu.memory_space<hbm>>
      %dma_start3A_78 = arith.constant 0 : i32
      %dma_start3A_79 = tpu.memref_slice %arg7[%add3A_62, %dma_start3A_78] : memref<10240x128xf32, #tpu.memory_space<vmem_shared>> -> memref<128x128xf32, #tpu.memory_space<vmem_shared>>
      tpu.enqueue_dma source(%dma_start3A_79 : memref<128x128xf32, #tpu.memory_space<vmem_shared>>) target(%dma_start3A_77 : memref<128x128xf32, #tpu.memory_space<hbm>>) target_semaphore(%run_scoped3A_75 : memref<!tpu.dma_semaphore, #tpu.memory_space<semaphore_mem>>)
      %dma_wait3A = arith.constant 0 : i32
      %dma_wait3A_80 = tpu.memref_slice %arg4[%arg0, %add3A_66, %dma_wait3A] : memref<2x10240x128xf32, #tpu.memory_space<hbm>> -> memref<1x128x128xf32, #tpu.memory_space<hbm>>
      %dma_wait3A_81 = tpu.memref_squeeze %dma_wait3A_80 : memref<1x128x128xf32, #tpu.memory_space<hbm>> -> memref<128x128xf32, #tpu.memory_space<hbm>>
      %dma_wait3A_82 = arith.constant 0 : i32
      %dma_wait3A_83 = tpu.memref_slice %arg7[%add3A_62, %dma_wait3A_82] : memref<10240x128xf32, #tpu.memory_space<vmem_shared>> -> memref<128x128xf32, #tpu.memory_space<vmem_shared>>
      tpu.wait_dma2 semaphore(%run_scoped3A_75 : memref<!tpu.dma_semaphore, #tpu.memory_space<semaphore_mem>>) src(%dma_wait3A_83 : memref<128x128xf32, #tpu.memory_space<vmem_shared>>) dst(%dma_wait3A_81 : memref<128x128xf32, #tpu.memory_space<hbm>>)
      tpu.yield
    }) : () -> ()
    %mul3A_67 = arith.constant 640 : i32
    %mul3A_68 = arith.muli %arg1, %mul3A_67 : i32
    %add3A_69 = arith.constant 512 : i32
    %add3A_70 = arith.addi %mul3A_68, %add3A_69 : i32
    %mul3A_71 = arith.constant 640 : i32
    %mul3A_72 = arith.muli %arg1, %mul3A_71 : i32
    %add3A_73 = arith.constant 512 : i32
    %add3A_74 = arith.addi %mul3A_72, %add3A_73 : i32
    "tpu.region"() ({
      %run_scoped3A_75 = tpu.sem_alloc : memref<!tpu.dma_semaphore, #tpu.memory_space<semaphore_mem>>
      %dma_start3A = arith.constant 0 : i32
      %dma_start3A_76 = tpu.memref_slice %arg4[%arg0, %add3A_74, %dma_start3A] : memref<2x10240x128xf32, #tpu.memory_space<hbm>> -> memref<1x128x128xf32, #tpu.memory_space<hbm>>
      %dma_start3A_77 = tpu.memref_squeeze %dma_start3A_76 : memref<1x128x128xf32, #tpu.memory_space<hbm>> -> memref<128x128xf32, #tpu.memory_space<hbm>>
      %dma_start3A_78 = arith.constant 0 : i32
      %dma_start3A_79 = tpu.memref_slice %arg7[%add3A_70, %dma_start3A_78] : memref<10240x128xf32, #tpu.memory_space<vmem_shared>> -> memref<128x128xf32, #tpu.memory_space<vmem_shared>>
      tpu.enqueue_dma source(%dma_start3A_79 : memref<128x128xf32, #tpu.memory_space<vmem_shared>>) target(%dma_start3A_77 : memref<128x128xf32, #tpu.memory_space<hbm>>) target_semaphore(%run_scoped3A_75 : memref<!tpu.dma_semaphore, #tpu.memory_space<semaphore_mem>>)
      %dma_wait3A = arith.constant 0 : i32
      %dma_wait3A_80 = tpu.memref_slice %arg4[%arg0, %add3A_74, %dma_wait3A] : memref<2x10240x128xf32, #tpu.memory_space<hbm>> -> memref<1x128x128xf32, #tpu.memory_space<hbm>>
      %dma_wait3A_81 = tpu.memref_squeeze %dma_wait3A_80 : memref<1x128x128xf32, #tpu.memory_space<hbm>> -> memref<128x128xf32, #tpu.memory_space<hbm>>
      %dma_wait3A_82 = arith.constant 0 : i32
      %dma_wait3A_83 = tpu.memref_slice %arg7[%add3A_70, %dma_wait3A_82] : memref<10240x128xf32, #tpu.memory_space<vmem_shared>> -> memref<128x128xf32, #tpu.memory_space<vmem_shared>>
      tpu.wait_dma2 semaphore(%run_scoped3A_75 : memref<!tpu.dma_semaphore, #tpu.memory_space<semaphore_mem>>) src(%dma_wait3A_83 : memref<128x128xf32, #tpu.memory_space<vmem_shared>>) dst(%dma_wait3A_81 : memref<128x128xf32, #tpu.memory_space<hbm>>)
      tpu.yield
    }) : () -> ()
    return
  }
}

module attributes {stable_mosaic.version = 14 : i64} {
  func.func @_mm_body(%arg0: i32, %arg1: memref<2000x128xf32, #tpu.memory_space<vmem>>, %arg2: memref<128x128xf32, #tpu.memory_space<vmem>>, %arg3: memref<2000x128xf32, #tpu.memory_space<vmem>>) attributes {dimension_semantics = [#tpu.dimension_semantics<arbitrary>], iteration_bounds = array<i64: 5>, scalar_prefetch = 0 : i64, scratch_operands = 0 : i64, tpu.core_type = #tpu.core_type<tc>, window_params = [{transform_indices = @transform_0, window_bounds = array<i64: 2000, 128>}, {pipeline_mode = #tpu.pipeline_mode<synchronous>, transform_indices = @transform_1, window_bounds = array<i64: 128, 128>}, {transform_indices = @transform_2, window_bounds = array<i64: 2000, 128>}]} {
    %get3A = arith.constant 0 : index
    %get3A_0 = arith.constant 0 : index
    %get3A_1 = vector.load %arg1[%get3A, %get3A_0] : memref<2000x128xf32, #tpu.memory_space<vmem>>, vector<2000x128xf32>
    %get3A_2 = arith.constant 0 : index
    %get3A_3 = arith.constant 0 : index
    %get3A_4 = vector.load %arg2[%get3A_2, %get3A_3] : memref<128x128xf32, #tpu.memory_space<vmem>>, vector<128x128xf32>
    %dot_general3A = arith.constant dense<0.000000e+00> : vector<2000x128xf32>
    %dot_general3A_5 = tpu.matmul %get3A_1, %get3A_4, %dot_general3A {dimension_numbers = #tpu.dot_dimension_numbers<[1], [0], [0], [1], [0, 0, 1, 1], [], []>, transpose_lhs_hint = false} : vector<2000x128xf32>, vector<128x128xf32>, vector<2000x128xf32> -> vector<2000x128xf32>
    %swap3A = arith.constant 0 : index
    %swap3A_6 = arith.constant 0 : index
    %swap3A_7 = vector.load %arg3[%swap3A, %swap3A_6] : memref<2000x128xf32, #tpu.memory_space<vmem>>, vector<2000x128xf32>
    tpu.vector_store %arg3[%swap3A, %swap3A_6], %dot_general3A_5 {strides = array<i32>} : memref<2000x128xf32, #tpu.memory_space<vmem>>, vector<2000x128xf32>,
    return
  }
  func.func @transform_0(%arg0: i32) -> (i32, i32) {
    %c0_i32 = arith.constant 0 : i32
    %c0_i32_0 = arith.constant 0 : i32
    return %arg0, %c0_i32 : i32, i32
  }
  func.func @transform_1(%arg0: i32) -> (i32, i32) {
    %c0_i32 = arith.constant 0 : i32
    %c0_i32_0 = arith.constant 0 : i32
    %c0_i32_1 = arith.constant 0 : i32
    return %c0_i32, %c0_i32_0 : i32, i32
  }
  func.func @transform_2(%arg0: i32) -> (i32, i32) {
    %c0_i32 = arith.constant 0 : i32
    %c0_i32_0 = arith.constant 0 : i32
    return %arg0, %c0_i32 : i32, i32
  }
}

module attributes {stable_mosaic.version = 14 : i64} {
  func.func @_scale_body(%arg0: i32, %arg1: memref<2000x128xf32, #tpu.memory_space<vmem>>, %arg2: memref<2x2000x1xf32, #tpu.memory_space<vmem>>, %arg3: memref<2000x128xf32, #tpu.memory_space<vmem>>) attributes {dimension_semantics = [#tpu.dimension_semantics<arbitrary>], iteration_bounds = array<i64: 5>, scalar_prefetch = 0 : i64, scratch_operands = 0 : i64, tpu.core_type = #tpu.core_type<tc>, window_params = [{transform_indices = @transform_0, window_bounds = array<i64: 2000, 128>}, {transform_indices = @transform_1, window_bounds = array<i64: 2, 2000, 1>}, {transform_indices = @transform_2, window_bounds = array<i64: 2000, 128>}]} {
    %get3A = arith.constant 0 : index
    %get3A_0 = arith.constant 0 : index
    %get3A_1 = arith.constant 0 : index
    %get3A_2 = vector.load %arg2[%get3A, %get3A_0, %get3A_1] : memref<2x2000x1xf32, #tpu.memory_space<vmem>>, vector<1x2000x1xf32>
    %get3A_3 = vector.shape_cast %get3A_2 : vector<1x2000x1xf32> to vector<2000x1xf32>
    %get3A_4 = arith.constant 1 : index
    %get3A_5 = arith.constant 0 : index
    %get3A_6 = arith.constant 0 : index
    %get3A_7 = vector.load %arg2[%get3A_4, %get3A_5, %get3A_6] : memref<2x2000x1xf32, #tpu.memory_space<vmem>>, vector<1x2000x1xf32>
    %get3A_8 = vector.shape_cast %get3A_7 : vector<1x2000x1xf32> to vector<2000x1xf32>
    %add3A = arith.addf %get3A_3, %get3A_8 : vector<2000x1xf32>
    %add3A_9 = arith.constant 1.000000e+00 : f32
    %add3A_10 = vector.broadcast %add3A_9 : f32 to vector<2000x1xf32>
    %add3A_11 = arith.addf %add3A, %add3A_10 : vector<2000x1xf32>
    %get3A_12 = arith.constant 0 : index
    %get3A_13 = arith.constant 0 : index
    %get3A_14 = vector.load %arg1[%get3A_12, %get3A_13] : memref<2000x128xf32, #tpu.memory_space<vmem>>, vector<2000x128xf32>
    %rsqrt3A = math.rsqrt %add3A_11 : vector<2000x1xf32>
    %mul3A = vector.broadcast %rsqrt3A : vector<2000x1xf32> to vector<2000x128xf32>
    %mul3A_15 = arith.mulf %get3A_14, %mul3A : vector<2000x128xf32>
    %swap3A = arith.constant 0 : index
    %swap3A_16 = arith.constant 0 : index
    %swap3A_17 = vector.load %arg3[%swap3A, %swap3A_16] : memref<2000x128xf32, #tpu.memory_space<vmem>>, vector<2000x128xf32>
    tpu.vector_store %arg3[%swap3A, %swap3A_16], %mul3A_15 {strides = array<i32>} : memref<2000x128xf32, #tpu.memory_space<vmem>>, vector<2000x128xf32>,
    return
  }
  func.func @transform_0(%arg0: i32) -> (i32, i32) {
    %c0_i32 = arith.constant 0 : i32
    %c0_i32_0 = arith.constant 0 : i32
    return %arg0, %c0_i32 : i32, i32
  }
  func.func @transform_1(%arg0: i32) -> (i32, i32, i32) {
    %c0_i32 = arith.constant 0 : i32
    %c0_i32_0 = arith.constant 0 : i32
    %c0_i32_1 = arith.constant 0 : i32
    return %c0_i32, %arg0, %c0_i32_0 : i32, i32, i32
  }
  func.func @transform_2(%arg0: i32) -> (i32, i32) {
    %c0_i32 = arith.constant 0 : i32
    %c0_i32_0 = arith.constant 0 : i32
    return %arg0, %c0_i32 : i32, i32
  }
}

module attributes {stable_mosaic.version = 14 : i64} {
  func.func @_tc2_body(%arg0: i32, %arg1: memref<2x2000x128xf32, #tpu.memory_space<vmem>>, %arg2: memref<2000x128xf32, #tpu.memory_space<vmem>>, %arg3: memref<2x2000x1xf32, #tpu.memory_space<vmem>>, %arg4: memref<128x128xf32, #tpu.memory_space<vmem>>, %arg5: memref<1x128xf32, #tpu.memory_space<vmem>>, %arg6: memref<2000x128xf32, #tpu.memory_space<vmem>>) attributes {dimension_semantics = [#tpu.dimension_semantics<arbitrary>], iteration_bounds = array<i64: 5>, scalar_prefetch = 0 : i64, scratch_operands = 0 : i64, tpu.core_type = #tpu.core_type<tc>, window_params = [{transform_indices = @transform_0, window_bounds = array<i64: 2, 2000, 128>}, {transform_indices = @transform_1, window_bounds = array<i64: 2000, 128>}, {transform_indices = @transform_2, window_bounds = array<i64: 2, 2000, 1>}, {pipeline_mode = #tpu.pipeline_mode<synchronous>, transform_indices = @transform_3, window_bounds = array<i64: 128, 128>}, {pipeline_mode = #tpu.pipeline_mode<synchronous>, transform_indices = @transform_4, window_bounds = array<i64: 1, 128>}, {transform_indices = @transform_5, window_bounds = array<i64: 2000, 128>}]} {
    %get3A = arith.constant 0 : index
    %get3A_0 = arith.constant 0 : index
    %get3A_1 = arith.constant 0 : index
    %get3A_2 = vector.load %arg3[%get3A, %get3A_0, %get3A_1] : memref<2x2000x1xf32, #tpu.memory_space<vmem>>, vector<1x2000x1xf32>
    %get3A_3 = vector.shape_cast %get3A_2 : vector<1x2000x1xf32> to vector<2000x1xf32>
    %get3A_4 = arith.constant 1 : index
    %get3A_5 = arith.constant 0 : index
    %get3A_6 = arith.constant 0 : index
    %get3A_7 = vector.load %arg3[%get3A_4, %get3A_5, %get3A_6] : memref<2x2000x1xf32, #tpu.memory_space<vmem>>, vector<1x2000x1xf32>
    %get3A_8 = vector.shape_cast %get3A_7 : vector<1x2000x1xf32> to vector<2000x1xf32>
    %add3A = arith.addf %get3A_3, %get3A_8 : vector<2000x1xf32>
    %add3A_9 = arith.constant 1.000000e+00 : f32
    %add3A_10 = vector.broadcast %add3A_9 : f32 to vector<2000x1xf32>
    %add3A_11 = arith.addf %add3A, %add3A_10 : vector<2000x1xf32>
    %rsqrt3A = math.rsqrt %add3A_11 : vector<2000x1xf32>
    %get3A_12 = arith.constant 0 : index
    %get3A_13 = arith.constant 0 : index
    %get3A_14 = arith.constant 0 : index
    %get3A_15 = vector.load %arg1[%get3A_12, %get3A_13, %get3A_14] : memref<2x2000x128xf32, #tpu.memory_space<vmem>>, vector<1x2000x128xf32>
    %get3A_16 = vector.shape_cast %get3A_15 : vector<1x2000x128xf32> to vector<2000x128xf32>
    %get3A_17 = arith.constant 1 : index
    %get3A_18 = arith.constant 0 : index
    %get3A_19 = arith.constant 0 : index
    %get3A_20 = vector.load %arg1[%get3A_17, %get3A_18, %get3A_19] : memref<2x2000x128xf32, #tpu.memory_space<vmem>>, vector<1x2000x128xf32>
    %get3A_21 = vector.shape_cast %get3A_20 : vector<1x2000x128xf32> to vector<2000x128xf32>
    %add3A_22 = arith.addf %get3A_16, %get3A_21 : vector<2000x128xf32>
    %get3A_23 = arith.constant 0 : index
    %get3A_24 = arith.constant 0 : index
    %get3A_25 = vector.load %arg2[%get3A_23, %get3A_24] : memref<2000x128xf32, #tpu.memory_space<vmem>>, vector<2000x128xf32>
    %add3A_26 = arith.addf %add3A_22, %get3A_25 : vector<2000x128xf32>
    %mul3A = vector.broadcast %rsqrt3A : vector<2000x1xf32> to vector<2000x128xf32>
    %mul3A_27 = arith.mulf %add3A_26, %mul3A : vector<2000x128xf32>
    %get3A_28 = arith.constant 0 : index
    %get3A_29 = arith.constant 0 : index
    %get3A_30 = vector.load %arg5[%get3A_28, %get3A_29] : memref<1x128xf32, #tpu.memory_space<vmem>>, vector<1x128xf32>
    %add3A_31 = vector.broadcast %get3A_30 : vector<1x128xf32> to vector<2000x128xf32>
    %add3A_32 = arith.addf %mul3A_27, %add3A_31 : vector<2000x128xf32>
    %max3A = arith.constant 0.000000e+00 : f32
    %max3A_33 = vector.broadcast %max3A : f32 to vector<2000x128xf32>
    %max3A_34 = arith.maximumf %add3A_32, %max3A_33 : vector<2000x128xf32>
    %get3A_35 = arith.constant 0 : index
    %get3A_36 = arith.constant 0 : index
    %get3A_37 = vector.load %arg4[%get3A_35, %get3A_36] : memref<128x128xf32, #tpu.memory_space<vmem>>, vector<128x128xf32>
    %dot_general3A = arith.constant dense<0.000000e+00> : vector<2000x128xf32>
    %dot_general3A_38 = tpu.matmul %max3A_34, %get3A_37, %dot_general3A {dimension_numbers = #tpu.dot_dimension_numbers<[1], [0], [0], [1], [0, 0, 1, 1], [], []>, transpose_lhs_hint = false} : vector<2000x128xf32>, vector<128x128xf32>, vector<2000x128xf32> -> vector<2000x128xf32>
    %mul3A_39 = vector.broadcast %rsqrt3A : vector<2000x1xf32> to vector<2000x128xf32>
    %mul3A_40 = arith.mulf %dot_general3A_38, %mul3A_39 : vector<2000x128xf32>
    %swap3A = arith.constant 0 : index
    %swap3A_41 = arith.constant 0 : index
    %swap3A_42 = vector.load %arg6[%swap3A, %swap3A_41] : memref<2000x128xf32, #tpu.memory_space<vmem>>, vector<2000x128xf32>
    tpu.vector_store %arg6[%swap3A, %swap3A_41], %mul3A_40 {strides = array<i32>} : memref<2000x128xf32, #tpu.memory_space<vmem>>, vector<2000x128xf32>,
    return
  }
  func.func @transform_0(%arg0: i32) -> (i32, i32, i32) {
    %c0_i32 = arith.constant 0 : i32
    %c0_i32_0 = arith.constant 0 : i32
    %c0_i32_1 = arith.constant 0 : i32
    return %c0_i32, %arg0, %c0_i32_0 : i32, i32, i32
  }
  func.func @transform_1(%arg0: i32) -> (i32, i32) {
    %c0_i32 = arith.constant 0 : i32
    %c0_i32_0 = arith.constant 0 : i32
    return %arg0, %c0_i32 : i32, i32
  }
  func.func @transform_2(%arg0: i32) -> (i32, i32, i32) {
    %c0_i32 = arith.constant 0 : i32
    %c0_i32_0 = arith.constant 0 : i32
    %c0_i32_1 = arith.constant 0 : i32
    return %c0_i32, %arg0, %c0_i32_0 : i32, i32, i32
  }
  func.func @transform_3(%arg0: i32) -> (i32, i32) {
    %c0_i32 = arith.constant 0 : i32
    %c0_i32_0 = arith.constant 0 : i32
    %c0_i32_1 = arith.constant 0 : i32
    return %c0_i32, %c0_i32_0 : i32, i32
  }
  func.func @transform_4(%arg0: i32) -> (i32, i32) {
    %c0_i32 = arith.constant 0 : i32
    %c0_i32_0 = arith.constant 0 : i32
    %c0_i32_1 = arith.constant 0 : i32
    return %c0_i32, %c0_i32_0 : i32, i32
  }
  func.func @transform_5(%arg0: i32) -> (i32, i32) {
    %c0_i32 = arith.constant 0 : i32
    %c0_i32_0 = arith.constant 0 : i32
    return %arg0, %c0_i32 : i32, i32
  }
}

module attributes {stable_mosaic.version = 14 : i64} {
  func.func @_tc3_body(%arg0: i32, %arg1: memref<2x2000x128xf32, #tpu.memory_space<vmem>>, %arg2: memref<2000x128xf32, #tpu.memory_space<vmem>>, %arg3: memref<2x2000x1xf32, #tpu.memory_space<vmem>>, %arg4: memref<1x128xf32, #tpu.memory_space<vmem>>, %arg5: memref<2000x1xf32, #tpu.memory_space<vmem>>, %arg6: memref<2000x1xi32, #tpu.memory_space<vmem>>, %arg7: memref<64x128xf32, #tpu.memory_space<vmem>>) attributes {dimension_semantics = [#tpu.dimension_semantics<arbitrary>], iteration_bounds = array<i64: 5>, scalar_prefetch = 0 : i64, scratch_operands = 0 : i64, tpu.core_type = #tpu.core_type<tc>, window_params = [{transform_indices = @transform_0, window_bounds = array<i64: 2, 2000, 128>}, {transform_indices = @transform_1, window_bounds = array<i64: 2000, 128>}, {transform_indices = @transform_2, window_bounds = array<i64: 2, 2000, 1>}, {pipeline_mode = #tpu.pipeline_mode<synchronous>, transform_indices = @transform_3, window_bounds = array<i64: 1, 128>}, {transform_indices = @transform_4, window_bounds = array<i64: 2000, 1>}, {transform_indices = @transform_5, window_bounds = array<i64: 2000, 1>}, {pipeline_mode = #tpu.pipeline_mode<synchronous>, transform_indices = @transform_6, window_bounds = array<i64: 64, 128>}]} {
    %get3A = arith.constant 0 : index
    %get3A_0 = arith.constant 0 : index
    %get3A_1 = arith.constant 0 : index
    %get3A_2 = vector.load %arg3[%get3A, %get3A_0, %get3A_1] : memref<2x2000x1xf32, #tpu.memory_space<vmem>>, vector<1x2000x1xf32>
    %get3A_3 = vector.shape_cast %get3A_2 : vector<1x2000x1xf32> to vector<2000x1xf32>
    %get3A_4 = arith.constant 1 : index
    %get3A_5 = arith.constant 0 : index
    %get3A_6 = arith.constant 0 : index
    %get3A_7 = vector.load %arg3[%get3A_4, %get3A_5, %get3A_6] : memref<2x2000x1xf32, #tpu.memory_space<vmem>>, vector<1x2000x1xf32>
    %get3A_8 = vector.shape_cast %get3A_7 : vector<1x2000x1xf32> to vector<2000x1xf32>
    %add3A = arith.addf %get3A_3, %get3A_8 : vector<2000x1xf32>
    %add3A_9 = arith.constant 1.000000e+00 : f32
    %add3A_10 = vector.broadcast %add3A_9 : f32 to vector<2000x1xf32>
    %add3A_11 = arith.addf %add3A, %add3A_10 : vector<2000x1xf32>
    %rsqrt3A = math.rsqrt %add3A_11 : vector<2000x1xf32>
    %get3A_12 = arith.constant 0 : index
    %get3A_13 = arith.constant 0 : index
    %get3A_14 = arith.constant 0 : index
    %get3A_15 = vector.load %arg1[%get3A_12, %get3A_13, %get3A_14] : memref<2x2000x128xf32, #tpu.memory_space<vmem>>, vector<1x2000x128xf32>
    %get3A_16 = vector.shape_cast %get3A_15 : vector<1x2000x128xf32> to vector<2000x128xf32>
    %get3A_17 = arith.constant 1 : index
    %get3A_18 = arith.constant 0 : index
    %get3A_19 = arith.constant 0 : index
    %get3A_20 = vector.load %arg1[%get3A_17, %get3A_18, %get3A_19] : memref<2x2000x128xf32, #tpu.memory_space<vmem>>, vector<1x2000x128xf32>
    %get3A_21 = vector.shape_cast %get3A_20 : vector<1x2000x128xf32> to vector<2000x128xf32>
    %add3A_22 = arith.addf %get3A_16, %get3A_21 : vector<2000x128xf32>
    %get3A_23 = arith.constant 0 : index
    %get3A_24 = arith.constant 0 : index
    %get3A_25 = vector.load %arg2[%get3A_23, %get3A_24] : memref<2000x128xf32, #tpu.memory_space<vmem>>, vector<2000x128xf32>
    %add3A_26 = arith.addf %add3A_22, %get3A_25 : vector<2000x128xf32>
    %mul3A = vector.broadcast %rsqrt3A : vector<2000x1xf32> to vector<2000x128xf32>
    %mul3A_27 = arith.mulf %add3A_26, %mul3A : vector<2000x128xf32>
    %get3A_28 = arith.constant 0 : index
    %get3A_29 = arith.constant 0 : index
    %get3A_30 = vector.load %arg4[%get3A_28, %get3A_29] : memref<1x128xf32, #tpu.memory_space<vmem>>, vector<1x128xf32>
    %add3A_31 = vector.broadcast %get3A_30 : vector<1x128xf32> to vector<2000x128xf32>
    %add3A_32 = arith.addf %mul3A_27, %add3A_31 : vector<2000x128xf32>
    %get3A_33 = arith.constant 0 : index
    %get3A_34 = arith.constant 0 : index
    %get3A_35 = vector.load %arg5[%get3A_33, %get3A_34] : memref<2000x1xf32, #tpu.memory_space<vmem>>, vector<2000x1xf32>
    %mul3A_36 = arith.constant 5.000000e-01 : f32
    %mul3A_37 = vector.broadcast %mul3A_36 : f32 to vector<2000x1xf32>
    %mul3A_38 = arith.mulf %mul3A_37, %get3A_35 : vector<2000x1xf32>
    %mul3A_39 = vector.broadcast %mul3A_38 : vector<2000x1xf32> to vector<2000x128xf32>
    %mul3A_40 = arith.mulf %add3A_32, %mul3A_39 : vector<2000x128xf32>
    %iota3A = tpu.iota {dimensions = array<i32: 1>} : vector<2000x64xi32>
    %get3A_41 = arith.constant 0 : index
    %get3A_42 = arith.constant 0 : index
    %get3A_43 = vector.load %arg6[%get3A_41, %get3A_42] : memref<2000x1xi32, #tpu.memory_space<vmem>>, vector<2000x1xi32>
    %eq3A = vector.broadcast %get3A_43 : vector<2000x1xi32> to vector<2000x64xi32>
    %eq3A_44 = arith.cmpi eq, %iota3A, %eq3A : vector<2000x64xi32>
    %convert_element_type3A = arith.extui %eq3A_44 : vector<2000x64xi1> to vector<2000x64xi32>
    %convert_element_type3A_45 = arith.sitofp %convert_element_type3A : vector<2000x64xi32> to vector<2000x64xf32>
    %dot_general3A = arith.constant dense<0.000000e+00> : vector<64x128xf32>
    %dot_general3A_46 = tpu.matmul %convert_element_type3A_45, %mul3A_40, %dot_general3A {dimension_numbers = #tpu.dot_dimension_numbers<[0], [0], [1], [1], [0, 1, 1, 1], [], []>, transpose_lhs_hint = false} : vector<2000x64xf32>, vector<2000x128xf32>, vector<64x128xf32> -> vector<64x128xf32>
    %eq3A_47 = arith.constant 0 : i32
    %eq3A_48 = arith.cmpi eq, %arg0, %eq3A_47 : i32
    %convert_element_type3A_49 = arith.extui %eq3A_48 : i1 to i32
    %cond3A = arith.constant 0 : i32
    %cond3A_50 = arith.cmpi ne, %convert_element_type3A_49, %cond3A : i32
    scf.if %cond3A_50 {
      %swap3A = arith.constant 0 : index
      %swap3A_55 = arith.constant 0 : index
      %swap3A_56 = vector.load %arg7[%swap3A, %swap3A_55] : memref<64x128xf32, #tpu.memory_space<vmem>>, vector<64x128xf32>
      tpu.vector_store %arg7[%swap3A, %swap3A_55], %dot_general3A_46 {strides = array<i32>} : memref<64x128xf32, #tpu.memory_space<vmem>>, vector<64x128xf32>,
    } else {
    }
    %ne3A = arith.constant 0 : i32
    %ne3A_51 = arith.cmpi ne, %arg0, %ne3A : i32
    %convert_element_type3A_52 = arith.extui %ne3A_51 : i1 to i32
    %cond3A_53 = arith.constant 0 : i32
    %cond3A_54 = arith.cmpi ne, %convert_element_type3A_52, %cond3A_53 : i32
    scf.if %cond3A_54 {
      %get3A_55 = arith.constant 0 : index
      %get3A_56 = arith.constant 0 : index
      %get3A_57 = vector.load %arg7[%get3A_55, %get3A_56] : memref<64x128xf32, #tpu.memory_space<vmem>>, vector<64x128xf32>
      %add3A_58 = arith.addf %get3A_57, %dot_general3A_46 : vector<64x128xf32>
      %swap3A = arith.constant 0 : index
      %swap3A_59 = arith.constant 0 : index
      %swap3A_60 = vector.load %arg7[%swap3A, %swap3A_59] : memref<64x128xf32, #tpu.memory_space<vmem>>, vector<64x128xf32>
      tpu.vector_store %arg7[%swap3A, %swap3A_59], %add3A_58 {strides = array<i32>} : memref<64x128xf32, #tpu.memory_space<vmem>>, vector<64x128xf32>,
    } else {
    }
    return
  }
  func.func @transform_0(%arg0: i32) -> (i32, i32, i32) {
    %c0_i32 = arith.constant 0 : i32
    %c0_i32_0 = arith.constant 0 : i32
    %c0_i32_1 = arith.constant 0 : i32
    return %c0_i32, %arg0, %c0_i32_0 : i32, i32, i32
  }
  func.func @transform_1(%arg0: i32) -> (i32, i32) {
    %c0_i32 = arith.constant 0 : i32
    %c0_i32_0 = arith.constant 0 : i32
    return %arg0, %c0_i32 : i32, i32
  }
  func.func @transform_2(%arg0: i32) -> (i32, i32, i32) {
    %c0_i32 = arith.constant 0 : i32
    %c0_i32_0 = arith.constant 0 : i32
    %c0_i32_1 = arith.constant 0 : i32
    return %c0_i32, %arg0, %c0_i32_0 : i32, i32, i32
  }
  func.func @transform_3(%arg0: i32) -> (i32, i32) {
    %c0_i32 = arith.constant 0 : i32
    %c0_i32_0 = arith.constant 0 : i32
    %c0_i32_1 = arith.constant 0 : i32
    return %c0_i32, %c0_i32_0 : i32, i32
  }
  func.func @transform_4(%arg0: i32) -> (i32, i32) {
    %c0_i32 = arith.constant 0 : i32
    %c0_i32_0 = arith.constant 0 : i32
    return %arg0, %c0_i32 : i32, i32
  }
  func.func @transform_5(%arg0: i32) -> (i32, i32) {
    %c0_i32 = arith.constant 0 : i32
    %c0_i32_0 = arith.constant 0 : i32
    return %arg0, %c0_i32 : i32, i32
  }
  func.func @transform_6(%arg0: i32) -> (i32, i32) {
    %c0_i32 = arith.constant 0 : i32
    %c0_i32_0 = arith.constant 0 : i32
    %c0_i32_1 = arith.constant 0 : i32
    return %c0_i32, %c0_i32_0 : i32, i32
  }
}

</mosaic_0001>

<sc_bundles>
// kernel: kernel.12.cloned.1.call-start
scs
__scs_entry_jumppad:
0x0: {  	(pc) =	sbr.rel $0x88, $3  }
0x1: {  	(tag) =	ssettag $0x0;
	lr =	simm.s32 $0x1  }
0x2: {  	[smem:$0x3F99] =	sst lr;
	_ =	strace $0xD0000000  }
0x3: {  	_ = 	snop  }
0x4: {  	_ = 	snop  }
0x5: {  	_ = 	snop  }
0x6: {  	_ = 	snop  }
0x7: {  	_ = 	snop  }
__scs_overlays_trampoline_lowered:
0x8: {  	[smem:$0x3FA8] =	sst s0  }
0x9: {  	[smem:$0x3FA9] =	sst s1  }
0xa: {  	[smem:$0x3FAA] =	sst s2  }
0xb: {  	[smem:$0x3FAB] =	sst s3  }
0xc: {  	[smem:$0x3FAC] =	sst s4  }
0xd: {  	[smem:$0x3FAD] =	sst s5  }
0xe: {  	[smem:$0x3FAE] =	sst s6  }
0xf: {  	[smem:$0x3FAF] =	sst s7  }
0x10: {  	[smem:$0x3FB0] =	sst s8  }
0x11: {  	[smem:$0x3FB1] =	sst s9;
	s0 =	simm.s32 @!p0 $0x0  }
0x12: {  	s1 =	sld [smem:$0x3F97];
	s0 =	simm.s32 @p0 $0x1  }
0x13: {  	[smem:$0x3FB2] =	sst s0;
	s0 =	simm.s32 @!p1 $0x0  }
0x14: {  	s2 =	sld [smem:$0x3F96];
	s0 =	simm.s32 @p1 $0x1  }
0x15: {  	[smem:$0x3FB3] =	sst s0;
	s0 =	simm.s32 @!p2 $0x0  }
0x16: {  	s3 =	sld [smem:$0x3FDB];
	s0 =	simm.s32 @p2 $0x1  }
0x17: {  	s4 =	simm.s32 $0x1BF5;
	[smem:$0x3FB5] =	sst s0  }
0x18: {  	s0 =	sld [smem:$0x3F98];
	_ =	swait.ge [sflag:s4], $0x0  }
0x19: {  	s7 =	sld [smem:$0x3F99]  }
0x1a: {  	s8 =	sadd.s32 $0xFFFFE003, lr  }
0x1b: {  	s9 =	sadd.s32 $0xFFFFFEF7, lr;
	s5 =	simm.s32 $0xFFFFFFFF;
	p2 =	slt.u32 s8, $0xFFFFF086  }
0x1c: {  	p1 =	slt.u32 s9, $0xF7A;
	s5 =	simm.s32 @!p2 $0x0  }
0x1d: {  	s5 =	simm.s32 @p1 $0x1;
	p0 =	seq.s32 s7, s2  }
0x1e: {  	s7 =	smul.u32 @!p0 $0xF7A, s2;
	p2 =	seq.s32 @!p0 s5, $0x0  }
0x1f: {  	s9 =	smul.u32 $0xF7A, s1;
	s8 =	simm.s32 @!p0 $0x1BF5;
	p2 =	por !p2, p0  }
0x20: {  	[sflag:s8] =	ssyncset.s32 @!p0 $0xFFFFF086;
	s6 =	sadd.s32 @!p0 s3, s7;
	s7 =	simm.s32 @!p0 $0x108  }
0x21: {  	s3 =	sadd.s32 s3, s9;
	s6 =	sadd.s32 @!p0 $0x88, s6;
	s7 =	simm.s32 @p2 $0x1082  }
0x22: {  	[simem:s7], [sflag:s8] =	dma.local @!p0 [hbm:s6], $0xF7A  }
0x23: {  	s9 =	sor.u32 $0xD0000000, s2;
	s6 =	simm.s32 $0x108;
	_ =	swait.ge @!p0 [sflag:s8], $0x0  }
0x24: {  	s3 =	sadd.s32 $0x88, s3;
	s6 =	simm.s32 @!p1 $0x1082;
	[sflag:s4] =	ssyncset.s32 $0xFFFFF086  }
0x25: {  	[simem:s6], [sflag:s4] =	dma.local [hbm:s3], $0xF7A  }
0x26: {  	[smem:$0x3F99] =	sst s1;
	(tag) =	ssettag s2;
	_ =	strace s9  }
0x27: {  	s1 =	sld [smem:$0x3FA9]  }
0x28: {  	s2 =	sld [smem:$0x3FAA]  }
0x29: {  	s4 =	sld [smem:$0x3FAC]  }
0x2a: {  	p0 =	seq.s32 s5, $0x0;
	s5 =	sld [smem:$0x3FAD]  }
0x2b: {  	s6 =	sld [smem:$0x3FAE]  }
0x2c: {  	s7 =	sld [smem:$0x3FAF]  }
0x2d: {  	s3 =	simm.s32 $0x108;
	s8 =	sld [smem:$0x3FB0]  }
0x2e: {  	s3 =	simm.s32 @!p0 $0x1082;
	s9 =	sld [smem:$0x3FB1]  }
0x2f: {  	lr =	sadd.s32 s0, s3;
	s0 =	sld [smem:$0x3FA8]  }
0x30: {  	s3 =	sld [smem:$0x3FAB]  }
0x31: {  	[smem:$0x3FB4] =	sst s10  }
0x32: {  	s10 =	sld [smem:$0x3FB2];
	_ =	sdelay $0x3  }
0x33: {  	p0 =	seq.s32 s10, $0x1;
	s10 =	sld [smem:$0x3FB4];
	_ =	sdelay $0x3  }
0x34: {  	[smem:$0x3FB4] =	sst s10  }
0x35: {  	s10 =	sld [smem:$0x3FB3];
	_ =	sdelay $0x3  }
0x36: {  	p1 =	seq.s32 s10, $0x1;
	s10 =	sld [smem:$0x3FB4];
	_ =	sdelay $0x3  }
0x37: {  	[smem:$0x3FB4] =	sst s10  }
0x38: {  	s10 =	sld [smem:$0x3FB5]  }
0x39: {  	_ = 	snop;
	(pc) =	sbr.ind lr, $3  }
0x3a: {  	_ = 	snop  }
0x3b: {  	_ = 	snop  }
0x3c: {  	p2 =	seq.s32 s10, $0x1;
	s10 =	sld [smem:$0x3FB4]  }
0x3d: {  	_ =	shalt  }
0x3e: {  	_ =	shalt  }
0x3f: {  	_ =	shalt  }
0x40: {  	_ =	shalt  }
0x41: {  	_ =	shalt  }
0x42: {  	_ =	shalt  }
0x43: {  	_ =	shalt  }
0x44: {  	_ =	shalt  }
0x45: {  	_ =	shalt  }
0x46: {  	_ =	shalt  }
0x47: {  	_ =	shalt  }
0x48: {  	_ =	shalt  }
0x49: {  	_ =	shalt  }
0x4a: {  	_ =	shalt  }
0x4b: {  	_ =	shalt  }
0x4c: {  	_ =	shalt  }
0x4d: {  	_ =	shalt  }
0x4e: {  	_ =	shalt  }
0x4f: {  	_ =	shalt  }
0x50: {  	_ =	shalt  }
0x51: {  	_ =	shalt  }
0x52: {  	_ =	shalt  }
0x53: {  	_ =	shalt  }
0x54: {  	_ =	shalt  }
0x55: {  	_ =	shalt  }
0x56: {  	_ =	shalt  }
0x57: {  	_ =	shalt  }
0x58: {  	_ =	shalt  }
0x59: {  	_ =	shalt  }
0x5a: {  	_ =	shalt  }
0x5b: {  	_ =	shalt  }
0x5c: {  	_ =	shalt  }
0x5d: {  	_ =	shalt  }
0x5e: {  	_ =	shalt  }
0x5f: {  	_ =	shalt  }
0x60: {  	_ =	shalt  }
0x61: {  	_ =	shalt  }
0x62: {  	_ =	shalt  }
0x63: {  	_ =	shalt  }
0x64: {  	_ =	shalt  }
0x65: {  	_ =	shalt  }
0x66: {  	_ =	shalt  }
0x67: {  	_ =	shalt  }
0x68: {  	_ =	shalt  }
0x69: {  	_ =	shalt  }
0x6a: {  	_ =	shalt  }
0x6b: {  	_ =	shalt  }
0x6c: {  	_ =	shalt  }
0x6d: {  	_ =	shalt  }
0x6e: {  	_ =	shalt  }
0x6f: {  	_ =	shalt  }
0x70: {  	_ =	shalt  }
0x71: {  	_ =	shalt  }
0x72: {  	_ =	shalt  }
0x73: {  	_ =	shalt  }
0x74: {  	_ =	shalt  }
0x75: {  	_ =	shalt  }
0x76: {  	_ =	shalt  }
0x77: {  	_ =	shalt  }
0x78: {  	_ =	shalt  }
0x79: {  	_ =	shalt  }
0x7a: {  	_ =	shalt  }
0x7b: {  	_ =	shalt  }
0x7c: {  	_ =	shalt  }
0x7d: {  	_ =	shalt  }
0x7e: {  	_ =	shalt  }
0x7f: {  	_ =	shalt  }
0x80: {  	_ =	shalt  }
0x81: {  	_ =	shalt  }
0x82: {  	_ =	shalt  }
0x83: {  	_ =	shalt  }
0x84: {  	_ =	shalt  }
0x85: {  	_ =	shalt  }
0x86: {  	_ =	shalt  }
0x87: {  	_ =	shalt  }
.Lfunc_end0:
.L_simem_size_0:
called_computation.1_lowered:
.L_overlay_start_0:
0x88: {  	s2 =	sld [smem:$0x3FD9]  }
0x89: {  	s3 =	sld [smem:$0x3FFE];
	_ =	sdelay $0x1  }
0x8a: {  	s1 =	srdreg.scid  }
0x8b: {  	s0 =	sand.u32 $0x1, s1  }
0x8c: {  	s16 =	sshll.u32 s0, $0xA;
	s2 =	sadd.s32 s3, s2  }
0x8d: {  	s2 =	sadd.s32 s2, s16  }
0x8e: {  	[smem:$0x3FC0] =	sst s2  }
0x8f: {  	_ = 	snop  }
0x90: {  	(tm) =	ssettm $0x1  }
0x91: {  	s17 =	sld [smem:$0x3FFB];
	_ =	sdelay $0x3  }
0x92: {  	_ =	strace s17  }
0x93: {  	s2 =	sld [smem:$0x3FFC];
	_ =	sdelay $0x3  }
0x94: {  	_ =	strace s2  }
0x95: {  	s2 =	sld [smem:$0x3FFD];
	_ =	sdelay $0x3  }
0x96: {  	_ =	strace s2  }
0x97: {  	_ =	strace $0x8FFFFFFF  }
0x98: {  	s18 =	sld [smem:$0x3FDB];
	_ =	sdelay $0x1  }
0x99: {  	s19 =	simm.s32 $_scs_section_size  }
0x9a: {  	s4 =	simm.s32 $_size__tile_overlayer_lowered;
	s5 =	simm.s32 $_tile_overlayer_lowered  }
0x9b: {  	s22 =	simm.s32 $0x1BFF;
	s21 =	sshll.u32 s5, $0x1;
	s2 =	sadd.s32 s19, s18  }
0x9c: {  	s6 =	simm.s32 $0x0;
	s20 =	sshll.u32 s4, $0x1;
	s4 =	sadd.s32 s21, s2  }
0x9d: {  	[timem:s6], [sflag:s22] =	dma.local [hbm:s4], s20  }
0x9e: {  	_ =	swait.ge [sflag:s22], s20  }
0x9f: {  	s3 =	ssub.s32 $0x0, s20;
	[sflag:s22] =	ssyncset.done $0x0  }
0xa0: {  	[sflag:s22] =	ssyncadd.s32 s3;
	_ =	sdelay $0x1  }
0xa1: {  	s23 =	simm.s32 $0x1B8B  }
0xa2: {  	_ =	swait.ge [sflag:s23], $0x1  }
0xa3: {  	[sflag:s23] =	ssyncset.done $0x0  }
0xa4: {  	s25 =	simm.s32 $0x1B8E;
	s24 =	sld [smem:$0x3FFE];
	[sflag:s23] =	ssyncadd.s32 $0xFFFFFFFF  }
0xa5: {  	s26 =	simm.s32 $execute0_lowered;
	[smem:$0x3FD2] =	sst s25  }
0xa6: {  	s4 =	sshll.u32 s26, $0x1;
	_ =	strace $0x80000049;
	[dreg:$0x1] =	wrdreg $0xFFFFFFFF  }
0xa7: {  	s28 =	simm.s32 $_size_execute0_lowered;
	s2 =	sadd.s32 s2, s4;
	[dreg:$0x0] =	wrdreg $0x0  }
0xa8: {  	s4 =	sshll.u32 s28, $0x1;
	[dreg:$0x2] =	wrdreg s2  }
0xa9: {  	[dreg:$0x3] =	wrdreg s4  }
0xaa: {  	[dreg:$0x4] =	wrdreg $0xC0  }
0xab: {  	_ =	task [dreg:s6], $0x5FFFF  }
0xac: {  	[dreg:$0x1] =	wrdreg $0xFFFFFFFF  }
0xad: {  	[dreg:$0x0] =	wrdreg $0x60  }
0xae: {  	[dreg:$0x2] =	wrdreg s24  }
0xaf: {  	[dreg:$0x3] =	wrdreg $0x84000  }
0xb0: {  	[dreg:$0x4] =	wrdreg $0x9  }
0xb1: {  	_ =	task.clear_ibuf [dreg:s6], $0x5FFFF;
	_ =	strace $0x90000049  }
0xb2: {  	s29 =	simm.s32 $0x9;
	_ =	strace $0x8000004B  }
0xb3: {  	_ =	swait.ge [sflag:s29], $0x1  }
0xb4: {  	[sflag:s29] =	ssyncadd.s32 $0xFFFFFFFF  }
0xb5: {  	_ =	strace $0x9000004B  }
0xb6: {  	_ =	sfence  }
0xb7: {  	s30 =	sld [smem:$0x0];
	_ =	sdelay $0x2  }
0xb8: {  	s31 =	sshll.u32 s1, $0xD;
	s1 =	sshrl.u32 s1, $0x2  }
0xb9: {  	s3 =	sand.u32 $0x4000, s31;
	s1 =	sadd.s32 s1, s30  }
0xba: {  	s0 =	sor.u32 s3, s0;
	s1 =	sshll.u32 s1, $0x11  }
0xbb: {  	s0 =	sor.u32 s1, s0  }
0xbc: {  	s0 =	sadd.s32 $0x8F2B, s0  }
0xbd: {  	[sflag:s0] =	ssyncadd.remote.s32 $0x1  }
0xbe: {  	_ =	sfence.sel $0xFFFF  }
0xbf: {  	[dreg:$0x0] =	wrdreg $0xFFFFFFFF;
	(pc) =	sbr.abs _section_cstart, $3  }
0xc0: {  	[dreg:$0x1] =	wrdreg $0xFFFFFFFF  }
0xc1: {  	_ =	task.clear_ibuf [dreg:s6], $0x2FFFF;
	_ =	strace $0x9FFFFFFF  }
0xc2: {  	(tm) =	ssettm $0x7FFFFFFF  }
0xc3: {  	_ =	shalt  }
tec
execute0_lowered:
.L_overlay_start_1:
0x0: {  	(tag) =	ssettag $0x1  }
0x1: {  	s0 =	rddreg [dreg:$0x0]  }
0x2: {  	s1 =	rddreg [dreg:$0x1];
	s3 =	simm.s32 $0x0;
	s2 =	srdreg.scid  }
0x3: {  	s18 =	stileid.u32;
	s28 =	simm.s32 $0x2;
	s29 =	simm.s32 $0x4400  }
0x4: {  	s30 =	simm.s32 $0x5;
	s31 =	simm.s32 $0x300;
	[smem:$0x7FF] =	sst s3  }
0x5: {  	s2 =	sand.u32 $0x1, s2;
	s5 =	smul.u32 $0x50000, s18;
	s4 =	sadd.s32 $0x66C00, s0  }
0x6: {  	s10 =	sadd.s32 $0x2C00, s0;
	s11 =	smul.u32 $0x14000, s18;
	s0 =	sadd.s32 $0x8DE00, s0  }
0x7: {  	s9 =	smul.u32 $0xA000, s18;
	_ =	strace $0x8000004A;
	s6 =	ssub.s32 $0x2, s2  }
0x8: {  	p0 =	seq.s32 s2, $0x1;
	s7 =	sshrl.u32 s6, $0x1;
	s5 =	sshrl.u32 s5, $0x2  }
0x9: {  	s13 =	sadd.s32 $0x4000, s11;
	s14 =	sadd.s32 $0x8000, s11;
	s15 =	sadd.s32 $0xC000, s11  }
0xa: {  	s16 =	sadd.s32 $0x10000, s11;
	s17 =	sshrl.u32 s9, $0x3;
	s12 =	ssub.s32 s6, s7  }
0xb: {  	s5 =	sadd.s32 s5, s1;
	s6 =	sadd.s32 s13, s1;
	s19 =	sadd.s32 s10, s17  }
0xc: {  	s7 =	sadd.s32 s14, s1;
	s24 =	sadd.s32 $0x20, s19;
	[dreg:$0x3] =	wrdreg s19  }
0xd: {  	s17 =	smul.u32 $0x140000, s2;
	s25 =	sadd.s32 $0xA00, s19;
	[dreg:$0x4] =	wrdreg s24  }
0xe: {  	s8 =	sadd.s32 s15, s1;
	s26 =	sadd.s32 $0xA20, s19;
	[dreg:$0x5] =	wrdreg s25  }
0xf: {  	s9 =	sadd.s32 s16, s1;
	[dreg:$0x6] =	wrdreg s26;
	s11 =	sadd.s32 s11, s17  }
0x10: {  	s19 =	sadd.s32 s17, s13;
	s20 =	sadd.s32 s17, s14;
	s23 =	sadd.s32 s17, s15  }
0x11: {  	s24 =	sadd.s32 s17, s16;
	s25 =	smul.u32 $0x1400, s18;
	s26 =	smax.u32 s12, $0x1  }
0x12: {  	s12 =	simm.s32 $0x180;
	s13 =	simm.s32 $0x4;
	s14 =	simm.s32 $0x0  }
0x13: {  	s2 =	sshrl.u32 s11, $0x3;
	s11 =	sshrl.u32 s19, $0x3;
	s22 =	sshrl.u32 s20, $0x3  }
0x14: {  	[dreg:$0xc] =	wrdreg s26;
	s26 =	simm.s32 $0x200;
	s2 =	sadd.s32 s0, s2  }
0x15: {  	s21 =	sadd.s32 s0, s11;
	s11 =	sshrl.u32 s24, $0x3;
	s20 =	sadd.s32 s25, s10  }
0x16: {  	s25 =	simm.s32 $0x80;
	s10 =	simm.s32 $0x380;
	[dreg:$0x7] =	wrdreg s2  }
.Ltmp0:
0x17: {  	[dreg:$0x8] =	wrdreg s21;
	s2 =	sadd.s32 s0, s22;
	(pc) =	sbr.rel .LBB2_1-.Ltmp0, $4  }
0x18: {  	s21 =	simm.s32 $0x400;
	[dreg:$0x9] =	wrdreg s2;
	s2 =	sshrl.u32 s23, $0x3  }
0x19: {  	s22 =	simm.s32 $0x7;
	s23 =	simm.s32 $0x100;
	s2 =	sadd.s32 s0, s2  }
0x1a: {  	s0 =	sadd.s32 s0, s11;
	s11 =	simm.s32 $0x6;
	[dreg:$0xa] =	wrdreg s2  }
0x1b: {  	v0 =	vimm.f32 $0.0e+00;
	[dreg:$0xb] =	wrdreg s0;
	s0 =	simm.s32 $0x3;
	s2 =	simm.s32 $0x280  }
.LBB2_6:
0x1c: {  	s16 =	sadd.s32 $0x40, s17;
	[sflag:s22] =	ssyncadd.s32 $0xFFFFC000  }
0x1d: {  	[tilespmem:s26], [sflag:$0x3] =	stream.linear.gather [hbm4b:s16+s3], $0x100, $0x38;
	[tilespmem:$0x1C400] =	vst v63  }
0x1e: {  	_ =	swait.ge [sflag:s28], $0x100  }
0x1f: {  	[sflag:s28] =	ssyncset.done $0x0  }
0x20: {  	[sflag:s28] =	ssyncadd.s32 $0xFFFFFF00  }
0x21: {  	[tilespmem:s29], [sflag:$0x6] =	stream.indirect.gather [hbm4b:s4+s25], $0x80, s23, s25, $0xb8;
	[tilespmem:$0x1C400] =	vst v63  }
0x22: {  	_ =	swait.ge [sflag:s30], $0x4000  }
0x23: {  	[sflag:s30] =	ssyncset.done $0x0  }
0x24: {  	[sflag:s30] =	ssyncadd.s32 $0xFFFFC000  }
0x25: {  	[spmem:s1] =	stream.indirect.scatter.add.f32 [tilespmem:s21], [sflag:$0x7], $0x80, s25, s25, $0xb8;
	[tilespmem:$0x1C400] =	vst v63  }
0x26: {  	_ =	swait.ge [sflag:s22], $0x4000  }
0x27: {  	[sflag:s22] =	ssyncset.done $0x0  }
0x28: {  	s24 =	sadd.s32 $0x60, s17;
	[sflag:s22] =	ssyncadd.s32 $0xFFFFC000  }
0x29: {  	[tilespmem:s31], [sflag:$0x4] =	stream.linear.gather [hbm4b:s24+s3], $0x100, $0x38;
	[tilespmem:$0x1C400] =	vst v63  }
0x2a: {  	_ =	swait.ge [sflag:s0], $0x100  }
0x2b: {  	[sflag:s0] =	ssyncset.done $0x0  }
0x2c: {  	[sflag:s0] =	ssyncadd.s32 $0xFFFFFF00  }
0x2d: {  	[tilespmem:s21], [sflag:$0x5] =	stream.indirect.gather [hbm4b:s4+s25], $0x80, s26, s25, $0xb8;
	[tilespmem:$0x1C400] =	vst v63  }
0x2e: {  	_ =	swait.ge [sflag:s11], $0x4000  }
0x2f: {  	[sflag:s11] =	ssyncset.done $0x0  }
0x30: {  	[sflag:s11] =	ssyncadd.s32 $0xFFFFC000  }
0x31: {  	[spmem:s1] =	stream.indirect.scatter.add.f32 [tilespmem:s29], [sflag:$0x7], $0x80, s12, s25, $0xb8;
	[tilespmem:$0x1C400] =	vst v63  }
0x32: {  	p1 =	seq.s32 s15, $0x980;
	_ =	swait.ge [sflag:s22], $0x4000  }
0x33: {  	s15 =	sadd.s32 @!p1 s15, s20;
	[sflag:s22] =	ssyncset.done $0x0  }
0x34: {  	s17 =	simm.s32 @!p1 $0x0;
	s16 =	sadd.s32 @!p1 $0x80, s15;
	[sflag:s22] =	ssyncadd.s32 $0xFFFFC000  }
0x35: {  	[tilespmem:s17], [sflag:$0x1] =	stream.linear.gather @!p1 [hbm4b:s16+s17], $0x100, $0x38;
	[tilespmem:$0x1C400] =	vst v63  }
0x36: {  	_ =	swait.ge [sflag:s13], $0x100  }
0x37: {  	[sflag:s13] =	ssyncset.done $0x0  }
0x38: {  	[sflag:s13] =	ssyncadd.s32 $0xFFFFFF00  }
0x39: {  	[tilespmem:s29], [sflag:$0x6] =	stream.indirect.gather [hbm4b:s4+s25], $0x80, s31, s25, $0xb8;
	[tilespmem:$0x1C400] =	vst v63  }
0x3a: {  	_ =	swait.ge [sflag:s30], $0x4000  }
0x3b: {  	[sflag:s30] =	ssyncset.done $0x0  }
0x3c: {  	[sflag:s30] =	ssyncadd.s32 $0xFFFFC000  }
0x3d: {  	[spmem:s1] =	stream.indirect.scatter.add.f32 [tilespmem:s21], [sflag:$0x7], $0x80, s2, s25, $0xb8;
	[tilespmem:$0x1C400] =	vst v63  }
0x3e: {  	_ =	swait.ge [sflag:s22], $0x4000  }
0x3f: {  	s18 =	simm.s32 @!p1 $0x1;
	[sflag:s22] =	ssyncset.done $0x0  }
0x40: {  	s15 =	sadd.s32 @!p1 $0xA0, s15;
	s16 =	simm.s32 @!p1 $0x100;
	[sflag:s22] =	ssyncadd.s32 $0xFFFFC000  }
0x41: {  	[tilespmem:s16], [sflag:$0x2] =	stream.linear.gather @!p1 [hbm4b:s15+s17], $0x100, $0x38;
	[tilespmem:$0x1C400] =	vst v63  }
0x42: {  	_ =	swait.ge @!p1 [sflag:s18], $0x100  }
0x43: {  	[sflag:s18] =	ssyncset.done @!p1 $0x0  }
0x44: {  	s15 =	simm.s32 @!p1 $0x80;
	s16 =	simm.s32 @!p1 $0x400;
	[sflag:s18] =	ssyncadd.s32 @!p1 $0xFFFFFF00  }
0x45: {  	[tilespmem:s16], [sflag:$0x5] =	stream.indirect.gather @!p1 [hbm4b:s4+s15], $0x80, s17, s15, $0xb8;
	[tilespmem:$0x1C400] =	vst v63  }
0x46: {  	_ =	swait.ge [sflag:s11], $0x4000  }
0x47: {  	[sflag:s11] =	ssyncset.done $0x0  }
0x48: {  	[sflag:s11] =	ssyncadd.s32 $0xFFFFC000  }
0x49: {  	[spmem:s1] =	stream.indirect.scatter.add.f32 [tilespmem:s29], [sflag:$0x7], $0x80, s10, s25, $0xb8;
	[tilespmem:$0x1C400] =	vst v63  }
0x4a: {  	_ =	swait.ge [sflag:s22], $0x4000  }
0x4b: {  	[sflag:s22] =	ssyncset.done $0x0  }
0x4c: {  	[sflag:s22] =	ssyncadd.s32 $0xFFFFC000  }
.LBB2_10:
0x4d: {  	s15 =	stileid.u32  }
0x4e: {  	[bflag:$0x0] =	sbarrier.arrive $0xFFFF;
	s15 =	sshll.u32 s15, $0x6  }
0x4f: {  	s16 =	sshrl.u32 s5, $0x3;
	s17 =	rddreg [dreg:$0x7];
	s15 =	sor.u32 $0x1C07, s15  }
0x50: {  	[hbm:s17], [sflag:s15] =	dma.local [spmem:s16], $0x800  }
0x51: {  	_ =	swait.ge [sflag:s22], $0x800  }
0x52: {  	[sflag:s22] =	ssyncset.done $0x0  }
0x53: {  	s19 =	sshrl.u32 s6, $0x3;
	s24 =	rddreg [dreg:$0x8];
	[sflag:s22] =	ssyncadd.s32 $0xFFFFF800  }
0x54: {  	[hbm:s24], [sflag:s15] =	dma.local [spmem:s19], $0x800  }
0x55: {  	_ =	swait.ge [sflag:s22], $0x800  }
0x56: {  	[sflag:s22] =	ssyncset.done $0x0  }
0x57: {  	s17 =	sshrl.u32 s7, $0x3;
	s18 =	rddreg [dreg:$0x9];
	[sflag:s22] =	ssyncadd.s32 $0xFFFFF800  }
0x58: {  	[hbm:s18], [sflag:s15] =	dma.local [spmem:s17], $0x800  }
0x59: {  	_ =	swait.ge [sflag:s22], $0x800  }
0x5a: {  	[sflag:s22] =	ssyncset.done $0x0  }
0x5b: {  	s19 =	sshrl.u32 s8, $0x3;
	s24 =	rddreg [dreg:$0xa];
	[sflag:s22] =	ssyncadd.s32 $0xFFFFF800  }
0x5c: {  	[hbm:s24], [sflag:s15] =	dma.local [spmem:s19], $0x800  }
0x5d: {  	_ =	swait.ge [sflag:s22], $0x800  }
0x5e: {  	[sflag:s22] =	ssyncset.done $0x0  }
0x5f: {  	s18 =	sshrl.u32 s9, $0x3;
	s19 =	rddreg [dreg:$0xb];
	[sflag:s22] =	ssyncadd.s32 $0xFFFFF800  }
0x60: {  	[hbm:s19], [sflag:s15] =	dma.local [spmem:s18], $0x800  }
0x61: {  	_ =	swait.ge [sflag:s22], $0x800  }
0x62: {  	s14 =	sadd.s32 $0x1, s14;
	s24 =	rddreg [dreg:$0xc]  }
0x63: {  	p1 =	sne.s32 s14, s24  }
.Ltmp1:
0x64: {  	_ = 	snop;
	(pc) =	sbr.rel @!p1 .LBB2_11-.Ltmp1, $3  }
0x65: {  	_ =	sdelay $0x1  }
0x66: {  	[sflag:s22] =	ssyncset.done $0x0  }
0x67: {  	[sflag:s22] =	ssyncadd.s32 $0xFFFFF800  }
.LBB2_1:
0x68: {  	s15 =	simm.s32 $0x0;
	s16 =	simm.s32 $0x200  }
.LBB2_2:
0x69: {  	p1 =	sne.s32 s16, $0xFE00;
	[tilespmem:s15+$0x470] =	vst v0  }
0x6a: {  	[tilespmem:s15+$0x400] =	vst v0  }
0x6b: {  	[tilespmem:s15+$0x410] =	vst v0  }
.Ltmp2:
0x6c: {  	[tilespmem:s15+$0x420] =	vst v0;
	(pc) =	sbr.rel @p1 .LBB2_2-.Ltmp2, $4  }
0x6d: {  	[tilespmem:s15+$0x430] =	vst v0  }
0x6e: {  	[tilespmem:s15+$0x440] =	vst v0  }
0x6f: {  	[tilespmem:s15+$0x450] =	vst v0  }
0x70: {  	[tilespmem:s15+$0x460] =	vst v0;
	s15 =	sshra.s32 s16, $0x2;
	s16 =	sadd.s32 $0x200, s16  }
0x71: {  	[tilespmem:s15+$0x470] =	vst v0  }
0x72: {  	[tilespmem:s15+$0x400] =	vst v0  }
0x73: {  	[tilespmem:s15+$0x410] =	vst v0  }
0x74: {  	[tilespmem:s15+$0x420] =	vst v0  }
0x75: {  	[tilespmem:s15+$0x430] =	vst v0  }
0x76: {  	[tilespmem:s15+$0x440] =	vst v0  }
0x77: {  	[tilespmem:s15+$0x450] =	vst v0  }
0x78: {  	[tilespmem:s15+$0x460] =	vst v0  }
0x79: {  	[spmem:s5] =	stream.linear.scatter [tilespmem:s21], [sflag:$0x7], $0x4000, $0x38;
	[tilespmem:$0x1C400] =	vst v63  }
0x7a: {  	_ =	swait.ge [sflag:s22], $0x4000  }
0x7b: {  	[sflag:s22] =	ssyncset.done $0x0  }
0x7c: {  	[sflag:s22] =	ssyncadd.s32 $0xFFFFC000  }
0x7d: {  	[spmem:s6] =	stream.linear.scatter [tilespmem:s21], [sflag:$0x7], $0x4000, $0x38;
	[tilespmem:$0x1C400] =	vst v63  }
0x7e: {  	_ =	swait.ge [sflag:s22], $0x4000  }
0x7f: {  	[sflag:s22] =	ssyncset.done $0x0  }
0x80: {  	[sflag:s22] =	ssyncadd.s32 $0xFFFFC000  }
0x81: {  	[spmem:s7] =	stream.linear.scatter [tilespmem:s21], [sflag:$0x7], $0x4000, $0x38;
	[tilespmem:$0x1C400] =	vst v63  }
0x82: {  	_ =	swait.ge [sflag:s22], $0x4000  }
0x83: {  	[sflag:s22] =	ssyncset.done $0x0  }
0x84: {  	[sflag:s22] =	ssyncadd.s32 $0xFFFFC000  }
0x85: {  	[spmem:s8] =	stream.linear.scatter [tilespmem:s21], [sflag:$0x7], $0x4000, $0x38;
	[tilespmem:$0x1C400] =	vst v63  }
0x86: {  	_ =	swait.ge [sflag:s22], $0x4000  }
0x87: {  	[sflag:s22] =	ssyncset.done $0x0  }
0x88: {  	[sflag:s22] =	ssyncadd.s32 $0xFFFFC000  }
0x89: {  	[spmem:s9] =	stream.linear.scatter [tilespmem:s21], [sflag:$0x7], $0x4000, $0x38;
	[tilespmem:$0x1C400] =	vst v63  }
.Ltmp3:
0x8a: {  	_ =	swait.ge [sflag:s22], $0x4000;
	(pc) =	sbr.rel @!p0 .LBB2_4-.Ltmp3, $4  }
0x8b: {  	[sflag:s22] =	ssyncset.done $0x0  }
0x8c: {  	[sflag:s22] =	ssyncadd.s32 $0xFFFFC000  }
0x8d: {  	[bflag:$0x0] =	sbarrier.arrive $0xFFFF  }
0x8e: {  	s15 =	simm.s32 $0x0  }
0x8f: {  	s16 =	rddreg [dreg:$0x5]  }
0x90: {  	[tilespmem:s15], [sflag:$0x1] =	stream.linear.gather [hbm4b:s16+s15], $0x100, $0x38;
	[tilespmem:$0x1C400] =	vst v63  }
0x91: {  	s17 =	rddreg [dreg:$0x6];
	s18 =	simm.s32 $0x1  }
0x92: {  	[tilespmem:s23], [sflag:$0x2] =	stream.linear.gather [hbm4b:s17+s15], $0x100, $0x38;
	[tilespmem:$0x1C400] =	vst v63  }
0x93: {  	_ =	swait.ge [sflag:s18], $0x100  }
0x94: {  	[sflag:s18] =	ssyncset.done $0x0  }
0x95: {  	s19 =	sadd.s32 $0x0, s20;
	[sflag:s18] =	ssyncadd.s32 $0xFFFFFF00  }
0x96: {  	[tilespmem:s21], [sflag:$0x5] =	stream.indirect.gather [hbm4b:s4+s25], $0x80, s15, s25, $0xb8;
	[tilespmem:$0x1C400] =	vst v63  }
0x97: {  	s24 =	sadd.s32 $0xA40, s19  }
0x98: {  	[tilespmem:s26], [sflag:$0x3] =	stream.linear.gather [hbm4b:s24+s3], $0x100, $0x38;
	[tilespmem:$0x1C400] =	vst v63  }
0x99: {  	_ =	swait.ge [sflag:s28], $0x100  }
0x9a: {  	[sflag:s28] =	ssyncset.done $0x0  }
0x9b: {  	[sflag:s28] =	ssyncadd.s32 $0xFFFFFF00  }
0x9c: {  	[tilespmem:s29], [sflag:$0x6] =	stream.indirect.gather [hbm4b:s4+s25], $0x80, s23, s25, $0xb8;
	[tilespmem:$0x1C400] =	vst v63  }
0x9d: {  	_ =	swait.ge [sflag:s30], $0x4000  }
0x9e: {  	[sflag:s30] =	ssyncset.done $0x0  }
0x9f: {  	[sflag:s30] =	ssyncadd.s32 $0xFFFFC000  }
0xa0: {  	[spmem:s1] =	stream.indirect.scatter.add.f32 [tilespmem:s21], [sflag:$0x7], $0x80, s25, s25, $0xb8;
	[tilespmem:$0x1C400] =	vst v63  }
0xa1: {  	_ =	swait.ge [sflag:s22], $0x4000  }
0xa2: {  	[sflag:s22] =	ssyncset.done $0x0  }
0xa3: {  	s15 =	sadd.s32 $0xA60, s19;
	[sflag:s22] =	ssyncadd.s32 $0xFFFFC000  }
0xa4: {  	[tilespmem:s31], [sflag:$0x4] =	stream.linear.gather [hbm4b:s15+s3], $0x100, $0x38;
	[tilespmem:$0x1C400] =	vst v63  }
0xa5: {  	_ =	swait.ge [sflag:s0], $0x100  }
0xa6: {  	[sflag:s0] =	ssyncset.done $0x0  }
0xa7: {  	[sflag:s0] =	ssyncadd.s32 $0xFFFFFF00  }
0xa8: {  	[tilespmem:s21], [sflag:$0x5] =	stream.indirect.gather [hbm4b:s4+s25], $0x80, s26, s25, $0xb8;
	[tilespmem:$0x1C400] =	vst v63  }
0xa9: {  	_ =	swait.ge [sflag:s11], $0x4000  }
0xaa: {  	[sflag:s11] =	ssyncset.done $0x0  }
0xab: {  	[sflag:s11] =	ssyncadd.s32 $0xFFFFC000  }
0xac: {  	[spmem:s1] =	stream.indirect.scatter.add.f32 [tilespmem:s29], [sflag:$0x7], $0x80, s12, s25, $0xb8;
	[tilespmem:$0x1C400] =	vst v63  }
0xad: {  	p1 =	por $0x0, $0x0;
	_ =	swait.ge [sflag:s22], $0x4000  }
0xae: {  	s15 =	sadd.s32 @!p1 $0x0, s20;
	[sflag:s22] =	ssyncset.done $0x0  }
0xaf: {  	s17 =	simm.s32 @!p1 $0x0;
	s16 =	sadd.s32 @!p1 $0xA80, s15;
	[sflag:s22] =	ssyncadd.s32 $0xFFFFC000  }
0xb0: {  	[tilespmem:s17], [sflag:$0x1] =	stream.linear.gather @!p1 [hbm4b:s16+s17], $0x100, $0x38;
	[tilespmem:$0x1C400] =	vst v63  }
0xb1: {  	_ =	swait.ge [sflag:s13], $0x100  }
0xb2: {  	[sflag:s13] =	ssyncset.done $0x0  }
0xb3: {  	[sflag:s13] =	ssyncadd.s32 $0xFFFFFF00  }
0xb4: {  	[tilespmem:s29], [sflag:$0x6] =	stream.indirect.gather [hbm4b:s4+s25], $0x80, s31, s25, $0xb8;
	[tilespmem:$0x1C400] =	vst v63  }
0xb5: {  	_ =	swait.ge [sflag:s30], $0x4000  }
0xb6: {  	[sflag:s30] =	ssyncset.done $0x0  }
0xb7: {  	[sflag:s30] =	ssyncadd.s32 $0xFFFFC000  }
0xb8: {  	[spmem:s1] =	stream.indirect.scatter.add.f32 [tilespmem:s21], [sflag:$0x7], $0x80, s2, s25, $0xb8;
	[tilespmem:$0x1C400] =	vst v63  }
0xb9: {  	_ =	swait.ge [sflag:s22], $0x4000  }
0xba: {  	[sflag:s22] =	ssyncset.done $0x0  }
0xbb: {  	s15 =	sadd.s32 @!p1 $0xAA0, s15;
	s16 =	simm.s32 @!p1 $0x100;
	[sflag:s22] =	ssyncadd.s32 $0xFFFFC000  }
0xbc: {  	[tilespmem:s16], [sflag:$0x2] =	stream.linear.gather @!p1 [hbm4b:s15+s17], $0x100, $0x38;
	[tilespmem:$0x1C400] =	vst v63  }
0xbd: {  	s15 =	simm.s32 @!p1 $0x1  }
0xbe: {  	_ =	swait.ge @!p1 [sflag:s15], $0x100  }
0xbf: {  	[sflag:s15] =	ssyncset.done @!p1 $0x0  }
0xc0: {  	s16 =	simm.s32 @!p1 $0x400;
	[sflag:s15] =	ssyncadd.s32 @!p1 $0xFFFFFF00;
	s15 =	simm.s32 @!p1 $0x80  }
0xc1: {  	[tilespmem:s16], [sflag:$0x5] =	stream.indirect.gather @!p1 [hbm4b:s4+s15], $0x80, s17, s15, $0xb8;
	[tilespmem:$0x1C400] =	vst v63  }
0xc2: {  	_ =	swait.ge [sflag:s11], $0x4000  }
0xc3: {  	[sflag:s11] =	ssyncset.done $0x0  }
0xc4: {  	[sflag:s11] =	ssyncadd.s32 $0xFFFFC000  }
0xc5: {  	[spmem:s1] =	stream.indirect.scatter.add.f32 [tilespmem:s29], [sflag:$0x7], $0x80, s10, s25, $0xb8;
	[tilespmem:$0x1C400] =	vst v63  }
0xc6: {  	s15 =	simm.s32 $0x80;
	_ =	swait.ge [sflag:s22], $0x4000  }
0xc7: {  	s16 =	simm.s32 $0x100;
	s17 =	sadd.s32 $0x80, s20;
	[sflag:s22] =	ssyncset.done $0x0  }
.LBB2_8:
0xc8: {  	s18 =	sadd.s32 $0xA40, s17  }
0xc9: {  	[sflag:s22] =	ssyncadd.s32 $0xFFFFC000;
	s19 =	smov.u32 s16;
	s16 =	sadd.s32 $0x80, s16  }
0xca: {  	[tilespmem:s26], [sflag:$0x3] =	stream.linear.gather [hbm4b:s18+s3], $0x100, $0x38;
	[tilespmem:$0x1C400] =	vst v63  }
0xcb: {  	p1 =	sne.s32 s16, $0xA00;
	_ =	swait.ge [sflag:s28], $0x100  }
0xcc: {  	[sflag:s28] =	ssyncset.done $0x0  }
0xcd: {  	[sflag:s28] =	ssyncadd.s32 $0xFFFFFF00  }
0xce: {  	[tilespmem:s29], [sflag:$0x6] =	stream.indirect.gather [hbm4b:s4+s25], $0x80, s23, s25, $0xb8;
	[tilespmem:$0x1C400] =	vst v63  }
0xcf: {  	_ =	swait.ge [sflag:s30], $0x4000  }
0xd0: {  	[sflag:s30] =	ssyncset.done $0x0  }
0xd1: {  	[sflag:s30] =	ssyncadd.s32 $0xFFFFC000  }
0xd2: {  	[spmem:s1] =	stream.indirect.scatter.add.f32 [tilespmem:s21], [sflag:$0x7], $0x80, s25, s25, $0xb8;
	[tilespmem:$0x1C400] =	vst v63  }
0xd3: {  	_ =	swait.ge [sflag:s22], $0x4000  }
0xd4: {  	[sflag:s22] =	ssyncset.done $0x0  }
0xd5: {  	s17 =	sadd.s32 $0xA60, s17;
	[sflag:s22] =	ssyncadd.s32 $0xFFFFC000  }
0xd6: {  	[tilespmem:s31], [sflag:$0x4] =	stream.linear.gather [hbm4b:s17+s3], $0x100, $0x38;
	[tilespmem:$0x1C400] =	vst v63  }
0xd7: {  	_ =	swait.ge [sflag:s0], $0x100  }
0xd8: {  	[sflag:s0] =	ssyncset.done $0x0  }
0xd9: {  	[sflag:s0] =	ssyncadd.s32 $0xFFFFFF00  }
0xda: {  	[tilespmem:s21], [sflag:$0x5] =	stream.indirect.gather [hbm4b:s4+s25], $0x80, s26, s25, $0xb8;
	[tilespmem:$0x1C400] =	vst v63  }
0xdb: {  	_ =	swait.ge [sflag:s11], $0x4000  }
0xdc: {  	[sflag:s11] =	ssyncset.done $0x0  }
0xdd: {  	[sflag:s11] =	ssyncadd.s32 $0xFFFFC000  }
0xde: {  	[spmem:s1] =	stream.indirect.scatter.add.f32 [tilespmem:s29], [sflag:$0x7], $0x80, s12, s25, $0xb8;
	[tilespmem:$0x1C400] =	vst v63  }
0xdf: {  	p2 =	seq.s32 s15, $0x980;
	_ =	swait.ge [sflag:s22], $0x4000  }
0xe0: {  	s17 =	sadd.s32 @!p2 s15, s20;
	s15 =	smov.u32 s19;
	[sflag:s22] =	ssyncset.done $0x0  }
0xe1: {  	s19 =	simm.s32 @!p2 $0x0;
	s18 =	sadd.s32 @!p2 $0xA80, s17;
	[sflag:s22] =	ssyncadd.s32 $0xFFFFC000  }
0xe2: {  	[tilespmem:s19], [sflag:$0x1] =	stream.linear.gather @!p2 [hbm4b:s18+s19], $0x100, $0x38;
	[tilespmem:$0x1C400] =	vst v63  }
0xe3: {  	s17 =	sadd.s32 @!p2 $0xAA0, s17;
	_ =	swait.ge [sflag:s13], $0x100  }
0xe4: {  	[sflag:s13] =	ssyncset.done $0x0  }
0xe5: {  	[sflag:s13] =	ssyncadd.s32 $0xFFFFFF00  }
0xe6: {  	[tilespmem:s29], [sflag:$0x6] =	stream.indirect.gather [hbm4b:s4+s25], $0x80, s31, s25, $0xb8;
	[tilespmem:$0x1C400] =	vst v63  }
0xe7: {  	_ =	swait.ge [sflag:s30], $0x4000  }
0xe8: {  	[sflag:s30] =	ssyncset.done $0x0  }
0xe9: {  	[sflag:s30] =	ssyncadd.s32 $0xFFFFC000  }
0xea: {  	[spmem:s1] =	stream.indirect.scatter.add.f32 [tilespmem:s21], [sflag:$0x7], $0x80, s2, s25, $0xb8;
	[tilespmem:$0x1C400] =	vst v63  }
0xeb: {  	_ =	swait.ge [sflag:s22], $0x4000  }
0xec: {  	[sflag:s22] =	ssyncset.done $0x0  }
0xed: {  	s24 =	simm.s32 @!p2 $0x1;
	s18 =	simm.s32 @!p2 $0x100;
	[sflag:s22] =	ssyncadd.s32 $0xFFFFC000  }
0xee: {  	[tilespmem:s18], [sflag:$0x2] =	stream.linear.gather @!p2 [hbm4b:s17+s19], $0x100, $0x38;
	[tilespmem:$0x1C400] =	vst v63  }
0xef: {  	_ =	swait.ge @!p2 [sflag:s24], $0x100  }
0xf0: {  	[sflag:s24] =	ssyncset.done @!p2 $0x0  }
0xf1: {  	s17 =	simm.s32 @!p2 $0x80;
	s18 =	simm.s32 @!p2 $0x400;
	[sflag:s24] =	ssyncadd.s32 @!p2 $0xFFFFFF00  }
0xf2: {  	[tilespmem:s18], [sflag:$0x5] =	stream.indirect.gather @!p2 [hbm4b:s4+s17], $0x80, s19, s17, $0xb8;
	[tilespmem:$0x1C400] =	vst v63  }
0xf3: {  	_ =	swait.ge [sflag:s11], $0x4000  }
.Ltmp4:
0xf4: {  	[sflag:s11] =	ssyncset.done $0x0;
	(pc) =	sbr.rel @p1 .LBB2_8-.Ltmp4, $4  }
0xf5: {  	[sflag:s11] =	ssyncadd.s32 $0xFFFFC000  }
0xf6: {  	[spmem:s1] =	stream.indirect.scatter.add.f32 [tilespmem:s29], [sflag:$0x7], $0x80, s10, s25, $0xb8;
	[tilespmem:$0x1C400] =	vst v63  }
0xf7: {  	_ =	swait.ge [sflag:s22], $0x4000  }
0xf8: {  	s17 =	sadd.s32 s15, s20;
	[sflag:s22] =	ssyncset.done $0x0  }
0xf9: {  	s16 =	sadd.s32 $0xA40, s17;
	[sflag:s22] =	ssyncadd.s32 $0xFFFFC000  }
0xfa: {  	[tilespmem:s26], [sflag:$0x3] =	stream.linear.gather [hbm4b:s16+s3], $0x100, $0x38;
	[tilespmem:$0x1C400] =	vst v63  }
0xfb: {  	_ =	swait.ge [sflag:s28], $0x100  }
0xfc: {  	[sflag:s28] =	ssyncset.done $0x0  }
0xfd: {  	[sflag:s28] =	ssyncadd.s32 $0xFFFFFF00  }
0xfe: {  	[tilespmem:s29], [sflag:$0x6] =	stream.indirect.gather [hbm4b:s4+s25], $0x80, s23, s25, $0xb8;
	[tilespmem:$0x1C400] =	vst v63  }
0xff: {  	_ =	swait.ge [sflag:s30], $0x4000  }
0x100: {  	[sflag:s30] =	ssyncset.done $0x0  }
0x101: {  	[sflag:s30] =	ssyncadd.s32 $0xFFFFC000  }
0x102: {  	[spmem:s1] =	stream.indirect.scatter.add.f32 [tilespmem:s21], [sflag:$0x7], $0x80, s25, s25, $0xb8;
	[tilespmem:$0x1C400] =	vst v63  }
0x103: {  	_ =	swait.ge [sflag:s22], $0x4000  }
0x104: {  	[sflag:s22] =	ssyncset.done $0x0  }
0x105: {  	s24 =	sadd.s32 $0xA60, s17;
	[sflag:s22] =	ssyncadd.s32 $0xFFFFC000  }
0x106: {  	[tilespmem:s31], [sflag:$0x4] =	stream.linear.gather [hbm4b:s24+s3], $0x100, $0x38;
	[tilespmem:$0x1C400] =	vst v63  }
0x107: {  	_ =	swait.ge [sflag:s0], $0x100  }
0x108: {  	[sflag:s0] =	ssyncset.done $0x0  }
0x109: {  	[sflag:s0] =	ssyncadd.s32 $0xFFFFFF00  }
0x10a: {  	[tilespmem:s21], [sflag:$0x5] =	stream.indirect.gather [hbm4b:s4+s25], $0x80, s26, s25, $0xb8;
	[tilespmem:$0x1C400] =	vst v63  }
0x10b: {  	_ =	swait.ge [sflag:s11], $0x4000  }
0x10c: {  	[sflag:s11] =	ssyncset.done $0x0  }
0x10d: {  	[sflag:s11] =	ssyncadd.s32 $0xFFFFC000  }
0x10e: {  	[spmem:s1] =	stream.indirect.scatter.add.f32 [tilespmem:s29], [sflag:$0x7], $0x80, s12, s25, $0xb8;
	[tilespmem:$0x1C400] =	vst v63  }
0x10f: {  	p1 =	seq.s32 s15, $0x980;
	_ =	swait.ge [sflag:s22], $0x4000  }
0x110: {  	s15 =	sadd.s32 @!p1 s15, s20;
	[sflag:s22] =	ssyncset.done $0x0  }
0x111: {  	s17 =	simm.s32 @!p1 $0x0;
	s16 =	sadd.s32 @!p1 $0xA80, s15;
	[sflag:s22] =	ssyncadd.s32 $0xFFFFC000  }
0x112: {  	[tilespmem:s17], [sflag:$0x1] =	stream.linear.gather @!p1 [hbm4b:s16+s17], $0x100, $0x38;
	[tilespmem:$0x1C400] =	vst v63  }
0x113: {  	_ =	swait.ge [sflag:s13], $0x100  }
0x114: {  	[sflag:s13] =	ssyncset.done $0x0  }
0x115: {  	[sflag:s13] =	ssyncadd.s32 $0xFFFFFF00  }
0x116: {  	[tilespmem:s29], [sflag:$0x6] =	stream.indirect.gather [hbm4b:s4+s25], $0x80, s31, s25, $0xb8;
	[tilespmem:$0x1C400] =	vst v63  }
0x117: {  	_ =	swait.ge [sflag:s30], $0x4000  }
0x118: {  	[sflag:s30] =	ssyncset.done $0x0  }
0x119: {  	[sflag:s30] =	ssyncadd.s32 $0xFFFFC000  }
0x11a: {  	[spmem:s1] =	stream.indirect.scatter.add.f32 [tilespmem:s21], [sflag:$0x7], $0x80, s2, s25, $0xb8;
	[tilespmem:$0x1C400] =	vst v63  }
0x11b: {  	_ =	swait.ge [sflag:s22], $0x4000  }
0x11c: {  	s18 =	simm.s32 @!p1 $0x1;
	[sflag:s22] =	ssyncset.done $0x0  }
0x11d: {  	s15 =	sadd.s32 @!p1 $0xAA0, s15;
	s16 =	simm.s32 @!p1 $0x100;
	[sflag:s22] =	ssyncadd.s32 $0xFFFFC000  }
0x11e: {  	[tilespmem:s16], [sflag:$0x2] =	stream.linear.gather @!p1 [hbm4b:s15+s17], $0x100, $0x38;
	[tilespmem:$0x1C400] =	vst v63  }
0x11f: {  	_ =	swait.ge @!p1 [sflag:s18], $0x100  }
0x120: {  	[sflag:s18] =	ssyncset.done @!p1 $0x0  }
0x121: {  	s15 =	simm.s32 @!p1 $0x80;
	s16 =	simm.s32 @!p1 $0x400;
	[sflag:s18] =	ssyncadd.s32 @!p1 $0xFFFFFF00  }
0x122: {  	[tilespmem:s16], [sflag:$0x5] =	stream.indirect.gather @!p1 [hbm4b:s4+s15], $0x80, s17, s15, $0xb8;
	[tilespmem:$0x1C400] =	vst v63  }
0x123: {  	_ =	swait.ge [sflag:s11], $0x4000  }
0x124: {  	[sflag:s11] =	ssyncset.done $0x0  }
.Ltmp5:
0x125: {  	[sflag:s11] =	ssyncadd.s32 $0xFFFFC000;
	(pc) =	sbr.rel .LBB2_10-.Ltmp5, $4  }
0x126: {  	[spmem:s1] =	stream.indirect.scatter.add.f32 [tilespmem:s29], [sflag:$0x7], $0x80, s10, s25, $0xb8;
	[tilespmem:$0x1C400] =	vst v63  }
0x127: {  	_ =	swait.ge [sflag:s22], $0x4000  }
0x128: {  	[sflag:s22] =	ssyncset.done $0x0  }
0x129: {  	[sflag:s22] =	ssyncadd.s32 $0xFFFFC000  }
.LBB2_4:
0x12a: {  	s16 =	rddreg [dreg:$0x3]  }
0x12b: {  	[tilespmem:s15], [sflag:$0x1] =	stream.linear.gather [hbm4b:s16+s15], $0x100, $0x38;
	[tilespmem:$0x1C400] =	vst v63  }
0x12c: {  	s17 =	rddreg [dreg:$0x4];
	s18 =	simm.s32 $0x1  }
0x12d: {  	[tilespmem:s23], [sflag:$0x2] =	stream.linear.gather [hbm4b:s17+s15], $0x100, $0x38;
	[tilespmem:$0x1C400] =	vst v63  }
0x12e: {  	_ =	swait.ge [sflag:s18], $0x100  }
0x12f: {  	[sflag:s18] =	ssyncset.done $0x0  }
0x130: {  	s19 =	sadd.s32 $0x0, s20;
	[sflag:s18] =	ssyncadd.s32 $0xFFFFFF00  }
0x131: {  	[tilespmem:s21], [sflag:$0x5] =	stream.indirect.gather [hbm4b:s4+s25], $0x80, s15, s25, $0xb8;
	[tilespmem:$0x1C400] =	vst v63  }
0x132: {  	s24 =	sadd.s32 $0x40, s19  }
0x133: {  	[tilespmem:s26], [sflag:$0x3] =	stream.linear.gather [hbm4b:s24+s3], $0x100, $0x38;
	[tilespmem:$0x1C400] =	vst v63  }
0x134: {  	_ =	swait.ge [sflag:s28], $0x100  }
0x135: {  	[sflag:s28] =	ssyncset.done $0x0  }
0x136: {  	[sflag:s28] =	ssyncadd.s32 $0xFFFFFF00  }
0x137: {  	[tilespmem:s29], [sflag:$0x6] =	stream.indirect.gather [hbm4b:s4+s25], $0x80, s23, s25, $0xb8;
	[tilespmem:$0x1C400] =	vst v63  }
0x138: {  	_ =	swait.ge [sflag:s30], $0x4000  }
0x139: {  	[sflag:s30] =	ssyncset.done $0x0  }
0x13a: {  	[sflag:s30] =	ssyncadd.s32 $0xFFFFC000  }
0x13b: {  	[spmem:s1] =	stream.indirect.scatter.add.f32 [tilespmem:s21], [sflag:$0x7], $0x80, s25, s25, $0xb8;
	[tilespmem:$0x1C400] =	vst v63  }
0x13c: {  	_ =	swait.ge [sflag:s22], $0x4000  }
0x13d: {  	[sflag:s22] =	ssyncset.done $0x0  }
0x13e: {  	s15 =	sadd.s32 $0x60, s19;
	[sflag:s22] =	ssyncadd.s32 $0xFFFFC000  }
0x13f: {  	[tilespmem:s31], [sflag:$0x4] =	stream.linear.gather [hbm4b:s15+s3], $0x100, $0x38;
	[tilespmem:$0x1C400] =	vst v63  }
0x140: {  	_ =	swait.ge [sflag:s0], $0x100  }
0x141: {  	[sflag:s0] =	ssyncset.done $0x0  }
0x142: {  	[sflag:s0] =	ssyncadd.s32 $0xFFFFFF00  }
0x143: {  	[tilespmem:s21], [sflag:$0x5] =	stream.indirect.gather [hbm4b:s4+s25], $0x80, s26, s25, $0xb8;
	[tilespmem:$0x1C400] =	vst v63  }
0x144: {  	_ =	swait.ge [sflag:s11], $0x4000  }
0x145: {  	[sflag:s11] =	ssyncset.done $0x0  }
0x146: {  	[sflag:s11] =	ssyncadd.s32 $0xFFFFC000  }
0x147: {  	[spmem:s1] =	stream.indirect.scatter.add.f32 [tilespmem:s29], [sflag:$0x7], $0x80, s12, s25, $0xb8;
	[tilespmem:$0x1C400] =	vst v63  }
0x148: {  	p1 =	por $0x0, $0x0;
	_ =	swait.ge [sflag:s22], $0x4000  }
0x149: {  	s15 =	sadd.s32 @!p1 $0x0, s20;
	[sflag:s22] =	ssyncset.done $0x0  }
0x14a: {  	s17 =	simm.s32 @!p1 $0x0;
	s16 =	sadd.s32 @!p1 $0x80, s15;
	[sflag:s22] =	ssyncadd.s32 $0xFFFFC000  }
0x14b: {  	[tilespmem:s17], [sflag:$0x1] =	stream.linear.gather @!p1 [hbm4b:s16+s17], $0x100, $0x38;
	[tilespmem:$0x1C400] =	vst v63  }
0x14c: {  	_ =	swait.ge [sflag:s13], $0x100  }
0x14d: {  	[sflag:s13] =	ssyncset.done $0x0  }
0x14e: {  	[sflag:s13] =	ssyncadd.s32 $0xFFFFFF00  }
0x14f: {  	[tilespmem:s29], [sflag:$0x6] =	stream.indirect.gather [hbm4b:s4+s25], $0x80, s31, s25, $0xb8;
	[tilespmem:$0x1C400] =	vst v63  }
0x150: {  	_ =	swait.ge [sflag:s30], $0x4000  }
0x151: {  	[sflag:s30] =	ssyncset.done $0x0  }
0x152: {  	[sflag:s30] =	ssyncadd.s32 $0xFFFFC000  }
0x153: {  	[spmem:s1] =	stream.indirect.scatter.add.f32 [tilespmem:s21], [sflag:$0x7], $0x80, s2, s25, $0xb8;
	[tilespmem:$0x1C400] =	vst v63  }
0x154: {  	_ =	swait.ge [sflag:s22], $0x4000  }
0x155: {  	[sflag:s22] =	ssyncset.done $0x0  }
0x156: {  	s15 =	sadd.s32 @!p1 $0xA0, s15;
	s16 =	simm.s32 @!p1 $0x100;
	[sflag:s22] =	ssyncadd.s32 $0xFFFFC000  }
0x157: {  	[tilespmem:s16], [sflag:$0x2] =	stream.linear.gather @!p1 [hbm4b:s15+s17], $0x100, $0x38;
	[tilespmem:$0x1C400] =	vst v63  }
0x158: {  	s15 =	simm.s32 @!p1 $0x1  }
0x159: {  	_ =	swait.ge @!p1 [sflag:s15], $0x100  }
0x15a: {  	[sflag:s15] =	ssyncset.done @!p1 $0x0  }
0x15b: {  	s16 =	simm.s32 @!p1 $0x400;
	[sflag:s15] =	ssyncadd.s32 @!p1 $0xFFFFFF00;
	s15 =	simm.s32 @!p1 $0x80  }
0x15c: {  	[tilespmem:s16], [sflag:$0x5] =	stream.indirect.gather @!p1 [hbm4b:s4+s15], $0x80, s17, s15, $0xb8;
	[tilespmem:$0x1C400] =	vst v63  }
0x15d: {  	_ =	swait.ge [sflag:s11], $0x4000  }
0x15e: {  	[sflag:s11] =	ssyncset.done $0x0  }
0x15f: {  	[sflag:s11] =	ssyncadd.s32 $0xFFFFC000  }
0x160: {  	[spmem:s1] =	stream.indirect.scatter.add.f32 [tilespmem:s29], [sflag:$0x7], $0x80, s10, s25, $0xb8;
	[tilespmem:$0x1C400] =	vst v63  }
0x161: {  	s15 =	simm.s32 $0x80;
	_ =	swait.ge [sflag:s22], $0x4000  }
0x162: {  	s16 =	simm.s32 $0x100;
	s17 =	sadd.s32 $0x80, s20;
	[sflag:s22] =	ssyncset.done $0x0  }
.LBB2_5:
0x163: {  	s18 =	sadd.s32 $0x40, s17  }
0x164: {  	[sflag:s22] =	ssyncadd.s32 $0xFFFFC000;
	s19 =	smov.u32 s16;
	s16 =	sadd.s32 $0x80, s16  }
0x165: {  	[tilespmem:s26], [sflag:$0x3] =	stream.linear.gather [hbm4b:s18+s3], $0x100, $0x38;
	[tilespmem:$0x1C400] =	vst v63  }
0x166: {  	p1 =	seq.s32 s16, $0xA00;
	_ =	swait.ge [sflag:s28], $0x100  }
0x167: {  	[sflag:s28] =	ssyncset.done $0x0  }
0x168: {  	[sflag:s28] =	ssyncadd.s32 $0xFFFFFF00  }
0x169: {  	[tilespmem:s29], [sflag:$0x6] =	stream.indirect.gather [hbm4b:s4+s25], $0x80, s23, s25, $0xb8;
	[tilespmem:$0x1C400] =	vst v63  }
0x16a: {  	_ =	swait.ge [sflag:s30], $0x4000  }
0x16b: {  	[sflag:s30] =	ssyncset.done $0x0  }
0x16c: {  	[sflag:s30] =	ssyncadd.s32 $0xFFFFC000  }
0x16d: {  	[spmem:s1] =	stream.indirect.scatter.add.f32 [tilespmem:s21], [sflag:$0x7], $0x80, s25, s25, $0xb8;
	[tilespmem:$0x1C400] =	vst v63  }
0x16e: {  	_ =	swait.ge [sflag:s22], $0x4000  }
0x16f: {  	[sflag:s22] =	ssyncset.done $0x0  }
0x170: {  	s17 =	sadd.s32 $0x60, s17;
	[sflag:s22] =	ssyncadd.s32 $0xFFFFC000  }
0x171: {  	[tilespmem:s31], [sflag:$0x4] =	stream.linear.gather [hbm4b:s17+s3], $0x100, $0x38;
	[tilespmem:$0x1C400] =	vst v63  }
0x172: {  	_ =	swait.ge [sflag:s0], $0x100  }
0x173: {  	[sflag:s0] =	ssyncset.done $0x0  }
0x174: {  	[sflag:s0] =	ssyncadd.s32 $0xFFFFFF00  }
0x175: {  	[tilespmem:s21], [sflag:$0x5] =	stream.indirect.gather [hbm4b:s4+s25], $0x80, s26, s25, $0xb8;
	[tilespmem:$0x1C400] =	vst v63  }
0x176: {  	_ =	swait.ge [sflag:s11], $0x4000  }
0x177: {  	[sflag:s11] =	ssyncset.done $0x0  }
0x178: {  	[sflag:s11] =	ssyncadd.s32 $0xFFFFC000  }
0x179: {  	[spmem:s1] =	stream.indirect.scatter.add.f32 [tilespmem:s29], [sflag:$0x7], $0x80, s12, s25, $0xb8;
	[tilespmem:$0x1C400] =	vst v63  }
0x17a: {  	p2 =	seq.s32 s15, $0x980;
	_ =	swait.ge [sflag:s22], $0x4000  }
0x17b: {  	s17 =	sadd.s32 @!p2 s15, s20;
	s15 =	smov.u32 s19;
	[sflag:s22] =	ssyncset.done $0x0  }
0x17c: {  	s19 =	simm.s32 @!p2 $0x0;
	s18 =	sadd.s32 @!p2 $0x80, s17;
	[sflag:s22] =	ssyncadd.s32 $0xFFFFC000  }
0x17d: {  	[tilespmem:s19], [sflag:$0x1] =	stream.linear.gather @!p2 [hbm4b:s18+s19], $0x100, $0x38;
	[tilespmem:$0x1C400] =	vst v63  }
0x17e: {  	s17 =	sadd.s32 @!p2 $0xA0, s17;
	_ =	swait.ge [sflag:s13], $0x100  }
0x17f: {  	[sflag:s13] =	ssyncset.done $0x0  }
0x180: {  	[sflag:s13] =	ssyncadd.s32 $0xFFFFFF00  }
0x181: {  	[tilespmem:s29], [sflag:$0x6] =	stream.indirect.gather [hbm4b:s4+s25], $0x80, s31, s25, $0xb8;
	[tilespmem:$0x1C400] =	vst v63  }
0x182: {  	_ =	swait.ge [sflag:s30], $0x4000  }
0x183: {  	[sflag:s30] =	ssyncset.done $0x0  }
0x184: {  	[sflag:s30] =	ssyncadd.s32 $0xFFFFC000  }
0x185: {  	[spmem:s1] =	stream.indirect.scatter.add.f32 [tilespmem:s21], [sflag:$0x7], $0x80, s2, s25, $0xb8;
	[tilespmem:$0x1C400] =	vst v63  }
0x186: {  	_ =	swait.ge [sflag:s22], $0x4000  }
0x187: {  	[sflag:s22] =	ssyncset.done $0x0  }
0x188: {  	s24 =	simm.s32 @!p2 $0x1;
	s18 =	simm.s32 @!p2 $0x100;
	[sflag:s22] =	ssyncadd.s32 $0xFFFFC000  }
0x189: {  	[tilespmem:s18], [sflag:$0x2] =	stream.linear.gather @!p2 [hbm4b:s17+s19], $0x100, $0x38;
	[tilespmem:$0x1C400] =	vst v63  }
0x18a: {  	_ =	swait.ge @!p2 [sflag:s24], $0x100  }
0x18b: {  	[sflag:s24] =	ssyncset.done @!p2 $0x0  }
0x18c: {  	s17 =	simm.s32 @!p2 $0x80;
	s18 =	simm.s32 @!p2 $0x400;
	[sflag:s24] =	ssyncadd.s32 @!p2 $0xFFFFFF00  }
0x18d: {  	[tilespmem:s18], [sflag:$0x5] =	stream.indirect.gather @!p2 [hbm4b:s4+s17], $0x80, s19, s17, $0xb8;
	[tilespmem:$0x1C400] =	vst v63  }
0x18e: {  	_ =	swait.ge [sflag:s11], $0x4000  }
.Ltmp6:
0x18f: {  	[sflag:s11] =	ssyncset.done $0x0;
	(pc) =	sbr.rel @!p1 .LBB2_5-.Ltmp6, $4  }
0x190: {  	[sflag:s11] =	ssyncadd.s32 $0xFFFFC000  }
0x191: {  	[spmem:s1] =	stream.indirect.scatter.add.f32 [tilespmem:s29], [sflag:$0x7], $0x80, s10, s25, $0xb8;
	[tilespmem:$0x1C400] =	vst v63  }
0x192: {  	_ =	swait.ge [sflag:s22], $0x4000  }
0x193: {  	s17 =	sadd.s32 s15, s20;
	[sflag:s22] =	ssyncset.done $0x0  }
.Ltmp7:
0x194: {  	_ = 	snop;
	(pc) =	sbr.rel .LBB2_6-.Ltmp7, $1  }
0x195: {  	_ =	sdelay $0x3  }
.LBB2_11:
0x196: {  	_ =	sfence.sel $0x180000  }
0x197: {  	[bflag:$0x0] =	sbarrier.arrive $0xFFFF  }
0x198: {  	_ =	strace $0x9000004A  }
0x199: {  	s0 =	stileid.u32;
	[bflag:$0x2] =	sbarrier.arrive $0xFFFF  }
0x19a: {  	p0 =	sne.s32 s0, $0x0;
	s0 =	rddreg [dreg:$0x2]  }
0x19b: {  	s0 =	sadd.s32 @!p0 $0x100000, s0  }
0x19c: {  	[sflag:s0] =	ssyncadd.tile.s32 @!p0 $0x1;
	_ =	shalt  }
.Lfunc_end2:
_tile_overlayer_lowered:
.L_overlay_start_2:
0x19d: {  	(tag) =	ssettag $0x2  }
0x19e: {  	s0 =	rddreg [dreg:$0x0];
	s2 =	stileid.u32  }
0x19f: {  	s1 =	rddreg [dreg:$0x1];
	p0 =	sne.s32 s2, $0x0  }
0x1a0: {  	s3 =	rddreg [dreg:$0x2];
	[bflag:$0x3] =	sbarrier.arrive $0xFFFF;
	s2 =	simm.s32 @!p0 $0x1C07  }
0x1a1: {  	[timem:s3], [sflag:s2] =	dma.local @!p0 [hbm:s0], s1  }
0x1a2: {  	s0 =	simm.s32 @!p0 $0x7  }
0x1a3: {  	_ =	swait.ge @!p0 [sflag:s0], s1  }
0x1a4: {  	s1 =	ssub.s32 @!p0 $0x0, s1;
	[sflag:s0] =	ssyncset.done @!p0 $0x0  }
0x1a5: {  	[sflag:s0] =	ssyncadd.s32 @!p0 s1  }
0x1a6: {  	[bflag:$0x3] =	sbarrier.arrive $0xFFFF  }
0x1a7: {  	_ =	shalt  }

// kernel: kernel.15.cloned.1.call-start
scs
__scs_entry_jumppad:
0x0: {  	(pc) =	sbr.rel $0x88, $3  }
0x1: {  	(tag) =	ssettag $0x0;
	lr =	simm.s32 $0x1  }
0x2: {  	[smem:$0x3F99] =	sst lr;
	_ =	strace $0xD0000000  }
0x3: {  	_ = 	snop  }
0x4: {  	_ = 	snop  }
0x5: {  	_ = 	snop  }
0x6: {  	_ = 	snop  }
0x7: {  	_ = 	snop  }
__scs_overlays_trampoline_lowered:
0x8: {  	[smem:$0x3FA8] =	sst s0  }
0x9: {  	[smem:$0x3FA9] =	sst s1  }
0xa: {  	[smem:$0x3FAA] =	sst s2  }
0xb: {  	[smem:$0x3FAB] =	sst s3  }
0xc: {  	[smem:$0x3FAC] =	sst s4  }
0xd: {  	[smem:$0x3FAD] =	sst s5  }
0xe: {  	[smem:$0x3FAE] =	sst s6  }
0xf: {  	[smem:$0x3FAF] =	sst s7  }
0x10: {  	[smem:$0x3FB0] =	sst s8  }
0x11: {  	[smem:$0x3FB1] =	sst s9;
	s0 =	simm.s32 @!p0 $0x0  }
0x12: {  	s1 =	sld [smem:$0x3F97];
	s0 =	simm.s32 @p0 $0x1  }
0x13: {  	[smem:$0x3FB2] =	sst s0;
	s0 =	simm.s32 @!p1 $0x0  }
0x14: {  	s2 =	sld [smem:$0x3F96];
	s0 =	simm.s32 @p1 $0x1  }
0x15: {  	[smem:$0x3FB3] =	sst s0;
	s0 =	simm.s32 @!p2 $0x0  }
0x16: {  	s3 =	sld [smem:$0x3FDB];
	s0 =	simm.s32 @p2 $0x1  }
0x17: {  	s4 =	simm.s32 $0x1BF5;
	[smem:$0x3FB5] =	sst s0  }
0x18: {  	s0 =	sld [smem:$0x3F98];
	_ =	swait.ge [sflag:s4], $0x0  }
0x19: {  	s7 =	sld [smem:$0x3F99]  }
0x1a: {  	s8 =	sadd.s32 $0xFFFFE003, lr  }
0x1b: {  	s9 =	sadd.s32 $0xFFFFFEF7, lr;
	s5 =	simm.s32 $0xFFFFFFFF;
	p2 =	slt.u32 s8, $0xFFFFF086  }
0x1c: {  	p1 =	slt.u32 s9, $0xF7A;
	s5 =	simm.s32 @!p2 $0x0  }
0x1d: {  	s5 =	simm.s32 @p1 $0x1;
	p0 =	seq.s32 s7, s2  }
0x1e: {  	s7 =	smul.u32 @!p0 $0xF7A, s2;
	p2 =	seq.s32 @!p0 s5, $0x0  }
0x1f: {  	s9 =	smul.u32 $0xF7A, s1;
	s8 =	simm.s32 @!p0 $0x1BF5;
	p2 =	por !p2, p0  }
0x20: {  	[sflag:s8] =	ssyncset.s32 @!p0 $0xFFFFF086;
	s6 =	sadd.s32 @!p0 s3, s7;
	s7 =	simm.s32 @!p0 $0x108  }
0x21: {  	s3 =	sadd.s32 s3, s9;
	s6 =	sadd.s32 @!p0 $0x88, s6;
	s7 =	simm.s32 @p2 $0x1082  }
0x22: {  	[simem:s7], [sflag:s8] =	dma.local @!p0 [hbm:s6], $0xF7A  }
0x23: {  	s9 =	sor.u32 $0xD0000000, s2;
	s6 =	simm.s32 $0x108;
	_ =	swait.ge @!p0 [sflag:s8], $0x0  }
0x24: {  	s3 =	sadd.s32 $0x88, s3;
	s6 =	simm.s32 @!p1 $0x1082;
	[sflag:s4] =	ssyncset.s32 $0xFFFFF086  }
0x25: {  	[simem:s6], [sflag:s4] =	dma.local [hbm:s3], $0xF7A  }
0x26: {  	[smem:$0x3F99] =	sst s1;
	(tag) =	ssettag s2;
	_ =	strace s9  }
0x27: {  	s1 =	sld [smem:$0x3FA9]  }
0x28: {  	s2 =	sld [smem:$0x3FAA]  }
0x29: {  	s4 =	sld [smem:$0x3FAC]  }
0x2a: {  	p0 =	seq.s32 s5, $0x0;
	s5 =	sld [smem:$0x3FAD]  }
0x2b: {  	s6 =	sld [smem:$0x3FAE]  }
0x2c: {  	s7 =	sld [smem:$0x3FAF]  }
0x2d: {  	s3 =	simm.s32 $0x108;
	s8 =	sld [smem:$0x3FB0]  }
0x2e: {  	s3 =	simm.s32 @!p0 $0x1082;
	s9 =	sld [smem:$0x3FB1]  }
0x2f: {  	lr =	sadd.s32 s0, s3;
	s0 =	sld [smem:$0x3FA8]  }
0x30: {  	s3 =	sld [smem:$0x3FAB]  }
0x31: {  	[smem:$0x3FB4] =	sst s10  }
0x32: {  	s10 =	sld [smem:$0x3FB2];
	_ =	sdelay $0x3  }
0x33: {  	p0 =	seq.s32 s10, $0x1;
	s10 =	sld [smem:$0x3FB4];
	_ =	sdelay $0x3  }
0x34: {  	[smem:$0x3FB4] =	sst s10  }
0x35: {  	s10 =	sld [smem:$0x3FB3];
	_ =	sdelay $0x3  }
0x36: {  	p1 =	seq.s32 s10, $0x1;
	s10 =	sld [smem:$0x3FB4];
	_ =	sdelay $0x3  }
0x37: {  	[smem:$0x3FB4] =	sst s10  }
0x38: {  	s10 =	sld [smem:$0x3FB5]  }
0x39: {  	_ = 	snop;
	(pc) =	sbr.ind lr, $3  }
0x3a: {  	_ = 	snop  }
0x3b: {  	_ = 	snop  }
0x3c: {  	p2 =	seq.s32 s10, $0x1;
	s10 =	sld [smem:$0x3FB4]  }
0x3d: {  	_ =	shalt  }
0x3e: {  	_ =	shalt  }
0x3f: {  	_ =	shalt  }
0x40: {  	_ =	shalt  }
0x41: {  	_ =	shalt  }
0x42: {  	_ =	shalt  }
0x43: {  	_ =	shalt  }
0x44: {  	_ =	shalt  }
0x45: {  	_ =	shalt  }
0x46: {  	_ =	shalt  }
0x47: {  	_ =	shalt  }
0x48: {  	_ =	shalt  }
0x49: {  	_ =	shalt  }
0x4a: {  	_ =	shalt  }
0x4b: {  	_ =	shalt  }
0x4c: {  	_ =	shalt  }
0x4d: {  	_ =	shalt  }
0x4e: {  	_ =	shalt  }
0x4f: {  	_ =	shalt  }
0x50: {  	_ =	shalt  }
0x51: {  	_ =	shalt  }
0x52: {  	_ =	shalt  }
0x53: {  	_ =	shalt  }
0x54: {  	_ =	shalt  }
0x55: {  	_ =	shalt  }
0x56: {  	_ =	shalt  }
0x57: {  	_ =	shalt  }
0x58: {  	_ =	shalt  }
0x59: {  	_ =	shalt  }
0x5a: {  	_ =	shalt  }
0x5b: {  	_ =	shalt  }
0x5c: {  	_ =	shalt  }
0x5d: {  	_ =	shalt  }
0x5e: {  	_ =	shalt  }
0x5f: {  	_ =	shalt  }
0x60: {  	_ =	shalt  }
0x61: {  	_ =	shalt  }
0x62: {  	_ =	shalt  }
0x63: {  	_ =	shalt  }
0x64: {  	_ =	shalt  }
0x65: {  	_ =	shalt  }
0x66: {  	_ =	shalt  }
0x67: {  	_ =	shalt  }
0x68: {  	_ =	shalt  }
0x69: {  	_ =	shalt  }
0x6a: {  	_ =	shalt  }
0x6b: {  	_ =	shalt  }
0x6c: {  	_ =	shalt  }
0x6d: {  	_ =	shalt  }
0x6e: {  	_ =	shalt  }
0x6f: {  	_ =	shalt  }
0x70: {  	_ =	shalt  }
0x71: {  	_ =	shalt  }
0x72: {  	_ =	shalt  }
0x73: {  	_ =	shalt  }
0x74: {  	_ =	shalt  }
0x75: {  	_ =	shalt  }
0x76: {  	_ =	shalt  }
0x77: {  	_ =	shalt  }
0x78: {  	_ =	shalt  }
0x79: {  	_ =	shalt  }
0x7a: {  	_ =	shalt  }
0x7b: {  	_ =	shalt  }
0x7c: {  	_ =	shalt  }
0x7d: {  	_ =	shalt  }
0x7e: {  	_ =	shalt  }
0x7f: {  	_ =	shalt  }
0x80: {  	_ =	shalt  }
0x81: {  	_ =	shalt  }
0x82: {  	_ =	shalt  }
0x83: {  	_ =	shalt  }
0x84: {  	_ =	shalt  }
0x85: {  	_ =	shalt  }
0x86: {  	_ =	shalt  }
0x87: {  	_ =	shalt  }
.Lfunc_end0:
.L_simem_size_0:
called_computation.2_lowered:
.L_overlay_start_0:
0x88: {  	s2 =	sld [smem:$0x3FD9]  }
0x89: {  	s3 =	sld [smem:$0x3FFE];
	_ =	sdelay $0x1  }
0x8a: {  	s1 =	srdreg.scid  }
0x8b: {  	s0 =	sand.u32 $0x1, s1  }
0x8c: {  	s16 =	sshll.u32 s0, $0xA;
	s2 =	sadd.s32 s3, s2  }
0x8d: {  	s2 =	sadd.s32 s2, s16  }
0x8e: {  	[smem:$0x3FC0] =	sst s2  }
0x8f: {  	_ = 	snop  }
0x90: {  	(tm) =	ssettm $0x1  }
0x91: {  	s17 =	sld [smem:$0x3FFB];
	_ =	sdelay $0x3  }
0x92: {  	_ =	strace s17  }
0x93: {  	s2 =	sld [smem:$0x3FFC];
	_ =	sdelay $0x3  }
0x94: {  	_ =	strace s2  }
0x95: {  	s2 =	sld [smem:$0x3FFD];
	_ =	sdelay $0x3  }
0x96: {  	_ =	strace s2  }
0x97: {  	_ =	strace $0x8FFFFFFF  }
0x98: {  	s18 =	sld [smem:$0x3FDB];
	_ =	sdelay $0x1  }
0x99: {  	s19 =	simm.s32 $_scs_section_size  }
0x9a: {  	s4 =	simm.s32 $_size__tile_overlayer_lowered;
	s5 =	simm.s32 $_tile_overlayer_lowered  }
0x9b: {  	s22 =	simm.s32 $0x1BFF;
	s21 =	sshll.u32 s5, $0x1;
	s2 =	sadd.s32 s19, s18  }
0x9c: {  	s6 =	simm.s32 $0x0;
	s20 =	sshll.u32 s4, $0x1;
	s4 =	sadd.s32 s21, s2  }
0x9d: {  	[timem:s6], [sflag:s22] =	dma.local [hbm:s4], s20  }
0x9e: {  	_ =	swait.ge [sflag:s22], s20  }
0x9f: {  	s3 =	ssub.s32 $0x0, s20;
	[sflag:s22] =	ssyncset.done $0x0  }
0xa0: {  	[sflag:s22] =	ssyncadd.s32 s3;
	_ =	sdelay $0x1  }
0xa1: {  	s23 =	simm.s32 $0x1B8B  }
0xa2: {  	_ =	swait.ge [sflag:s23], $0x1  }
0xa3: {  	[sflag:s23] =	ssyncset.done $0x0  }
0xa4: {  	s25 =	simm.s32 $0x1B8E;
	s24 =	sld [smem:$0x3FFE];
	[sflag:s23] =	ssyncadd.s32 $0xFFFFFFFF  }
0xa5: {  	s26 =	simm.s32 $execute0_lowered;
	[smem:$0x3FD2] =	sst s25  }
0xa6: {  	s4 =	sshll.u32 s26, $0x1;
	_ =	strace $0x8000004C;
	[dreg:$0x1] =	wrdreg $0xFFFFFFFF  }
0xa7: {  	s28 =	simm.s32 $_size_execute0_lowered;
	s2 =	sadd.s32 s2, s4;
	[dreg:$0x0] =	wrdreg $0x0  }
0xa8: {  	s4 =	sshll.u32 s28, $0x1;
	[dreg:$0x2] =	wrdreg s2  }
0xa9: {  	[dreg:$0x3] =	wrdreg s4  }
0xaa: {  	[dreg:$0x4] =	wrdreg $0xC0  }
0xab: {  	_ =	task [dreg:s6], $0x5FFFF  }
0xac: {  	[dreg:$0x1] =	wrdreg $0xFFFFFFFF  }
0xad: {  	[dreg:$0x0] =	wrdreg $0x60  }
0xae: {  	[dreg:$0x2] =	wrdreg s24  }
0xaf: {  	[dreg:$0x3] =	wrdreg $0x84000  }
0xb0: {  	[dreg:$0x4] =	wrdreg $0x9  }
0xb1: {  	_ =	task.clear_ibuf [dreg:s6], $0x5FFFF;
	_ =	strace $0x9000004C  }
0xb2: {  	s29 =	simm.s32 $0x9;
	_ =	strace $0x8000004E  }
0xb3: {  	_ =	swait.ge [sflag:s29], $0x1  }
0xb4: {  	[sflag:s29] =	ssyncadd.s32 $0xFFFFFFFF  }
0xb5: {  	_ =	strace $0x9000004E  }
0xb6: {  	_ =	sfence  }
0xb7: {  	s30 =	sld [smem:$0x0];
	_ =	sdelay $0x2  }
0xb8: {  	s31 =	sshll.u32 s1, $0xD;
	s1 =	sshrl.u32 s1, $0x2  }
0xb9: {  	s3 =	sand.u32 $0x4000, s31;
	s1 =	sadd.s32 s1, s30  }
0xba: {  	s0 =	sor.u32 s3, s0;
	s1 =	sshll.u32 s1, $0x11  }
0xbb: {  	s0 =	sor.u32 s1, s0  }
0xbc: {  	s0 =	sadd.s32 $0x8F2B, s0  }
0xbd: {  	[sflag:s0] =	ssyncadd.remote.s32 $0x1  }
0xbe: {  	_ =	sfence.sel $0xFFFF  }
0xbf: {  	[dreg:$0x0] =	wrdreg $0xFFFFFFFF;
	(pc) =	sbr.abs _section_cstart, $3  }
0xc0: {  	[dreg:$0x1] =	wrdreg $0xFFFFFFFF  }
0xc1: {  	_ =	task.clear_ibuf [dreg:s6], $0x2FFFF;
	_ =	strace $0x9FFFFFFF  }
0xc2: {  	(tm) =	ssettm $0x7FFFFFFF  }
0xc3: {  	_ =	shalt  }
tec
execute0_lowered:
.L_overlay_start_1:
0x0: {  	(tag) =	ssettag $0x1  }
0x1: {  	s0 =	rddreg [dreg:$0x0]  }
0x2: {  	s1 =	rddreg [dreg:$0x1];
	s3 =	simm.s32 $0x0;
	s2 =	srdreg.scid  }
0x3: {  	s18 =	stileid.u32;
	s28 =	simm.s32 $0x2;
	s29 =	simm.s32 $0x4400  }
0x4: {  	s30 =	simm.s32 $0x5;
	s31 =	simm.s32 $0x300;
	[smem:$0x7FF] =	sst s3  }
0x5: {  	s2 =	sand.u32 $0x1, s2;
	s5 =	smul.u32 $0x50000, s18;
	s4 =	sadd.s32 $0x66C00, s0  }
0x6: {  	s10 =	sadd.s32 $0x2C00, s0;
	s11 =	smul.u32 $0x14000, s18;
	s0 =	sadd.s32 $0x8DE00, s0  }
0x7: {  	s9 =	smul.u32 $0xA000, s18;
	_ =	strace $0x8000004D;
	s6 =	ssub.s32 $0x2, s2  }
0x8: {  	p0 =	seq.s32 s2, $0x1;
	s7 =	sshrl.u32 s6, $0x1;
	s5 =	sshrl.u32 s5, $0x2  }
0x9: {  	s13 =	sadd.s32 $0x4000, s11;
	s14 =	sadd.s32 $0x8000, s11;
	s15 =	sadd.s32 $0xC000, s11  }
0xa: {  	s16 =	sadd.s32 $0x10000, s11;
	s17 =	sshrl.u32 s9, $0x3;
	s12 =	ssub.s32 s6, s7  }
0xb: {  	s5 =	sadd.s32 s5, s1;
	s6 =	sadd.s32 s13, s1;
	s19 =	sadd.s32 s10, s17  }
0xc: {  	s7 =	sadd.s32 s14, s1;
	s24 =	sadd.s32 $0x20, s19;
	[dreg:$0x3] =	wrdreg s19  }
0xd: {  	s17 =	smul.u32 $0x140000, s2;
	s25 =	sadd.s32 $0xA00, s19;
	[dreg:$0x4] =	wrdreg s24  }
0xe: {  	s8 =	sadd.s32 s15, s1;
	s26 =	sadd.s32 $0xA20, s19;
	[dreg:$0x5] =	wrdreg s25  }
0xf: {  	s9 =	sadd.s32 s16, s1;
	[dreg:$0x6] =	wrdreg s26;
	s11 =	sadd.s32 s11, s17  }
0x10: {  	s19 =	sadd.s32 s17, s13;
	s20 =	sadd.s32 s17, s14;
	s23 =	sadd.s32 s17, s15  }
0x11: {  	s24 =	sadd.s32 s17, s16;
	s25 =	smul.u32 $0x1400, s18;
	s26 =	smax.u32 s12, $0x1  }
0x12: {  	s12 =	simm.s32 $0x180;
	s13 =	simm.s32 $0x4;
	s14 =	simm.s32 $0x0  }
0x13: {  	s2 =	sshrl.u32 s11, $0x3;
	s11 =	sshrl.u32 s19, $0x3;
	s22 =	sshrl.u32 s20, $0x3  }
0x14: {  	[dreg:$0xc] =	wrdreg s26;
	s26 =	simm.s32 $0x200;
	s2 =	sadd.s32 s0, s2  }
0x15: {  	s21 =	sadd.s32 s0, s11;
	s11 =	sshrl.u32 s24, $0x3;
	s20 =	sadd.s32 s25, s10  }
0x16: {  	s25 =	simm.s32 $0x80;
	s10 =	simm.s32 $0x380;
	[dreg:$0x7] =	wrdreg s2  }
.Ltmp0:
0x17: {  	[dreg:$0x8] =	wrdreg s21;
	s2 =	sadd.s32 s0, s22;
	(pc) =	sbr.rel .LBB2_1-.Ltmp0, $4  }
0x18: {  	s21 =	simm.s32 $0x400;
	[dreg:$0x9] =	wrdreg s2;
	s2 =	sshrl.u32 s23, $0x3  }
0x19: {  	s22 =	simm.s32 $0x7;
	s23 =	simm.s32 $0x100;
	s2 =	sadd.s32 s0, s2  }
0x1a: {  	s0 =	sadd.s32 s0, s11;
	s11 =	simm.s32 $0x6;
	[dreg:$0xa] =	wrdreg s2  }
0x1b: {  	v0 =	vimm.f32 $0.0e+00;
	[dreg:$0xb] =	wrdreg s0;
	s0 =	simm.s32 $0x3;
	s2 =	simm.s32 $0x280  }
.LBB2_6:
0x1c: {  	s16 =	sadd.s32 $0x40, s17;
	[sflag:s22] =	ssyncadd.s32 $0xFFFFC000  }
0x1d: {  	[tilespmem:s26], [sflag:$0x3] =	stream.linear.gather [hbm4b:s16+s3], $0x100, $0x38;
	[tilespmem:$0x1C400] =	vst v63  }
0x1e: {  	_ =	swait.ge [sflag:s28], $0x100  }
0x1f: {  	[sflag:s28] =	ssyncset.done $0x0  }
0x20: {  	[sflag:s28] =	ssyncadd.s32 $0xFFFFFF00  }
0x21: {  	[tilespmem:s29], [sflag:$0x6] =	stream.indirect.gather [hbm4b:s4+s25], $0x80, s23, s25, $0xb8;
	[tilespmem:$0x1C400] =	vst v63  }
0x22: {  	_ =	swait.ge [sflag:s30], $0x4000  }
0x23: {  	[sflag:s30] =	ssyncset.done $0x0  }
0x24: {  	[sflag:s30] =	ssyncadd.s32 $0xFFFFC000  }
0x25: {  	[spmem:s1] =	stream.indirect.scatter.add.f32 [tilespmem:s21], [sflag:$0x7], $0x80, s25, s25, $0xb8;
	[tilespmem:$0x1C400] =	vst v63  }
0x26: {  	_ =	swait.ge [sflag:s22], $0x4000  }
0x27: {  	[sflag:s22] =	ssyncset.done $0x0  }
0x28: {  	s24 =	sadd.s32 $0x60, s17;
	[sflag:s22] =	ssyncadd.s32 $0xFFFFC000  }
0x29: {  	[tilespmem:s31], [sflag:$0x4] =	stream.linear.gather [hbm4b:s24+s3], $0x100, $0x38;
	[tilespmem:$0x1C400] =	vst v63  }
0x2a: {  	_ =	swait.ge [sflag:s0], $0x100  }
0x2b: {  	[sflag:s0] =	ssyncset.done $0x0  }
0x2c: {  	[sflag:s0] =	ssyncadd.s32 $0xFFFFFF00  }
0x2d: {  	[tilespmem:s21], [sflag:$0x5] =	stream.indirect.gather [hbm4b:s4+s25], $0x80, s26, s25, $0xb8;
	[tilespmem:$0x1C400] =	vst v63  }
0x2e: {  	_ =	swait.ge [sflag:s11], $0x4000  }
0x2f: {  	[sflag:s11] =	ssyncset.done $0x0  }
0x30: {  	[sflag:s11] =	ssyncadd.s32 $0xFFFFC000  }
0x31: {  	[spmem:s1] =	stream.indirect.scatter.add.f32 [tilespmem:s29], [sflag:$0x7], $0x80, s12, s25, $0xb8;
	[tilespmem:$0x1C400] =	vst v63  }
0x32: {  	p1 =	seq.s32 s15, $0x980;
	_ =	swait.ge [sflag:s22], $0x4000  }
0x33: {  	s15 =	sadd.s32 @!p1 s15, s20;
	[sflag:s22] =	ssyncset.done $0x0  }
0x34: {  	s17 =	simm.s32 @!p1 $0x0;
	s16 =	sadd.s32 @!p1 $0x80, s15;
	[sflag:s22] =	ssyncadd.s32 $0xFFFFC000  }
0x35: {  	[tilespmem:s17], [sflag:$0x1] =	stream.linear.gather @!p1 [hbm4b:s16+s17], $0x100, $0x38;
	[tilespmem:$0x1C400] =	vst v63  }
0x36: {  	_ =	swait.ge [sflag:s13], $0x100  }
0x37: {  	[sflag:s13] =	ssyncset.done $0x0  }
0x38: {  	[sflag:s13] =	ssyncadd.s32 $0xFFFFFF00  }
0x39: {  	[tilespmem:s29], [sflag:$0x6] =	stream.indirect.gather [hbm4b:s4+s25], $0x80, s31, s25, $0xb8;
	[tilespmem:$0x1C400] =	vst v63  }
0x3a: {  	_ =	swait.ge [sflag:s30], $0x4000  }
0x3b: {  	[sflag:s30] =	ssyncset.done $0x0  }
0x3c: {  	[sflag:s30] =	ssyncadd.s32 $0xFFFFC000  }
0x3d: {  	[spmem:s1] =	stream.indirect.scatter.add.f32 [tilespmem:s21], [sflag:$0x7], $0x80, s2, s25, $0xb8;
	[tilespmem:$0x1C400] =	vst v63  }
0x3e: {  	_ =	swait.ge [sflag:s22], $0x4000  }
0x3f: {  	s18 =	simm.s32 @!p1 $0x1;
	[sflag:s22] =	ssyncset.done $0x0  }
0x40: {  	s15 =	sadd.s32 @!p1 $0xA0, s15;
	s16 =	simm.s32 @!p1 $0x100;
	[sflag:s22] =	ssyncadd.s32 $0xFFFFC000  }
0x41: {  	[tilespmem:s16], [sflag:$0x2] =	stream.linear.gather @!p1 [hbm4b:s15+s17], $0x100, $0x38;
	[tilespmem:$0x1C400] =	vst v63  }
0x42: {  	_ =	swait.ge @!p1 [sflag:s18], $0x100  }
0x43: {  	[sflag:s18] =	ssyncset.done @!p1 $0x0  }
0x44: {  	s15 =	simm.s32 @!p1 $0x80;
	s16 =	simm.s32 @!p1 $0x400;
	[sflag:s18] =	ssyncadd.s32 @!p1 $0xFFFFFF00  }
0x45: {  	[tilespmem:s16], [sflag:$0x5] =	stream.indirect.gather @!p1 [hbm4b:s4+s15], $0x80, s17, s15, $0xb8;
	[tilespmem:$0x1C400] =	vst v63  }
0x46: {  	_ =	swait.ge [sflag:s11], $0x4000  }
0x47: {  	[sflag:s11] =	ssyncset.done $0x0  }
0x48: {  	[sflag:s11] =	ssyncadd.s32 $0xFFFFC000  }
0x49: {  	[spmem:s1] =	stream.indirect.scatter.add.f32 [tilespmem:s29], [sflag:$0x7], $0x80, s10, s25, $0xb8;
	[tilespmem:$0x1C400] =	vst v63  }
0x4a: {  	_ =	swait.ge [sflag:s22], $0x4000  }
0x4b: {  	[sflag:s22] =	ssyncset.done $0x0  }
0x4c: {  	[sflag:s22] =	ssyncadd.s32 $0xFFFFC000  }
.LBB2_10:
0x4d: {  	s15 =	stileid.u32  }
0x4e: {  	[bflag:$0x0] =	sbarrier.arrive $0xFFFF;
	s15 =	sshll.u32 s15, $0x6  }
0x4f: {  	s16 =	sshrl.u32 s5, $0x3;
	s17 =	rddreg [dreg:$0x7];
	s15 =	sor.u32 $0x1C07, s15  }
0x50: {  	[hbm:s17], [sflag:s15] =	dma.local [spmem:s16], $0x800  }
0x51: {  	_ =	swait.ge [sflag:s22], $0x800  }
0x52: {  	[sflag:s22] =	ssyncset.done $0x0  }
0x53: {  	s19 =	sshrl.u32 s6, $0x3;
	s24 =	rddreg [dreg:$0x8];
	[sflag:s22] =	ssyncadd.s32 $0xFFFFF800  }
0x54: {  	[hbm:s24], [sflag:s15] =	dma.local [spmem:s19], $0x800  }
0x55: {  	_ =	swait.ge [sflag:s22], $0x800  }
0x56: {  	[sflag:s22] =	ssyncset.done $0x0  }
0x57: {  	s17 =	sshrl.u32 s7, $0x3;
	s18 =	rddreg [dreg:$0x9];
	[sflag:s22] =	ssyncadd.s32 $0xFFFFF800  }
0x58: {  	[hbm:s18], [sflag:s15] =	dma.local [spmem:s17], $0x800  }
0x59: {  	_ =	swait.ge [sflag:s22], $0x800  }
0x5a: {  	[sflag:s22] =	ssyncset.done $0x0  }
0x5b: {  	s19 =	sshrl.u32 s8, $0x3;
	s24 =	rddreg [dreg:$0xa];
	[sflag:s22] =	ssyncadd.s32 $0xFFFFF800  }
0x5c: {  	[hbm:s24], [sflag:s15] =	dma.local [spmem:s19], $0x800  }
0x5d: {  	_ =	swait.ge [sflag:s22], $0x800  }
0x5e: {  	[sflag:s22] =	ssyncset.done $0x0  }
0x5f: {  	s18 =	sshrl.u32 s9, $0x3;
	s19 =	rddreg [dreg:$0xb];
	[sflag:s22] =	ssyncadd.s32 $0xFFFFF800  }
0x60: {  	[hbm:s19], [sflag:s15] =	dma.local [spmem:s18], $0x800  }
0x61: {  	_ =	swait.ge [sflag:s22], $0x800  }
0x62: {  	s14 =	sadd.s32 $0x1, s14;
	s24 =	rddreg [dreg:$0xc]  }
0x63: {  	p1 =	sne.s32 s14, s24  }
.Ltmp1:
0x64: {  	_ = 	snop;
	(pc) =	sbr.rel @!p1 .LBB2_11-.Ltmp1, $3  }
0x65: {  	_ =	sdelay $0x1  }
0x66: {  	[sflag:s22] =	ssyncset.done $0x0  }
0x67: {  	[sflag:s22] =	ssyncadd.s32 $0xFFFFF800  }
.LBB2_1:
0x68: {  	s15 =	simm.s32 $0x0;
	s16 =	simm.s32 $0x200  }
.LBB2_2:
0x69: {  	p1 =	sne.s32 s16, $0xFE00;
	[tilespmem:s15+$0x470] =	vst v0  }
0x6a: {  	[tilespmem:s15+$0x400] =	vst v0  }
0x6b: {  	[tilespmem:s15+$0x410] =	vst v0  }
.Ltmp2:
0x6c: {  	[tilespmem:s15+$0x420] =	vst v0;
	(pc) =	sbr.rel @p1 .LBB2_2-.Ltmp2, $4  }
0x6d: {  	[tilespmem:s15+$0x430] =	vst v0  }
0x6e: {  	[tilespmem:s15+$0x440] =	vst v0  }
0x6f: {  	[tilespmem:s15+$0x450] =	vst v0  }
0x70: {  	[tilespmem:s15+$0x460] =	vst v0;
	s15 =	sshra.s32 s16, $0x2;
	s16 =	sadd.s32 $0x200, s16  }
0x71: {  	[tilespmem:s15+$0x470] =	vst v0  }
0x72: {  	[tilespmem:s15+$0x400] =	vst v0  }
0x73: {  	[tilespmem:s15+$0x410] =	vst v0  }
0x74: {  	[tilespmem:s15+$0x420] =	vst v0  }
0x75: {  	[tilespmem:s15+$0x430] =	vst v0  }
0x76: {  	[tilespmem:s15+$0x440] =	vst v0  }
0x77: {  	[tilespmem:s15+$0x450] =	vst v0  }
0x78: {  	[tilespmem:s15+$0x460] =	vst v0  }
0x79: {  	[spmem:s5] =	stream.linear.scatter [tilespmem:s21], [sflag:$0x7], $0x4000, $0x38;
	[tilespmem:$0x1C400] =	vst v63  }
0x7a: {  	_ =	swait.ge [sflag:s22], $0x4000  }
0x7b: {  	[sflag:s22] =	ssyncset.done $0x0  }
0x7c: {  	[sflag:s22] =	ssyncadd.s32 $0xFFFFC000  }
0x7d: {  	[spmem:s6] =	stream.linear.scatter [tilespmem:s21], [sflag:$0x7], $0x4000, $0x38;
	[tilespmem:$0x1C400] =	vst v63  }
0x7e: {  	_ =	swait.ge [sflag:s22], $0x4000  }
0x7f: {  	[sflag:s22] =	ssyncset.done $0x0  }
0x80: {  	[sflag:s22] =	ssyncadd.s32 $0xFFFFC000  }
0x81: {  	[spmem:s7] =	stream.linear.scatter [tilespmem:s21], [sflag:$0x7], $0x4000, $0x38;
	[tilespmem:$0x1C400] =	vst v63  }
0x82: {  	_ =	swait.ge [sflag:s22], $0x4000  }
0x83: {  	[sflag:s22] =	ssyncset.done $0x0  }
0x84: {  	[sflag:s22] =	ssyncadd.s32 $0xFFFFC000  }
0x85: {  	[spmem:s8] =	stream.linear.scatter [tilespmem:s21], [sflag:$0x7], $0x4000, $0x38;
	[tilespmem:$0x1C400] =	vst v63  }
0x86: {  	_ =	swait.ge [sflag:s22], $0x4000  }
0x87: {  	[sflag:s22] =	ssyncset.done $0x0  }
0x88: {  	[sflag:s22] =	ssyncadd.s32 $0xFFFFC000  }
0x89: {  	[spmem:s9] =	stream.linear.scatter [tilespmem:s21], [sflag:$0x7], $0x4000, $0x38;
	[tilespmem:$0x1C400] =	vst v63  }
.Ltmp3:
0x8a: {  	_ =	swait.ge [sflag:s22], $0x4000;
	(pc) =	sbr.rel @!p0 .LBB2_4-.Ltmp3, $4  }
0x8b: {  	[sflag:s22] =	ssyncset.done $0x0  }
0x8c: {  	[sflag:s22] =	ssyncadd.s32 $0xFFFFC000  }
0x8d: {  	[bflag:$0x0] =	sbarrier.arrive $0xFFFF  }
0x8e: {  	s15 =	simm.s32 $0x0  }
0x8f: {  	s16 =	rddreg [dreg:$0x5]  }
0x90: {  	[tilespmem:s15], [sflag:$0x1] =	stream.linear.gather [hbm4b:s16+s15], $0x100, $0x38;
	[tilespmem:$0x1C400] =	vst v63  }
0x91: {  	s17 =	rddreg [dreg:$0x6];
	s18 =	simm.s32 $0x1  }
0x92: {  	[tilespmem:s23], [sflag:$0x2] =	stream.linear.gather [hbm4b:s17+s15], $0x100, $0x38;
	[tilespmem:$0x1C400] =	vst v63  }
0x93: {  	_ =	swait.ge [sflag:s18], $0x100  }
0x94: {  	[sflag:s18] =	ssyncset.done $0x0  }
0x95: {  	s19 =	sadd.s32 $0x0, s20;
	[sflag:s18] =	ssyncadd.s32 $0xFFFFFF00  }
0x96: {  	[tilespmem:s21], [sflag:$0x5] =	stream.indirect.gather [hbm4b:s4+s25], $0x80, s15, s25, $0xb8;
	[tilespmem:$0x1C400] =	vst v63  }
0x97: {  	s24 =	sadd.s32 $0xA40, s19  }
0x98: {  	[tilespmem:s26], [sflag:$0x3] =	stream.linear.gather [hbm4b:s24+s3], $0x100, $0x38;
	[tilespmem:$0x1C400] =	vst v63  }
0x99: {  	_ =	swait.ge [sflag:s28], $0x100  }
0x9a: {  	[sflag:s28] =	ssyncset.done $0x0  }
0x9b: {  	[sflag:s28] =	ssyncadd.s32 $0xFFFFFF00  }
0x9c: {  	[tilespmem:s29], [sflag:$0x6] =	stream.indirect.gather [hbm4b:s4+s25], $0x80, s23, s25, $0xb8;
	[tilespmem:$0x1C400] =	vst v63  }
0x9d: {  	_ =	swait.ge [sflag:s30], $0x4000  }
0x9e: {  	[sflag:s30] =	ssyncset.done $0x0  }
0x9f: {  	[sflag:s30] =	ssyncadd.s32 $0xFFFFC000  }
0xa0: {  	[spmem:s1] =	stream.indirect.scatter.add.f32 [tilespmem:s21], [sflag:$0x7], $0x80, s25, s25, $0xb8;
	[tilespmem:$0x1C400] =	vst v63  }
0xa1: {  	_ =	swait.ge [sflag:s22], $0x4000  }
0xa2: {  	[sflag:s22] =	ssyncset.done $0x0  }
0xa3: {  	s15 =	sadd.s32 $0xA60, s19;
	[sflag:s22] =	ssyncadd.s32 $0xFFFFC000  }
0xa4: {  	[tilespmem:s31], [sflag:$0x4] =	stream.linear.gather [hbm4b:s15+s3], $0x100, $0x38;
	[tilespmem:$0x1C400] =	vst v63  }
0xa5: {  	_ =	swait.ge [sflag:s0], $0x100  }
0xa6: {  	[sflag:s0] =	ssyncset.done $0x0  }
0xa7: {  	[sflag:s0] =	ssyncadd.s32 $0xFFFFFF00  }
0xa8: {  	[tilespmem:s21], [sflag:$0x5] =	stream.indirect.gather [hbm4b:s4+s25], $0x80, s26, s25, $0xb8;
	[tilespmem:$0x1C400] =	vst v63  }
0xa9: {  	_ =	swait.ge [sflag:s11], $0x4000  }
0xaa: {  	[sflag:s11] =	ssyncset.done $0x0  }
0xab: {  	[sflag:s11] =	ssyncadd.s32 $0xFFFFC000  }
0xac: {  	[spmem:s1] =	stream.indirect.scatter.add.f32 [tilespmem:s29], [sflag:$0x7], $0x80, s12, s25, $0xb8;
	[tilespmem:$0x1C400] =	vst v63  }
0xad: {  	p1 =	por $0x0, $0x0;
	_ =	swait.ge [sflag:s22], $0x4000  }
0xae: {  	s15 =	sadd.s32 @!p1 $0x0, s20;
	[sflag:s22] =	ssyncset.done $0x0  }
0xaf: {  	s17 =	simm.s32 @!p1 $0x0;
	s16 =	sadd.s32 @!p1 $0xA80, s15;
	[sflag:s22] =	ssyncadd.s32 $0xFFFFC000  }
0xb0: {  	[tilespmem:s17], [sflag:$0x1] =	stream.linear.gather @!p1 [hbm4b:s16+s17], $0x100, $0x38;
	[tilespmem:$0x1C400] =	vst v63  }
0xb1: {  	_ =	swait.ge [sflag:s13], $0x100  }
0xb2: {  	[sflag:s13] =	ssyncset.done $0x0  }
0xb3: {  	[sflag:s13] =	ssyncadd.s32 $0xFFFFFF00  }
0xb4: {  	[tilespmem:s29], [sflag:$0x6] =	stream.indirect.gather [hbm4b:s4+s25], $0x80, s31, s25, $0xb8;
	[tilespmem:$0x1C400] =	vst v63  }
0xb5: {  	_ =	swait.ge [sflag:s30], $0x4000  }
0xb6: {  	[sflag:s30] =	ssyncset.done $0x0  }
0xb7: {  	[sflag:s30] =	ssyncadd.s32 $0xFFFFC000  }
0xb8: {  	[spmem:s1] =	stream.indirect.scatter.add.f32 [tilespmem:s21], [sflag:$0x7], $0x80, s2, s25, $0xb8;
	[tilespmem:$0x1C400] =	vst v63  }
0xb9: {  	_ =	swait.ge [sflag:s22], $0x4000  }
0xba: {  	[sflag:s22] =	ssyncset.done $0x0  }
0xbb: {  	s15 =	sadd.s32 @!p1 $0xAA0, s15;
	s16 =	simm.s32 @!p1 $0x100;
	[sflag:s22] =	ssyncadd.s32 $0xFFFFC000  }
0xbc: {  	[tilespmem:s16], [sflag:$0x2] =	stream.linear.gather @!p1 [hbm4b:s15+s17], $0x100, $0x38;
	[tilespmem:$0x1C400] =	vst v63  }
0xbd: {  	s15 =	simm.s32 @!p1 $0x1  }
0xbe: {  	_ =	swait.ge @!p1 [sflag:s15], $0x100  }
0xbf: {  	[sflag:s15] =	ssyncset.done @!p1 $0x0  }
0xc0: {  	s16 =	simm.s32 @!p1 $0x400;
	[sflag:s15] =	ssyncadd.s32 @!p1 $0xFFFFFF00;
	s15 =	simm.s32 @!p1 $0x80  }
0xc1: {  	[tilespmem:s16], [sflag:$0x5] =	stream.indirect.gather @!p1 [hbm4b:s4+s15], $0x80, s17, s15, $0xb8;
	[tilespmem:$0x1C400] =	vst v63  }
0xc2: {  	_ =	swait.ge [sflag:s11], $0x4000  }
0xc3: {  	[sflag:s11] =	ssyncset.done $0x0  }
0xc4: {  	[sflag:s11] =	ssyncadd.s32 $0xFFFFC000  }
0xc5: {  	[spmem:s1] =	stream.indirect.scatter.add.f32 [tilespmem:s29], [sflag:$0x7], $0x80, s10, s25, $0xb8;
	[tilespmem:$0x1C400] =	vst v63  }
0xc6: {  	s15 =	simm.s32 $0x80;
	_ =	swait.ge [sflag:s22], $0x4000  }
0xc7: {  	s16 =	simm.s32 $0x100;
	s17 =	sadd.s32 $0x80, s20;
	[sflag:s22] =	ssyncset.done $0x0  }
.LBB2_8:
0xc8: {  	s18 =	sadd.s32 $0xA40, s17  }
0xc9: {  	[sflag:s22] =	ssyncadd.s32 $0xFFFFC000;
	s19 =	smov.u32 s16;
	s16 =	sadd.s32 $0x80, s16  }
0xca: {  	[tilespmem:s26], [sflag:$0x3] =	stream.linear.gather [hbm4b:s18+s3], $0x100, $0x38;
	[tilespmem:$0x1C400] =	vst v63  }
0xcb: {  	p1 =	sne.s32 s16, $0xA00;
	_ =	swait.ge [sflag:s28], $0x100  }
0xcc: {  	[sflag:s28] =	ssyncset.done $0x0  }
0xcd: {  	[sflag:s28] =	ssyncadd.s32 $0xFFFFFF00  }
0xce: {  	[tilespmem:s29], [sflag:$0x6] =	stream.indirect.gather [hbm4b:s4+s25], $0x80, s23, s25, $0xb8;
	[tilespmem:$0x1C400] =	vst v63  }
0xcf: {  	_ =	swait.ge [sflag:s30], $0x4000  }
0xd0: {  	[sflag:s30] =	ssyncset.done $0x0  }
0xd1: {  	[sflag:s30] =	ssyncadd.s32 $0xFFFFC000  }
0xd2: {  	[spmem:s1] =	stream.indirect.scatter.add.f32 [tilespmem:s21], [sflag:$0x7], $0x80, s25, s25, $0xb8;
	[tilespmem:$0x1C400] =	vst v63  }
0xd3: {  	_ =	swait.ge [sflag:s22], $0x4000  }
0xd4: {  	[sflag:s22] =	ssyncset.done $0x0  }
0xd5: {  	s17 =	sadd.s32 $0xA60, s17;
	[sflag:s22] =	ssyncadd.s32 $0xFFFFC000  }
0xd6: {  	[tilespmem:s31], [sflag:$0x4] =	stream.linear.gather [hbm4b:s17+s3], $0x100, $0x38;
	[tilespmem:$0x1C400] =	vst v63  }
0xd7: {  	_ =	swait.ge [sflag:s0], $0x100  }
0xd8: {  	[sflag:s0] =	ssyncset.done $0x0  }
0xd9: {  	[sflag:s0] =	ssyncadd.s32 $0xFFFFFF00  }
0xda: {  	[tilespmem:s21], [sflag:$0x5] =	stream.indirect.gather [hbm4b:s4+s25], $0x80, s26, s25, $0xb8;
	[tilespmem:$0x1C400] =	vst v63  }
0xdb: {  	_ =	swait.ge [sflag:s11], $0x4000  }
0xdc: {  	[sflag:s11] =	ssyncset.done $0x0  }
0xdd: {  	[sflag:s11] =	ssyncadd.s32 $0xFFFFC000  }
0xde: {  	[spmem:s1] =	stream.indirect.scatter.add.f32 [tilespmem:s29], [sflag:$0x7], $0x80, s12, s25, $0xb8;
	[tilespmem:$0x1C400] =	vst v63  }
0xdf: {  	p2 =	seq.s32 s15, $0x980;
	_ =	swait.ge [sflag:s22], $0x4000  }
0xe0: {  	s17 =	sadd.s32 @!p2 s15, s20;
	s15 =	smov.u32 s19;
	[sflag:s22] =	ssyncset.done $0x0  }
0xe1: {  	s19 =	simm.s32 @!p2 $0x0;
	s18 =	sadd.s32 @!p2 $0xA80, s17;
	[sflag:s22] =	ssyncadd.s32 $0xFFFFC000  }
0xe2: {  	[tilespmem:s19], [sflag:$0x1] =	stream.linear.gather @!p2 [hbm4b:s18+s19], $0x100, $0x38;
	[tilespmem:$0x1C400] =	vst v63  }
0xe3: {  	s17 =	sadd.s32 @!p2 $0xAA0, s17;
	_ =	swait.ge [sflag:s13], $0x100  }
0xe4: {  	[sflag:s13] =	ssyncset.done $0x0  }
0xe5: {  	[sflag:s13] =	ssyncadd.s32 $0xFFFFFF00  }
0xe6: {  	[tilespmem:s29], [sflag:$0x6] =	stream.indirect.gather [hbm4b:s4+s25], $0x80, s31, s25, $0xb8;
	[tilespmem:$0x1C400] =	vst v63  }
0xe7: {  	_ =	swait.ge [sflag:s30], $0x4000  }
0xe8: {  	[sflag:s30] =	ssyncset.done $0x0  }
0xe9: {  	[sflag:s30] =	ssyncadd.s32 $0xFFFFC000  }
0xea: {  	[spmem:s1] =	stream.indirect.scatter.add.f32 [tilespmem:s21], [sflag:$0x7], $0x80, s2, s25, $0xb8;
	[tilespmem:$0x1C400] =	vst v63  }
0xeb: {  	_ =	swait.ge [sflag:s22], $0x4000  }
0xec: {  	[sflag:s22] =	ssyncset.done $0x0  }
0xed: {  	s24 =	simm.s32 @!p2 $0x1;
	s18 =	simm.s32 @!p2 $0x100;
	[sflag:s22] =	ssyncadd.s32 $0xFFFFC000  }
0xee: {  	[tilespmem:s18], [sflag:$0x2] =	stream.linear.gather @!p2 [hbm4b:s17+s19], $0x100, $0x38;
	[tilespmem:$0x1C400] =	vst v63  }
0xef: {  	_ =	swait.ge @!p2 [sflag:s24], $0x100  }
0xf0: {  	[sflag:s24] =	ssyncset.done @!p2 $0x0  }
0xf1: {  	s17 =	simm.s32 @!p2 $0x80;
	s18 =	simm.s32 @!p2 $0x400;
	[sflag:s24] =	ssyncadd.s32 @!p2 $0xFFFFFF00  }
0xf2: {  	[tilespmem:s18], [sflag:$0x5] =	stream.indirect.gather @!p2 [hbm4b:s4+s17], $0x80, s19, s17, $0xb8;
	[tilespmem:$0x1C400] =	vst v63  }
0xf3: {  	_ =	swait.ge [sflag:s11], $0x4000  }
.Ltmp4:
0xf4: {  	[sflag:s11] =	ssyncset.done $0x0;
	(pc) =	sbr.rel @p1 .LBB2_8-.Ltmp4, $4  }
0xf5: {  	[sflag:s11] =	ssyncadd.s32 $0xFFFFC000  }
0xf6: {  	[spmem:s1] =	stream.indirect.scatter.add.f32 [tilespmem:s29], [sflag:$0x7], $0x80, s10, s25, $0xb8;
	[tilespmem:$0x1C400] =	vst v63  }
0xf7: {  	_ =	swait.ge [sflag:s22], $0x4000  }
0xf8: {  	s17 =	sadd.s32 s15, s20;
	[sflag:s22] =	ssyncset.done $0x0  }
0xf9: {  	s16 =	sadd.s32 $0xA40, s17;
	[sflag:s22] =	ssyncadd.s32 $0xFFFFC000  }
0xfa: {  	[tilespmem:s26], [sflag:$0x3] =	stream.linear.gather [hbm4b:s16+s3], $0x100, $0x38;
	[tilespmem:$0x1C400] =	vst v63  }
0xfb: {  	_ =	swait.ge [sflag:s28], $0x100  }
0xfc: {  	[sflag:s28] =	ssyncset.done $0x0  }
0xfd: {  	[sflag:s28] =	ssyncadd.s32 $0xFFFFFF00  }
0xfe: {  	[tilespmem:s29], [sflag:$0x6] =	stream.indirect.gather [hbm4b:s4+s25], $0x80, s23, s25, $0xb8;
	[tilespmem:$0x1C400] =	vst v63  }
0xff: {  	_ =	swait.ge [sflag:s30], $0x4000  }
0x100: {  	[sflag:s30] =	ssyncset.done $0x0  }
0x101: {  	[sflag:s30] =	ssyncadd.s32 $0xFFFFC000  }
0x102: {  	[spmem:s1] =	stream.indirect.scatter.add.f32 [tilespmem:s21], [sflag:$0x7], $0x80, s25, s25, $0xb8;
	[tilespmem:$0x1C400] =	vst v63  }
0x103: {  	_ =	swait.ge [sflag:s22], $0x4000  }
0x104: {  	[sflag:s22] =	ssyncset.done $0x0  }
0x105: {  	s24 =	sadd.s32 $0xA60, s17;
	[sflag:s22] =	ssyncadd.s32 $0xFFFFC000  }
0x106: {  	[tilespmem:s31], [sflag:$0x4] =	stream.linear.gather [hbm4b:s24+s3], $0x100, $0x38;
	[tilespmem:$0x1C400] =	vst v63  }
0x107: {  	_ =	swait.ge [sflag:s0], $0x100  }
0x108: {  	[sflag:s0] =	ssyncset.done $0x0  }
0x109: {  	[sflag:s0] =	ssyncadd.s32 $0xFFFFFF00  }
0x10a: {  	[tilespmem:s21], [sflag:$0x5] =	stream.indirect.gather [hbm4b:s4+s25], $0x80, s26, s25, $0xb8;
	[tilespmem:$0x1C400] =	vst v63  }
0x10b: {  	_ =	swait.ge [sflag:s11], $0x4000  }
0x10c: {  	[sflag:s11] =	ssyncset.done $0x0  }
0x10d: {  	[sflag:s11] =	ssyncadd.s32 $0xFFFFC000  }
0x10e: {  	[spmem:s1] =	stream.indirect.scatter.add.f32 [tilespmem:s29], [sflag:$0x7], $0x80, s12, s25, $0xb8;
	[tilespmem:$0x1C400] =	vst v63  }
0x10f: {  	p1 =	seq.s32 s15, $0x980;
	_ =	swait.ge [sflag:s22], $0x4000  }
0x110: {  	s15 =	sadd.s32 @!p1 s15, s20;
	[sflag:s22] =	ssyncset.done $0x0  }
0x111: {  	s17 =	simm.s32 @!p1 $0x0;
	s16 =	sadd.s32 @!p1 $0xA80, s15;
	[sflag:s22] =	ssyncadd.s32 $0xFFFFC000  }
0x112: {  	[tilespmem:s17], [sflag:$0x1] =	stream.linear.gather @!p1 [hbm4b:s16+s17], $0x100, $0x38;
	[tilespmem:$0x1C400] =	vst v63  }
0x113: {  	_ =	swait.ge [sflag:s13], $0x100  }
0x114: {  	[sflag:s13] =	ssyncset.done $0x0  }
0x115: {  	[sflag:s13] =	ssyncadd.s32 $0xFFFFFF00  }
0x116: {  	[tilespmem:s29], [sflag:$0x6] =	stream.indirect.gather [hbm4b:s4+s25], $0x80, s31, s25, $0xb8;
	[tilespmem:$0x1C400] =	vst v63  }
0x117: {  	_ =	swait.ge [sflag:s30], $0x4000  }
0x118: {  	[sflag:s30] =	ssyncset.done $0x0  }
0x119: {  	[sflag:s30] =	ssyncadd.s32 $0xFFFFC000  }
0x11a: {  	[spmem:s1] =	stream.indirect.scatter.add.f32 [tilespmem:s21], [sflag:$0x7], $0x80, s2, s25, $0xb8;
	[tilespmem:$0x1C400] =	vst v63  }
0x11b: {  	_ =	swait.ge [sflag:s22], $0x4000  }
0x11c: {  	s18 =	simm.s32 @!p1 $0x1;
	[sflag:s22] =	ssyncset.done $0x0  }
0x11d: {  	s15 =	sadd.s32 @!p1 $0xAA0, s15;
	s16 =	simm.s32 @!p1 $0x100;
	[sflag:s22] =	ssyncadd.s32 $0xFFFFC000  }
0x11e: {  	[tilespmem:s16], [sflag:$0x2] =	stream.linear.gather @!p1 [hbm4b:s15+s17], $0x100, $0x38;
	[tilespmem:$0x1C400] =	vst v63  }
0x11f: {  	_ =	swait.ge @!p1 [sflag:s18], $0x100  }
0x120: {  	[sflag:s18] =	ssyncset.done @!p1 $0x0  }
0x121: {  	s15 =	simm.s32 @!p1 $0x80;
	s16 =	simm.s32 @!p1 $0x400;
	[sflag:s18] =	ssyncadd.s32 @!p1 $0xFFFFFF00  }
0x122: {  	[tilespmem:s16], [sflag:$0x5] =	stream.indirect.gather @!p1 [hbm4b:s4+s15], $0x80, s17, s15, $0xb8;
	[tilespmem:$0x1C400] =	vst v63  }
0x123: {  	_ =	swait.ge [sflag:s11], $0x4000  }
0x124: {  	[sflag:s11] =	ssyncset.done $0x0  }
.Ltmp5:
0x125: {  	[sflag:s11] =	ssyncadd.s32 $0xFFFFC000;
	(pc) =	sbr.rel .LBB2_10-.Ltmp5, $4  }
0x126: {  	[spmem:s1] =	stream.indirect.scatter.add.f32 [tilespmem:s29], [sflag:$0x7], $0x80, s10, s25, $0xb8;
	[tilespmem:$0x1C400] =	vst v63  }
0x127: {  	_ =	swait.ge [sflag:s22], $0x4000  }
0x128: {  	[sflag:s22] =	ssyncset.done $0x0  }
0x129: {  	[sflag:s22] =	ssyncadd.s32 $0xFFFFC000  }
.LBB2_4:
0x12a: {  	s16 =	rddreg [dreg:$0x3]  }
0x12b: {  	[tilespmem:s15], [sflag:$0x1] =	stream.linear.gather [hbm4b:s16+s15], $0x100, $0x38;
	[tilespmem:$0x1C400] =	vst v63  }
0x12c: {  	s17 =	rddreg [dreg:$0x4];
	s18 =	simm.s32 $0x1  }
0x12d: {  	[tilespmem:s23], [sflag:$0x2] =	stream.linear.gather [hbm4b:s17+s15], $0x100, $0x38;
	[tilespmem:$0x1C400] =	vst v63  }
0x12e: {  	_ =	swait.ge [sflag:s18], $0x100  }
0x12f: {  	[sflag:s18] =	ssyncset.done $0x0  }
0x130: {  	s19 =	sadd.s32 $0x0, s20;
	[sflag:s18] =	ssyncadd.s32 $0xFFFFFF00  }
0x131: {  	[tilespmem:s21], [sflag:$0x5] =	stream.indirect.gather [hbm4b:s4+s25], $0x80, s15, s25, $0xb8;
	[tilespmem:$0x1C400] =	vst v63  }
0x132: {  	s24 =	sadd.s32 $0x40, s19  }
0x133: {  	[tilespmem:s26], [sflag:$0x3] =	stream.linear.gather [hbm4b:s24+s3], $0x100, $0x38;
	[tilespmem:$0x1C400] =	vst v63  }
0x134: {  	_ =	swait.ge [sflag:s28], $0x100  }
0x135: {  	[sflag:s28] =	ssyncset.done $0x0  }
0x136: {  	[sflag:s28] =	ssyncadd.s32 $0xFFFFFF00  }
0x137: {  	[tilespmem:s29], [sflag:$0x6] =	stream.indirect.gather [hbm4b:s4+s25], $0x80, s23, s25, $0xb8;
	[tilespmem:$0x1C400] =	vst v63  }
0x138: {  	_ =	swait.ge [sflag:s30], $0x4000  }
0x139: {  	[sflag:s30] =	ssyncset.done $0x0  }
0x13a: {  	[sflag:s30] =	ssyncadd.s32 $0xFFFFC000  }
0x13b: {  	[spmem:s1] =	stream.indirect.scatter.add.f32 [tilespmem:s21], [sflag:$0x7], $0x80, s25, s25, $0xb8;
	[tilespmem:$0x1C400] =	vst v63  }
0x13c: {  	_ =	swait.ge [sflag:s22], $0x4000  }
0x13d: {  	[sflag:s22] =	ssyncset.done $0x0  }
0x13e: {  	s15 =	sadd.s32 $0x60, s19;
	[sflag:s22] =	ssyncadd.s32 $0xFFFFC000  }
0x13f: {  	[tilespmem:s31], [sflag:$0x4] =	stream.linear.gather [hbm4b:s15+s3], $0x100, $0x38;
	[tilespmem:$0x1C400] =	vst v63  }
0x140: {  	_ =	swait.ge [sflag:s0], $0x100  }
0x141: {  	[sflag:s0] =	ssyncset.done $0x0  }
0x142: {  	[sflag:s0] =	ssyncadd.s32 $0xFFFFFF00  }
0x143: {  	[tilespmem:s21], [sflag:$0x5] =	stream.indirect.gather [hbm4b:s4+s25], $0x80, s26, s25, $0xb8;
	[tilespmem:$0x1C400] =	vst v63  }
0x144: {  	_ =	swait.ge [sflag:s11], $0x4000  }
0x145: {  	[sflag:s11] =	ssyncset.done $0x0  }
0x146: {  	[sflag:s11] =	ssyncadd.s32 $0xFFFFC000  }
0x147: {  	[spmem:s1] =	stream.indirect.scatter.add.f32 [tilespmem:s29], [sflag:$0x7], $0x80, s12, s25, $0xb8;
	[tilespmem:$0x1C400] =	vst v63  }
0x148: {  	p1 =	por $0x0, $0x0;
	_ =	swait.ge [sflag:s22], $0x4000  }
0x149: {  	s15 =	sadd.s32 @!p1 $0x0, s20;
	[sflag:s22] =	ssyncset.done $0x0  }
0x14a: {  	s17 =	simm.s32 @!p1 $0x0;
	s16 =	sadd.s32 @!p1 $0x80, s15;
	[sflag:s22] =	ssyncadd.s32 $0xFFFFC000  }
0x14b: {  	[tilespmem:s17], [sflag:$0x1] =	stream.linear.gather @!p1 [hbm4b:s16+s17], $0x100, $0x38;
	[tilespmem:$0x1C400] =	vst v63  }
0x14c: {  	_ =	swait.ge [sflag:s13], $0x100  }
0x14d: {  	[sflag:s13] =	ssyncset.done $0x0  }
0x14e: {  	[sflag:s13] =	ssyncadd.s32 $0xFFFFFF00  }
0x14f: {  	[tilespmem:s29], [sflag:$0x6] =	stream.indirect.gather [hbm4b:s4+s25], $0x80, s31, s25, $0xb8;
	[tilespmem:$0x1C400] =	vst v63  }
0x150: {  	_ =	swait.ge [sflag:s30], $0x4000  }
0x151: {  	[sflag:s30] =	ssyncset.done $0x0  }
0x152: {  	[sflag:s30] =	ssyncadd.s32 $0xFFFFC000  }
0x153: {  	[spmem:s1] =	stream.indirect.scatter.add.f32 [tilespmem:s21], [sflag:$0x7], $0x80, s2, s25, $0xb8;
	[tilespmem:$0x1C400] =	vst v63  }
0x154: {  	_ =	swait.ge [sflag:s22], $0x4000  }
0x155: {  	[sflag:s22] =	ssyncset.done $0x0  }
0x156: {  	s15 =	sadd.s32 @!p1 $0xA0, s15;
	s16 =	simm.s32 @!p1 $0x100;
	[sflag:s22] =	ssyncadd.s32 $0xFFFFC000  }
0x157: {  	[tilespmem:s16], [sflag:$0x2] =	stream.linear.gather @!p1 [hbm4b:s15+s17], $0x100, $0x38;
	[tilespmem:$0x1C400] =	vst v63  }
0x158: {  	s15 =	simm.s32 @!p1 $0x1  }
0x159: {  	_ =	swait.ge @!p1 [sflag:s15], $0x100  }
0x15a: {  	[sflag:s15] =	ssyncset.done @!p1 $0x0  }
0x15b: {  	s16 =	simm.s32 @!p1 $0x400;
	[sflag:s15] =	ssyncadd.s32 @!p1 $0xFFFFFF00;
	s15 =	simm.s32 @!p1 $0x80  }
0x15c: {  	[tilespmem:s16], [sflag:$0x5] =	stream.indirect.gather @!p1 [hbm4b:s4+s15], $0x80, s17, s15, $0xb8;
	[tilespmem:$0x1C400] =	vst v63  }
0x15d: {  	_ =	swait.ge [sflag:s11], $0x4000  }
0x15e: {  	[sflag:s11] =	ssyncset.done $0x0  }
0x15f: {  	[sflag:s11] =	ssyncadd.s32 $0xFFFFC000  }
0x160: {  	[spmem:s1] =	stream.indirect.scatter.add.f32 [tilespmem:s29], [sflag:$0x7], $0x80, s10, s25, $0xb8;
	[tilespmem:$0x1C400] =	vst v63  }
0x161: {  	s15 =	simm.s32 $0x80;
	_ =	swait.ge [sflag:s22], $0x4000  }
0x162: {  	s16 =	simm.s32 $0x100;
	s17 =	sadd.s32 $0x80, s20;
	[sflag:s22] =	ssyncset.done $0x0  }
.LBB2_5:
0x163: {  	s18 =	sadd.s32 $0x40, s17  }
0x164: {  	[sflag:s22] =	ssyncadd.s32 $0xFFFFC000;
	s19 =	smov.u32 s16;
	s16 =	sadd.s32 $0x80, s16  }
0x165: {  	[tilespmem:s26], [sflag:$0x3] =	stream.linear.gather [hbm4b:s18+s3], $0x100, $0x38;
	[tilespmem:$0x1C400] =	vst v63  }
0x166: {  	p1 =	seq.s32 s16, $0xA00;
	_ =	swait.ge [sflag:s28], $0x100  }
0x167: {  	[sflag:s28] =	ssyncset.done $0x0  }
0x168: {  	[sflag:s28] =	ssyncadd.s32 $0xFFFFFF00  }
0x169: {  	[tilespmem:s29], [sflag:$0x6] =	stream.indirect.gather [hbm4b:s4+s25], $0x80, s23, s25, $0xb8;
	[tilespmem:$0x1C400] =	vst v63  }
0x16a: {  	_ =	swait.ge [sflag:s30], $0x4000  }
0x16b: {  	[sflag:s30] =	ssyncset.done $0x0  }
0x16c: {  	[sflag:s30] =	ssyncadd.s32 $0xFFFFC000  }
0x16d: {  	[spmem:s1] =	stream.indirect.scatter.add.f32 [tilespmem:s21], [sflag:$0x7], $0x80, s25, s25, $0xb8;
	[tilespmem:$0x1C400] =	vst v63  }
0x16e: {  	_ =	swait.ge [sflag:s22], $0x4000  }
0x16f: {  	[sflag:s22] =	ssyncset.done $0x0  }
0x170: {  	s17 =	sadd.s32 $0x60, s17;
	[sflag:s22] =	ssyncadd.s32 $0xFFFFC000  }
0x171: {  	[tilespmem:s31], [sflag:$0x4] =	stream.linear.gather [hbm4b:s17+s3], $0x100, $0x38;
	[tilespmem:$0x1C400] =	vst v63  }
0x172: {  	_ =	swait.ge [sflag:s0], $0x100  }
0x173: {  	[sflag:s0] =	ssyncset.done $0x0  }
0x174: {  	[sflag:s0] =	ssyncadd.s32 $0xFFFFFF00  }
0x175: {  	[tilespmem:s21], [sflag:$0x5] =	stream.indirect.gather [hbm4b:s4+s25], $0x80, s26, s25, $0xb8;
	[tilespmem:$0x1C400] =	vst v63  }
0x176: {  	_ =	swait.ge [sflag:s11], $0x4000  }
0x177: {  	[sflag:s11] =	ssyncset.done $0x0  }
0x178: {  	[sflag:s11] =	ssyncadd.s32 $0xFFFFC000  }
0x179: {  	[spmem:s1] =	stream.indirect.scatter.add.f32 [tilespmem:s29], [sflag:$0x7], $0x80, s12, s25, $0xb8;
	[tilespmem:$0x1C400] =	vst v63  }
0x17a: {  	p2 =	seq.s32 s15, $0x980;
	_ =	swait.ge [sflag:s22], $0x4000  }
0x17b: {  	s17 =	sadd.s32 @!p2 s15, s20;
	s15 =	smov.u32 s19;
	[sflag:s22] =	ssyncset.done $0x0  }
0x17c: {  	s19 =	simm.s32 @!p2 $0x0;
	s18 =	sadd.s32 @!p2 $0x80, s17;
	[sflag:s22] =	ssyncadd.s32 $0xFFFFC000  }
0x17d: {  	[tilespmem:s19], [sflag:$0x1] =	stream.linear.gather @!p2 [hbm4b:s18+s19], $0x100, $0x38;
	[tilespmem:$0x1C400] =	vst v63  }
0x17e: {  	s17 =	sadd.s32 @!p2 $0xA0, s17;
	_ =	swait.ge [sflag:s13], $0x100  }
0x17f: {  	[sflag:s13] =	ssyncset.done $0x0  }
0x180: {  	[sflag:s13] =	ssyncadd.s32 $0xFFFFFF00  }
0x181: {  	[tilespmem:s29], [sflag:$0x6] =	stream.indirect.gather [hbm4b:s4+s25], $0x80, s31, s25, $0xb8;
	[tilespmem:$0x1C400] =	vst v63  }
0x182: {  	_ =	swait.ge [sflag:s30], $0x4000  }
0x183: {  	[sflag:s30] =	ssyncset.done $0x0  }
0x184: {  	[sflag:s30] =	ssyncadd.s32 $0xFFFFC000  }
0x185: {  	[spmem:s1] =	stream.indirect.scatter.add.f32 [tilespmem:s21], [sflag:$0x7], $0x80, s2, s25, $0xb8;
	[tilespmem:$0x1C400] =	vst v63  }
0x186: {  	_ =	swait.ge [sflag:s22], $0x4000  }
0x187: {  	[sflag:s22] =	ssyncset.done $0x0  }
0x188: {  	s24 =	simm.s32 @!p2 $0x1;
	s18 =	simm.s32 @!p2 $0x100;
	[sflag:s22] =	ssyncadd.s32 $0xFFFFC000  }
0x189: {  	[tilespmem:s18], [sflag:$0x2] =	stream.linear.gather @!p2 [hbm4b:s17+s19], $0x100, $0x38;
	[tilespmem:$0x1C400] =	vst v63  }
0x18a: {  	_ =	swait.ge @!p2 [sflag:s24], $0x100  }
0x18b: {  	[sflag:s24] =	ssyncset.done @!p2 $0x0  }
0x18c: {  	s17 =	simm.s32 @!p2 $0x80;
	s18 =	simm.s32 @!p2 $0x400;
	[sflag:s24] =	ssyncadd.s32 @!p2 $0xFFFFFF00  }
0x18d: {  	[tilespmem:s18], [sflag:$0x5] =	stream.indirect.gather @!p2 [hbm4b:s4+s17], $0x80, s19, s17, $0xb8;
	[tilespmem:$0x1C400] =	vst v63  }
0x18e: {  	_ =	swait.ge [sflag:s11], $0x4000  }
.Ltmp6:
0x18f: {  	[sflag:s11] =	ssyncset.done $0x0;
	(pc) =	sbr.rel @!p1 .LBB2_5-.Ltmp6, $4  }
0x190: {  	[sflag:s11] =	ssyncadd.s32 $0xFFFFC000  }
0x191: {  	[spmem:s1] =	stream.indirect.scatter.add.f32 [tilespmem:s29], [sflag:$0x7], $0x80, s10, s25, $0xb8;
	[tilespmem:$0x1C400] =	vst v63  }
0x192: {  	_ =	swait.ge [sflag:s22], $0x4000  }
0x193: {  	s17 =	sadd.s32 s15, s20;
	[sflag:s22] =	ssyncset.done $0x0  }
.Ltmp7:
0x194: {  	_ = 	snop;
	(pc) =	sbr.rel .LBB2_6-.Ltmp7, $1  }
0x195: {  	_ =	sdelay $0x3  }
.LBB2_11:
0x196: {  	_ =	sfence.sel $0x180000  }
0x197: {  	[bflag:$0x0] =	sbarrier.arrive $0xFFFF  }
0x198: {  	_ =	strace $0x9000004D  }
0x199: {  	s0 =	stileid.u32;
	[bflag:$0x2] =	sbarrier.arrive $0xFFFF  }
0x19a: {  	p0 =	sne.s32 s0, $0x0;
	s0 =	rddreg [dreg:$0x2]  }
0x19b: {  	s0 =	sadd.s32 @!p0 $0x100000, s0  }
0x19c: {  	[sflag:s0] =	ssyncadd.tile.s32 @!p0 $0x1;
	_ =	shalt  }
.Lfunc_end2:
_tile_overlayer_lowered:
.L_overlay_start_2:
0x19d: {  	(tag) =	ssettag $0x2  }
0x19e: {  	s0 =	rddreg [dreg:$0x0];
	s2 =	stileid.u32  }
0x19f: {  	s1 =	rddreg [dreg:$0x1];
	p0 =	sne.s32 s2, $0x0  }
0x1a0: {  	s3 =	rddreg [dreg:$0x2];
	[bflag:$0x3] =	sbarrier.arrive $0xFFFF;
	s2 =	simm.s32 @!p0 $0x1C07  }
0x1a1: {  	[timem:s3], [sflag:s2] =	dma.local @!p0 [hbm:s0], s1  }
0x1a2: {  	s0 =	simm.s32 @!p0 $0x7  }
0x1a3: {  	_ =	swait.ge @!p0 [sflag:s0], s1  }
0x1a4: {  	s1 =	ssub.s32 @!p0 $0x0, s1;
	[sflag:s0] =	ssyncset.done @!p0 $0x0  }
0x1a5: {  	[sflag:s0] =	ssyncadd.s32 @!p0 s1  }
0x1a6: {  	[bflag:$0x3] =	sbarrier.arrive $0xFFFF  }
0x1a7: {  	_ =	shalt  }

// kernel: kernel.9.cloned.1.call-start
scs
__scs_entry_jumppad:
0x0: {  	(pc) =	sbr.rel $0x88, $3  }
0x1: {  	(tag) =	ssettag $0x0;
	lr =	simm.s32 $0x1  }
0x2: {  	[smem:$0x3F99] =	sst lr;
	_ =	strace $0xD0000000  }
0x3: {  	_ = 	snop  }
0x4: {  	_ = 	snop  }
0x5: {  	_ = 	snop  }
0x6: {  	_ = 	snop  }
0x7: {  	_ = 	snop  }
__scs_overlays_trampoline_lowered:
0x8: {  	[smem:$0x3FA8] =	sst s0  }
0x9: {  	[smem:$0x3FA9] =	sst s1  }
0xa: {  	[smem:$0x3FAA] =	sst s2  }
0xb: {  	[smem:$0x3FAB] =	sst s3  }
0xc: {  	[smem:$0x3FAC] =	sst s4  }
0xd: {  	[smem:$0x3FAD] =	sst s5  }
0xe: {  	[smem:$0x3FAE] =	sst s6  }
0xf: {  	[smem:$0x3FAF] =	sst s7  }
0x10: {  	[smem:$0x3FB0] =	sst s8  }
0x11: {  	[smem:$0x3FB1] =	sst s9;
	s0 =	simm.s32 @!p0 $0x0  }
0x12: {  	s1 =	sld [smem:$0x3F97];
	s0 =	simm.s32 @p0 $0x1  }
0x13: {  	[smem:$0x3FB2] =	sst s0;
	s0 =	simm.s32 @!p1 $0x0  }
0x14: {  	s2 =	sld [smem:$0x3F96];
	s0 =	simm.s32 @p1 $0x1  }
0x15: {  	[smem:$0x3FB3] =	sst s0;
	s0 =	simm.s32 @!p2 $0x0  }
0x16: {  	s3 =	sld [smem:$0x3FDB];
	s0 =	simm.s32 @p2 $0x1  }
0x17: {  	s4 =	simm.s32 $0x1BF5;
	[smem:$0x3FB5] =	sst s0  }
0x18: {  	s0 =	sld [smem:$0x3F98];
	_ =	swait.ge [sflag:s4], $0x0  }
0x19: {  	s7 =	sld [smem:$0x3F99]  }
0x1a: {  	s8 =	sadd.s32 $0xFFFFE003, lr  }
0x1b: {  	s9 =	sadd.s32 $0xFFFFFEF7, lr;
	s5 =	simm.s32 $0xFFFFFFFF;
	p2 =	slt.u32 s8, $0xFFFFF086  }
0x1c: {  	p1 =	slt.u32 s9, $0xF7A;
	s5 =	simm.s32 @!p2 $0x0  }
0x1d: {  	s5 =	simm.s32 @p1 $0x1;
	p0 =	seq.s32 s7, s2  }
0x1e: {  	s7 =	smul.u32 @!p0 $0xF7A, s2;
	p2 =	seq.s32 @!p0 s5, $0x0  }
0x1f: {  	s9 =	smul.u32 $0xF7A, s1;
	s8 =	simm.s32 @!p0 $0x1BF5;
	p2 =	por !p2, p0  }
0x20: {  	[sflag:s8] =	ssyncset.s32 @!p0 $0xFFFFF086;
	s6 =	sadd.s32 @!p0 s3, s7;
	s7 =	simm.s32 @!p0 $0x108  }
0x21: {  	s3 =	sadd.s32 s3, s9;
	s6 =	sadd.s32 @!p0 $0x88, s6;
	s7 =	simm.s32 @p2 $0x1082  }
0x22: {  	[simem:s7], [sflag:s8] =	dma.local @!p0 [hbm:s6], $0xF7A  }
0x23: {  	s9 =	sor.u32 $0xD0000000, s2;
	s6 =	simm.s32 $0x108;
	_ =	swait.ge @!p0 [sflag:s8], $0x0  }
0x24: {  	s3 =	sadd.s32 $0x88, s3;
	s6 =	simm.s32 @!p1 $0x1082;
	[sflag:s4] =	ssyncset.s32 $0xFFFFF086  }
0x25: {  	[simem:s6], [sflag:s4] =	dma.local [hbm:s3], $0xF7A  }
0x26: {  	[smem:$0x3F99] =	sst s1;
	(tag) =	ssettag s2;
	_ =	strace s9  }
0x27: {  	s1 =	sld [smem:$0x3FA9]  }
0x28: {  	s2 =	sld [smem:$0x3FAA]  }
0x29: {  	s4 =	sld [smem:$0x3FAC]  }
0x2a: {  	p0 =	seq.s32 s5, $0x0;
	s5 =	sld [smem:$0x3FAD]  }
0x2b: {  	s6 =	sld [smem:$0x3FAE]  }
0x2c: {  	s7 =	sld [smem:$0x3FAF]  }
0x2d: {  	s3 =	simm.s32 $0x108;
	s8 =	sld [smem:$0x3FB0]  }
0x2e: {  	s3 =	simm.s32 @!p0 $0x1082;
	s9 =	sld [smem:$0x3FB1]  }
0x2f: {  	lr =	sadd.s32 s0, s3;
	s0 =	sld [smem:$0x3FA8]  }
0x30: {  	s3 =	sld [smem:$0x3FAB]  }
0x31: {  	[smem:$0x3FB4] =	sst s10  }
0x32: {  	s10 =	sld [smem:$0x3FB2];
	_ =	sdelay $0x3  }
0x33: {  	p0 =	seq.s32 s10, $0x1;
	s10 =	sld [smem:$0x3FB4];
	_ =	sdelay $0x3  }
0x34: {  	[smem:$0x3FB4] =	sst s10  }
0x35: {  	s10 =	sld [smem:$0x3FB3];
	_ =	sdelay $0x3  }
0x36: {  	p1 =	seq.s32 s10, $0x1;
	s10 =	sld [smem:$0x3FB4];
	_ =	sdelay $0x3  }
0x37: {  	[smem:$0x3FB4] =	sst s10  }
0x38: {  	s10 =	sld [smem:$0x3FB5]  }
0x39: {  	_ = 	snop;
	(pc) =	sbr.ind lr, $3  }
0x3a: {  	_ = 	snop  }
0x3b: {  	_ = 	snop  }
0x3c: {  	p2 =	seq.s32 s10, $0x1;
	s10 =	sld [smem:$0x3FB4]  }
0x3d: {  	_ =	shalt  }
0x3e: {  	_ =	shalt  }
0x3f: {  	_ =	shalt  }
0x40: {  	_ =	shalt  }
0x41: {  	_ =	shalt  }
0x42: {  	_ =	shalt  }
0x43: {  	_ =	shalt  }
0x44: {  	_ =	shalt  }
0x45: {  	_ =	shalt  }
0x46: {  	_ =	shalt  }
0x47: {  	_ =	shalt  }
0x48: {  	_ =	shalt  }
0x49: {  	_ =	shalt  }
0x4a: {  	_ =	shalt  }
0x4b: {  	_ =	shalt  }
0x4c: {  	_ =	shalt  }
0x4d: {  	_ =	shalt  }
0x4e: {  	_ =	shalt  }
0x4f: {  	_ =	shalt  }
0x50: {  	_ =	shalt  }
0x51: {  	_ =	shalt  }
0x52: {  	_ =	shalt  }
0x53: {  	_ =	shalt  }
0x54: {  	_ =	shalt  }
0x55: {  	_ =	shalt  }
0x56: {  	_ =	shalt  }
0x57: {  	_ =	shalt  }
0x58: {  	_ =	shalt  }
0x59: {  	_ =	shalt  }
0x5a: {  	_ =	shalt  }
0x5b: {  	_ =	shalt  }
0x5c: {  	_ =	shalt  }
0x5d: {  	_ =	shalt  }
0x5e: {  	_ =	shalt  }
0x5f: {  	_ =	shalt  }
0x60: {  	_ =	shalt  }
0x61: {  	_ =	shalt  }
0x62: {  	_ =	shalt  }
0x63: {  	_ =	shalt  }
0x64: {  	_ =	shalt  }
0x65: {  	_ =	shalt  }
0x66: {  	_ =	shalt  }
0x67: {  	_ =	shalt  }
0x68: {  	_ =	shalt  }
0x69: {  	_ =	shalt  }
0x6a: {  	_ =	shalt  }
0x6b: {  	_ =	shalt  }
0x6c: {  	_ =	shalt  }
0x6d: {  	_ =	shalt  }
0x6e: {  	_ =	shalt  }
0x6f: {  	_ =	shalt  }
0x70: {  	_ =	shalt  }
0x71: {  	_ =	shalt  }
0x72: {  	_ =	shalt  }
0x73: {  	_ =	shalt  }
0x74: {  	_ =	shalt  }
0x75: {  	_ =	shalt  }
0x76: {  	_ =	shalt  }
0x77: {  	_ =	shalt  }
0x78: {  	_ =	shalt  }
0x79: {  	_ =	shalt  }
0x7a: {  	_ =	shalt  }
0x7b: {  	_ =	shalt  }
0x7c: {  	_ =	shalt  }
0x7d: {  	_ =	shalt  }
0x7e: {  	_ =	shalt  }
0x7f: {  	_ =	shalt  }
0x80: {  	_ =	shalt  }
0x81: {  	_ =	shalt  }
0x82: {  	_ =	shalt  }
0x83: {  	_ =	shalt  }
0x84: {  	_ =	shalt  }
0x85: {  	_ =	shalt  }
0x86: {  	_ =	shalt  }
0x87: {  	_ =	shalt  }
.Lfunc_end0:
.L_simem_size_0:
called_computation_lowered:
.L_overlay_start_0:
0x88: {  	s2 =	sld [smem:$0x3FD9]  }
0x89: {  	s3 =	sld [smem:$0x3FFE];
	_ =	sdelay $0x1  }
0x8a: {  	s1 =	srdreg.scid  }
0x8b: {  	s0 =	sand.u32 $0x1, s1  }
0x8c: {  	s16 =	sshll.u32 s0, $0xA;
	s2 =	sadd.s32 s3, s2  }
0x8d: {  	s2 =	sadd.s32 s2, s16  }
0x8e: {  	[smem:$0x3FC0] =	sst s2  }
0x8f: {  	_ = 	snop  }
0x90: {  	(tm) =	ssettm $0x1  }
0x91: {  	s17 =	sld [smem:$0x3FFB];
	_ =	sdelay $0x3  }
0x92: {  	_ =	strace s17  }
0x93: {  	s2 =	sld [smem:$0x3FFC];
	_ =	sdelay $0x3  }
0x94: {  	_ =	strace s2  }
0x95: {  	s2 =	sld [smem:$0x3FFD];
	_ =	sdelay $0x3  }
0x96: {  	_ =	strace s2  }
0x97: {  	_ =	strace $0x8FFFFFFF  }
0x98: {  	s18 =	sld [smem:$0x3FDB];
	_ =	sdelay $0x1  }
0x99: {  	s19 =	simm.s32 $_scs_section_size  }
0x9a: {  	s4 =	simm.s32 $_size__tile_overlayer_lowered;
	s5 =	simm.s32 $_tile_overlayer_lowered  }
0x9b: {  	s22 =	simm.s32 $0x1BFF;
	s21 =	sshll.u32 s5, $0x1;
	s2 =	sadd.s32 s19, s18  }
0x9c: {  	s6 =	simm.s32 $0x0;
	s20 =	sshll.u32 s4, $0x1;
	s4 =	sadd.s32 s21, s2  }
0x9d: {  	[timem:s6], [sflag:s22] =	dma.local [hbm:s4], s20  }
0x9e: {  	_ =	swait.ge [sflag:s22], s20  }
0x9f: {  	s3 =	ssub.s32 $0x0, s20;
	[sflag:s22] =	ssyncset.done $0x0  }
0xa0: {  	[sflag:s22] =	ssyncadd.s32 s3;
	_ =	sdelay $0x1  }
0xa1: {  	s23 =	simm.s32 $0x1B8B  }
0xa2: {  	_ =	swait.ge [sflag:s23], $0x1  }
0xa3: {  	[sflag:s23] =	ssyncset.done $0x0  }
0xa4: {  	s25 =	simm.s32 $0x1B8E;
	s24 =	sld [smem:$0x3FFE];
	[sflag:s23] =	ssyncadd.s32 $0xFFFFFFFF  }
0xa5: {  	s26 =	simm.s32 $execute0_lowered;
	[smem:$0x3FD2] =	sst s25  }
0xa6: {  	s4 =	sshll.u32 s26, $0x1;
	_ =	strace $0x80000046;
	[dreg:$0x1] =	wrdreg $0xFFFFFFFF  }
0xa7: {  	s28 =	simm.s32 $_size_execute0_lowered;
	s2 =	sadd.s32 s2, s4;
	[dreg:$0x0] =	wrdreg $0x0  }
0xa8: {  	s4 =	sshll.u32 s28, $0x1;
	[dreg:$0x2] =	wrdreg s2  }
0xa9: {  	[dreg:$0x3] =	wrdreg s4  }
0xaa: {  	[dreg:$0x4] =	wrdreg $0xC0  }
0xab: {  	_ =	task [dreg:s6], $0x5FFFF  }
0xac: {  	[dreg:$0x1] =	wrdreg $0xFFFFFFFF  }
0xad: {  	[dreg:$0x0] =	wrdreg $0x60  }
0xae: {  	[dreg:$0x2] =	wrdreg s24  }
0xaf: {  	[dreg:$0x3] =	wrdreg $0x53000  }
0xb0: {  	[dreg:$0x4] =	wrdreg $0x9  }
0xb1: {  	_ =	task.clear_ibuf [dreg:s6], $0x5FFFF;
	_ =	strace $0x90000046  }
0xb2: {  	s29 =	simm.s32 $0x9;
	_ =	strace $0x80000048  }
0xb3: {  	_ =	swait.ge [sflag:s29], $0x1  }
0xb4: {  	[sflag:s29] =	ssyncadd.s32 $0xFFFFFFFF  }
0xb5: {  	_ =	strace $0x90000048  }
0xb6: {  	_ =	sfence  }
0xb7: {  	s30 =	sld [smem:$0x0];
	_ =	sdelay $0x2  }
0xb8: {  	s31 =	sshll.u32 s1, $0xD;
	s1 =	sshrl.u32 s1, $0x2  }
0xb9: {  	s3 =	sand.u32 $0x4000, s31;
	s1 =	sadd.s32 s1, s30  }
0xba: {  	s0 =	sor.u32 s3, s0;
	s1 =	sshll.u32 s1, $0x11  }
0xbb: {  	s0 =	sor.u32 s1, s0  }
0xbc: {  	s0 =	sadd.s32 $0x8F2B, s0  }
0xbd: {  	[sflag:s0] =	ssyncadd.remote.s32 $0x1  }
0xbe: {  	_ =	sfence.sel $0xFFFF  }
0xbf: {  	[dreg:$0x0] =	wrdreg $0xFFFFFFFF;
	(pc) =	sbr.abs _section_cstart, $3  }
0xc0: {  	[dreg:$0x1] =	wrdreg $0xFFFFFFFF  }
0xc1: {  	_ =	task.clear_ibuf [dreg:s6], $0x2FFFF;
	_ =	strace $0x9FFFFFFF  }
0xc2: {  	(tm) =	ssettm $0x7FFFFFFF  }
0xc3: {  	_ =	shalt  }
tec
execute0_lowered:
.L_overlay_start_1:
0x0: {  	(tag) =	ssettag $0x1  }
0x1: {  	s4 =	rddreg [dreg:$0x0]  }
0x2: {  	s2 =	rddreg [dreg:$0x1]  }
0x3: {  	s3 =	srdreg.scid;
	s1 =	stileid.u32  }
0x4: {  	s0 =	rddreg [dreg:$0x2];
	s10 =	simm.s32 $0x80;
	s11 =	simm.s32 $0x5000  }
0x5: {  	s14 =	simm.s32 $0x20;
	s15 =	simm.s32 $0x10;
	s16 =	simm.s32 $0x0  }
0x6: {  	s5 =	sand.u32 $0x1, s3;
	s6 =	sshll.u32 s1, $0x1;
	s7 =	smul.u32 $0x500, s1  }
0x7: {  	s3 =	simm.s32 $0x0;
	s30 =	smul.u32 $0xA00, s1;
	s12 =	sshll.u32 s1, $0x6  }
0x8: {  	s6 =	sor.u32 s5, s6;
	[smem:$0x7FF] =	sst s3;
	s8 =	sshll.u32 s5, $0x7  }
0x9: {  	s5 =	ssub.s32 $0x2, s5;
	s12 =	sor.u32 $0x1C01, s12;
	s6 =	smul.u32 $0xA00, s6  }
0xa: {  	_ =	strace $0x80000047;
	s7 =	sor.u32 s8, s7;
	s31 =	sshrl.u32 s5, $0x1  }
0xb: {  	s8 =	sshrl.u32 s30, $0x2;
	s7 =	sshrl.u32 s7, $0x3;
	s9 =	ssub.s32 s5, s31  }
0xc: {  	s6 =	sadd.s32 s6, s4;
	s7 =	sadd.s32 s7, s4;
	s4 =	sadd.s32 s8, s2  }
0xd: {  	s8 =	simm.s32 $0x5080;
	s5 =	sadd.s32 $0x2C00, s6;
	s6 =	sadd.s32 $0x16C00, s7  }
0xe: {  	v0 =	vimm.f32 $0.0e+00;
	v1 =	vimm.f32 $1.000000000e+00;
	s7 =	smax.u32 s9, $0x1;
	s9 =	simm.s32 $0x1;
	s13 =	sshrl.u32 s4, $0x3  }
.LBB2_1:
0xf: {  	[tilespmem:$0x5080] =	vst v0  }
0x10: {  	[tilespmem:$0x5090] =	vst v0  }
0x11: {  	[tilespmem:$0x50A0] =	vst v0  }
0x12: {  	[tilespmem:$0x50B0] =	vst v0  }
0x13: {  	[tilespmem:$0x50C0] =	vst v0  }
0x14: {  	[tilespmem:$0x50D0] =	vst v0  }
0x15: {  	[tilespmem:$0x50E0] =	vst v0  }
0x16: {  	[tilespmem:$0x50F0] =	vst v0  }
0x17: {  	[tilespmem:$0x5100] =	vst v0  }
0x18: {  	[tilespmem:$0x5110] =	vst v0  }
0x19: {  	[tilespmem:$0x5120] =	vst v0  }
0x1a: {  	[tilespmem:$0x5130] =	vst v0  }
0x1b: {  	[tilespmem:$0x5140] =	vst v0  }
0x1c: {  	[tilespmem:$0x5150] =	vst v0  }
0x1d: {  	[tilespmem:$0x5160] =	vst v0  }
0x1e: {  	[tilespmem:$0x5170] =	vst v0  }
0x1f: {  	[tilespmem:$0x5180] =	vst v0  }
0x20: {  	[tilespmem:$0x5190] =	vst v0  }
0x21: {  	[tilespmem:$0x51A0] =	vst v0  }
0x22: {  	[tilespmem:$0x51B0] =	vst v0  }
0x23: {  	[tilespmem:$0x51C0] =	vst v0  }
0x24: {  	[tilespmem:$0x51D0] =	vst v0  }
0x25: {  	[tilespmem:$0x51E0] =	vst v0  }
0x26: {  	[tilespmem:$0x51F0] =	vst v0  }
0x27: {  	[tilespmem:$0x5200] =	vst v0  }
0x28: {  	[tilespmem:$0x5210] =	vst v0  }
0x29: {  	[tilespmem:$0x5220] =	vst v0  }
0x2a: {  	[tilespmem:$0x5230] =	vst v0  }
0x2b: {  	[tilespmem:$0x5240] =	vst v0  }
0x2c: {  	[tilespmem:$0x5250] =	vst v0  }
0x2d: {  	[tilespmem:$0x5260] =	vst v0  }
0x2e: {  	[tilespmem:$0x5270] =	vst v0  }
0x2f: {  	[tilespmem:$0x5280] =	vst v0  }
0x30: {  	[tilespmem:$0x5290] =	vst v0  }
0x31: {  	[tilespmem:$0x52A0] =	vst v0  }
0x32: {  	[tilespmem:$0x52B0] =	vst v0  }
0x33: {  	[tilespmem:$0x52C0] =	vst v0  }
0x34: {  	[tilespmem:$0x52D0] =	vst v0  }
0x35: {  	[tilespmem:$0x52E0] =	vst v0  }
0x36: {  	[tilespmem:$0x52F0] =	vst v0  }
0x37: {  	[tilespmem:$0x5000] =	vst v1  }
0x38: {  	[tilespmem:$0x5010] =	vst v1  }
0x39: {  	[tilespmem:$0x5020] =	vst v1  }
0x3a: {  	[tilespmem:$0x5030] =	vst v1  }
0x3b: {  	[tilespmem:$0x5040] =	vst v1  }
0x3c: {  	[tilespmem:$0x5050] =	vst v1  }
0x3d: {  	[tilespmem:$0x5060] =	vst v1  }
0x3e: {  	[tilespmem:$0x5070] =	vst v1  }
0x3f: {  	[spmem:s4] =	stream.linear.scatter [tilespmem:s8], [sflag:$0x1], $0x280, $0x38;
	[tilespmem:$0x5580] =	vst v63  }
0x40: {  	_ =	swait.ge [sflag:s9], $0x280  }
0x41: {  	[sflag:s9] =	ssyncset.done $0x0  }
0x42: {  	[sflag:s9] =	ssyncadd.s32 $0xFFFFFD80  }
0x43: {  	[bflag:$0x0] =	sbarrier.arrive $0xFFFF  }
0x44: {  	[tilespmem:s3], [sflag:$0x1] =	stream.linear.gather [hbm4b:s5+s3], $0x5000, $0x38;
	[tilespmem:$0x5580] =	vst v63  }
0x45: {  	_ =	swait.ge [sflag:s9], $0x5000  }
0x46: {  	[sflag:s9] =	ssyncset.done $0x0  }
0x47: {  	s17 =	simm.s32 $0x80;
	[sflag:s9] =	ssyncadd.s32 $0xFFFFB000  }
0x48: {  	[spmem:s2] =	stream.indirect.scatter.add.f32 [tilespmem:s11], [sflag:$0x1], $0x1, s17, s10, $0xb8;
	[tilespmem:$0x5580] =	vst v63  }
0x49: {  	_ =	swait.ge [sflag:s9], $0x80  }
0x4a: {  	s17 =	simm.s32 $0x600;
	[sflag:s9] =	ssyncset.done $0x0  }
.LBB2_2:
0x4b: {  	s18 =	sshra.s32 s17, $0x2;
	[sflag:s9] =	ssyncadd.s32 $0xFFFFFF80;
	p0 =	sne.s32 s17, $0x13E00  }
0x4c: {  	[spmem:s2] =	stream.indirect.scatter.add.f32 [tilespmem:s11], [sflag:$0x1], $0x1, s18, s10, $0xb8;
	[tilespmem:$0x5580] =	vst v63  }
.Ltmp0:
0x4d: {  	_ = 	snop;
	(pc) =	sbr.rel @p0 .LBB2_2-.Ltmp0, $4  }
0x4e: {  	_ = 	snop  }
0x4f: {  	s17 =	sadd.s32 $0x400, s17  }
0x50: {  	_ =	swait.ge [sflag:s9], $0x80  }
0x51: {  	[sflag:s9] =	ssyncset.done $0x0  }
0x52: {  	s16 =	sadd.s32 $0x1, s16  }
0x53: {  	[sflag:s9] =	ssyncadd.s32 $0xFFFFFF80;
	p0 =	sne.s32 s16, s7  }
.Ltmp1:
0x54: {  	[bflag:$0x0] =	sbarrier.arrive $0xFFFF;
	(pc) =	sbr.rel @p0 .LBB2_1-.Ltmp1, $4  }
0x55: {  	[hbm:s6@s14], [sflag:s12] =	dma.strided [spmem:s13@s15], $0x50, s9, $0x10   }
0x56: {  	_ =	swait.ge [sflag:s9], $0x50  }
0x57: {  	[sflag:s9] =	ssyncset.done $0x0  }
0x58: {  	[sflag:s9] =	ssyncadd.s32 $0xFFFFFFB0  }
0x59: {  	_ =	sfence.sel $0x180000  }
0x5a: {  	[bflag:$0x0] =	sbarrier.arrive $0xFFFF  }
0x5b: {  	p0 =	sne.s32 s1, $0x0;
	_ =	strace $0x90000047  }
0x5c: {  	s0 =	sadd.s32 @!p0 $0x100000, s0;
	[bflag:$0x2] =	sbarrier.arrive $0xFFFF  }
0x5d: {  	[sflag:s0] =	ssyncadd.tile.s32 @!p0 $0x1;
	_ =	shalt  }
.Lfunc_end2:
_tile_overlayer_lowered:
.L_overlay_start_2:
0x5e: {  	(tag) =	ssettag $0x2  }
0x5f: {  	s0 =	rddreg [dreg:$0x0];
	s2 =	stileid.u32  }
0x60: {  	s1 =	rddreg [dreg:$0x1];
	p0 =	sne.s32 s2, $0x0  }
0x61: {  	s3 =	rddreg [dreg:$0x2];
	[bflag:$0x3] =	sbarrier.arrive $0xFFFF;
	s2 =	simm.s32 @!p0 $0x1C01  }
0x62: {  	[timem:s3], [sflag:s2] =	dma.local @!p0 [hbm:s0], s1  }
0x63: {  	s0 =	simm.s32 @!p0 $0x1  }
0x64: {  	_ =	swait.ge @!p0 [sflag:s0], s1  }
0x65: {  	s1 =	ssub.s32 @!p0 $0x0, s1;
	[sflag:s0] =	ssyncset.done @!p0 $0x0  }
0x66: {  	[sflag:s0] =	ssyncadd.s32 @!p0 s1  }
0x67: {  	[bflag:$0x3] =	sbarrier.arrive $0xFFFF  }
0x68: {  	_ =	shalt  }

</sc_bundles>
